<compile_context>
chip_gen: v7x
topology: tpu7x:2x2x1
jax: 0.10.2.dev20260603
libtpu: 0.0.44.dev20260713+nightly
codegen_flags: <defaults>
</compile_context>

<pallas_src>
import functools

import jax
import jax.numpy as jnp
from jax import lax
from jax.experimental import pallas as pl
from jax.experimental.pallas import tpu as pltpu
from jax.experimental.pallas import tpu_sc as plsc

N_NODES = 10000
D = 128
ALPHA = 0.2

N_PAD = 10240
NW = 32
CHUNK = 128
NCH0 = 112
NCH1 = 48
NEG = -1e30


def _proj_body(x_ref, w_ref, b_ref, a12_ref, h_ref, hv_ref):
    g = pl.program_id(0)
    xblk = x_ref[...]
    h = lax.dot_general(xblk, w_ref[...], (((1,), (1,)), ((), ())),
                        preferred_element_type=jnp.float32)
    h = h + b_ref[...]
    h_ref[...] = h
    hv = lax.dot_general(a12_ref[...], h, (((1,), (1,)), ((), ())),
                         preferred_element_type=jnp.float32)
    rows = g * 512 + lax.broadcasted_iota(jnp.int32, (2, 512), 1)
    hv_ref[...] = jnp.where(rows < N_NODES, hv, NEG)


def _project(x_pad, W_w, W_b2, a12):
    grid = N_PAD // 512
    return pl.pallas_call(
        _proj_body,
        grid=(grid,),
        in_specs=[
            pl.BlockSpec((512, D), lambda g: (g, 0)),
            pl.BlockSpec((D, D), lambda g: (0, 0)),
            pl.BlockSpec((1, D), lambda g: (0, 0)),
            pl.BlockSpec((2, D), lambda g: (0, 0)),
        ],
        out_specs=[
            pl.BlockSpec((512, D), lambda g: (g, 0)),
            pl.BlockSpec((2, 512), lambda g: (0, g)),
        ],
        out_shape=[
            jax.ShapeDtypeStruct((N_PAD, D), jnp.float32),
            jax.ShapeDtypeStruct((2, N_PAD), jnp.float32),
        ],
    )(x_pad, W_w, W_b2, a12)


def _sc_body(h_hbm, h1_hbm, h2_hbm, src_hbm, dst_hbm,
             hp_out, rs_out,
             sidx_v, didx_v, rows_v, e1_v, e2_v, e_v, rsl_v,
             hp_sh,
             gsem, isem, l1sem, l2sem, ssem):
    cid = lax.axis_index("c")
    sid = lax.axis_index("s")
    n_chunks = jnp.where(cid == 0, NCH0, NCH1)
    ebase = jnp.where(cid == 0, sid * (NCH0 * CHUNK),
                      16 * (NCH0 * CHUNK) + sid * (NCH1 * CHUNK))

    @pl.when(n_chunks > 0)
    def _prime():
        pltpu.sync_copy(src_hbm.at[pl.ds(ebase, CHUNK)], sidx_v.at[0])
        pltpu.sync_copy(dst_hbm.at[pl.ds(ebase, CHUNK)], didx_v.at[0])
        pltpu.async_copy(h_hbm.at[didx_v.at[0]], rows_v.at[0], gsem.at[0])
        pltpu.async_copy(h1_hbm.at[sidx_v.at[0]], e1_v.at[0], l1sem.at[0])
        pltpu.async_copy(h2_hbm.at[didx_v.at[0]], e2_v.at[0], l2sem.at[0])

    def _zero_rows(i, _):
        for k in range(8):
            rows_v[1, i, pl.ds(k * 16, 16)] = jnp.zeros((16,), jnp.float32)
        return 0
    lax.fori_loop(0, CHUNK, _zero_rows, 0)
    slab = N_PAD // 16
    for k in range(slab // CHUNK):
        pltpu.sync_copy(rows_v.at[1], hp_sh.at[pl.ds(sid * slab + k * CHUNK, CHUNK), :])
    def _zero_rs(i, _):
        for k in range(8):
            rsl_v[pl.ds(i * CHUNK + k * 16, 16)] = jnp.zeros((16,), jnp.float32)
        return 0
    lax.fori_loop(0, N_PAD // CHUNK, _zero_rs, 0)
    plsc.subcore_barrier()

    def _when(cond, fn):
        fn() if cond is True else pl.when(cond)(fn)

    def _drain_row_scatter(b2, b4):
        pltpu.make_async_copy(rows_v.at[b2], hp_sh.at[sidx_v.at[b4]],
                              ssem.at[b2]).wait()

    def _chunk(c, u, r_guard, has_next):
        i2 = u % 2
        def _pf():
            nbase = ebase + (c + 1) * CHUNK
            pltpu.async_copy(src_hbm.at[pl.ds(nbase, CHUNK)],
                             sidx_v.at[(u + 1) % 4], isem.at[0])
            pltpu.async_copy(dst_hbm.at[pl.ds(nbase, CHUNK)],
                             didx_v.at[(u + 1) % 4], isem.at[1])
        _when(has_next, _pf)
        pltpu.make_async_copy(h1_hbm.at[sidx_v.at[u]], e1_v.at[i2],
                              l1sem.at[i2]).wait()
        pltpu.make_async_copy(h2_hbm.at[didx_v.at[u]], e2_v.at[i2],
                              l2sem.at[i2]).wait()
        for j in range(CHUNK // 16):
            t = e1_v[i2, pl.ds(j * 16, 16)] + e2_v[i2, pl.ds(j * 16, 16)]
            t = jnp.where(t > 0, t, ALPHA * t)
            e16 = jnp.exp(t)
            e_v[i2, pl.ds(j * 16, 16)] = e16
            s16 = sidx_v[u, pl.ds(j * 16, 16)]
            plsc.addupdate_scatter(rsl_v, [s16], e16)
        _when(r_guard, lambda: _drain_row_scatter(1 - i2, (u + 3) % 4))
        def _go():
            nbase = ebase + (c + 1) * CHUNK
            pltpu.make_async_copy(src_hbm.at[pl.ds(nbase, CHUNK)],
                                  sidx_v.at[(u + 1) % 4], isem.at[0]).wait()
            pltpu.make_async_copy(dst_hbm.at[pl.ds(nbase, CHUNK)],
                                  didx_v.at[(u + 1) % 4], isem.at[1]).wait()
            pltpu.async_copy(h_hbm.at[didx_v.at[(u + 1) % 4]],
                             rows_v.at[1 - i2], gsem.at[1 - i2])
            pltpu.async_copy(h1_hbm.at[sidx_v.at[(u + 1) % 4]],
                             e1_v.at[1 - i2], l1sem.at[1 - i2])
            pltpu.async_copy(h2_hbm.at[didx_v.at[(u + 1) % 4]],
                             e2_v.at[1 - i2], l2sem.at[1 - i2])
        _when(has_next, _go)
        pltpu.make_async_copy(h_hbm.at[didx_v.at[u]], rows_v.at[i2],
                              gsem.at[i2]).wait()
        def _scale(j, _):
            es = e_v[i2, pl.ds(j, 16)][0]
            for k in range(8):
                rows_v[i2, j, pl.ds(k * 16, 16)] = \
                    rows_v[i2, j, pl.ds(k * 16, 16)] * es
            return 0
        lax.fori_loop(0, CHUNK, _scale, 0)
        pltpu.async_copy(rows_v.at[i2], hp_sh.at[sidx_v.at[u]],
                         ssem.at[i2], add=True)

    n4 = n_chunks // 4
    def _quad(i, _):
        c0 = 4 * i
        _chunk(c0 + 0, 0, i > 0, True)
        _chunk(c0 + 1, 1, True, True)
        _chunk(c0 + 2, 2, True, True)
        _chunk(c0 + 3, 3, True, i < n4 - 1)
        return 0
    lax.fori_loop(0, n4, _quad, 0)

    _when(n_chunks > 0, lambda: _drain_row_scatter(1, 3))

    plsc.subcore_barrier()

    pltpu.sync_copy(hp_sh.at[pl.ds(sid * slab, slab), :],
                    hp_out.at[cid, pl.ds(sid * slab, slab), :])
    pltpu.sync_copy(rsl_v, rs_out.at[cid * 16 + sid])


def _sc_aggregate(h, h1, h2, src, dst):
    mesh = plsc.VectorSubcoreMesh(core_axis_name="c", subcore_axis_name="s")
    return pl.kernel(
        _sc_body,
        out_type=[
            jax.ShapeDtypeStruct((2, N_PAD, D), jnp.float32),
            jax.ShapeDtypeStruct((NW, N_PAD), jnp.float32),
        ],
        mesh=mesh,
        scratch_types=[
            pltpu.VMEM((4, CHUNK), jnp.int32),
            pltpu.VMEM((4, CHUNK), jnp.int32),
            pltpu.VMEM((2, CHUNK, D), jnp.float32),
            pltpu.VMEM((2, CHUNK), jnp.float32),
            pltpu.VMEM((2, CHUNK), jnp.float32),
            pltpu.VMEM((2, CHUNK + 16), jnp.float32),
            pltpu.VMEM((N_PAD,), jnp.float32),
            pltpu.VMEM_SHARED((N_PAD, D), jnp.float32),
            pltpu.SemaphoreType.DMA((2,)),
            pltpu.SemaphoreType.DMA((2,)),
            pltpu.SemaphoreType.DMA((2,)),
            pltpu.SemaphoreType.DMA((2,)),
            pltpu.SemaphoreType.DMA((2,)),
        ],
        compiler_params=pltpu.CompilerParams(needs_layout_passes=False),
    )(h, h1, h2, src, dst)


def _fin_body(hp_ref, rs_ref, o_ref):
    hp = hp_ref[0] + hp_ref[1]
    rs = jnp.sum(rs_ref[...], axis=0)
    v = hp / rs[:, None]
    o_ref[...] = jnp.where(v > 0, v, jnp.exp(v) - 1.0)


def _finish(hp, rs):
    grid = N_PAD // 512
    return pl.pallas_call(
        _fin_body,
        grid=(grid,),
        in_specs=[
            pl.BlockSpec((2, 512, D), lambda g: (0, g, 0)),
            pl.BlockSpec((NW, 512), lambda g: (0, g)),
        ],
        out_specs=pl.BlockSpec((512, D), lambda g: (g, 0)),
        out_shape=jax.ShapeDtypeStruct((N_PAD, D), jnp.float32),
    )(hp, rs)


@jax.jit
def kernel(input, adj, W_w, W_b, a):
    E = adj.shape[0]
    e_pad = NW * N_PAD
    src = adj[:, 0].astype(jnp.int32)
    dst = adj[:, 1].astype(jnp.int32)
    pad = jnp.full((e_pad - E,), N_NODES, jnp.int32)
    src = jnp.concatenate([src, pad])
    dst = jnp.concatenate([dst, pad])
    x_pad = jnp.pad(input, ((0, N_PAD - N_NODES), (0, 0)))
    a12 = a.reshape(2, D)
    W_b2 = W_b.reshape(1, D)

    h, hv = _project(x_pad, W_w, W_b2, a12)
    hp, rs = _sc_aggregate(h, hv[0], hv[1], src, dst)
    out = _finish(hp, rs)
    return out[:N_NODES]

# --- scband reference (transcript-rebuilt; emitter-appended) ---
"""Pipeline reference for scband-sp-graph-attention-layer-14078902796511 (READ-ONLY COPY).

The authoritative reference and input builder live on the scoring server;
editing this copy changes nothing except your own understanding.
"""

import jax, jax.numpy as jnp
import numpy as np

N_NODES = 10000
N_EDGES = 320000
D_IN = 128
D_OUT = 128
ALPHA = 0.2


def setup_inputs(seed: int = 0) -> dict:
    key = jax.random.key(seed)
    k1, k2, k3, k4, k5 = jax.random.split(key, 5)
    x = jax.random.normal(k1, (N_NODES, D_IN), dtype=jnp.float32)
    adj = jax.random.randint(k2, (N_EDGES, 2), 0, N_NODES, dtype=jnp.int64)
    W_w = jax.random.normal(k3, (D_OUT, D_IN), dtype=jnp.float32) * 0.05
    W_b = jax.random.normal(k4, (D_OUT,), dtype=jnp.float32) * 0.05
    a = jax.random.normal(k5, (1, 2 * D_OUT), dtype=jnp.float32) * 0.05
    return {"input": x, "adj": adj, "W_w": W_w, "W_b": W_b, "a": a}


def reference(input, adj, W_w, W_b, a):
    # edge = adj.t()
    edge = adj.T  # [2, E]
    src = edge[0]  # row indices of sparse attention matrix
    dst = edge[1]  # col indices
    N = input.shape[0]

    # h = self.W(input)  (nn.Linear: x @ W.T + b)
    h = input @ W_w.T + W_b  # [N, D_OUT]
    F_out = h.shape[1]

    # edge_h1 = a[:, :F] @ h.T ; edge_h2 = a[:, F:] @ h.T
    a1 = a[0, :F_out]
    a2 = a[0, F_out:]
    edge_h1 = h @ a1  # [N]
    edge_h2 = h @ a2  # [N]

    # edge_e = exp(leakyrelu(edge_h1[src] + edge_h2[dst]))
    e = edge_h1[src] + edge_h2[dst]  # gather per edge
    e = jnp.where(e > 0, e, ALPHA * e)  # LeakyReLU(alpha)
    edge_e = jnp.exp(e)  # [E]

    # e_rowsum = spmm(edge, edge_e, [N,N], ones(N,1))  -> per-row sum of values
    e_rowsum = jax.ops.segment_sum(edge_e, src, num_segments=N)  # [N]

    # h_prime = spmm(edge, edge_e, [N,N], h)  -> scatter-add of edge_e * h[dst] into src rows
    h_prime = jax.ops.segment_sum(edge_e[:, None] * h[dst], src, num_segments=N)  # [N, D_OUT]

    h_prime = h_prime / e_rowsum[:, None]

    # dropout p=0.0 -> identity; concat=True -> ELU
    out = jnp.where(h_prime > 0, h_prime, jnp.exp(h_prime) - 1.0)
    return out

if __name__ == "__main__":
    import jax
    _d = setup_inputs()
    print(jax.jit(kernel)(*tuple(_d.values())))

</pallas_src>

<mosaic_0001>
#map = affine_map<(d0, d1) -> (0, 0)>
#map1 = affine_map<(d0, d1) -> (0)>
#map2 = affine_map<(d0, d1) -> (0, 0, 0)>
module attributes {stable_mosaic.version = 14 : i64} {
  func.func @_sc_body(%arg0: i32, %arg1: i32, %arg2: memref<10240x128xf32, #tpu.memory_space<hbm>>, %arg3: memref<10240xf32, #tpu.memory_space<hbm>>, %arg4: memref<10240xf32, #tpu.memory_space<hbm>>, %arg5: memref<327680xi32, #tpu.memory_space<hbm>>, %arg6: memref<327680xi32, #tpu.memory_space<hbm>>, %arg7: memref<2x10240x128xf32, #tpu.memory_space<hbm>>, %arg8: memref<32x10240xf32, #tpu.memory_space<hbm>>, %arg9: memref<4x128xi32, #tpu.memory_space<vmem>>, %arg10: memref<4x128xi32, #tpu.memory_space<vmem>>, %arg11: memref<2x128x128xf32, #tpu.memory_space<vmem>>, %arg12: memref<2x128xf32, #tpu.memory_space<vmem>>, %arg13: memref<2x128xf32, #tpu.memory_space<vmem>>, %arg14: memref<2x144xf32, #tpu.memory_space<vmem>>, %arg15: memref<10240xf32, #tpu.memory_space<vmem>>, %arg16: memref<10240x128xf32, #tpu.memory_space<vmem_shared>>, %arg17: memref<2x!tpu.dma_semaphore, #tpu.memory_space<semaphore_mem>>, %arg18: memref<2x!tpu.dma_semaphore, #tpu.memory_space<semaphore_mem>>, %arg19: memref<2x!tpu.dma_semaphore, #tpu.memory_space<semaphore_mem>>, %arg20: memref<2x!tpu.dma_semaphore, #tpu.memory_space<semaphore_mem>>, %arg21: memref<2x!tpu.dma_semaphore, #tpu.memory_space<semaphore_mem>>) attributes {dimension_semantics = [#tpu.dimension_semantics<core_parallel>, #tpu.dimension_semantics<subcore_parallel>], iteration_bounds = array<i64: 2, 16>, scalar_prefetch = 0 : i64, scratch_operands = 13 : i64, tpu.core_type = #tpu.core_type<sc_vector_subcore>, window_params = [{transform_indices = #map}, {transform_indices = #map1}, {transform_indices = #map1}, {transform_indices = #map1}, {transform_indices = #map1}, {transform_indices = #map2}, {transform_indices = #map}]} {
    %eq3A = arith.constant 0 : i32
    %eq3A_0 = arith.cmpi eq, %arg0, %eq3A : i32
    %jit3A = arith.constant 112 : i32
    %jit3A_1 = arith.constant 48 : i32
    %select_n3A = arith.select %eq3A_0, %jit3A, %jit3A_1 : i32
    %eq3A_2 = arith.constant 0 : i32
    %eq3A_3 = arith.cmpi eq, %arg0, %eq3A_2 : i32
    %mul3A = arith.constant 14336 : i32
    %mul3A_4 = arith.muli %arg1, %mul3A : i32
    %mul3A_5 = arith.constant 6144 : i32
    %mul3A_6 = arith.muli %arg1, %mul3A_5 : i32
    %add3A = arith.constant 229376 : i32
    %add3A_7 = arith.addi %add3A, %mul3A_6 : i32
    %select_n3A_8 = arith.select %eq3A_3, %mul3A_4, %add3A_7 : i32
    %gt3A = arith.constant 0 : i32
    %gt3A_9 = arith.cmpi sgt, %select_n3A, %gt3A : i32
    %convert_element_type3A = arith.extui %gt3A_9 : i1 to i32
    %cond3A = arith.constant 0 : i32
    %cond3A_10 = arith.cmpi ne, %convert_element_type3A, %cond3A : i32
    scf.if %cond3A_10 {
      %run_scoped3A_90 = arith.constant 0 : i32
      "tpu.region"() ({
        %run_scoped3A_132 = tpu.sem_alloc : memref<!tpu.dma_semaphore, #tpu.memory_space<semaphore_mem>>
        %dma_start3A_133 = arith.constant 0 : i32
        %dma_start3A_134 = tpu.memref_slice %arg9[%run_scoped3A_90, %dma_start3A_133] : memref<4x128xi32, #tpu.memory_space<vmem>> -> memref<1x128xi32, #tpu.memory_space<vmem>>
        %dma_start3A_135 = tpu.memref_squeeze %dma_start3A_134 : memref<1x128xi32, #tpu.memory_space<vmem>> -> memref<128xi32, #tpu.memory_space<vmem>>
        %dma_start3A_136 = tpu.memref_slice %arg5[%select_n3A_8] : memref<327680xi32, #tpu.memory_space<hbm>> -> memref<128xi32, #tpu.memory_space<hbm>>
        %dma_start3A_137 = arith.constant 0 : i32
        %dma_start3A_138 = tpu.memref_slice %arg9[%run_scoped3A_90, %dma_start3A_137] : memref<4x128xi32, #tpu.memory_space<vmem>> -> memref<1x128xi32, #tpu.memory_space<vmem>>
        %dma_start3A_139 = tpu.memref_squeeze %dma_start3A_138 : memref<1x128xi32, #tpu.memory_space<vmem>> -> memref<128xi32, #tpu.memory_space<vmem>>
        %dma_start3A_140 = tpu.memref_slice %arg5[%select_n3A_8] : memref<327680xi32, #tpu.memory_space<hbm>> -> memref<128xi32, #tpu.memory_space<hbm>>
        tpu.enqueue_dma source(%dma_start3A_140 : memref<128xi32, #tpu.memory_space<hbm>>) target(%dma_start3A_139 : memref<128xi32, #tpu.memory_space<vmem>>) target_semaphore(%run_scoped3A_132 : memref<!tpu.dma_semaphore, #tpu.memory_space<semaphore_mem>>)
        %dma_wait3A = arith.constant 0 : i32
        %dma_wait3A_141 = tpu.memref_slice %arg9[%run_scoped3A_90, %dma_wait3A] : memref<4x128xi32, #tpu.memory_space<vmem>> -> memref<1x128xi32, #tpu.memory_space<vmem>>
        %dma_wait3A_142 = tpu.memref_squeeze %dma_wait3A_141 : memref<1x128xi32, #tpu.memory_space<vmem>> -> memref<128xi32, #tpu.memory_space<vmem>>
        %dma_wait3A_143 = tpu.memref_slice %arg5[%select_n3A_8] : memref<327680xi32, #tpu.memory_space<hbm>> -> memref<128xi32, #tpu.memory_space<hbm>>
        %dma_wait3A_144 = arith.constant 0 : i32
        %dma_wait3A_145 = tpu.memref_slice %arg9[%run_scoped3A_90, %dma_wait3A_144] : memref<4x128xi32, #tpu.memory_space<vmem>> -> memref<1x128xi32, #tpu.memory_space<vmem>>
        %dma_wait3A_146 = tpu.memref_squeeze %dma_wait3A_145 : memref<1x128xi32, #tpu.memory_space<vmem>> -> memref<128xi32, #tpu.memory_space<vmem>>
        %dma_wait3A_147 = tpu.memref_slice %arg5[%select_n3A_8] : memref<327680xi32, #tpu.memory_space<hbm>> -> memref<128xi32, #tpu.memory_space<hbm>>
        tpu.wait_dma2 semaphore(%run_scoped3A_132 : memref<!tpu.dma_semaphore, #tpu.memory_space<semaphore_mem>>) src(%dma_wait3A_147 : memref<128xi32, #tpu.memory_space<hbm>>) dst(%dma_wait3A_146 : memref<128xi32, #tpu.memory_space<vmem>>)
        tpu.yield
      }) : () -> ()
      %run_scoped3A_91 = arith.constant 0 : i32
      "tpu.region"() ({
        %run_scoped3A_132 = tpu.sem_alloc : memref<!tpu.dma_semaphore, #tpu.memory_space<semaphore_mem>>
        %dma_start3A_133 = arith.constant 0 : i32
        %dma_start3A_134 = tpu.memref_slice %arg10[%run_scoped3A_91, %dma_start3A_133] : memref<4x128xi32, #tpu.memory_space<vmem>> -> memref<1x128xi32, #tpu.memory_space<vmem>>
        %dma_start3A_135 = tpu.memref_squeeze %dma_start3A_134 : memref<1x128xi32, #tpu.memory_space<vmem>> -> memref<128xi32, #tpu.memory_space<vmem>>
        %dma_start3A_136 = tpu.memref_slice %arg6[%select_n3A_8] : memref<327680xi32, #tpu.memory_space<hbm>> -> memref<128xi32, #tpu.memory_space<hbm>>
        %dma_start3A_137 = arith.constant 0 : i32
        %dma_start3A_138 = tpu.memref_slice %arg10[%run_scoped3A_91, %dma_start3A_137] : memref<4x128xi32, #tpu.memory_space<vmem>> -> memref<1x128xi32, #tpu.memory_space<vmem>>
        %dma_start3A_139 = tpu.memref_squeeze %dma_start3A_138 : memref<1x128xi32, #tpu.memory_space<vmem>> -> memref<128xi32, #tpu.memory_space<vmem>>
        %dma_start3A_140 = tpu.memref_slice %arg6[%select_n3A_8] : memref<327680xi32, #tpu.memory_space<hbm>> -> memref<128xi32, #tpu.memory_space<hbm>>
        tpu.enqueue_dma source(%dma_start3A_140 : memref<128xi32, #tpu.memory_space<hbm>>) target(%dma_start3A_139 : memref<128xi32, #tpu.memory_space<vmem>>) target_semaphore(%run_scoped3A_132 : memref<!tpu.dma_semaphore, #tpu.memory_space<semaphore_mem>>)
        %dma_wait3A = arith.constant 0 : i32
        %dma_wait3A_141 = tpu.memref_slice %arg10[%run_scoped3A_91, %dma_wait3A] : memref<4x128xi32, #tpu.memory_space<vmem>> -> memref<1x128xi32, #tpu.memory_space<vmem>>
        %dma_wait3A_142 = tpu.memref_squeeze %dma_wait3A_141 : memref<1x128xi32, #tpu.memory_space<vmem>> -> memref<128xi32, #tpu.memory_space<vmem>>
        %dma_wait3A_143 = tpu.memref_slice %arg6[%select_n3A_8] : memref<327680xi32, #tpu.memory_space<hbm>> -> memref<128xi32, #tpu.memory_space<hbm>>
        %dma_wait3A_144 = arith.constant 0 : i32
        %dma_wait3A_145 = tpu.memref_slice %arg10[%run_scoped3A_91, %dma_wait3A_144] : memref<4x128xi32, #tpu.memory_space<vmem>> -> memref<1x128xi32, #tpu.memory_space<vmem>>
        %dma_wait3A_146 = tpu.memref_squeeze %dma_wait3A_145 : memref<1x128xi32, #tpu.memory_space<vmem>> -> memref<128xi32, #tpu.memory_space<vmem>>
        %dma_wait3A_147 = tpu.memref_slice %arg6[%select_n3A_8] : memref<327680xi32, #tpu.memory_space<hbm>> -> memref<128xi32, #tpu.memory_space<hbm>>
        tpu.wait_dma2 semaphore(%run_scoped3A_132 : memref<!tpu.dma_semaphore, #tpu.memory_space<semaphore_mem>>) src(%dma_wait3A_147 : memref<128xi32, #tpu.memory_space<hbm>>) dst(%dma_wait3A_146 : memref<128xi32, #tpu.memory_space<vmem>>)
        tpu.yield
      }) : () -> ()
      %dma_start3A = arith.constant 0 : i32
      %dma_start3A_92 = arith.constant 0 : i32
      %dma_start3A_93 = arith.constant 0 : i32
      %dma_start3A_94 = arith.constant 0 : i32
      %dma_start3A_95 = arith.constant 0 : i32
      %dma_start3A_96 = tpu.memref_slice %arg11[%dma_start3A_92, %dma_start3A_94, %dma_start3A_95] : memref<2x128x128xf32, #tpu.memory_space<vmem>> -> memref<1x128x128xf32, #tpu.memory_space<vmem>>
      %dma_start3A_97 = tpu.memref_squeeze %dma_start3A_96 : memref<1x128x128xf32, #tpu.memory_space<vmem>> -> memref<128x128xf32, #tpu.memory_space<vmem>>
      %dma_start3A_98 = arith.constant 0 : i32
      %dma_start3A_99 = tpu.memref_slice %arg10[%dma_start3A, %dma_start3A_98] : memref<4x128xi32, #tpu.memory_space<vmem>> -> memref<1x128xi32, #tpu.memory_space<vmem>>
      %dma_start3A_100 = tpu.memref_squeeze %dma_start3A_99 : memref<1x128xi32, #tpu.memory_space<vmem>> -> memref<128xi32, #tpu.memory_space<vmem>>
      %dma_start3A_101 = arith.constant 0 : i32
      %dma_start3A_102 = arith.constant 0 : i32
      %dma_start3A_103 = tpu.memref_slice %arg2[%dma_start3A_101, %dma_start3A_102] : memref<10240x128xf32, #tpu.memory_space<hbm>> -> memref<10240x128xf32, #tpu.memory_space<hbm>>
      %dma_start3A_104 = tpu.memref_slice %arg17[%dma_start3A_93] : memref<2x!tpu.dma_semaphore, #tpu.memory_space<semaphore_mem>> -> memref<1x!tpu.dma_semaphore, #tpu.memory_space<semaphore_mem>>
      %dma_start3A_105 = tpu.memref_squeeze %dma_start3A_104 : memref<1x!tpu.dma_semaphore, #tpu.memory_space<semaphore_mem>> -> memref<!tpu.dma_semaphore, #tpu.memory_space<semaphore_mem>>
      tpu.enqueue_indirect_dma source(%dma_start3A_103 : memref<10240x128xf32, #tpu.memory_space<hbm>>) target(%dma_start3A_97 : memref<128x128xf32, #tpu.memory_space<vmem>>) offsets(%dma_start3A_100 : memref<128xi32, #tpu.memory_space<vmem>>) semaphore(%dma_start3A_105 : memref<!tpu.dma_semaphore, #tpu.memory_space<semaphore_mem>>)
      %dma_start3A_106 = arith.constant 0 : i32
      %dma_start3A_107 = arith.constant 0 : i32
      %dma_start3A_108 = arith.constant 0 : i32
      %dma_start3A_109 = arith.constant 0 : i32
      %dma_start3A_110 = tpu.memref_slice %arg12[%dma_start3A_107, %dma_start3A_109] : memref<2x128xf32, #tpu.memory_space<vmem>> -> memref<1x128xf32, #tpu.memory_space<vmem>>
      %dma_start3A_111 = tpu.memref_squeeze %dma_start3A_110 : memref<1x128xf32, #tpu.memory_space<vmem>> -> memref<128xf32, #tpu.memory_space<vmem>>
      %dma_start3A_112 = arith.constant 0 : i32
      %dma_start3A_113 = tpu.memref_slice %arg9[%dma_start3A_106, %dma_start3A_112] : memref<4x128xi32, #tpu.memory_space<vmem>> -> memref<1x128xi32, #tpu.memory_space<vmem>>
      %dma_start3A_114 = tpu.memref_squeeze %dma_start3A_113 : memref<1x128xi32, #tpu.memory_space<vmem>> -> memref<128xi32, #tpu.memory_space<vmem>>
      %dma_start3A_115 = arith.constant 0 : i32
      %dma_start3A_116 = tpu.memref_slice %arg3[%dma_start3A_115] : memref<10240xf32, #tpu.memory_space<hbm>> -> memref<10240xf32, #tpu.memory_space<hbm>>
      %dma_start3A_117 = tpu.memref_slice %arg19[%dma_start3A_108] : memref<2x!tpu.dma_semaphore, #tpu.memory_space<semaphore_mem>> -> memref<1x!tpu.dma_semaphore, #tpu.memory_space<semaphore_mem>>
      %dma_start3A_118 = tpu.memref_squeeze %dma_start3A_117 : memref<1x!tpu.dma_semaphore, #tpu.memory_space<semaphore_mem>> -> memref<!tpu.dma_semaphore, #tpu.memory_space<semaphore_mem>>
      tpu.enqueue_indirect_dma source(%dma_start3A_116 : memref<10240xf32, #tpu.memory_space<hbm>>) target(%dma_start3A_111 : memref<128xf32, #tpu.memory_space<vmem>>) offsets(%dma_start3A_114 : memref<128xi32, #tpu.memory_space<vmem>>) semaphore(%dma_start3A_118 : memref<!tpu.dma_semaphore, #tpu.memory_space<semaphore_mem>>)
      %dma_start3A_119 = arith.constant 0 : i32
      %dma_start3A_120 = arith.constant 0 : i32
      %dma_start3A_121 = arith.constant 0 : i32
      %dma_start3A_122 = arith.constant 0 : i32
      %dma_start3A_123 = tpu.memref_slice %arg13[%dma_start3A_120, %dma_start3A_122] : memref<2x128xf32, #tpu.memory_space<vmem>> -> memref<1x128xf32, #tpu.memory_space<vmem>>
      %dma_start3A_124 = tpu.memref_squeeze %dma_start3A_123 : memref<1x128xf32, #tpu.memory_space<vmem>> -> memref<128xf32, #tpu.memory_space<vmem>>
      %dma_start3A_125 = arith.constant 0 : i32
      %dma_start3A_126 = tpu.memref_slice %arg10[%dma_start3A_119, %dma_start3A_125] : memref<4x128xi32, #tpu.memory_space<vmem>> -> memref<1x128xi32, #tpu.memory_space<vmem>>
      %dma_start3A_127 = tpu.memref_squeeze %dma_start3A_126 : memref<1x128xi32, #tpu.memory_space<vmem>> -> memref<128xi32, #tpu.memory_space<vmem>>
      %dma_start3A_128 = arith.constant 0 : i32
      %dma_start3A_129 = tpu.memref_slice %arg4[%dma_start3A_128] : memref<10240xf32, #tpu.memory_space<hbm>> -> memref<10240xf32, #tpu.memory_space<hbm>>
      %dma_start3A_130 = tpu.memref_slice %arg20[%dma_start3A_121] : memref<2x!tpu.dma_semaphore, #tpu.memory_space<semaphore_mem>> -> memref<1x!tpu.dma_semaphore, #tpu.memory_space<semaphore_mem>>
      %dma_start3A_131 = tpu.memref_squeeze %dma_start3A_130 : memref<1x!tpu.dma_semaphore, #tpu.memory_space<semaphore_mem>> -> memref<!tpu.dma_semaphore, #tpu.memory_space<semaphore_mem>>
      tpu.enqueue_indirect_dma source(%dma_start3A_129 : memref<10240xf32, #tpu.memory_space<hbm>>) target(%dma_start3A_124 : memref<128xf32, #tpu.memory_space<vmem>>) offsets(%dma_start3A_127 : memref<128xi32, #tpu.memory_space<vmem>>) semaphore(%dma_start3A_131 : memref<!tpu.dma_semaphore, #tpu.memory_space<semaphore_mem>>)
    } else {
    }
    %scan3A = arith.constant 0 : i32
    %scan3A_11 = arith.constant 0 : i32
    %scan3A_12 = arith.constant 128 : i32
    %scan3A_13 = arith.addi %scan3A_11, %scan3A_12 : i32
    %scan3A_14 = arith.constant 1 : i32
    %scan3A_15 = scf.for %scan3A_90 = %scan3A_11 to %scan3A_13 step %scan3A_14 iter_args(%scan3A_91 = %scan3A) -> (i32)  : i32 {
      %broadcast_in_dim3A = arith.constant 0.000000e+00 : f32
      %broadcast_in_dim3A_92 = vector.broadcast %broadcast_in_dim3A : f32 to vector<16xf32>
      %swap3A = arith.constant 1 : i32
      %swap3A_93 = arith.index_cast %swap3A : i32 to index
      %swap3A_94 = arith.index_cast %scan3A_90 : i32 to index
      %swap3A_95 = arith.constant 0 : index
      %swap3A_96 = tpu.vector_load %arg11[%swap3A_93, %swap3A_94, %swap3A_95] {strides = array<i32>} : memref<2x128x128xf32, #tpu.memory_space<vmem>>, vector<16xf32>,
      tpu.vector_store %arg11[%swap3A_93, %swap3A_94, %swap3A_95], %broadcast_in_dim3A_92 {strides = array<i32>} : memref<2x128x128xf32, #tpu.memory_space<vmem>>, vector<16xf32>,
      %broadcast_in_dim3A_97 = arith.constant 0.000000e+00 : f32
      %broadcast_in_dim3A_98 = vector.broadcast %broadcast_in_dim3A_97 : f32 to vector<16xf32>
      %swap3A_99 = arith.constant 1 : i32
      %swap3A_100 = arith.index_cast %swap3A_99 : i32 to index
      %swap3A_101 = arith.index_cast %scan3A_90 : i32 to index
      %swap3A_102 = arith.constant 16 : index
      %swap3A_103 = tpu.vector_load %arg11[%swap3A_100, %swap3A_101, %swap3A_102] {strides = array<i32>} : memref<2x128x128xf32, #tpu.memory_space<vmem>>, vector<16xf32>,
      tpu.vector_store %arg11[%swap3A_100, %swap3A_101, %swap3A_102], %broadcast_in_dim3A_98 {strides = array<i32>} : memref<2x128x128xf32, #tpu.memory_space<vmem>>, vector<16xf32>,
      %broadcast_in_dim3A_104 = arith.constant 0.000000e+00 : f32
      %broadcast_in_dim3A_105 = vector.broadcast %broadcast_in_dim3A_104 : f32 to vector<16xf32>
      %swap3A_106 = arith.constant 1 : i32
      %swap3A_107 = arith.index_cast %swap3A_106 : i32 to index
      %swap3A_108 = arith.index_cast %scan3A_90 : i32 to index
      %swap3A_109 = arith.constant 32 : index
      %swap3A_110 = tpu.vector_load %arg11[%swap3A_107, %swap3A_108, %swap3A_109] {strides = array<i32>} : memref<2x128x128xf32, #tpu.memory_space<vmem>>, vector<16xf32>,
      tpu.vector_store %arg11[%swap3A_107, %swap3A_108, %swap3A_109], %broadcast_in_dim3A_105 {strides = array<i32>} : memref<2x128x128xf32, #tpu.memory_space<vmem>>, vector<16xf32>,
      %broadcast_in_dim3A_111 = arith.constant 0.000000e+00 : f32
      %broadcast_in_dim3A_112 = vector.broadcast %broadcast_in_dim3A_111 : f32 to vector<16xf32>
      %swap3A_113 = arith.constant 1 : i32
      %swap3A_114 = arith.index_cast %swap3A_113 : i32 to index
      %swap3A_115 = arith.index_cast %scan3A_90 : i32 to index
      %swap3A_116 = arith.constant 48 : index
      %swap3A_117 = tpu.vector_load %arg11[%swap3A_114, %swap3A_115, %swap3A_116] {strides = array<i32>} : memref<2x128x128xf32, #tpu.memory_space<vmem>>, vector<16xf32>,
      tpu.vector_store %arg11[%swap3A_114, %swap3A_115, %swap3A_116], %broadcast_in_dim3A_112 {strides = array<i32>} : memref<2x128x128xf32, #tpu.memory_space<vmem>>, vector<16xf32>,
      %broadcast_in_dim3A_118 = arith.constant 0.000000e+00 : f32
      %broadcast_in_dim3A_119 = vector.broadcast %broadcast_in_dim3A_118 : f32 to vector<16xf32>
      %swap3A_120 = arith.constant 1 : i32
      %swap3A_121 = arith.index_cast %swap3A_120 : i32 to index
      %swap3A_122 = arith.index_cast %scan3A_90 : i32 to index
      %swap3A_123 = arith.constant 64 : index
      %swap3A_124 = tpu.vector_load %arg11[%swap3A_121, %swap3A_122, %swap3A_123] {strides = array<i32>} : memref<2x128x128xf32, #tpu.memory_space<vmem>>, vector<16xf32>,
      tpu.vector_store %arg11[%swap3A_121, %swap3A_122, %swap3A_123], %broadcast_in_dim3A_119 {strides = array<i32>} : memref<2x128x128xf32, #tpu.memory_space<vmem>>, vector<16xf32>,
      %broadcast_in_dim3A_125 = arith.constant 0.000000e+00 : f32
      %broadcast_in_dim3A_126 = vector.broadcast %broadcast_in_dim3A_125 : f32 to vector<16xf32>
      %swap3A_127 = arith.constant 1 : i32
      %swap3A_128 = arith.index_cast %swap3A_127 : i32 to index
      %swap3A_129 = arith.index_cast %scan3A_90 : i32 to index
      %swap3A_130 = arith.constant 80 : index
      %swap3A_131 = tpu.vector_load %arg11[%swap3A_128, %swap3A_129, %swap3A_130] {strides = array<i32>} : memref<2x128x128xf32, #tpu.memory_space<vmem>>, vector<16xf32>,
      tpu.vector_store %arg11[%swap3A_128, %swap3A_129, %swap3A_130], %broadcast_in_dim3A_126 {strides = array<i32>} : memref<2x128x128xf32, #tpu.memory_space<vmem>>, vector<16xf32>,
      %broadcast_in_dim3A_132 = arith.constant 0.000000e+00 : f32
      %broadcast_in_dim3A_133 = vector.broadcast %broadcast_in_dim3A_132 : f32 to vector<16xf32>
      %swap3A_134 = arith.constant 1 : i32
      %swap3A_135 = arith.index_cast %swap3A_134 : i32 to index
      %swap3A_136 = arith.index_cast %scan3A_90 : i32 to index
      %swap3A_137 = arith.constant 96 : index
      %swap3A_138 = tpu.vector_load %arg11[%swap3A_135, %swap3A_136, %swap3A_137] {strides = array<i32>} : memref<2x128x128xf32, #tpu.memory_space<vmem>>, vector<16xf32>,
      tpu.vector_store %arg11[%swap3A_135, %swap3A_136, %swap3A_137], %broadcast_in_dim3A_133 {strides = array<i32>} : memref<2x128x128xf32, #tpu.memory_space<vmem>>, vector<16xf32>,
      %broadcast_in_dim3A_139 = arith.constant 0.000000e+00 : f32
      %broadcast_in_dim3A_140 = vector.broadcast %broadcast_in_dim3A_139 : f32 to vector<16xf32>
      %swap3A_141 = arith.constant 1 : i32
      %swap3A_142 = arith.index_cast %swap3A_141 : i32 to index
      %swap3A_143 = arith.index_cast %scan3A_90 : i32 to index
      %swap3A_144 = arith.constant 112 : index
      %swap3A_145 = tpu.vector_load %arg11[%swap3A_142, %swap3A_143, %swap3A_144] {strides = array<i32>} : memref<2x128x128xf32, #tpu.memory_space<vmem>>, vector<16xf32>,
      tpu.vector_store %arg11[%swap3A_142, %swap3A_143, %swap3A_144], %broadcast_in_dim3A_140 {strides = array<i32>} : memref<2x128x128xf32, #tpu.memory_space<vmem>>, vector<16xf32>,
      %scan3A_146 = arith.constant 0 : i32
      scf.yield %scan3A_146 : i32
    }
    %scan3A_16 = arith.constant 128 : i32
    %mul3A_17 = arith.constant 640 : i32
    %mul3A_18 = arith.muli %arg1, %mul3A_17 : i32
    %add3A_19 = arith.constant 0 : i32
    %add3A_20 = arith.addi %mul3A_18, %add3A_19 : i32
    %run_scoped3A = arith.constant 1 : i32
    "tpu.region"() ({
      %run_scoped3A_90 = tpu.sem_alloc : memref<!tpu.dma_semaphore, #tpu.memory_space<semaphore_mem>>
      %dma_start3A = arith.constant 0 : i32
      %dma_start3A_91 = arith.constant 0 : i32
      %dma_start3A_92 = tpu.memref_slice %arg11[%run_scoped3A, %dma_start3A, %dma_start3A_91] : memref<2x128x128xf32, #tpu.memory_space<vmem>> -> memref<1x128x128xf32, #tpu.memory_space<vmem>>
      %dma_start3A_93 = tpu.memref_squeeze %dma_start3A_92 : memref<1x128x128xf32, #tpu.memory_space<vmem>> -> memref<128x128xf32, #tpu.memory_space<vmem>>
      %dma_start3A_94 = arith.constant 0 : i32
      %dma_start3A_95 = tpu.memref_slice %arg16[%add3A_20, %dma_start3A_94] : memref<10240x128xf32, #tpu.memory_space<vmem_shared>> -> memref<128x128xf32, #tpu.memory_space<vmem_shared>>
      %dma_start3A_96 = arith.constant 0 : i32
      %dma_start3A_97 = tpu.memref_slice %arg16[%add3A_20, %dma_start3A_96] : memref<10240x128xf32, #tpu.memory_space<vmem_shared>> -> memref<128x128xf32, #tpu.memory_space<vmem_shared>>
      %dma_start3A_98 = arith.constant 0 : i32
      %dma_start3A_99 = arith.constant 0 : i32
      %dma_start3A_100 = tpu.memref_slice %arg11[%run_scoped3A, %dma_start3A_98, %dma_start3A_99] : memref<2x128x128xf32, #tpu.memory_space<vmem>> -> memref<1x128x128xf32, #tpu.memory_space<vmem>>
      %dma_start3A_101 = tpu.memref_squeeze %dma_start3A_100 : memref<1x128x128xf32, #tpu.memory_space<vmem>> -> memref<128x128xf32, #tpu.memory_space<vmem>>
      tpu.enqueue_dma source(%dma_start3A_101 : memref<128x128xf32, #tpu.memory_space<vmem>>) target(%dma_start3A_97 : memref<128x128xf32, #tpu.memory_space<vmem_shared>>) target_semaphore(%run_scoped3A_90 : memref<!tpu.dma_semaphore, #tpu.memory_space<semaphore_mem>>)
      %dma_wait3A = arith.constant 0 : i32
      %dma_wait3A_102 = arith.constant 0 : i32
      %dma_wait3A_103 = tpu.memref_slice %arg11[%run_scoped3A, %dma_wait3A, %dma_wait3A_102] : memref<2x128x128xf32, #tpu.memory_space<vmem>> -> memref<1x128x128xf32, #tpu.memory_space<vmem>>
      %dma_wait3A_104 = tpu.memref_squeeze %dma_wait3A_103 : memref<1x128x128xf32, #tpu.memory_space<vmem>> -> memref<128x128xf32, #tpu.memory_space<vmem>>
      %dma_wait3A_105 = arith.constant 0 : i32
      %dma_wait3A_106 = tpu.memref_slice %arg16[%add3A_20, %dma_wait3A_105] : memref<10240x128xf32, #tpu.memory_space<vmem_shared>> -> memref<128x128xf32, #tpu.memory_space<vmem_shared>>
      %dma_wait3A_107 = arith.constant 0 : i32
      %dma_wait3A_108 = tpu.memref_slice %arg16[%add3A_20, %dma_wait3A_107] : memref<10240x128xf32, #tpu.memory_space<vmem_shared>> -> memref<128x128xf32, #tpu.memory_space<vmem_shared>>
      %dma_wait3A_109 = arith.constant 0 : i32
      %dma_wait3A_110 = arith.constant 0 : i32
      %dma_wait3A_111 = tpu.memref_slice %arg11[%run_scoped3A, %dma_wait3A_109, %dma_wait3A_110] : memref<2x128x128xf32, #tpu.memory_space<vmem>> -> memref<1x128x128xf32, #tpu.memory_space<vmem>>
      %dma_wait3A_112 = tpu.memref_squeeze %dma_wait3A_111 : memref<1x128x128xf32, #tpu.memory_space<vmem>> -> memref<128x128xf32, #tpu.memory_space<vmem>>
      tpu.wait_dma2 semaphore(%run_scoped3A_90 : memref<!tpu.dma_semaphore, #tpu.memory_space<semaphore_mem>>) src(%dma_wait3A_112 : memref<128x128xf32, #tpu.memory_space<vmem>>) dst(%dma_wait3A_108 : memref<128x128xf32, #tpu.memory_space<vmem_shared>>)
      tpu.yield
    }) : () -> ()
    %mul3A_21 = arith.constant 640 : i32
    %mul3A_22 = arith.muli %arg1, %mul3A_21 : i32
    %add3A_23 = arith.constant 128 : i32
    %add3A_24 = arith.addi %mul3A_22, %add3A_23 : i32
    %run_scoped3A_25 = arith.constant 1 : i32
    "tpu.region"() ({
      %run_scoped3A_90 = tpu.sem_alloc : memref<!tpu.dma_semaphore, #tpu.memory_space<semaphore_mem>>
      %dma_start3A = arith.constant 0 : i32
      %dma_start3A_91 = arith.constant 0 : i32
      %dma_start3A_92 = tpu.memref_slice %arg11[%run_scoped3A_25, %dma_start3A, %dma_start3A_91] : memref<2x128x128xf32, #tpu.memory_space<vmem>> -> memref<1x128x128xf32, #tpu.memory_space<vmem>>
      %dma_start3A_93 = tpu.memref_squeeze %dma_start3A_92 : memref<1x128x128xf32, #tpu.memory_space<vmem>> -> memref<128x128xf32, #tpu.memory_space<vmem>>
      %dma_start3A_94 = arith.constant 0 : i32
      %dma_start3A_95 = tpu.memref_slice %arg16[%add3A_24, %dma_start3A_94] : memref<10240x128xf32, #tpu.memory_space<vmem_shared>> -> memref<128x128xf32, #tpu.memory_space<vmem_shared>>
      %dma_start3A_96 = arith.constant 0 : i32
      %dma_start3A_97 = tpu.memref_slice %arg16[%add3A_24, %dma_start3A_96] : memref<10240x128xf32, #tpu.memory_space<vmem_shared>> -> memref<128x128xf32, #tpu.memory_space<vmem_shared>>
      %dma_start3A_98 = arith.constant 0 : i32
      %dma_start3A_99 = arith.constant 0 : i32
      %dma_start3A_100 = tpu.memref_slice %arg11[%run_scoped3A_25, %dma_start3A_98, %dma_start3A_99] : memref<2x128x128xf32, #tpu.memory_space<vmem>> -> memref<1x128x128xf32, #tpu.memory_space<vmem>>
      %dma_start3A_101 = tpu.memref_squeeze %dma_start3A_100 : memref<1x128x128xf32, #tpu.memory_space<vmem>> -> memref<128x128xf32, #tpu.memory_space<vmem>>
      tpu.enqueue_dma source(%dma_start3A_101 : memref<128x128xf32, #tpu.memory_space<vmem>>) target(%dma_start3A_97 : memref<128x128xf32, #tpu.memory_space<vmem_shared>>) target_semaphore(%run_scoped3A_90 : memref<!tpu.dma_semaphore, #tpu.memory_space<semaphore_mem>>)
      %dma_wait3A = arith.constant 0 : i32
      %dma_wait3A_102 = arith.constant 0 : i32
      %dma_wait3A_103 = tpu.memref_slice %arg11[%run_scoped3A_25, %dma_wait3A, %dma_wait3A_102] : memref<2x128x128xf32, #tpu.memory_space<vmem>> -> memref<1x128x128xf32, #tpu.memory_space<vmem>>
      %dma_wait3A_104 = tpu.memref_squeeze %dma_wait3A_103 : memref<1x128x128xf32, #tpu.memory_space<vmem>> -> memref<128x128xf32, #tpu.memory_space<vmem>>
      %dma_wait3A_105 = arith.constant 0 : i32
      %dma_wait3A_106 = tpu.memref_slice %arg16[%add3A_24, %dma_wait3A_105] : memref<10240x128xf32, #tpu.memory_space<vmem_shared>> -> memref<128x128xf32, #tpu.memory_space<vmem_shared>>
      %dma_wait3A_107 = arith.constant 0 : i32
      %dma_wait3A_108 = tpu.memref_slice %arg16[%add3A_24, %dma_wait3A_107] : memref<10240x128xf32, #tpu.memory_space<vmem_shared>> -> memref<128x128xf32, #tpu.memory_space<vmem_shared>>
      %dma_wait3A_109 = arith.constant 0 : i32
      %dma_wait3A_110 = arith.constant 0 : i32
      %dma_wait3A_111 = tpu.memref_slice %arg11[%run_scoped3A_25, %dma_wait3A_109, %dma_wait3A_110] : memref<2x128x128xf32, #tpu.memory_space<vmem>> -> memref<1x128x128xf32, #tpu.memory_space<vmem>>
      %dma_wait3A_112 = tpu.memref_squeeze %dma_wait3A_111 : memref<1x128x128xf32, #tpu.memory_space<vmem>> -> memref<128x128xf32, #tpu.memory_space<vmem>>
      tpu.wait_dma2 semaphore(%run_scoped3A_90 : memref<!tpu.dma_semaphore, #tpu.memory_space<semaphore_mem>>) src(%dma_wait3A_112 : memref<128x128xf32, #tpu.memory_space<vmem>>) dst(%dma_wait3A_108 : memref<128x128xf32, #tpu.memory_space<vmem_shared>>)
      tpu.yield
    }) : () -> ()
    %mul3A_26 = arith.constant 640 : i32
    %mul3A_27 = arith.muli %arg1, %mul3A_26 : i32
    %add3A_28 = arith.constant 256 : i32
    %add3A_29 = arith.addi %mul3A_27, %add3A_28 : i32
    %run_scoped3A_30 = arith.constant 1 : i32
    "tpu.region"() ({
      %run_scoped3A_90 = tpu.sem_alloc : memref<!tpu.dma_semaphore, #tpu.memory_space<semaphore_mem>>
      %dma_start3A = arith.constant 0 : i32
      %dma_start3A_91 = arith.constant 0 : i32
      %dma_start3A_92 = tpu.memref_slice %arg11[%run_scoped3A_30, %dma_start3A, %dma_start3A_91] : memref<2x128x128xf32, #tpu.memory_space<vmem>> -> memref<1x128x128xf32, #tpu.memory_space<vmem>>
      %dma_start3A_93 = tpu.memref_squeeze %dma_start3A_92 : memref<1x128x128xf32, #tpu.memory_space<vmem>> -> memref<128x128xf32, #tpu.memory_space<vmem>>
      %dma_start3A_94 = arith.constant 0 : i32
      %dma_start3A_95 = tpu.memref_slice %arg16[%add3A_29, %dma_start3A_94] : memref<10240x128xf32, #tpu.memory_space<vmem_shared>> -> memref<128x128xf32, #tpu.memory_space<vmem_shared>>
      %dma_start3A_96 = arith.constant 0 : i32
      %dma_start3A_97 = tpu.memref_slice %arg16[%add3A_29, %dma_start3A_96] : memref<10240x128xf32, #tpu.memory_space<vmem_shared>> -> memref<128x128xf32, #tpu.memory_space<vmem_shared>>
      %dma_start3A_98 = arith.constant 0 : i32
      %dma_start3A_99 = arith.constant 0 : i32
      %dma_start3A_100 = tpu.memref_slice %arg11[%run_scoped3A_30, %dma_start3A_98, %dma_start3A_99] : memref<2x128x128xf32, #tpu.memory_space<vmem>> -> memref<1x128x128xf32, #tpu.memory_space<vmem>>
      %dma_start3A_101 = tpu.memref_squeeze %dma_start3A_100 : memref<1x128x128xf32, #tpu.memory_space<vmem>> -> memref<128x128xf32, #tpu.memory_space<vmem>>
      tpu.enqueue_dma source(%dma_start3A_101 : memref<128x128xf32, #tpu.memory_space<vmem>>) target(%dma_start3A_97 : memref<128x128xf32, #tpu.memory_space<vmem_shared>>) target_semaphore(%run_scoped3A_90 : memref<!tpu.dma_semaphore, #tpu.memory_space<semaphore_mem>>)
      %dma_wait3A = arith.constant 0 : i32
      %dma_wait3A_102 = arith.constant 0 : i32
      %dma_wait3A_103 = tpu.memref_slice %arg11[%run_scoped3A_30, %dma_wait3A, %dma_wait3A_102] : memref<2x128x128xf32, #tpu.memory_space<vmem>> -> memref<1x128x128xf32, #tpu.memory_space<vmem>>
      %dma_wait3A_104 = tpu.memref_squeeze %dma_wait3A_103 : memref<1x128x128xf32, #tpu.memory_space<vmem>> -> memref<128x128xf32, #tpu.memory_space<vmem>>
      %dma_wait3A_105 = arith.constant 0 : i32
      %dma_wait3A_106 = tpu.memref_slice %arg16[%add3A_29, %dma_wait3A_105] : memref<10240x128xf32, #tpu.memory_space<vmem_shared>> -> memref<128x128xf32, #tpu.memory_space<vmem_shared>>
      %dma_wait3A_107 = arith.constant 0 : i32
      %dma_wait3A_108 = tpu.memref_slice %arg16[%add3A_29, %dma_wait3A_107] : memref<10240x128xf32, #tpu.memory_space<vmem_shared>> -> memref<128x128xf32, #tpu.memory_space<vmem_shared>>
      %dma_wait3A_109 = arith.constant 0 : i32
      %dma_wait3A_110 = arith.constant 0 : i32
      %dma_wait3A_111 = tpu.memref_slice %arg11[%run_scoped3A_30, %dma_wait3A_109, %dma_wait3A_110] : memref<2x128x128xf32, #tpu.memory_space<vmem>> -> memref<1x128x128xf32, #tpu.memory_space<vmem>>
      %dma_wait3A_112 = tpu.memref_squeeze %dma_wait3A_111 : memref<1x128x128xf32, #tpu.memory_space<vmem>> -> memref<128x128xf32, #tpu.memory_space<vmem>>
      tpu.wait_dma2 semaphore(%run_scoped3A_90 : memref<!tpu.dma_semaphore, #tpu.memory_space<semaphore_mem>>) src(%dma_wait3A_112 : memref<128x128xf32, #tpu.memory_space<vmem>>) dst(%dma_wait3A_108 : memref<128x128xf32, #tpu.memory_space<vmem_shared>>)
      tpu.yield
    }) : () -> ()
    %mul3A_31 = arith.constant 640 : i32
    %mul3A_32 = arith.muli %arg1, %mul3A_31 : i32
    %add3A_33 = arith.constant 384 : i32
    %add3A_34 = arith.addi %mul3A_32, %add3A_33 : i32
    %run_scoped3A_35 = arith.constant 1 : i32
    "tpu.region"() ({
      %run_scoped3A_90 = tpu.sem_alloc : memref<!tpu.dma_semaphore, #tpu.memory_space<semaphore_mem>>
      %dma_start3A = arith.constant 0 : i32
      %dma_start3A_91 = arith.constant 0 : i32
      %dma_start3A_92 = tpu.memref_slice %arg11[%run_scoped3A_35, %dma_start3A, %dma_start3A_91] : memref<2x128x128xf32, #tpu.memory_space<vmem>> -> memref<1x128x128xf32, #tpu.memory_space<vmem>>
      %dma_start3A_93 = tpu.memref_squeeze %dma_start3A_92 : memref<1x128x128xf32, #tpu.memory_space<vmem>> -> memref<128x128xf32, #tpu.memory_space<vmem>>
      %dma_start3A_94 = arith.constant 0 : i32
      %dma_start3A_95 = tpu.memref_slice %arg16[%add3A_34, %dma_start3A_94] : memref<10240x128xf32, #tpu.memory_space<vmem_shared>> -> memref<128x128xf32, #tpu.memory_space<vmem_shared>>
      %dma_start3A_96 = arith.constant 0 : i32
      %dma_start3A_97 = tpu.memref_slice %arg16[%add3A_34, %dma_start3A_96] : memref<10240x128xf32, #tpu.memory_space<vmem_shared>> -> memref<128x128xf32, #tpu.memory_space<vmem_shared>>
      %dma_start3A_98 = arith.constant 0 : i32
      %dma_start3A_99 = arith.constant 0 : i32
      %dma_start3A_100 = tpu.memref_slice %arg11[%run_scoped3A_35, %dma_start3A_98, %dma_start3A_99] : memref<2x128x128xf32, #tpu.memory_space<vmem>> -> memref<1x128x128xf32, #tpu.memory_space<vmem>>
      %dma_start3A_101 = tpu.memref_squeeze %dma_start3A_100 : memref<1x128x128xf32, #tpu.memory_space<vmem>> -> memref<128x128xf32, #tpu.memory_space<vmem>>
      tpu.enqueue_dma source(%dma_start3A_101 : memref<128x128xf32, #tpu.memory_space<vmem>>) target(%dma_start3A_97 : memref<128x128xf32, #tpu.memory_space<vmem_shared>>) target_semaphore(%run_scoped3A_90 : memref<!tpu.dma_semaphore, #tpu.memory_space<semaphore_mem>>)
      %dma_wait3A = arith.constant 0 : i32
      %dma_wait3A_102 = arith.constant 0 : i32
      %dma_wait3A_103 = tpu.memref_slice %arg11[%run_scoped3A_35, %dma_wait3A, %dma_wait3A_102] : memref<2x128x128xf32, #tpu.memory_space<vmem>> -> memref<1x128x128xf32, #tpu.memory_space<vmem>>
      %dma_wait3A_104 = tpu.memref_squeeze %dma_wait3A_103 : memref<1x128x128xf32, #tpu.memory_space<vmem>> -> memref<128x128xf32, #tpu.memory_space<vmem>>
      %dma_wait3A_105 = arith.constant 0 : i32
      %dma_wait3A_106 = tpu.memref_slice %arg16[%add3A_34, %dma_wait3A_105] : memref<10240x128xf32, #tpu.memory_space<vmem_shared>> -> memref<128x128xf32, #tpu.memory_space<vmem_shared>>
      %dma_wait3A_107 = arith.constant 0 : i32
      %dma_wait3A_108 = tpu.memref_slice %arg16[%add3A_34, %dma_wait3A_107] : memref<10240x128xf32, #tpu.memory_space<vmem_shared>> -> memref<128x128xf32, #tpu.memory_space<vmem_shared>>
      %dma_wait3A_109 = arith.constant 0 : i32
      %dma_wait3A_110 = arith.constant 0 : i32
      %dma_wait3A_111 = tpu.memref_slice %arg11[%run_scoped3A_35, %dma_wait3A_109, %dma_wait3A_110] : memref<2x128x128xf32, #tpu.memory_space<vmem>> -> memref<1x128x128xf32, #tpu.memory_space<vmem>>
      %dma_wait3A_112 = tpu.memref_squeeze %dma_wait3A_111 : memref<1x128x128xf32, #tpu.memory_space<vmem>> -> memref<128x128xf32, #tpu.memory_space<vmem>>
      tpu.wait_dma2 semaphore(%run_scoped3A_90 : memref<!tpu.dma_semaphore, #tpu.memory_space<semaphore_mem>>) src(%dma_wait3A_112 : memref<128x128xf32, #tpu.memory_space<vmem>>) dst(%dma_wait3A_108 : memref<128x128xf32, #tpu.memory_space<vmem_shared>>)
      tpu.yield
    }) : () -> ()
    %mul3A_36 = arith.constant 640 : i32
    %mul3A_37 = arith.muli %arg1, %mul3A_36 : i32
    %add3A_38 = arith.constant 512 : i32
    %add3A_39 = arith.addi %mul3A_37, %add3A_38 : i32
    %run_scoped3A_40 = arith.constant 1 : i32
    "tpu.region"() ({
      %run_scoped3A_90 = tpu.sem_alloc : memref<!tpu.dma_semaphore, #tpu.memory_space<semaphore_mem>>
      %dma_start3A = arith.constant 0 : i32
      %dma_start3A_91 = arith.constant 0 : i32
      %dma_start3A_92 = tpu.memref_slice %arg11[%run_scoped3A_40, %dma_start3A, %dma_start3A_91] : memref<2x128x128xf32, #tpu.memory_space<vmem>> -> memref<1x128x128xf32, #tpu.memory_space<vmem>>
      %dma_start3A_93 = tpu.memref_squeeze %dma_start3A_92 : memref<1x128x128xf32, #tpu.memory_space<vmem>> -> memref<128x128xf32, #tpu.memory_space<vmem>>
      %dma_start3A_94 = arith.constant 0 : i32
      %dma_start3A_95 = tpu.memref_slice %arg16[%add3A_39, %dma_start3A_94] : memref<10240x128xf32, #tpu.memory_space<vmem_shared>> -> memref<128x128xf32, #tpu.memory_space<vmem_shared>>
      %dma_start3A_96 = arith.constant 0 : i32
      %dma_start3A_97 = tpu.memref_slice %arg16[%add3A_39, %dma_start3A_96] : memref<10240x128xf32, #tpu.memory_space<vmem_shared>> -> memref<128x128xf32, #tpu.memory_space<vmem_shared>>
      %dma_start3A_98 = arith.constant 0 : i32
      %dma_start3A_99 = arith.constant 0 : i32
      %dma_start3A_100 = tpu.memref_slice %arg11[%run_scoped3A_40, %dma_start3A_98, %dma_start3A_99] : memref<2x128x128xf32, #tpu.memory_space<vmem>> -> memref<1x128x128xf32, #tpu.memory_space<vmem>>
      %dma_start3A_101 = tpu.memref_squeeze %dma_start3A_100 : memref<1x128x128xf32, #tpu.memory_space<vmem>> -> memref<128x128xf32, #tpu.memory_space<vmem>>
      tpu.enqueue_dma source(%dma_start3A_101 : memref<128x128xf32, #tpu.memory_space<vmem>>) target(%dma_start3A_97 : memref<128x128xf32, #tpu.memory_space<vmem_shared>>) target_semaphore(%run_scoped3A_90 : memref<!tpu.dma_semaphore, #tpu.memory_space<semaphore_mem>>)
      %dma_wait3A = arith.constant 0 : i32
      %dma_wait3A_102 = arith.constant 0 : i32
      %dma_wait3A_103 = tpu.memref_slice %arg11[%run_scoped3A_40, %dma_wait3A, %dma_wait3A_102] : memref<2x128x128xf32, #tpu.memory_space<vmem>> -> memref<1x128x128xf32, #tpu.memory_space<vmem>>
      %dma_wait3A_104 = tpu.memref_squeeze %dma_wait3A_103 : memref<1x128x128xf32, #tpu.memory_space<vmem>> -> memref<128x128xf32, #tpu.memory_space<vmem>>
      %dma_wait3A_105 = arith.constant 0 : i32
      %dma_wait3A_106 = tpu.memref_slice %arg16[%add3A_39, %dma_wait3A_105] : memref<10240x128xf32, #tpu.memory_space<vmem_shared>> -> memref<128x128xf32, #tpu.memory_space<vmem_shared>>
      %dma_wait3A_107 = arith.constant 0 : i32
      %dma_wait3A_108 = tpu.memref_slice %arg16[%add3A_39, %dma_wait3A_107] : memref<10240x128xf32, #tpu.memory_space<vmem_shared>> -> memref<128x128xf32, #tpu.memory_space<vmem_shared>>
      %dma_wait3A_109 = arith.constant 0 : i32
      %dma_wait3A_110 = arith.constant 0 : i32
      %dma_wait3A_111 = tpu.memref_slice %arg11[%run_scoped3A_40, %dma_wait3A_109, %dma_wait3A_110] : memref<2x128x128xf32, #tpu.memory_space<vmem>> -> memref<1x128x128xf32, #tpu.memory_space<vmem>>
      %dma_wait3A_112 = tpu.memref_squeeze %dma_wait3A_111 : memref<1x128x128xf32, #tpu.memory_space<vmem>> -> memref<128x128xf32, #tpu.memory_space<vmem>>
      tpu.wait_dma2 semaphore(%run_scoped3A_90 : memref<!tpu.dma_semaphore, #tpu.memory_space<semaphore_mem>>) src(%dma_wait3A_112 : memref<128x128xf32, #tpu.memory_space<vmem>>) dst(%dma_wait3A_108 : memref<128x128xf32, #tpu.memory_space<vmem_shared>>)
      tpu.yield
    }) : () -> ()
    %scan3A_41 = arith.constant 0 : i32
    %scan3A_42 = arith.constant 0 : i32
    %scan3A_43 = arith.constant 80 : i32
    %scan3A_44 = arith.addi %scan3A_42, %scan3A_43 : i32
    %scan3A_45 = arith.constant 1 : i32
    %scan3A_46 = scf.for %scan3A_90 = %scan3A_42 to %scan3A_44 step %scan3A_45 iter_args(%scan3A_91 = %scan3A_41) -> (i32)  : i32 {
      %broadcast_in_dim3A = arith.constant 0.000000e+00 : f32
      %broadcast_in_dim3A_92 = vector.broadcast %broadcast_in_dim3A : f32 to vector<16xf32>
      %mul3A_93 = arith.constant 128 : i32
      %mul3A_94 = arith.muli %scan3A_90, %mul3A_93 : i32
      %add3A_95 = arith.constant 0 : i32
      %add3A_96 = arith.addi %mul3A_94, %add3A_95 : i32
      %swap3A = arith.index_cast %add3A_96 : i32 to index
      %swap3A_97 = tpu.vector_load %arg15[%swap3A] {strides = array<i32>} : memref<10240xf32, #tpu.memory_space<vmem>>, vector<16xf32>,
      tpu.vector_store %arg15[%swap3A], %broadcast_in_dim3A_92 {strides = array<i32>} : memref<10240xf32, #tpu.memory_space<vmem>>, vector<16xf32>,
      %broadcast_in_dim3A_98 = arith.constant 0.000000e+00 : f32
      %broadcast_in_dim3A_99 = vector.broadcast %broadcast_in_dim3A_98 : f32 to vector<16xf32>
      %mul3A_100 = arith.constant 128 : i32
      %mul3A_101 = arith.muli %scan3A_90, %mul3A_100 : i32
      %add3A_102 = arith.constant 16 : i32
      %add3A_103 = arith.addi %mul3A_101, %add3A_102 : i32
      %swap3A_104 = arith.index_cast %add3A_103 : i32 to index
      %swap3A_105 = tpu.vector_load %arg15[%swap3A_104] {strides = array<i32>} : memref<10240xf32, #tpu.memory_space<vmem>>, vector<16xf32>,
      tpu.vector_store %arg15[%swap3A_104], %broadcast_in_dim3A_99 {strides = array<i32>} : memref<10240xf32, #tpu.memory_space<vmem>>, vector<16xf32>,
      %broadcast_in_dim3A_106 = arith.constant 0.000000e+00 : f32
      %broadcast_in_dim3A_107 = vector.broadcast %broadcast_in_dim3A_106 : f32 to vector<16xf32>
      %mul3A_108 = arith.constant 128 : i32
      %mul3A_109 = arith.muli %scan3A_90, %mul3A_108 : i32
      %add3A_110 = arith.constant 32 : i32
      %add3A_111 = arith.addi %mul3A_109, %add3A_110 : i32
      %swap3A_112 = arith.index_cast %add3A_111 : i32 to index
      %swap3A_113 = tpu.vector_load %arg15[%swap3A_112] {strides = array<i32>} : memref<10240xf32, #tpu.memory_space<vmem>>, vector<16xf32>,
      tpu.vector_store %arg15[%swap3A_112], %broadcast_in_dim3A_107 {strides = array<i32>} : memref<10240xf32, #tpu.memory_space<vmem>>, vector<16xf32>,
      %broadcast_in_dim3A_114 = arith.constant 0.000000e+00 : f32
      %broadcast_in_dim3A_115 = vector.broadcast %broadcast_in_dim3A_114 : f32 to vector<16xf32>
      %mul3A_116 = arith.constant 128 : i32
      %mul3A_117 = arith.muli %scan3A_90, %mul3A_116 : i32
      %add3A_118 = arith.constant 48 : i32
      %add3A_119 = arith.addi %mul3A_117, %add3A_118 : i32
      %swap3A_120 = arith.index_cast %add3A_119 : i32 to index
      %swap3A_121 = tpu.vector_load %arg15[%swap3A_120] {strides = array<i32>} : memref<10240xf32, #tpu.memory_space<vmem>>, vector<16xf32>,
      tpu.vector_store %arg15[%swap3A_120], %broadcast_in_dim3A_115 {strides = array<i32>} : memref<10240xf32, #tpu.memory_space<vmem>>, vector<16xf32>,
      %broadcast_in_dim3A_122 = arith.constant 0.000000e+00 : f32
      %broadcast_in_dim3A_123 = vector.broadcast %broadcast_in_dim3A_122 : f32 to vector<16xf32>
      %mul3A_124 = arith.constant 128 : i32
      %mul3A_125 = arith.muli %scan3A_90, %mul3A_124 : i32
      %add3A_126 = arith.constant 64 : i32
      %add3A_127 = arith.addi %mul3A_125, %add3A_126 : i32
      %swap3A_128 = arith.index_cast %add3A_127 : i32 to index
      %swap3A_129 = tpu.vector_load %arg15[%swap3A_128] {strides = array<i32>} : memref<10240xf32, #tpu.memory_space<vmem>>, vector<16xf32>,
      tpu.vector_store %arg15[%swap3A_128], %broadcast_in_dim3A_123 {strides = array<i32>} : memref<10240xf32, #tpu.memory_space<vmem>>, vector<16xf32>,
      %broadcast_in_dim3A_130 = arith.constant 0.000000e+00 : f32
      %broadcast_in_dim3A_131 = vector.broadcast %broadcast_in_dim3A_130 : f32 to vector<16xf32>
      %mul3A_132 = arith.constant 128 : i32
      %mul3A_133 = arith.muli %scan3A_90, %mul3A_132 : i32
      %add3A_134 = arith.constant 80 : i32
      %add3A_135 = arith.addi %mul3A_133, %add3A_134 : i32
      %swap3A_136 = arith.index_cast %add3A_135 : i32 to index
      %swap3A_137 = tpu.vector_load %arg15[%swap3A_136] {strides = array<i32>} : memref<10240xf32, #tpu.memory_space<vmem>>, vector<16xf32>,
      tpu.vector_store %arg15[%swap3A_136], %broadcast_in_dim3A_131 {strides = array<i32>} : memref<10240xf32, #tpu.memory_space<vmem>>, vector<16xf32>,
      %broadcast_in_dim3A_138 = arith.constant 0.000000e+00 : f32
      %broadcast_in_dim3A_139 = vector.broadcast %broadcast_in_dim3A_138 : f32 to vector<16xf32>
      %mul3A_140 = arith.constant 128 : i32
      %mul3A_141 = arith.muli %scan3A_90, %mul3A_140 : i32
      %add3A_142 = arith.constant 96 : i32
      %add3A_143 = arith.addi %mul3A_141, %add3A_142 : i32
      %swap3A_144 = arith.index_cast %add3A_143 : i32 to index
      %swap3A_145 = tpu.vector_load %arg15[%swap3A_144] {strides = array<i32>} : memref<10240xf32, #tpu.memory_space<vmem>>, vector<16xf32>,
      tpu.vector_store %arg15[%swap3A_144], %broadcast_in_dim3A_139 {strides = array<i32>} : memref<10240xf32, #tpu.memory_space<vmem>>, vector<16xf32>,
      %broadcast_in_dim3A_146 = arith.constant 0.000000e+00 : f32
      %broadcast_in_dim3A_147 = vector.broadcast %broadcast_in_dim3A_146 : f32 to vector<16xf32>
      %mul3A_148 = arith.constant 128 : i32
      %mul3A_149 = arith.muli %scan3A_90, %mul3A_148 : i32
      %add3A_150 = arith.constant 112 : i32
      %add3A_151 = arith.addi %mul3A_149, %add3A_150 : i32
      %swap3A_152 = arith.index_cast %add3A_151 : i32 to index
      %swap3A_153 = tpu.vector_load %arg15[%swap3A_152] {strides = array<i32>} : memref<10240xf32, #tpu.memory_space<vmem>>, vector<16xf32>,
      tpu.vector_store %arg15[%swap3A_152], %broadcast_in_dim3A_147 {strides = array<i32>} : memref<10240xf32, #tpu.memory_space<vmem>>, vector<16xf32>,
      %scan3A_154 = arith.constant 0 : i32
      scf.yield %scan3A_154 : i32
    }
    %scan3A_47 = arith.constant 80 : i32
    %barrier3A = arith.constant 0 : index
    tpu.barrier barrier_id(%barrier3A)
    %jit3A_48 = arith.constant 4 : i32
    %div3A = arith.divsi %select_n3A, %jit3A_48 : i32
    %sign3A = arith.constant 0 : i32
    %sign3A_49 = arith.cmpi sgt, %select_n3A, %sign3A : i32
    %sign3A_50 = arith.extui %sign3A_49 : i1 to i32
    %sign3A_51 = arith.constant 0 : i32
    %sign3A_52 = arith.cmpi slt, %select_n3A, %sign3A_51 : i32
    %sign3A_53 = arith.extui %sign3A_52 : i1 to i32
    %sign3A_54 = arith.subi %sign3A_50, %sign3A_53 : i32
    %sign3A_55 = arith.constant 0 : i32
    %sign3A_56 = arith.cmpi sgt, %jit3A_48, %sign3A_55 : i32
    %sign3A_57 = arith.extui %sign3A_56 : i1 to i32
    %sign3A_58 = arith.constant 0 : i32
    %sign3A_59 = arith.cmpi slt, %jit3A_48, %sign3A_58 : i32
    %sign3A_60 = arith.extui %sign3A_59 : i1 to i32
    %sign3A_61 = arith.subi %sign3A_57, %sign3A_60 : i32
    %ne3A = arith.cmpi ne, %sign3A_54, %sign3A_61 : i32
    %rem3A = arith.remsi %select_n3A, %jit3A_48 : i32
    %ne3A_62 = arith.constant 0 : i32
    %ne3A_63 = arith.cmpi ne, %rem3A, %ne3A_62 : i32
    %and3A = arith.andi %ne3A, %ne3A_63 : i1
    %sub3A = arith.constant 1 : i32
    %sub3A_64 = arith.subi %div3A, %sub3A : i32
    %select_n3A_65 = arith.select %and3A, %sub3A_64, %div3A : i32
    %while3A = arith.constant 0 : i32
    %while3A_66 = arith.constant 0 : i32
    %while3A_67 = arith.subi %select_n3A_65, %while3A : i32
    %while3A_68 = arith.addi %while3A, %while3A_67 : i32
    %while3A_69 = arith.constant 1 : i32
    %while3A_70 = arith.divsi %while3A_67, %while3A_69 : i32
    %while3A_71 = arith.muli %while3A_70, %while3A_69 : i32
    %while3A_72 = arith.addi %while3A, %while3A_71 : i32
    %while3A_73 = arith.constant 1 : i32
    %while3A_74 = scf.for %while3A_90 = %while3A to %while3A_72 step %while3A_73 iter_args(%while3A_91 = %while3A_66) -> (i32)  : i32 {
      %mul3A_92 = arith.constant 4 : i32
      %mul3A_93 = arith.muli %mul3A_92, %while3A_90 : i32
      %add3A_94 = arith.constant 0 : i32
      %add3A_95 = arith.addi %mul3A_93, %add3A_94 : i32
      %gt3A_96 = arith.constant 0 : i32
      %gt3A_97 = arith.cmpi sgt, %while3A_90, %gt3A_96 : i32
      %add3A_98 = arith.constant 1 : i32
      %add3A_99 = arith.addi %add3A_95, %add3A_98 : i32
      %mul3A_100 = arith.constant 128 : i32
      %mul3A_101 = arith.muli %add3A_99, %mul3A_100 : i32
      %add3A_102 = arith.addi %select_n3A_8, %mul3A_101 : i32
      %dma_start3A = arith.constant 1 : i32
      %dma_start3A_103 = arith.constant 0 : i32
      %dma_start3A_104 = arith.constant 0 : i32
      %dma_start3A_105 = tpu.memref_slice %arg9[%dma_start3A, %dma_start3A_104] : memref<4x128xi32, #tpu.memory_space<vmem>> -> memref<1x128xi32, #tpu.memory_space<vmem>>
      %dma_start3A_106 = tpu.memref_squeeze %dma_start3A_105 : memref<1x128xi32, #tpu.memory_space<vmem>> -> memref<128xi32, #tpu.memory_space<vmem>>
      %dma_start3A_107 = tpu.memref_slice %arg5[%add3A_102] : memref<327680xi32, #tpu.memory_space<hbm>> -> memref<128xi32, #tpu.memory_space<hbm>>
      %dma_start3A_108 = tpu.memref_slice %arg18[%dma_start3A_103] : memref<2x!tpu.dma_semaphore, #tpu.memory_space<semaphore_mem>> -> memref<1x!tpu.dma_semaphore, #tpu.memory_space<semaphore_mem>>
      %dma_start3A_109 = tpu.memref_squeeze %dma_start3A_108 : memref<1x!tpu.dma_semaphore, #tpu.memory_space<semaphore_mem>> -> memref<!tpu.dma_semaphore, #tpu.memory_space<semaphore_mem>>
      %dma_start3A_110 = arith.constant 0 : i32
      %dma_start3A_111 = tpu.memref_slice %arg9[%dma_start3A, %dma_start3A_110] : memref<4x128xi32, #tpu.memory_space<vmem>> -> memref<1x128xi32, #tpu.memory_space<vmem>>
      %dma_start3A_112 = tpu.memref_squeeze %dma_start3A_111 : memref<1x128xi32, #tpu.memory_space<vmem>> -> memref<128xi32, #tpu.memory_space<vmem>>
      %dma_start3A_113 = tpu.memref_slice %arg5[%add3A_102] : memref<327680xi32, #tpu.memory_space<hbm>> -> memref<128xi32, #tpu.memory_space<hbm>>
      tpu.enqueue_dma source(%dma_start3A_113 : memref<128xi32, #tpu.memory_space<hbm>>) target(%dma_start3A_112 : memref<128xi32, #tpu.memory_space<vmem>>) target_semaphore(%dma_start3A_109 : memref<!tpu.dma_semaphore, #tpu.memory_space<semaphore_mem>>)
      %dma_start3A_114 = arith.constant 1 : i32
      %dma_start3A_115 = arith.constant 1 : i32
      %dma_start3A_116 = arith.constant 0 : i32
      %dma_start3A_117 = tpu.memref_slice %arg10[%dma_start3A_114, %dma_start3A_116] : memref<4x128xi32, #tpu.memory_space<vmem>> -> memref<1x128xi32, #tpu.memory_space<vmem>>
      %dma_start3A_118 = tpu.memref_squeeze %dma_start3A_117 : memref<1x128xi32, #tpu.memory_space<vmem>> -> memref<128xi32, #tpu.memory_space<vmem>>
      %dma_start3A_119 = tpu.memref_slice %arg6[%add3A_102] : memref<327680xi32, #tpu.memory_space<hbm>> -> memref<128xi32, #tpu.memory_space<hbm>>
      %dma_start3A_120 = tpu.memref_slice %arg18[%dma_start3A_115] : memref<2x!tpu.dma_semaphore, #tpu.memory_space<semaphore_mem>> -> memref<1x!tpu.dma_semaphore, #tpu.memory_space<semaphore_mem>>
      %dma_start3A_121 = tpu.memref_squeeze %dma_start3A_120 : memref<1x!tpu.dma_semaphore, #tpu.memory_space<semaphore_mem>> -> memref<!tpu.dma_semaphore, #tpu.memory_space<semaphore_mem>>
      %dma_start3A_122 = arith.constant 0 : i32
      %dma_start3A_123 = tpu.memref_slice %arg10[%dma_start3A_114, %dma_start3A_122] : memref<4x128xi32, #tpu.memory_space<vmem>> -> memref<1x128xi32, #tpu.memory_space<vmem>>
      %dma_start3A_124 = tpu.memref_squeeze %dma_start3A_123 : memref<1x128xi32, #tpu.memory_space<vmem>> -> memref<128xi32, #tpu.memory_space<vmem>>
      %dma_start3A_125 = tpu.memref_slice %arg6[%add3A_102] : memref<327680xi32, #tpu.memory_space<hbm>> -> memref<128xi32, #tpu.memory_space<hbm>>
      tpu.enqueue_dma source(%dma_start3A_125 : memref<128xi32, #tpu.memory_space<hbm>>) target(%dma_start3A_124 : memref<128xi32, #tpu.memory_space<vmem>>) target_semaphore(%dma_start3A_121 : memref<!tpu.dma_semaphore, #tpu.memory_space<semaphore_mem>>)
      %dma_wait3A = arith.constant 0 : i32
      %dma_wait3A_126 = arith.constant 0 : i32
      %dma_wait3A_127 = arith.constant 0 : i32
      %dma_wait3A_128 = arith.constant 0 : i32
      %dma_wait3A_129 = tpu.memref_slice %arg12[%dma_wait3A_126, %dma_wait3A_128] : memref<2x128xf32, #tpu.memory_space<vmem>> -> memref<1x128xf32, #tpu.memory_space<vmem>>
      %dma_wait3A_130 = tpu.memref_squeeze %dma_wait3A_129 : memref<1x128xf32, #tpu.memory_space<vmem>> -> memref<128xf32, #tpu.memory_space<vmem>>
      %dma_wait3A_131 = arith.constant 0 : i32
      %dma_wait3A_132 = tpu.memref_slice %arg9[%dma_wait3A, %dma_wait3A_131] : memref<4x128xi32, #tpu.memory_space<vmem>> -> memref<1x128xi32, #tpu.memory_space<vmem>>
      %dma_wait3A_133 = tpu.memref_squeeze %dma_wait3A_132 : memref<1x128xi32, #tpu.memory_space<vmem>> -> memref<128xi32, #tpu.memory_space<vmem>>
      %dma_wait3A_134 = arith.constant 0 : i32
      %dma_wait3A_135 = tpu.memref_slice %arg3[%dma_wait3A_134] : memref<10240xf32, #tpu.memory_space<hbm>> -> memref<10240xf32, #tpu.memory_space<hbm>>
      %dma_wait3A_136 = tpu.memref_slice %arg19[%dma_wait3A_127] : memref<2x!tpu.dma_semaphore, #tpu.memory_space<semaphore_mem>> -> memref<1x!tpu.dma_semaphore, #tpu.memory_space<semaphore_mem>>
      %dma_wait3A_137 = tpu.memref_squeeze %dma_wait3A_136 : memref<1x!tpu.dma_semaphore, #tpu.memory_space<semaphore_mem>> -> memref<!tpu.dma_semaphore, #tpu.memory_space<semaphore_mem>>
      tpu.wait_indirect_dma semaphore(%dma_wait3A_137 : memref<!tpu.dma_semaphore, #tpu.memory_space<semaphore_mem>>) src(%dma_wait3A_135 : memref<10240xf32, #tpu.memory_space<hbm>>) dst(%dma_wait3A_130 : memref<128xf32, #tpu.memory_space<vmem>>)
      %dma_wait3A_138 = arith.constant 0 : i32
      %dma_wait3A_139 = arith.constant 0 : i32
      %dma_wait3A_140 = arith.constant 0 : i32
      %dma_wait3A_141 = arith.constant 0 : i32
      %dma_wait3A_142 = tpu.memref_slice %arg13[%dma_wait3A_139, %dma_wait3A_141] : memref<2x128xf32, #tpu.memory_space<vmem>> -> memref<1x128xf32, #tpu.memory_space<vmem>>
      %dma_wait3A_143 = tpu.memref_squeeze %dma_wait3A_142 : memref<1x128xf32, #tpu.memory_space<vmem>> -> memref<128xf32, #tpu.memory_space<vmem>>
      %dma_wait3A_144 = arith.constant 0 : i32
      %dma_wait3A_145 = tpu.memref_slice %arg10[%dma_wait3A_138, %dma_wait3A_144] : memref<4x128xi32, #tpu.memory_space<vmem>> -> memref<1x128xi32, #tpu.memory_space<vmem>>
      %dma_wait3A_146 = tpu.memref_squeeze %dma_wait3A_145 : memref<1x128xi32, #tpu.memory_space<vmem>> -> memref<128xi32, #tpu.memory_space<vmem>>
      %dma_wait3A_147 = arith.constant 0 : i32
      %dma_wait3A_148 = tpu.memref_slice %arg4[%dma_wait3A_147] : memref<10240xf32, #tpu.memory_space<hbm>> -> memref<10240xf32, #tpu.memory_space<hbm>>
      %dma_wait3A_149 = tpu.memref_slice %arg20[%dma_wait3A_140] : memref<2x!tpu.dma_semaphore, #tpu.memory_space<semaphore_mem>> -> memref<1x!tpu.dma_semaphore, #tpu.memory_space<semaphore_mem>>
      %dma_wait3A_150 = tpu.memref_squeeze %dma_wait3A_149 : memref<1x!tpu.dma_semaphore, #tpu.memory_space<semaphore_mem>> -> memref<!tpu.dma_semaphore, #tpu.memory_space<semaphore_mem>>
      tpu.wait_indirect_dma semaphore(%dma_wait3A_150 : memref<!tpu.dma_semaphore, #tpu.memory_space<semaphore_mem>>) src(%dma_wait3A_148 : memref<10240xf32, #tpu.memory_space<hbm>>) dst(%dma_wait3A_143 : memref<128xf32, #tpu.memory_space<vmem>>)
      %get3A = arith.constant 0 : i32
      %get3A_151 = arith.index_cast %get3A : i32 to index
      %get3A_152 = arith.constant 0 : index
      %get3A_153 = tpu.vector_load %arg12[%get3A_151, %get3A_152] {strides = array<i32>} : memref<2x128xf32, #tpu.memory_space<vmem>>, vector<16xf32>,
      %get3A_154 = arith.constant 0 : i32
      %get3A_155 = arith.index_cast %get3A_154 : i32 to index
      %get3A_156 = arith.constant 0 : index
      %get3A_157 = tpu.vector_load %arg13[%get3A_155, %get3A_156] {strides = array<i32>} : memref<2x128xf32, #tpu.memory_space<vmem>>, vector<16xf32>,
      %add3A_158 = arith.addf %get3A_153, %get3A_157 : vector<16xf32>
      %gt3A_159 = arith.constant 0.000000e+00 : f32
      %gt3A_160 = vector.broadcast %gt3A_159 : f32 to vector<16xf32>
      %gt3A_161 = arith.cmpf ogt, %add3A_158, %gt3A_160 : vector<16xf32>
      %mul3A_162 = arith.constant 2.000000e-01 : f32
      %mul3A_163 = vector.broadcast %mul3A_162 : f32 to vector<16xf32>
      %mul3A_164 = arith.mulf %mul3A_163, %add3A_158 : vector<16xf32>
      %select_n3A_165 = arith.select %gt3A_161, %add3A_158, %mul3A_164 : vector<16xi1>, vector<16xf32>
      %exp3A = math.exp %select_n3A_165 : vector<16xf32>
      %swap3A = arith.constant 0 : i32
      %swap3A_166 = arith.index_cast %swap3A : i32 to index
      %swap3A_167 = arith.constant 0 : index
      %swap3A_168 = tpu.vector_load %arg14[%swap3A_166, %swap3A_167] {strides = array<i32>} : memref<2x144xf32, #tpu.memory_space<vmem>>, vector<16xf32>,
      tpu.vector_store %arg14[%swap3A_166, %swap3A_167], %exp3A {strides = array<i32>} : memref<2x144xf32, #tpu.memory_space<vmem>>, vector<16xf32>,
      %get3A_169 = arith.constant 0 : i32
      %get3A_170 = arith.index_cast %get3A_169 : i32 to index
      %get3A_171 = arith.constant 0 : index
      %get3A_172 = tpu.vector_load %arg9[%get3A_170, %get3A_171] {strides = array<i32>} : memref<4x128xi32, #tpu.memory_space<vmem>>, vector<16xi32>,
      tpu.vector_store_idx %arg15[%get3A_172], %exp3A {add = true} : memref<10240xf32, #tpu.memory_space<vmem>>[vector<16xi32>], vector<16xf32>,
      %get3A_173 = arith.constant 0 : i32
      %get3A_174 = arith.index_cast %get3A_173 : i32 to index
      %get3A_175 = arith.constant 16 : index
      %get3A_176 = tpu.vector_load %arg12[%get3A_174, %get3A_175] {strides = array<i32>} : memref<2x128xf32, #tpu.memory_space<vmem>>, vector<16xf32>,
      %get3A_177 = arith.constant 0 : i32
      %get3A_178 = arith.index_cast %get3A_177 : i32 to index
      %get3A_179 = arith.constant 16 : index
      %get3A_180 = tpu.vector_load %arg13[%get3A_178, %get3A_179] {strides = array<i32>} : memref<2x128xf32, #tpu.memory_space<vmem>>, vector<16xf32>,
      %add3A_181 = arith.addf %get3A_176, %get3A_180 : vector<16xf32>
      %gt3A_182 = arith.constant 0.000000e+00 : f32
      %gt3A_183 = vector.broadcast %gt3A_182 : f32 to vector<16xf32>
      %gt3A_184 = arith.cmpf ogt, %add3A_181, %gt3A_183 : vector<16xf32>
      %mul3A_185 = arith.constant 2.000000e-01 : f32
      %mul3A_186 = vector.broadcast %mul3A_185 : f32 to vector<16xf32>
      %mul3A_187 = arith.mulf %mul3A_186, %add3A_181 : vector<16xf32>
      %select_n3A_188 = arith.select %gt3A_184, %add3A_181, %mul3A_187 : vector<16xi1>, vector<16xf32>
      %exp3A_189 = math.exp %select_n3A_188 : vector<16xf32>
      %swap3A_190 = arith.constant 0 : i32
      %swap3A_191 = arith.index_cast %swap3A_190 : i32 to index
      %swap3A_192 = arith.constant 16 : index
      %swap3A_193 = tpu.vector_load %arg14[%swap3A_191, %swap3A_192] {strides = array<i32>} : memref<2x144xf32, #tpu.memory_space<vmem>>, vector<16xf32>,
      tpu.vector_store %arg14[%swap3A_191, %swap3A_192], %exp3A_189 {strides = array<i32>} : memref<2x144xf32, #tpu.memory_space<vmem>>, vector<16xf32>,
      %get3A_194 = arith.constant 0 : i32
      %get3A_195 = arith.index_cast %get3A_194 : i32 to index
      %get3A_196 = arith.constant 16 : index
      %get3A_197 = tpu.vector_load %arg9[%get3A_195, %get3A_196] {strides = array<i32>} : memref<4x128xi32, #tpu.memory_space<vmem>>, vector<16xi32>,
      tpu.vector_store_idx %arg15[%get3A_197], %exp3A_189 {add = true} : memref<10240xf32, #tpu.memory_space<vmem>>[vector<16xi32>], vector<16xf32>,
      %get3A_198 = arith.constant 0 : i32
      %get3A_199 = arith.index_cast %get3A_198 : i32 to index
      %get3A_200 = arith.constant 32 : index
      %get3A_201 = tpu.vector_load %arg12[%get3A_199, %get3A_200] {strides = array<i32>} : memref<2x128xf32, #tpu.memory_space<vmem>>, vector<16xf32>,
      %get3A_202 = arith.constant 0 : i32
      %get3A_203 = arith.index_cast %get3A_202 : i32 to index
      %get3A_204 = arith.constant 32 : index
      %get3A_205 = tpu.vector_load %arg13[%get3A_203, %get3A_204] {strides = array<i32>} : memref<2x128xf32, #tpu.memory_space<vmem>>, vector<16xf32>,
      %add3A_206 = arith.addf %get3A_201, %get3A_205 : vector<16xf32>
      %gt3A_207 = arith.constant 0.000000e+00 : f32
      %gt3A_208 = vector.broadcast %gt3A_207 : f32 to vector<16xf32>
      %gt3A_209 = arith.cmpf ogt, %add3A_206, %gt3A_208 : vector<16xf32>
      %mul3A_210 = arith.constant 2.000000e-01 : f32
      %mul3A_211 = vector.broadcast %mul3A_210 : f32 to vector<16xf32>
      %mul3A_212 = arith.mulf %mul3A_211, %add3A_206 : vector<16xf32>
      %select_n3A_213 = arith.select %gt3A_209, %add3A_206, %mul3A_212 : vector<16xi1>, vector<16xf32>
      %exp3A_214 = math.exp %select_n3A_213 : vector<16xf32>
      %swap3A_215 = arith.constant 0 : i32
      %swap3A_216 = arith.index_cast %swap3A_215 : i32 to index
      %swap3A_217 = arith.constant 32 : index
      %swap3A_218 = tpu.vector_load %arg14[%swap3A_216, %swap3A_217] {strides = array<i32>} : memref<2x144xf32, #tpu.memory_space<vmem>>, vector<16xf32>,
      tpu.vector_store %arg14[%swap3A_216, %swap3A_217], %exp3A_214 {strides = array<i32>} : memref<2x144xf32, #tpu.memory_space<vmem>>, vector<16xf32>,
      %get3A_219 = arith.constant 0 : i32
      %get3A_220 = arith.index_cast %get3A_219 : i32 to index
      %get3A_221 = arith.constant 32 : index
      %get3A_222 = tpu.vector_load %arg9[%get3A_220, %get3A_221] {strides = array<i32>} : memref<4x128xi32, #tpu.memory_space<vmem>>, vector<16xi32>,
      tpu.vector_store_idx %arg15[%get3A_222], %exp3A_214 {add = true} : memref<10240xf32, #tpu.memory_space<vmem>>[vector<16xi32>], vector<16xf32>,
      %get3A_223 = arith.constant 0 : i32
      %get3A_224 = arith.index_cast %get3A_223 : i32 to index
      %get3A_225 = arith.constant 48 : index
      %get3A_226 = tpu.vector_load %arg12[%get3A_224, %get3A_225] {strides = array<i32>} : memref<2x128xf32, #tpu.memory_space<vmem>>, vector<16xf32>,
      %get3A_227 = arith.constant 0 : i32
      %get3A_228 = arith.index_cast %get3A_227 : i32 to index
      %get3A_229 = arith.constant 48 : index
      %get3A_230 = tpu.vector_load %arg13[%get3A_228, %get3A_229] {strides = array<i32>} : memref<2x128xf32, #tpu.memory_space<vmem>>, vector<16xf32>,
      %add3A_231 = arith.addf %get3A_226, %get3A_230 : vector<16xf32>
      %gt3A_232 = arith.constant 0.000000e+00 : f32
      %gt3A_233 = vector.broadcast %gt3A_232 : f32 to vector<16xf32>
      %gt3A_234 = arith.cmpf ogt, %add3A_231, %gt3A_233 : vector<16xf32>
      %mul3A_235 = arith.constant 2.000000e-01 : f32
      %mul3A_236 = vector.broadcast %mul3A_235 : f32 to vector<16xf32>
      %mul3A_237 = arith.mulf %mul3A_236, %add3A_231 : vector<16xf32>
      %select_n3A_238 = arith.select %gt3A_234, %add3A_231, %mul3A_237 : vector<16xi1>, vector<16xf32>
      %exp3A_239 = math.exp %select_n3A_238 : vector<16xf32>
      %swap3A_240 = arith.constant 0 : i32
      %swap3A_241 = arith.index_cast %swap3A_240 : i32 to index
      %swap3A_242 = arith.constant 48 : index
      %swap3A_243 = tpu.vector_load %arg14[%swap3A_241, %swap3A_242] {strides = array<i32>} : memref<2x144xf32, #tpu.memory_space<vmem>>, vector<16xf32>,
      tpu.vector_store %arg14[%swap3A_241, %swap3A_242], %exp3A_239 {strides = array<i32>} : memref<2x144xf32, #tpu.memory_space<vmem>>, vector<16xf32>,
      %get3A_244 = arith.constant 0 : i32
      %get3A_245 = arith.index_cast %get3A_244 : i32 to index
      %get3A_246 = arith.constant 48 : index
      %get3A_247 = tpu.vector_load %arg9[%get3A_245, %get3A_246] {strides = array<i32>} : memref<4x128xi32, #tpu.memory_space<vmem>>, vector<16xi32>,
      tpu.vector_store_idx %arg15[%get3A_247], %exp3A_239 {add = true} : memref<10240xf32, #tpu.memory_space<vmem>>[vector<16xi32>], vector<16xf32>,
      %get3A_248 = arith.constant 0 : i32
      %get3A_249 = arith.index_cast %get3A_248 : i32 to index
      %get3A_250 = arith.constant 64 : index
      %get3A_251 = tpu.vector_load %arg12[%get3A_249, %get3A_250] {strides = array<i32>} : memref<2x128xf32, #tpu.memory_space<vmem>>, vector<16xf32>,
      %get3A_252 = arith.constant 0 : i32
      %get3A_253 = arith.index_cast %get3A_252 : i32 to index
      %get3A_254 = arith.constant 64 : index
      %get3A_255 = tpu.vector_load %arg13[%get3A_253, %get3A_254] {strides = array<i32>} : memref<2x128xf32, #tpu.memory_space<vmem>>, vector<16xf32>,
      %add3A_256 = arith.addf %get3A_251, %get3A_255 : vector<16xf32>
      %gt3A_257 = arith.constant 0.000000e+00 : f32
      %gt3A_258 = vector.broadcast %gt3A_257 : f32 to vector<16xf32>
      %gt3A_259 = arith.cmpf ogt, %add3A_256, %gt3A_258 : vector<16xf32>
      %mul3A_260 = arith.constant 2.000000e-01 : f32
      %mul3A_261 = vector.broadcast %mul3A_260 : f32 to vector<16xf32>
      %mul3A_262 = arith.mulf %mul3A_261, %add3A_256 : vector<16xf32>
      %select_n3A_263 = arith.select %gt3A_259, %add3A_256, %mul3A_262 : vector<16xi1>, vector<16xf32>
      %exp3A_264 = math.exp %select_n3A_263 : vector<16xf32>
      %swap3A_265 = arith.constant 0 : i32
      %swap3A_266 = arith.index_cast %swap3A_265 : i32 to index
      %swap3A_267 = arith.constant 64 : index
      %swap3A_268 = tpu.vector_load %arg14[%swap3A_266, %swap3A_267] {strides = array<i32>} : memref<2x144xf32, #tpu.memory_space<vmem>>, vector<16xf32>,
      tpu.vector_store %arg14[%swap3A_266, %swap3A_267], %exp3A_264 {strides = array<i32>} : memref<2x144xf32, #tpu.memory_space<vmem>>, vector<16xf32>,
      %get3A_269 = arith.constant 0 : i32
      %get3A_270 = arith.index_cast %get3A_269 : i32 to index
      %get3A_271 = arith.constant 64 : index
      %get3A_272 = tpu.vector_load %arg9[%get3A_270, %get3A_271] {strides = array<i32>} : memref<4x128xi32, #tpu.memory_space<vmem>>, vector<16xi32>,
      tpu.vector_store_idx %arg15[%get3A_272], %exp3A_264 {add = true} : memref<10240xf32, #tpu.memory_space<vmem>>[vector<16xi32>], vector<16xf32>,
      %get3A_273 = arith.constant 0 : i32
      %get3A_274 = arith.index_cast %get3A_273 : i32 to index
      %get3A_275 = arith.constant 80 : index
      %get3A_276 = tpu.vector_load %arg12[%get3A_274, %get3A_275] {strides = array<i32>} : memref<2x128xf32, #tpu.memory_space<vmem>>, vector<16xf32>,
      %get3A_277 = arith.constant 0 : i32
      %get3A_278 = arith.index_cast %get3A_277 : i32 to index
      %get3A_279 = arith.constant 80 : index
      %get3A_280 = tpu.vector_load %arg13[%get3A_278, %get3A_279] {strides = array<i32>} : memref<2x128xf32, #tpu.memory_space<vmem>>, vector<16xf32>,
      %add3A_281 = arith.addf %get3A_276, %get3A_280 : vector<16xf32>
      %gt3A_282 = arith.constant 0.000000e+00 : f32
      %gt3A_283 = vector.broadcast %gt3A_282 : f32 to vector<16xf32>
      %gt3A_284 = arith.cmpf ogt, %add3A_281, %gt3A_283 : vector<16xf32>
      %mul3A_285 = arith.constant 2.000000e-01 : f32
      %mul3A_286 = vector.broadcast %mul3A_285 : f32 to vector<16xf32>
      %mul3A_287 = arith.mulf %mul3A_286, %add3A_281 : vector<16xf32>
      %select_n3A_288 = arith.select %gt3A_284, %add3A_281, %mul3A_287 : vector<16xi1>, vector<16xf32>
      %exp3A_289 = math.exp %select_n3A_288 : vector<16xf32>
      %swap3A_290 = arith.constant 0 : i32
      %swap3A_291 = arith.index_cast %swap3A_290 : i32 to index
      %swap3A_292 = arith.constant 80 : index
      %swap3A_293 = tpu.vector_load %arg14[%swap3A_291, %swap3A_292] {strides = array<i32>} : memref<2x144xf32, #tpu.memory_space<vmem>>, vector<16xf32>,
      tpu.vector_store %arg14[%swap3A_291, %swap3A_292], %exp3A_289 {strides = array<i32>} : memref<2x144xf32, #tpu.memory_space<vmem>>, vector<16xf32>,
      %get3A_294 = arith.constant 0 : i32
      %get3A_295 = arith.index_cast %get3A_294 : i32 to index
      %get3A_296 = arith.constant 80 : index
      %get3A_297 = tpu.vector_load %arg9[%get3A_295, %get3A_296] {strides = array<i32>} : memref<4x128xi32, #tpu.memory_space<vmem>>, vector<16xi32>,
      tpu.vector_store_idx %arg15[%get3A_297], %exp3A_289 {add = true} : memref<10240xf32, #tpu.memory_space<vmem>>[vector<16xi32>], vector<16xf32>,
      %get3A_298 = arith.constant 0 : i32
      %get3A_299 = arith.index_cast %get3A_298 : i32 to index
      %get3A_300 = arith.constant 96 : index
      %get3A_301 = tpu.vector_load %arg12[%get3A_299, %get3A_300] {strides = array<i32>} : memref<2x128xf32, #tpu.memory_space<vmem>>, vector<16xf32>,
      %get3A_302 = arith.constant 0 : i32
      %get3A_303 = arith.index_cast %get3A_302 : i32 to index
      %get3A_304 = arith.constant 96 : index
      %get3A_305 = tpu.vector_load %arg13[%get3A_303, %get3A_304] {strides = array<i32>} : memref<2x128xf32, #tpu.memory_space<vmem>>, vector<16xf32>,
      %add3A_306 = arith.addf %get3A_301, %get3A_305 : vector<16xf32>
      %gt3A_307 = arith.constant 0.000000e+00 : f32
      %gt3A_308 = vector.broadcast %gt3A_307 : f32 to vector<16xf32>
      %gt3A_309 = arith.cmpf ogt, %add3A_306, %gt3A_308 : vector<16xf32>
      %mul3A_310 = arith.constant 2.000000e-01 : f32
      %mul3A_311 = vector.broadcast %mul3A_310 : f32 to vector<16xf32>
      %mul3A_312 = arith.mulf %mul3A_311, %add3A_306 : vector<16xf32>
      %select_n3A_313 = arith.select %gt3A_309, %add3A_306, %mul3A_312 : vector<16xi1>, vector<16xf32>
      %exp3A_314 = math.exp %select_n3A_313 : vector<16xf32>
      %swap3A_315 = arith.constant 0 : i32
      %swap3A_316 = arith.index_cast %swap3A_315 : i32 to index
      %swap3A_317 = arith.constant 96 : index
      %swap3A_318 = tpu.vector_load %arg14[%swap3A_316, %swap3A_317] {strides = array<i32>} : memref<2x144xf32, #tpu.memory_space<vmem>>, vector<16xf32>,
      tpu.vector_store %arg14[%swap3A_316, %swap3A_317], %exp3A_314 {strides = array<i32>} : memref<2x144xf32, #tpu.memory_space<vmem>>, vector<16xf32>,
      %get3A_319 = arith.constant 0 : i32
      %get3A_320 = arith.index_cast %get3A_319 : i32 to index
      %get3A_321 = arith.constant 96 : index
      %get3A_322 = tpu.vector_load %arg9[%get3A_320, %get3A_321] {strides = array<i32>} : memref<4x128xi32, #tpu.memory_space<vmem>>, vector<16xi32>,
      tpu.vector_store_idx %arg15[%get3A_322], %exp3A_314 {add = true} : memref<10240xf32, #tpu.memory_space<vmem>>[vector<16xi32>], vector<16xf32>,
      %get3A_323 = arith.constant 0 : i32
      %get3A_324 = arith.index_cast %get3A_323 : i32 to index
      %get3A_325 = arith.constant 112 : index
      %get3A_326 = tpu.vector_load %arg12[%get3A_324, %get3A_325] {strides = array<i32>} : memref<2x128xf32, #tpu.memory_space<vmem>>, vector<16xf32>,
      %get3A_327 = arith.constant 0 : i32
      %get3A_328 = arith.index_cast %get3A_327 : i32 to index
      %get3A_329 = arith.constant 112 : index
      %get3A_330 = tpu.vector_load %arg13[%get3A_328, %get3A_329] {strides = array<i32>} : memref<2x128xf32, #tpu.memory_space<vmem>>, vector<16xf32>,
      %add3A_331 = arith.addf %get3A_326, %get3A_330 : vector<16xf32>
      %gt3A_332 = arith.constant 0.000000e+00 : f32
      %gt3A_333 = vector.broadcast %gt3A_332 : f32 to vector<16xf32>
      %gt3A_334 = arith.cmpf ogt, %add3A_331, %gt3A_333 : vector<16xf32>
      %mul3A_335 = arith.constant 2.000000e-01 : f32
      %mul3A_336 = vector.broadcast %mul3A_335 : f32 to vector<16xf32>
      %mul3A_337 = arith.mulf %mul3A_336, %add3A_331 : vector<16xf32>
      %select_n3A_338 = arith.select %gt3A_334, %add3A_331, %mul3A_337 : vector<16xi1>, vector<16xf32>
      %exp3A_339 = math.exp %select_n3A_338 : vector<16xf32>
      %swap3A_340 = arith.constant 0 : i32
      %swap3A_341 = arith.index_cast %swap3A_340 : i32 to index
      %swap3A_342 = arith.constant 112 : index
      %swap3A_343 = tpu.vector_load %arg14[%swap3A_341, %swap3A_342] {strides = array<i32>} : memref<2x144xf32, #tpu.memory_space<vmem>>, vector<16xf32>,
      tpu.vector_store %arg14[%swap3A_341, %swap3A_342], %exp3A_339 {strides = array<i32>} : memref<2x144xf32, #tpu.memory_space<vmem>>, vector<16xf32>,
      %get3A_344 = arith.constant 0 : i32
      %get3A_345 = arith.index_cast %get3A_344 : i32 to index
      %get3A_346 = arith.constant 112 : index
      %get3A_347 = tpu.vector_load %arg9[%get3A_345, %get3A_346] {strides = array<i32>} : memref<4x128xi32, #tpu.memory_space<vmem>>, vector<16xi32>,
      tpu.vector_store_idx %arg15[%get3A_347], %exp3A_339 {add = true} : memref<10240xf32, #tpu.memory_space<vmem>>[vector<16xi32>], vector<16xf32>,
      %convert_element_type3A_348 = arith.extui %gt3A_97 : i1 to i32
      %cond3A_349 = arith.constant 0 : i32
      %cond3A_350 = arith.cmpi ne, %convert_element_type3A_348, %cond3A_349 : i32
      scf.if %cond3A_350 {
        %dma_wait3A_1505 = arith.constant 1 : i32
        %dma_wait3A_1506 = arith.constant 3 : i32
        %dma_wait3A_1507 = arith.constant 1 : i32
        %dma_wait3A_1508 = arith.constant 0 : i32
        %dma_wait3A_1509 = arith.constant 0 : i32
        %dma_wait3A_1510 = tpu.memref_slice %arg11[%dma_wait3A_1505, %dma_wait3A_1508, %dma_wait3A_1509] : memref<2x128x128xf32, #tpu.memory_space<vmem>> -> memref<1x128x128xf32, #tpu.memory_space<vmem>>
        %dma_wait3A_1511 = tpu.memref_squeeze %dma_wait3A_1510 : memref<1x128x128xf32, #tpu.memory_space<vmem>> -> memref<128x128xf32, #tpu.memory_space<vmem>>
        %dma_wait3A_1512 = arith.constant 0 : i32
        %dma_wait3A_1513 = tpu.memref_slice %arg9[%dma_wait3A_1506, %dma_wait3A_1512] : memref<4x128xi32, #tpu.memory_space<vmem>> -> memref<1x128xi32, #tpu.memory_space<vmem>>
        %dma_wait3A_1514 = tpu.memref_squeeze %dma_wait3A_1513 : memref<1x128xi32, #tpu.memory_space<vmem>> -> memref<128xi32, #tpu.memory_space<vmem>>
        %dma_wait3A_1515 = arith.constant 0 : i32
        %dma_wait3A_1516 = arith.constant 0 : i32
        %dma_wait3A_1517 = tpu.memref_slice %arg16[%dma_wait3A_1515, %dma_wait3A_1516] : memref<10240x128xf32, #tpu.memory_space<vmem_shared>> -> memref<10240x128xf32, #tpu.memory_space<vmem_shared>>
        %dma_wait3A_1518 = tpu.memref_slice %arg21[%dma_wait3A_1507] : memref<2x!tpu.dma_semaphore, #tpu.memory_space<semaphore_mem>> -> memref<1x!tpu.dma_semaphore, #tpu.memory_space<semaphore_mem>>
        %dma_wait3A_1519 = tpu.memref_squeeze %dma_wait3A_1518 : memref<1x!tpu.dma_semaphore, #tpu.memory_space<semaphore_mem>> -> memref<!tpu.dma_semaphore, #tpu.memory_space<semaphore_mem>>
        tpu.wait_indirect_dma semaphore(%dma_wait3A_1519 : memref<!tpu.dma_semaphore, #tpu.memory_space<semaphore_mem>>) src(%dma_wait3A_1511 : memref<128x128xf32, #tpu.memory_space<vmem>>) dst(%dma_wait3A_1517 : memref<10240x128xf32, #tpu.memory_space<vmem_shared>>)
      } else {
      }
      %add3A_351 = arith.constant 1 : i32
      %add3A_352 = arith.addi %add3A_95, %add3A_351 : i32
      %mul3A_353 = arith.constant 128 : i32
      %mul3A_354 = arith.muli %add3A_352, %mul3A_353 : i32
      %add3A_355 = arith.addi %select_n3A_8, %mul3A_354 : i32
      %dma_wait3A_356 = arith.constant 1 : i32
      %dma_wait3A_357 = arith.constant 0 : i32
      %dma_wait3A_358 = arith.constant 0 : i32
      %dma_wait3A_359 = tpu.memref_slice %arg9[%dma_wait3A_356, %dma_wait3A_358] : memref<4x128xi32, #tpu.memory_space<vmem>> -> memref<1x128xi32, #tpu.memory_space<vmem>>
      %dma_wait3A_360 = tpu.memref_squeeze %dma_wait3A_359 : memref<1x128xi32, #tpu.memory_space<vmem>> -> memref<128xi32, #tpu.memory_space<vmem>>
      %dma_wait3A_361 = tpu.memref_slice %arg5[%add3A_355] : memref<327680xi32, #tpu.memory_space<hbm>> -> memref<128xi32, #tpu.memory_space<hbm>>
      %dma_wait3A_362 = tpu.memref_slice %arg18[%dma_wait3A_357] : memref<2x!tpu.dma_semaphore, #tpu.memory_space<semaphore_mem>> -> memref<1x!tpu.dma_semaphore, #tpu.memory_space<semaphore_mem>>
      %dma_wait3A_363 = tpu.memref_squeeze %dma_wait3A_362 : memref<1x!tpu.dma_semaphore, #tpu.memory_space<semaphore_mem>> -> memref<!tpu.dma_semaphore, #tpu.memory_space<semaphore_mem>>
      %dma_wait3A_364 = arith.constant 0 : i32
      %dma_wait3A_365 = tpu.memref_slice %arg9[%dma_wait3A_356, %dma_wait3A_364] : memref<4x128xi32, #tpu.memory_space<vmem>> -> memref<1x128xi32, #tpu.memory_space<vmem>>
      %dma_wait3A_366 = tpu.memref_squeeze %dma_wait3A_365 : memref<1x128xi32, #tpu.memory_space<vmem>> -> memref<128xi32, #tpu.memory_space<vmem>>
      %dma_wait3A_367 = tpu.memref_slice %arg5[%add3A_355] : memref<327680xi32, #tpu.memory_space<hbm>> -> memref<128xi32, #tpu.memory_space<hbm>>
      tpu.wait_dma2 semaphore(%dma_wait3A_363 : memref<!tpu.dma_semaphore, #tpu.memory_space<semaphore_mem>>) src(%dma_wait3A_367 : memref<128xi32, #tpu.memory_space<hbm>>) dst(%dma_wait3A_366 : memref<128xi32, #tpu.memory_space<vmem>>)
      %dma_wait3A_368 = arith.constant 1 : i32
      %dma_wait3A_369 = arith.constant 1 : i32
      %dma_wait3A_370 = arith.constant 0 : i32
      %dma_wait3A_371 = tpu.memref_slice %arg10[%dma_wait3A_368, %dma_wait3A_370] : memref<4x128xi32, #tpu.memory_space<vmem>> -> memref<1x128xi32, #tpu.memory_space<vmem>>
      %dma_wait3A_372 = tpu.memref_squeeze %dma_wait3A_371 : memref<1x128xi32, #tpu.memory_space<vmem>> -> memref<128xi32, #tpu.memory_space<vmem>>
      %dma_wait3A_373 = tpu.memref_slice %arg6[%add3A_355] : memref<327680xi32, #tpu.memory_space<hbm>> -> memref<128xi32, #tpu.memory_space<hbm>>
      %dma_wait3A_374 = tpu.memref_slice %arg18[%dma_wait3A_369] : memref<2x!tpu.dma_semaphore, #tpu.memory_space<semaphore_mem>> -> memref<1x!tpu.dma_semaphore, #tpu.memory_space<semaphore_mem>>
      %dma_wait3A_375 = tpu.memref_squeeze %dma_wait3A_374 : memref<1x!tpu.dma_semaphore, #tpu.memory_space<semaphore_mem>> -> memref<!tpu.dma_semaphore, #tpu.memory_space<semaphore_mem>>
      %dma_wait3A_376 = arith.constant 0 : i32
      %dma_wait3A_377 = tpu.memref_slice %arg10[%dma_wait3A_368, %dma_wait3A_376] : memref<4x128xi32, #tpu.memory_space<vmem>> -> memref<1x128xi32, #tpu.memory_space<vmem>>
      %dma_wait3A_378 = tpu.memref_squeeze %dma_wait3A_377 : memref<1x128xi32, #tpu.memory_space<vmem>> -> memref<128xi32, #tpu.memory_space<vmem>>
      %dma_wait3A_379 = tpu.memref_slice %arg6[%add3A_355] : memref<327680xi32, #tpu.memory_space<hbm>> -> memref<128xi32, #tpu.memory_space<hbm>>
      tpu.wait_dma2 semaphore(%dma_wait3A_375 : memref<!tpu.dma_semaphore, #tpu.memory_space<semaphore_mem>>) src(%dma_wait3A_379 : memref<128xi32, #tpu.memory_space<hbm>>) dst(%dma_wait3A_378 : memref<128xi32, #tpu.memory_space<vmem>>)
      %dma_start3A_380 = arith.constant 1 : i32
      %dma_start3A_381 = arith.constant 1 : i32
      %dma_start3A_382 = arith.constant 1 : i32
      %dma_start3A_383 = arith.constant 0 : i32
      %dma_start3A_384 = arith.constant 0 : i32
      %dma_start3A_385 = tpu.memref_slice %arg11[%dma_start3A_381, %dma_start3A_383, %dma_start3A_384] : memref<2x128x128xf32, #tpu.memory_space<vmem>> -> memref<1x128x128xf32, #tpu.memory_space<vmem>>
      %dma_start3A_386 = tpu.memref_squeeze %dma_start3A_385 : memref<1x128x128xf32, #tpu.memory_space<vmem>> -> memref<128x128xf32, #tpu.memory_space<vmem>>
      %dma_start3A_387 = arith.constant 0 : i32
      %dma_start3A_388 = tpu.memref_slice %arg10[%dma_start3A_380, %dma_start3A_387] : memref<4x128xi32, #tpu.memory_space<vmem>> -> memref<1x128xi32, #tpu.memory_space<vmem>>
      %dma_start3A_389 = tpu.memref_squeeze %dma_start3A_388 : memref<1x128xi32, #tpu.memory_space<vmem>> -> memref<128xi32, #tpu.memory_space<vmem>>
      %dma_start3A_390 = arith.constant 0 : i32
      %dma_start3A_391 = arith.constant 0 : i32
      %dma_start3A_392 = tpu.memref_slice %arg2[%dma_start3A_390, %dma_start3A_391] : memref<10240x128xf32, #tpu.memory_space<hbm>> -> memref<10240x128xf32, #tpu.memory_space<hbm>>
      %dma_start3A_393 = tpu.memref_slice %arg17[%dma_start3A_382] : memref<2x!tpu.dma_semaphore, #tpu.memory_space<semaphore_mem>> -> memref<1x!tpu.dma_semaphore, #tpu.memory_space<semaphore_mem>>
      %dma_start3A_394 = tpu.memref_squeeze %dma_start3A_393 : memref<1x!tpu.dma_semaphore, #tpu.memory_space<semaphore_mem>> -> memref<!tpu.dma_semaphore, #tpu.memory_space<semaphore_mem>>
      tpu.enqueue_indirect_dma source(%dma_start3A_392 : memref<10240x128xf32, #tpu.memory_space<hbm>>) target(%dma_start3A_386 : memref<128x128xf32, #tpu.memory_space<vmem>>) offsets(%dma_start3A_389 : memref<128xi32, #tpu.memory_space<vmem>>) semaphore(%dma_start3A_394 : memref<!tpu.dma_semaphore, #tpu.memory_space<semaphore_mem>>)
      %dma_start3A_395 = arith.constant 1 : i32
      %dma_start3A_396 = arith.constant 1 : i32
      %dma_start3A_397 = arith.constant 1 : i32
      %dma_start3A_398 = arith.constant 0 : i32
      %dma_start3A_399 = tpu.memref_slice %arg12[%dma_start3A_396, %dma_start3A_398] : memref<2x128xf32, #tpu.memory_space<vmem>> -> memref<1x128xf32, #tpu.memory_space<vmem>>
      %dma_start3A_400 = tpu.memref_squeeze %dma_start3A_399 : memref<1x128xf32, #tpu.memory_space<vmem>> -> memref<128xf32, #tpu.memory_space<vmem>>
      %dma_start3A_401 = arith.constant 0 : i32
      %dma_start3A_402 = tpu.memref_slice %arg9[%dma_start3A_395, %dma_start3A_401] : memref<4x128xi32, #tpu.memory_space<vmem>> -> memref<1x128xi32, #tpu.memory_space<vmem>>
      %dma_start3A_403 = tpu.memref_squeeze %dma_start3A_402 : memref<1x128xi32, #tpu.memory_space<vmem>> -> memref<128xi32, #tpu.memory_space<vmem>>
      %dma_start3A_404 = arith.constant 0 : i32
      %dma_start3A_405 = tpu.memref_slice %arg3[%dma_start3A_404] : memref<10240xf32, #tpu.memory_space<hbm>> -> memref<10240xf32, #tpu.memory_space<hbm>>
      %dma_start3A_406 = tpu.memref_slice %arg19[%dma_start3A_397] : memref<2x!tpu.dma_semaphore, #tpu.memory_space<semaphore_mem>> -> memref<1x!tpu.dma_semaphore, #tpu.memory_space<semaphore_mem>>
      %dma_start3A_407 = tpu.memref_squeeze %dma_start3A_406 : memref<1x!tpu.dma_semaphore, #tpu.memory_space<semaphore_mem>> -> memref<!tpu.dma_semaphore, #tpu.memory_space<semaphore_mem>>
      tpu.enqueue_indirect_dma source(%dma_start3A_405 : memref<10240xf32, #tpu.memory_space<hbm>>) target(%dma_start3A_400 : memref<128xf32, #tpu.memory_space<vmem>>) offsets(%dma_start3A_403 : memref<128xi32, #tpu.memory_space<vmem>>) semaphore(%dma_start3A_407 : memref<!tpu.dma_semaphore, #tpu.memory_space<semaphore_mem>>)
      %dma_start3A_408 = arith.constant 1 : i32
      %dma_start3A_409 = arith.constant 1 : i32
      %dma_start3A_410 = arith.constant 1 : i32
      %dma_start3A_411 = arith.constant 0 : i32
      %dma_start3A_412 = tpu.memref_slice %arg13[%dma_start3A_409, %dma_start3A_411] : memref<2x128xf32, #tpu.memory_space<vmem>> -> memref<1x128xf32, #tpu.memory_space<vmem>>
      %dma_start3A_413 = tpu.memref_squeeze %dma_start3A_412 : memref<1x128xf32, #tpu.memory_space<vmem>> -> memref<128xf32, #tpu.memory_space<vmem>>
      %dma_start3A_414 = arith.constant 0 : i32
      %dma_start3A_415 = tpu.memref_slice %arg10[%dma_start3A_408, %dma_start3A_414] : memref<4x128xi32, #tpu.memory_space<vmem>> -> memref<1x128xi32, #tpu.memory_space<vmem>>
      %dma_start3A_416 = tpu.memref_squeeze %dma_start3A_415 : memref<1x128xi32, #tpu.memory_space<vmem>> -> memref<128xi32, #tpu.memory_space<vmem>>
      %dma_start3A_417 = arith.constant 0 : i32
      %dma_start3A_418 = tpu.memref_slice %arg4[%dma_start3A_417] : memref<10240xf32, #tpu.memory_space<hbm>> -> memref<10240xf32, #tpu.memory_space<hbm>>
      %dma_start3A_419 = tpu.memref_slice %arg20[%dma_start3A_410] : memref<2x!tpu.dma_semaphore, #tpu.memory_space<semaphore_mem>> -> memref<1x!tpu.dma_semaphore, #tpu.memory_space<semaphore_mem>>
      %dma_start3A_420 = tpu.memref_squeeze %dma_start3A_419 : memref<1x!tpu.dma_semaphore, #tpu.memory_space<semaphore_mem>> -> memref<!tpu.dma_semaphore, #tpu.memory_space<semaphore_mem>>
      tpu.enqueue_indirect_dma source(%dma_start3A_418 : memref<10240xf32, #tpu.memory_space<hbm>>) target(%dma_start3A_413 : memref<128xf32, #tpu.memory_space<vmem>>) offsets(%dma_start3A_416 : memref<128xi32, #tpu.memory_space<vmem>>) semaphore(%dma_start3A_420 : memref<!tpu.dma_semaphore, #tpu.memory_space<semaphore_mem>>)
      %dma_wait3A_421 = arith.constant 0 : i32
      %dma_wait3A_422 = arith.constant 0 : i32
      %dma_wait3A_423 = arith.constant 0 : i32
      %dma_wait3A_424 = arith.constant 0 : i32
      %dma_wait3A_425 = arith.constant 0 : i32
      %dma_wait3A_426 = tpu.memref_slice %arg11[%dma_wait3A_422, %dma_wait3A_424, %dma_wait3A_425] : memref<2x128x128xf32, #tpu.memory_space<vmem>> -> memref<1x128x128xf32, #tpu.memory_space<vmem>>
      %dma_wait3A_427 = tpu.memref_squeeze %dma_wait3A_426 : memref<1x128x128xf32, #tpu.memory_space<vmem>> -> memref<128x128xf32, #tpu.memory_space<vmem>>
      %dma_wait3A_428 = arith.constant 0 : i32
      %dma_wait3A_429 = tpu.memref_slice %arg10[%dma_wait3A_421, %dma_wait3A_428] : memref<4x128xi32, #tpu.memory_space<vmem>> -> memref<1x128xi32, #tpu.memory_space<vmem>>
      %dma_wait3A_430 = tpu.memref_squeeze %dma_wait3A_429 : memref<1x128xi32, #tpu.memory_space<vmem>> -> memref<128xi32, #tpu.memory_space<vmem>>
      %dma_wait3A_431 = arith.constant 0 : i32
      %dma_wait3A_432 = arith.constant 0 : i32
      %dma_wait3A_433 = tpu.memref_slice %arg2[%dma_wait3A_431, %dma_wait3A_432] : memref<10240x128xf32, #tpu.memory_space<hbm>> -> memref<10240x128xf32, #tpu.memory_space<hbm>>
      %dma_wait3A_434 = tpu.memref_slice %arg17[%dma_wait3A_423] : memref<2x!tpu.dma_semaphore, #tpu.memory_space<semaphore_mem>> -> memref<1x!tpu.dma_semaphore, #tpu.memory_space<semaphore_mem>>
      %dma_wait3A_435 = tpu.memref_squeeze %dma_wait3A_434 : memref<1x!tpu.dma_semaphore, #tpu.memory_space<semaphore_mem>> -> memref<!tpu.dma_semaphore, #tpu.memory_space<semaphore_mem>>
      tpu.wait_indirect_dma semaphore(%dma_wait3A_435 : memref<!tpu.dma_semaphore, #tpu.memory_space<semaphore_mem>>) src(%dma_wait3A_433 : memref<10240x128xf32, #tpu.memory_space<hbm>>) dst(%dma_wait3A_427 : memref<128x128xf32, #tpu.memory_space<vmem>>)
      %scan3A_436 = arith.constant 0 : i32
      %scan3A_437 = arith.constant 0 : i32
      %scan3A_438 = arith.constant 128 : i32
      %scan3A_439 = arith.addi %scan3A_437, %scan3A_438 : i32
      %scan3A_440 = arith.constant 1 : i32
      %scan3A_441 = scf.for %scan3A_1505 = %scan3A_437 to %scan3A_439 step %scan3A_440 iter_args(%scan3A_1506 = %scan3A_436) -> (i32)  : i32 {
        %get3A_1507 = arith.constant 0 : i32
        %get3A_1508 = arith.index_cast %get3A_1507 : i32 to index
        %get3A_1509 = arith.index_cast %scan3A_1505 : i32 to index
        %get3A_1510 = tpu.vector_load %arg14[%get3A_1508, %get3A_1509] {strides = array<i32>} : memref<2x144xf32, #tpu.memory_space<vmem>>, vector<16xf32>,
        %slice3A = vector.extract_strided_slice %get3A_1510 {offsets = [0], sizes = [1], strides = [1]} : vector<16xf32> to vector<1xf32>
        %squeeze3A = vector.extract %slice3A[0] : f32 from vector<1xf32>
        %get3A_1511 = arith.constant 0 : i32
        %get3A_1512 = arith.index_cast %get3A_1511 : i32 to index
        %get3A_1513 = arith.index_cast %scan3A_1505 : i32 to index
        %get3A_1514 = arith.constant 0 : index
        %get3A_1515 = tpu.vector_load %arg11[%get3A_1512, %get3A_1513, %get3A_1514] {strides = array<i32>} : memref<2x128x128xf32, #tpu.memory_space<vmem>>, vector<16xf32>,
        %mul3A_1516 = vector.broadcast %squeeze3A : f32 to vector<16xf32>
        %mul3A_1517 = arith.mulf %get3A_1515, %mul3A_1516 : vector<16xf32>
        %swap3A_1518 = arith.constant 0 : i32
        %swap3A_1519 = arith.index_cast %swap3A_1518 : i32 to index
        %swap3A_1520 = arith.index_cast %scan3A_1505 : i32 to index
        %swap3A_1521 = arith.constant 0 : index
        %swap3A_1522 = tpu.vector_load %arg11[%swap3A_1519, %swap3A_1520, %swap3A_1521] {strides = array<i32>} : memref<2x128x128xf32, #tpu.memory_space<vmem>>, vector<16xf32>,
        tpu.vector_store %arg11[%swap3A_1519, %swap3A_1520, %swap3A_1521], %mul3A_1517 {strides = array<i32>} : memref<2x128x128xf32, #tpu.memory_space<vmem>>, vector<16xf32>,
        %get3A_1523 = arith.constant 0 : i32
        %get3A_1524 = arith.index_cast %get3A_1523 : i32 to index
        %get3A_1525 = arith.index_cast %scan3A_1505 : i32 to index
        %get3A_1526 = arith.constant 16 : index
        %get3A_1527 = tpu.vector_load %arg11[%get3A_1524, %get3A_1525, %get3A_1526] {strides = array<i32>} : memref<2x128x128xf32, #tpu.memory_space<vmem>>, vector<16xf32>,
        %mul3A_1528 = vector.broadcast %squeeze3A : f32 to vector<16xf32>
        %mul3A_1529 = arith.mulf %get3A_1527, %mul3A_1528 : vector<16xf32>
        %swap3A_1530 = arith.constant 0 : i32
        %swap3A_1531 = arith.index_cast %swap3A_1530 : i32 to index
        %swap3A_1532 = arith.index_cast %scan3A_1505 : i32 to index
        %swap3A_1533 = arith.constant 16 : index
        %swap3A_1534 = tpu.vector_load %arg11[%swap3A_1531, %swap3A_1532, %swap3A_1533] {strides = array<i32>} : memref<2x128x128xf32, #tpu.memory_space<vmem>>, vector<16xf32>,
        tpu.vector_store %arg11[%swap3A_1531, %swap3A_1532, %swap3A_1533], %mul3A_1529 {strides = array<i32>} : memref<2x128x128xf32, #tpu.memory_space<vmem>>, vector<16xf32>,
        %get3A_1535 = arith.constant 0 : i32
        %get3A_1536 = arith.index_cast %get3A_1535 : i32 to index
        %get3A_1537 = arith.index_cast %scan3A_1505 : i32 to index
        %get3A_1538 = arith.constant 32 : index
        %get3A_1539 = tpu.vector_load %arg11[%get3A_1536, %get3A_1537, %get3A_1538] {strides = array<i32>} : memref<2x128x128xf32, #tpu.memory_space<vmem>>, vector<16xf32>,
        %mul3A_1540 = vector.broadcast %squeeze3A : f32 to vector<16xf32>
        %mul3A_1541 = arith.mulf %get3A_1539, %mul3A_1540 : vector<16xf32>
        %swap3A_1542 = arith.constant 0 : i32
        %swap3A_1543 = arith.index_cast %swap3A_1542 : i32 to index
        %swap3A_1544 = arith.index_cast %scan3A_1505 : i32 to index
        %swap3A_1545 = arith.constant 32 : index
        %swap3A_1546 = tpu.vector_load %arg11[%swap3A_1543, %swap3A_1544, %swap3A_1545] {strides = array<i32>} : memref<2x128x128xf32, #tpu.memory_space<vmem>>, vector<16xf32>,
        tpu.vector_store %arg11[%swap3A_1543, %swap3A_1544, %swap3A_1545], %mul3A_1541 {strides = array<i32>} : memref<2x128x128xf32, #tpu.memory_space<vmem>>, vector<16xf32>,
        %get3A_1547 = arith.constant 0 : i32
        %get3A_1548 = arith.index_cast %get3A_1547 : i32 to index
        %get3A_1549 = arith.index_cast %scan3A_1505 : i32 to index
        %get3A_1550 = arith.constant 48 : index
        %get3A_1551 = tpu.vector_load %arg11[%get3A_1548, %get3A_1549, %get3A_1550] {strides = array<i32>} : memref<2x128x128xf32, #tpu.memory_space<vmem>>, vector<16xf32>,
        %mul3A_1552 = vector.broadcast %squeeze3A : f32 to vector<16xf32>
        %mul3A_1553 = arith.mulf %get3A_1551, %mul3A_1552 : vector<16xf32>
        %swap3A_1554 = arith.constant 0 : i32
        %swap3A_1555 = arith.index_cast %swap3A_1554 : i32 to index
        %swap3A_1556 = arith.index_cast %scan3A_1505 : i32 to index
        %swap3A_1557 = arith.constant 48 : index
        %swap3A_1558 = tpu.vector_load %arg11[%swap3A_1555, %swap3A_1556, %swap3A_1557] {strides = array<i32>} : memref<2x128x128xf32, #tpu.memory_space<vmem>>, vector<16xf32>,
        tpu.vector_store %arg11[%swap3A_1555, %swap3A_1556, %swap3A_1557], %mul3A_1553 {strides = array<i32>} : memref<2x128x128xf32, #tpu.memory_space<vmem>>, vector<16xf32>,
        %get3A_1559 = arith.constant 0 : i32
        %get3A_1560 = arith.index_cast %get3A_1559 : i32 to index
        %get3A_1561 = arith.index_cast %scan3A_1505 : i32 to index
        %get3A_1562 = arith.constant 64 : index
        %get3A_1563 = tpu.vector_load %arg11[%get3A_1560, %get3A_1561, %get3A_1562] {strides = array<i32>} : memref<2x128x128xf32, #tpu.memory_space<vmem>>, vector<16xf32>,
        %mul3A_1564 = vector.broadcast %squeeze3A : f32 to vector<16xf32>
        %mul3A_1565 = arith.mulf %get3A_1563, %mul3A_1564 : vector<16xf32>
        %swap3A_1566 = arith.constant 0 : i32
        %swap3A_1567 = arith.index_cast %swap3A_1566 : i32 to index
        %swap3A_1568 = arith.index_cast %scan3A_1505 : i32 to index
        %swap3A_1569 = arith.constant 64 : index
        %swap3A_1570 = tpu.vector_load %arg11[%swap3A_1567, %swap3A_1568, %swap3A_1569] {strides = array<i32>} : memref<2x128x128xf32, #tpu.memory_space<vmem>>, vector<16xf32>,
        tpu.vector_store %arg11[%swap3A_1567, %swap3A_1568, %swap3A_1569], %mul3A_1565 {strides = array<i32>} : memref<2x128x128xf32, #tpu.memory_space<vmem>>, vector<16xf32>,
        %get3A_1571 = arith.constant 0 : i32
        %get3A_1572 = arith.index_cast %get3A_1571 : i32 to index
        %get3A_1573 = arith.index_cast %scan3A_1505 : i32 to index
        %get3A_1574 = arith.constant 80 : index
        %get3A_1575 = tpu.vector_load %arg11[%get3A_1572, %get3A_1573, %get3A_1574] {strides = array<i32>} : memref<2x128x128xf32, #tpu.memory_space<vmem>>, vector<16xf32>,
        %mul3A_1576 = vector.broadcast %squeeze3A : f32 to vector<16xf32>
        %mul3A_1577 = arith.mulf %get3A_1575, %mul3A_1576 : vector<16xf32>
        %swap3A_1578 = arith.constant 0 : i32
        %swap3A_1579 = arith.index_cast %swap3A_1578 : i32 to index
        %swap3A_1580 = arith.index_cast %scan3A_1505 : i32 to index
        %swap3A_1581 = arith.constant 80 : index
        %swap3A_1582 = tpu.vector_load %arg11[%swap3A_1579, %swap3A_1580, %swap3A_1581] {strides = array<i32>} : memref<2x128x128xf32, #tpu.memory_space<vmem>>, vector<16xf32>,
        tpu.vector_store %arg11[%swap3A_1579, %swap3A_1580, %swap3A_1581], %mul3A_1577 {strides = array<i32>} : memref<2x128x128xf32, #tpu.memory_space<vmem>>, vector<16xf32>,
        %get3A_1583 = arith.constant 0 : i32
        %get3A_1584 = arith.index_cast %get3A_1583 : i32 to index
        %get3A_1585 = arith.index_cast %scan3A_1505 : i32 to index
        %get3A_1586 = arith.constant 96 : index
        %get3A_1587 = tpu.vector_load %arg11[%get3A_1584, %get3A_1585, %get3A_1586] {strides = array<i32>} : memref<2x128x128xf32, #tpu.memory_space<vmem>>, vector<16xf32>,
        %mul3A_1588 = vector.broadcast %squeeze3A : f32 to vector<16xf32>
        %mul3A_1589 = arith.mulf %get3A_1587, %mul3A_1588 : vector<16xf32>
        %swap3A_1590 = arith.constant 0 : i32
        %swap3A_1591 = arith.index_cast %swap3A_1590 : i32 to index
        %swap3A_1592 = arith.index_cast %scan3A_1505 : i32 to index
        %swap3A_1593 = arith.constant 96 : index
        %swap3A_1594 = tpu.vector_load %arg11[%swap3A_1591, %swap3A_1592, %swap3A_1593] {strides = array<i32>} : memref<2x128x128xf32, #tpu.memory_space<vmem>>, vector<16xf32>,
        tpu.vector_store %arg11[%swap3A_1591, %swap3A_1592, %swap3A_1593], %mul3A_1589 {strides = array<i32>} : memref<2x128x128xf32, #tpu.memory_space<vmem>>, vector<16xf32>,
        %get3A_1595 = arith.constant 0 : i32
        %get3A_1596 = arith.index_cast %get3A_1595 : i32 to index
        %get3A_1597 = arith.index_cast %scan3A_1505 : i32 to index
        %get3A_1598 = arith.constant 112 : index
        %get3A_1599 = tpu.vector_load %arg11[%get3A_1596, %get3A_1597, %get3A_1598] {strides = array<i32>} : memref<2x128x128xf32, #tpu.memory_space<vmem>>, vector<16xf32>,
        %mul3A_1600 = vector.broadcast %squeeze3A : f32 to vector<16xf32>
        %mul3A_1601 = arith.mulf %get3A_1599, %mul3A_1600 : vector<16xf32>
        %swap3A_1602 = arith.constant 0 : i32
        %swap3A_1603 = arith.index_cast %swap3A_1602 : i32 to index
        %swap3A_1604 = arith.index_cast %scan3A_1505 : i32 to index
        %swap3A_1605 = arith.constant 112 : index
        %swap3A_1606 = tpu.vector_load %arg11[%swap3A_1603, %swap3A_1604, %swap3A_1605] {strides = array<i32>} : memref<2x128x128xf32, #tpu.memory_space<vmem>>, vector<16xf32>,
        tpu.vector_store %arg11[%swap3A_1603, %swap3A_1604, %swap3A_1605], %mul3A_1601 {strides = array<i32>} : memref<2x128x128xf32, #tpu.memory_space<vmem>>, vector<16xf32>,
        %scan3A_1607 = arith.constant 0 : i32
        scf.yield %scan3A_1607 : i32
      }
      %scan3A_442 = arith.constant 128 : i32
      %dma_start3A_443 = arith.constant 0 : i32
      %dma_start3A_444 = arith.constant 0 : i32
      %dma_start3A_445 = arith.constant 0 : i32
      %dma_start3A_446 = arith.constant 0 : i32
      %dma_start3A_447 = arith.constant 0 : i32
      %dma_start3A_448 = tpu.memref_slice %arg11[%dma_start3A_443, %dma_start3A_446, %dma_start3A_447] : memref<2x128x128xf32, #tpu.memory_space<vmem>> -> memref<1x128x128xf32, #tpu.memory_space<vmem>>
      %dma_start3A_449 = tpu.memref_squeeze %dma_start3A_448 : memref<1x128x128xf32, #tpu.memory_space<vmem>> -> memref<128x128xf32, #tpu.memory_space<vmem>>
      %dma_start3A_450 = arith.constant 0 : i32
      %dma_start3A_451 = tpu.memref_slice %arg9[%dma_start3A_444, %dma_start3A_450] : memref<4x128xi32, #tpu.memory_space<vmem>> -> memref<1x128xi32, #tpu.memory_space<vmem>>
      %dma_start3A_452 = tpu.memref_squeeze %dma_start3A_451 : memref<1x128xi32, #tpu.memory_space<vmem>> -> memref<128xi32, #tpu.memory_space<vmem>>
      %dma_start3A_453 = arith.constant 0 : i32
      %dma_start3A_454 = arith.constant 0 : i32
      %dma_start3A_455 = tpu.memref_slice %arg16[%dma_start3A_453, %dma_start3A_454] : memref<10240x128xf32, #tpu.memory_space<vmem_shared>> -> memref<10240x128xf32, #tpu.memory_space<vmem_shared>>
      %dma_start3A_456 = tpu.memref_slice %arg21[%dma_start3A_445] : memref<2x!tpu.dma_semaphore, #tpu.memory_space<semaphore_mem>> -> memref<1x!tpu.dma_semaphore, #tpu.memory_space<semaphore_mem>>
      %dma_start3A_457 = tpu.memref_squeeze %dma_start3A_456 : memref<1x!tpu.dma_semaphore, #tpu.memory_space<semaphore_mem>> -> memref<!tpu.dma_semaphore, #tpu.memory_space<semaphore_mem>>
      tpu.enqueue_indirect_dma source(%dma_start3A_449 : memref<128x128xf32, #tpu.memory_space<vmem>>) target(%dma_start3A_455 : memref<10240x128xf32, #tpu.memory_space<vmem_shared>>) offsets(%dma_start3A_452 : memref<128xi32, #tpu.memory_space<vmem>>) semaphore(%dma_start3A_457 : memref<!tpu.dma_semaphore, #tpu.memory_space<semaphore_mem>>) {add = true}
      %add3A_458 = arith.constant 1 : i32
      %add3A_459 = arith.addi %mul3A_93, %add3A_458 : i32
      %add3A_460 = arith.constant 1 : i32
      %add3A_461 = arith.addi %add3A_459, %add3A_460 : i32
      %mul3A_462 = arith.constant 128 : i32
      %mul3A_463 = arith.muli %add3A_461, %mul3A_462 : i32
      %add3A_464 = arith.addi %select_n3A_8, %mul3A_463 : i32
      %dma_start3A_465 = arith.constant 2 : i32
      %dma_start3A_466 = arith.constant 0 : i32
      %dma_start3A_467 = arith.constant 0 : i32
      %dma_start3A_468 = tpu.memref_slice %arg9[%dma_start3A_465, %dma_start3A_467] : memref<4x128xi32, #tpu.memory_space<vmem>> -> memref<1x128xi32, #tpu.memory_space<vmem>>
      %dma_start3A_469 = tpu.memref_squeeze %dma_start3A_468 : memref<1x128xi32, #tpu.memory_space<vmem>> -> memref<128xi32, #tpu.memory_space<vmem>>
      %dma_start3A_470 = tpu.memref_slice %arg5[%add3A_464] : memref<327680xi32, #tpu.memory_space<hbm>> -> memref<128xi32, #tpu.memory_space<hbm>>
      %dma_start3A_471 = tpu.memref_slice %arg18[%dma_start3A_466] : memref<2x!tpu.dma_semaphore, #tpu.memory_space<semaphore_mem>> -> memref<1x!tpu.dma_semaphore, #tpu.memory_space<semaphore_mem>>
      %dma_start3A_472 = tpu.memref_squeeze %dma_start3A_471 : memref<1x!tpu.dma_semaphore, #tpu.memory_space<semaphore_mem>> -> memref<!tpu.dma_semaphore, #tpu.memory_space<semaphore_mem>>
      %dma_start3A_473 = arith.constant 0 : i32
      %dma_start3A_474 = tpu.memref_slice %arg9[%dma_start3A_465, %dma_start3A_473] : memref<4x128xi32, #tpu.memory_space<vmem>> -> memref<1x128xi32, #tpu.memory_space<vmem>>
      %dma_start3A_475 = tpu.memref_squeeze %dma_start3A_474 : memref<1x128xi32, #tpu.memory_space<vmem>> -> memref<128xi32, #tpu.memory_space<vmem>>
      %dma_start3A_476 = tpu.memref_slice %arg5[%add3A_464] : memref<327680xi32, #tpu.memory_space<hbm>> -> memref<128xi32, #tpu.memory_space<hbm>>
      tpu.enqueue_dma source(%dma_start3A_476 : memref<128xi32, #tpu.memory_space<hbm>>) target(%dma_start3A_475 : memref<128xi32, #tpu.memory_space<vmem>>) target_semaphore(%dma_start3A_472 : memref<!tpu.dma_semaphore, #tpu.memory_space<semaphore_mem>>)
      %dma_start3A_477 = arith.constant 2 : i32
      %dma_start3A_478 = arith.constant 1 : i32
      %dma_start3A_479 = arith.constant 0 : i32
      %dma_start3A_480 = tpu.memref_slice %arg10[%dma_start3A_477, %dma_start3A_479] : memref<4x128xi32, #tpu.memory_space<vmem>> -> memref<1x128xi32, #tpu.memory_space<vmem>>
      %dma_start3A_481 = tpu.memref_squeeze %dma_start3A_480 : memref<1x128xi32, #tpu.memory_space<vmem>> -> memref<128xi32, #tpu.memory_space<vmem>>
      %dma_start3A_482 = tpu.memref_slice %arg6[%add3A_464] : memref<327680xi32, #tpu.memory_space<hbm>> -> memref<128xi32, #tpu.memory_space<hbm>>
      %dma_start3A_483 = tpu.memref_slice %arg18[%dma_start3A_478] : memref<2x!tpu.dma_semaphore, #tpu.memory_space<semaphore_mem>> -> memref<1x!tpu.dma_semaphore, #tpu.memory_space<semaphore_mem>>
      %dma_start3A_484 = tpu.memref_squeeze %dma_start3A_483 : memref<1x!tpu.dma_semaphore, #tpu.memory_space<semaphore_mem>> -> memref<!tpu.dma_semaphore, #tpu.memory_space<semaphore_mem>>
      %dma_start3A_485 = arith.constant 0 : i32
      %dma_start3A_486 = tpu.memref_slice %arg10[%dma_start3A_477, %dma_start3A_485] : memref<4x128xi32, #tpu.memory_space<vmem>> -> memref<1x128xi32, #tpu.memory_space<vmem>>
      %dma_start3A_487 = tpu.memref_squeeze %dma_start3A_486 : memref<1x128xi32, #tpu.memory_space<vmem>> -> memref<128xi32, #tpu.memory_space<vmem>>
      %dma_start3A_488 = tpu.memref_slice %arg6[%add3A_464] : memref<327680xi32, #tpu.memory_space<hbm>> -> memref<128xi32, #tpu.memory_space<hbm>>
      tpu.enqueue_dma source(%dma_start3A_488 : memref<128xi32, #tpu.memory_space<hbm>>) target(%dma_start3A_487 : memref<128xi32, #tpu.memory_space<vmem>>) target_semaphore(%dma_start3A_484 : memref<!tpu.dma_semaphore, #tpu.memory_space<semaphore_mem>>)
      %dma_wait3A_489 = arith.constant 1 : i32
      %dma_wait3A_490 = arith.constant 1 : i32
      %dma_wait3A_491 = arith.constant 1 : i32
      %dma_wait3A_492 = arith.constant 0 : i32
      %dma_wait3A_493 = tpu.memref_slice %arg12[%dma_wait3A_490, %dma_wait3A_492] : memref<2x128xf32, #tpu.memory_space<vmem>> -> memref<1x128xf32, #tpu.memory_space<vmem>>
      %dma_wait3A_494 = tpu.memref_squeeze %dma_wait3A_493 : memref<1x128xf32, #tpu.memory_space<vmem>> -> memref<128xf32, #tpu.memory_space<vmem>>
      %dma_wait3A_495 = arith.constant 0 : i32
      %dma_wait3A_496 = tpu.memref_slice %arg9[%dma_wait3A_489, %dma_wait3A_495] : memref<4x128xi32, #tpu.memory_space<vmem>> -> memref<1x128xi32, #tpu.memory_space<vmem>>
      %dma_wait3A_497 = tpu.memref_squeeze %dma_wait3A_496 : memref<1x128xi32, #tpu.memory_space<vmem>> -> memref<128xi32, #tpu.memory_space<vmem>>
      %dma_wait3A_498 = arith.constant 0 : i32
      %dma_wait3A_499 = tpu.memref_slice %arg3[%dma_wait3A_498] : memref<10240xf32, #tpu.memory_space<hbm>> -> memref<10240xf32, #tpu.memory_space<hbm>>
      %dma_wait3A_500 = tpu.memref_slice %arg19[%dma_wait3A_491] : memref<2x!tpu.dma_semaphore, #tpu.memory_space<semaphore_mem>> -> memref<1x!tpu.dma_semaphore, #tpu.memory_space<semaphore_mem>>
      %dma_wait3A_501 = tpu.memref_squeeze %dma_wait3A_500 : memref<1x!tpu.dma_semaphore, #tpu.memory_space<semaphore_mem>> -> memref<!tpu.dma_semaphore, #tpu.memory_space<semaphore_mem>>
      tpu.wait_indirect_dma semaphore(%dma_wait3A_501 : memref<!tpu.dma_semaphore, #tpu.memory_space<semaphore_mem>>) src(%dma_wait3A_499 : memref<10240xf32, #tpu.memory_space<hbm>>) dst(%dma_wait3A_494 : memref<128xf32, #tpu.memory_space<vmem>>)
      %dma_wait3A_502 = arith.constant 1 : i32
      %dma_wait3A_503 = arith.constant 1 : i32
      %dma_wait3A_504 = arith.constant 1 : i32
      %dma_wait3A_505 = arith.constant 0 : i32
      %dma_wait3A_506 = tpu.memref_slice %arg13[%dma_wait3A_503, %dma_wait3A_505] : memref<2x128xf32, #tpu.memory_space<vmem>> -> memref<1x128xf32, #tpu.memory_space<vmem>>
      %dma_wait3A_507 = tpu.memref_squeeze %dma_wait3A_506 : memref<1x128xf32, #tpu.memory_space<vmem>> -> memref<128xf32, #tpu.memory_space<vmem>>
      %dma_wait3A_508 = arith.constant 0 : i32
      %dma_wait3A_509 = tpu.memref_slice %arg10[%dma_wait3A_502, %dma_wait3A_508] : memref<4x128xi32, #tpu.memory_space<vmem>> -> memref<1x128xi32, #tpu.memory_space<vmem>>
      %dma_wait3A_510 = tpu.memref_squeeze %dma_wait3A_509 : memref<1x128xi32, #tpu.memory_space<vmem>> -> memref<128xi32, #tpu.memory_space<vmem>>
      %dma_wait3A_511 = arith.constant 0 : i32
      %dma_wait3A_512 = tpu.memref_slice %arg4[%dma_wait3A_511] : memref<10240xf32, #tpu.memory_space<hbm>> -> memref<10240xf32, #tpu.memory_space<hbm>>
      %dma_wait3A_513 = tpu.memref_slice %arg20[%dma_wait3A_504] : memref<2x!tpu.dma_semaphore, #tpu.memory_space<semaphore_mem>> -> memref<1x!tpu.dma_semaphore, #tpu.memory_space<semaphore_mem>>
      %dma_wait3A_514 = tpu.memref_squeeze %dma_wait3A_513 : memref<1x!tpu.dma_semaphore, #tpu.memory_space<semaphore_mem>> -> memref<!tpu.dma_semaphore, #tpu.memory_space<semaphore_mem>>
      tpu.wait_indirect_dma semaphore(%dma_wait3A_514 : memref<!tpu.dma_semaphore, #tpu.memory_space<semaphore_mem>>) src(%dma_wait3A_512 : memref<10240xf32, #tpu.memory_space<hbm>>) dst(%dma_wait3A_507 : memref<128xf32, #tpu.memory_space<vmem>>)
      %get3A_515 = arith.constant 1 : i32
      %get3A_516 = arith.index_cast %get3A_515 : i32 to index
      %get3A_517 = arith.constant 0 : index
      %get3A_518 = tpu.vector_load %arg12[%get3A_516, %get3A_517] {strides = array<i32>} : memref<2x128xf32, #tpu.memory_space<vmem>>, vector<16xf32>,
      %get3A_519 = arith.constant 1 : i32
      %get3A_520 = arith.index_cast %get3A_519 : i32 to index
      %get3A_521 = arith.constant 0 : index
      %get3A_522 = tpu.vector_load %arg13[%get3A_520, %get3A_521] {strides = array<i32>} : memref<2x128xf32, #tpu.memory_space<vmem>>, vector<16xf32>,
      %add3A_523 = arith.addf %get3A_518, %get3A_522 : vector<16xf32>
      %gt3A_524 = arith.constant 0.000000e+00 : f32
      %gt3A_525 = vector.broadcast %gt3A_524 : f32 to vector<16xf32>
      %gt3A_526 = arith.cmpf ogt, %add3A_523, %gt3A_525 : vector<16xf32>
      %mul3A_527 = arith.constant 2.000000e-01 : f32
      %mul3A_528 = vector.broadcast %mul3A_527 : f32 to vector<16xf32>
      %mul3A_529 = arith.mulf %mul3A_528, %add3A_523 : vector<16xf32>
      %select_n3A_530 = arith.select %gt3A_526, %add3A_523, %mul3A_529 : vector<16xi1>, vector<16xf32>
      %exp3A_531 = math.exp %select_n3A_530 : vector<16xf32>
      %swap3A_532 = arith.constant 1 : i32
      %swap3A_533 = arith.index_cast %swap3A_532 : i32 to index
      %swap3A_534 = arith.constant 0 : index
      %swap3A_535 = tpu.vector_load %arg14[%swap3A_533, %swap3A_534] {strides = array<i32>} : memref<2x144xf32, #tpu.memory_space<vmem>>, vector<16xf32>,
      tpu.vector_store %arg14[%swap3A_533, %swap3A_534], %exp3A_531 {strides = array<i32>} : memref<2x144xf32, #tpu.memory_space<vmem>>, vector<16xf32>,
      %get3A_536 = arith.constant 1 : i32
      %get3A_537 = arith.index_cast %get3A_536 : i32 to index
      %get3A_538 = arith.constant 0 : index
      %get3A_539 = tpu.vector_load %arg9[%get3A_537, %get3A_538] {strides = array<i32>} : memref<4x128xi32, #tpu.memory_space<vmem>>, vector<16xi32>,
      tpu.vector_store_idx %arg15[%get3A_539], %exp3A_531 {add = true} : memref<10240xf32, #tpu.memory_space<vmem>>[vector<16xi32>], vector<16xf32>,
      %get3A_540 = arith.constant 1 : i32
      %get3A_541 = arith.index_cast %get3A_540 : i32 to index
      %get3A_542 = arith.constant 16 : index
      %get3A_543 = tpu.vector_load %arg12[%get3A_541, %get3A_542] {strides = array<i32>} : memref<2x128xf32, #tpu.memory_space<vmem>>, vector<16xf32>,
      %get3A_544 = arith.constant 1 : i32
      %get3A_545 = arith.index_cast %get3A_544 : i32 to index
      %get3A_546 = arith.constant 16 : index
      %get3A_547 = tpu.vector_load %arg13[%get3A_545, %get3A_546] {strides = array<i32>} : memref<2x128xf32, #tpu.memory_space<vmem>>, vector<16xf32>,
      %add3A_548 = arith.addf %get3A_543, %get3A_547 : vector<16xf32>
      %gt3A_549 = arith.constant 0.000000e+00 : f32
      %gt3A_550 = vector.broadcast %gt3A_549 : f32 to vector<16xf32>
      %gt3A_551 = arith.cmpf ogt, %add3A_548, %gt3A_550 : vector<16xf32>
      %mul3A_552 = arith.constant 2.000000e-01 : f32
      %mul3A_553 = vector.broadcast %mul3A_552 : f32 to vector<16xf32>
      %mul3A_554 = arith.mulf %mul3A_553, %add3A_548 : vector<16xf32>
      %select_n3A_555 = arith.select %gt3A_551, %add3A_548, %mul3A_554 : vector<16xi1>, vector<16xf32>
      %exp3A_556 = math.exp %select_n3A_555 : vector<16xf32>
      %swap3A_557 = arith.constant 1 : i32
      %swap3A_558 = arith.index_cast %swap3A_557 : i32 to index
      %swap3A_559 = arith.constant 16 : index
      %swap3A_560 = tpu.vector_load %arg14[%swap3A_558, %swap3A_559] {strides = array<i32>} : memref<2x144xf32, #tpu.memory_space<vmem>>, vector<16xf32>,
      tpu.vector_store %arg14[%swap3A_558, %swap3A_559], %exp3A_556 {strides = array<i32>} : memref<2x144xf32, #tpu.memory_space<vmem>>, vector<16xf32>,
      %get3A_561 = arith.constant 1 : i32
      %get3A_562 = arith.index_cast %get3A_561 : i32 to index
      %get3A_563 = arith.constant 16 : index
      %get3A_564 = tpu.vector_load %arg9[%get3A_562, %get3A_563] {strides = array<i32>} : memref<4x128xi32, #tpu.memory_space<vmem>>, vector<16xi32>,
      tpu.vector_store_idx %arg15[%get3A_564], %exp3A_556 {add = true} : memref<10240xf32, #tpu.memory_space<vmem>>[vector<16xi32>], vector<16xf32>,
      %get3A_565 = arith.constant 1 : i32
      %get3A_566 = arith.index_cast %get3A_565 : i32 to index
      %get3A_567 = arith.constant 32 : index
      %get3A_568 = tpu.vector_load %arg12[%get3A_566, %get3A_567] {strides = array<i32>} : memref<2x128xf32, #tpu.memory_space<vmem>>, vector<16xf32>,
      %get3A_569 = arith.constant 1 : i32
      %get3A_570 = arith.index_cast %get3A_569 : i32 to index
      %get3A_571 = arith.constant 32 : index
      %get3A_572 = tpu.vector_load %arg13[%get3A_570, %get3A_571] {strides = array<i32>} : memref<2x128xf32, #tpu.memory_space<vmem>>, vector<16xf32>,
      %add3A_573 = arith.addf %get3A_568, %get3A_572 : vector<16xf32>
      %gt3A_574 = arith.constant 0.000000e+00 : f32
      %gt3A_575 = vector.broadcast %gt3A_574 : f32 to vector<16xf32>
      %gt3A_576 = arith.cmpf ogt, %add3A_573, %gt3A_575 : vector<16xf32>
      %mul3A_577 = arith.constant 2.000000e-01 : f32
      %mul3A_578 = vector.broadcast %mul3A_577 : f32 to vector<16xf32>
      %mul3A_579 = arith.mulf %mul3A_578, %add3A_573 : vector<16xf32>
      %select_n3A_580 = arith.select %gt3A_576, %add3A_573, %mul3A_579 : vector<16xi1>, vector<16xf32>
      %exp3A_581 = math.exp %select_n3A_580 : vector<16xf32>
      %swap3A_582 = arith.constant 1 : i32
      %swap3A_583 = arith.index_cast %swap3A_582 : i32 to index
      %swap3A_584 = arith.constant 32 : index
      %swap3A_585 = tpu.vector_load %arg14[%swap3A_583, %swap3A_584] {strides = array<i32>} : memref<2x144xf32, #tpu.memory_space<vmem>>, vector<16xf32>,
      tpu.vector_store %arg14[%swap3A_583, %swap3A_584], %exp3A_581 {strides = array<i32>} : memref<2x144xf32, #tpu.memory_space<vmem>>, vector<16xf32>,
      %get3A_586 = arith.constant 1 : i32
      %get3A_587 = arith.index_cast %get3A_586 : i32 to index
      %get3A_588 = arith.constant 32 : index
      %get3A_589 = tpu.vector_load %arg9[%get3A_587, %get3A_588] {strides = array<i32>} : memref<4x128xi32, #tpu.memory_space<vmem>>, vector<16xi32>,
      tpu.vector_store_idx %arg15[%get3A_589], %exp3A_581 {add = true} : memref<10240xf32, #tpu.memory_space<vmem>>[vector<16xi32>], vector<16xf32>,
      %get3A_590 = arith.constant 1 : i32
      %get3A_591 = arith.index_cast %get3A_590 : i32 to index
      %get3A_592 = arith.constant 48 : index
      %get3A_593 = tpu.vector_load %arg12[%get3A_591, %get3A_592] {strides = array<i32>} : memref<2x128xf32, #tpu.memory_space<vmem>>, vector<16xf32>,
      %get3A_594 = arith.constant 1 : i32
      %get3A_595 = arith.index_cast %get3A_594 : i32 to index
      %get3A_596 = arith.constant 48 : index
      %get3A_597 = tpu.vector_load %arg13[%get3A_595, %get3A_596] {strides = array<i32>} : memref<2x128xf32, #tpu.memory_space<vmem>>, vector<16xf32>,
      %add3A_598 = arith.addf %get3A_593, %get3A_597 : vector<16xf32>
      %gt3A_599 = arith.constant 0.000000e+00 : f32
      %gt3A_600 = vector.broadcast %gt3A_599 : f32 to vector<16xf32>
      %gt3A_601 = arith.cmpf ogt, %add3A_598, %gt3A_600 : vector<16xf32>
      %mul3A_602 = arith.constant 2.000000e-01 : f32
      %mul3A_603 = vector.broadcast %mul3A_602 : f32 to vector<16xf32>
      %mul3A_604 = arith.mulf %mul3A_603, %add3A_598 : vector<16xf32>
      %select_n3A_605 = arith.select %gt3A_601, %add3A_598, %mul3A_604 : vector<16xi1>, vector<16xf32>
      %exp3A_606 = math.exp %select_n3A_605 : vector<16xf32>
      %swap3A_607 = arith.constant 1 : i32
      %swap3A_608 = arith.index_cast %swap3A_607 : i32 to index
      %swap3A_609 = arith.constant 48 : index
      %swap3A_610 = tpu.vector_load %arg14[%swap3A_608, %swap3A_609] {strides = array<i32>} : memref<2x144xf32, #tpu.memory_space<vmem>>, vector<16xf32>,
      tpu.vector_store %arg14[%swap3A_608, %swap3A_609], %exp3A_606 {strides = array<i32>} : memref<2x144xf32, #tpu.memory_space<vmem>>, vector<16xf32>,
      %get3A_611 = arith.constant 1 : i32
      %get3A_612 = arith.index_cast %get3A_611 : i32 to index
      %get3A_613 = arith.constant 48 : index
      %get3A_614 = tpu.vector_load %arg9[%get3A_612, %get3A_613] {strides = array<i32>} : memref<4x128xi32, #tpu.memory_space<vmem>>, vector<16xi32>,
      tpu.vector_store_idx %arg15[%get3A_614], %exp3A_606 {add = true} : memref<10240xf32, #tpu.memory_space<vmem>>[vector<16xi32>], vector<16xf32>,
      %get3A_615 = arith.constant 1 : i32
      %get3A_616 = arith.index_cast %get3A_615 : i32 to index
      %get3A_617 = arith.constant 64 : index
      %get3A_618 = tpu.vector_load %arg12[%get3A_616, %get3A_617] {strides = array<i32>} : memref<2x128xf32, #tpu.memory_space<vmem>>, vector<16xf32>,
      %get3A_619 = arith.constant 1 : i32
      %get3A_620 = arith.index_cast %get3A_619 : i32 to index
      %get3A_621 = arith.constant 64 : index
      %get3A_622 = tpu.vector_load %arg13[%get3A_620, %get3A_621] {strides = array<i32>} : memref<2x128xf32, #tpu.memory_space<vmem>>, vector<16xf32>,
      %add3A_623 = arith.addf %get3A_618, %get3A_622 : vector<16xf32>
      %gt3A_624 = arith.constant 0.000000e+00 : f32
      %gt3A_625 = vector.broadcast %gt3A_624 : f32 to vector<16xf32>
      %gt3A_626 = arith.cmpf ogt, %add3A_623, %gt3A_625 : vector<16xf32>
      %mul3A_627 = arith.constant 2.000000e-01 : f32
      %mul3A_628 = vector.broadcast %mul3A_627 : f32 to vector<16xf32>
      %mul3A_629 = arith.mulf %mul3A_628, %add3A_623 : vector<16xf32>
      %select_n3A_630 = arith.select %gt3A_626, %add3A_623, %mul3A_629 : vector<16xi1>, vector<16xf32>
      %exp3A_631 = math.exp %select_n3A_630 : vector<16xf32>
      %swap3A_632 = arith.constant 1 : i32
      %swap3A_633 = arith.index_cast %swap3A_632 : i32 to index
      %swap3A_634 = arith.constant 64 : index
      %swap3A_635 = tpu.vector_load %arg14[%swap3A_633, %swap3A_634] {strides = array<i32>} : memref<2x144xf32, #tpu.memory_space<vmem>>, vector<16xf32>,
      tpu.vector_store %arg14[%swap3A_633, %swap3A_634], %exp3A_631 {strides = array<i32>} : memref<2x144xf32, #tpu.memory_space<vmem>>, vector<16xf32>,
      %get3A_636 = arith.constant 1 : i32
      %get3A_637 = arith.index_cast %get3A_636 : i32 to index
      %get3A_638 = arith.constant 64 : index
      %get3A_639 = tpu.vector_load %arg9[%get3A_637, %get3A_638] {strides = array<i32>} : memref<4x128xi32, #tpu.memory_space<vmem>>, vector<16xi32>,
      tpu.vector_store_idx %arg15[%get3A_639], %exp3A_631 {add = true} : memref<10240xf32, #tpu.memory_space<vmem>>[vector<16xi32>], vector<16xf32>,
      %get3A_640 = arith.constant 1 : i32
      %get3A_641 = arith.index_cast %get3A_640 : i32 to index
      %get3A_642 = arith.constant 80 : index
      %get3A_643 = tpu.vector_load %arg12[%get3A_641, %get3A_642] {strides = array<i32>} : memref<2x128xf32, #tpu.memory_space<vmem>>, vector<16xf32>,
      %get3A_644 = arith.constant 1 : i32
      %get3A_645 = arith.index_cast %get3A_644 : i32 to index
      %get3A_646 = arith.constant 80 : index
      %get3A_647 = tpu.vector_load %arg13[%get3A_645, %get3A_646] {strides = array<i32>} : memref<2x128xf32, #tpu.memory_space<vmem>>, vector<16xf32>,
      %add3A_648 = arith.addf %get3A_643, %get3A_647 : vector<16xf32>
      %gt3A_649 = arith.constant 0.000000e+00 : f32
      %gt3A_650 = vector.broadcast %gt3A_649 : f32 to vector<16xf32>
      %gt3A_651 = arith.cmpf ogt, %add3A_648, %gt3A_650 : vector<16xf32>
      %mul3A_652 = arith.constant 2.000000e-01 : f32
      %mul3A_653 = vector.broadcast %mul3A_652 : f32 to vector<16xf32>
      %mul3A_654 = arith.mulf %mul3A_653, %add3A_648 : vector<16xf32>
      %select_n3A_655 = arith.select %gt3A_651, %add3A_648, %mul3A_654 : vector<16xi1>, vector<16xf32>
      %exp3A_656 = math.exp %select_n3A_655 : vector<16xf32>
      %swap3A_657 = arith.constant 1 : i32
      %swap3A_658 = arith.index_cast %swap3A_657 : i32 to index
      %swap3A_659 = arith.constant 80 : index
      %swap3A_660 = tpu.vector_load %arg14[%swap3A_658, %swap3A_659] {strides = array<i32>} : memref<2x144xf32, #tpu.memory_space<vmem>>, vector<16xf32>,
      tpu.vector_store %arg14[%swap3A_658, %swap3A_659], %exp3A_656 {strides = array<i32>} : memref<2x144xf32, #tpu.memory_space<vmem>>, vector<16xf32>,
      %get3A_661 = arith.constant 1 : i32
      %get3A_662 = arith.index_cast %get3A_661 : i32 to index
      %get3A_663 = arith.constant 80 : index
      %get3A_664 = tpu.vector_load %arg9[%get3A_662, %get3A_663] {strides = array<i32>} : memref<4x128xi32, #tpu.memory_space<vmem>>, vector<16xi32>,
      tpu.vector_store_idx %arg15[%get3A_664], %exp3A_656 {add = true} : memref<10240xf32, #tpu.memory_space<vmem>>[vector<16xi32>], vector<16xf32>,
      %get3A_665 = arith.constant 1 : i32
      %get3A_666 = arith.index_cast %get3A_665 : i32 to index
      %get3A_667 = arith.constant 96 : index
      %get3A_668 = tpu.vector_load %arg12[%get3A_666, %get3A_667] {strides = array<i32>} : memref<2x128xf32, #tpu.memory_space<vmem>>, vector<16xf32>,
      %get3A_669 = arith.constant 1 : i32
      %get3A_670 = arith.index_cast %get3A_669 : i32 to index
      %get3A_671 = arith.constant 96 : index
      %get3A_672 = tpu.vector_load %arg13[%get3A_670, %get3A_671] {strides = array<i32>} : memref<2x128xf32, #tpu.memory_space<vmem>>, vector<16xf32>,
      %add3A_673 = arith.addf %get3A_668, %get3A_672 : vector<16xf32>
      %gt3A_674 = arith.constant 0.000000e+00 : f32
      %gt3A_675 = vector.broadcast %gt3A_674 : f32 to vector<16xf32>
      %gt3A_676 = arith.cmpf ogt, %add3A_673, %gt3A_675 : vector<16xf32>
      %mul3A_677 = arith.constant 2.000000e-01 : f32
      %mul3A_678 = vector.broadcast %mul3A_677 : f32 to vector<16xf32>
      %mul3A_679 = arith.mulf %mul3A_678, %add3A_673 : vector<16xf32>
      %select_n3A_680 = arith.select %gt3A_676, %add3A_673, %mul3A_679 : vector<16xi1>, vector<16xf32>
      %exp3A_681 = math.exp %select_n3A_680 : vector<16xf32>
      %swap3A_682 = arith.constant 1 : i32
      %swap3A_683 = arith.index_cast %swap3A_682 : i32 to index
      %swap3A_684 = arith.constant 96 : index
      %swap3A_685 = tpu.vector_load %arg14[%swap3A_683, %swap3A_684] {strides = array<i32>} : memref<2x144xf32, #tpu.memory_space<vmem>>, vector<16xf32>,
      tpu.vector_store %arg14[%swap3A_683, %swap3A_684], %exp3A_681 {strides = array<i32>} : memref<2x144xf32, #tpu.memory_space<vmem>>, vector<16xf32>,
      %get3A_686 = arith.constant 1 : i32
      %get3A_687 = arith.index_cast %get3A_686 : i32 to index
      %get3A_688 = arith.constant 96 : index
      %get3A_689 = tpu.vector_load %arg9[%get3A_687, %get3A_688] {strides = array<i32>} : memref<4x128xi32, #tpu.memory_space<vmem>>, vector<16xi32>,
      tpu.vector_store_idx %arg15[%get3A_689], %exp3A_681 {add = true} : memref<10240xf32, #tpu.memory_space<vmem>>[vector<16xi32>], vector<16xf32>,
      %get3A_690 = arith.constant 1 : i32
      %get3A_691 = arith.index_cast %get3A_690 : i32 to index
      %get3A_692 = arith.constant 112 : index
      %get3A_693 = tpu.vector_load %arg12[%get3A_691, %get3A_692] {strides = array<i32>} : memref<2x128xf32, #tpu.memory_space<vmem>>, vector<16xf32>,
      %get3A_694 = arith.constant 1 : i32
      %get3A_695 = arith.index_cast %get3A_694 : i32 to index
      %get3A_696 = arith.constant 112 : index
      %get3A_697 = tpu.vector_load %arg13[%get3A_695, %get3A_696] {strides = array<i32>} : memref<2x128xf32, #tpu.memory_space<vmem>>, vector<16xf32>,
      %add3A_698 = arith.addf %get3A_693, %get3A_697 : vector<16xf32>
      %gt3A_699 = arith.constant 0.000000e+00 : f32
      %gt3A_700 = vector.broadcast %gt3A_699 : f32 to vector<16xf32>
      %gt3A_701 = arith.cmpf ogt, %add3A_698, %gt3A_700 : vector<16xf32>
      %mul3A_702 = arith.constant 2.000000e-01 : f32
      %mul3A_703 = vector.broadcast %mul3A_702 : f32 to vector<16xf32>
      %mul3A_704 = arith.mulf %mul3A_703, %add3A_698 : vector<16xf32>
      %select_n3A_705 = arith.select %gt3A_701, %add3A_698, %mul3A_704 : vector<16xi1>, vector<16xf32>
      %exp3A_706 = math.exp %select_n3A_705 : vector<16xf32>
      %swap3A_707 = arith.constant 1 : i32
      %swap3A_708 = arith.index_cast %swap3A_707 : i32 to index
      %swap3A_709 = arith.constant 112 : index
      %swap3A_710 = tpu.vector_load %arg14[%swap3A_708, %swap3A_709] {strides = array<i32>} : memref<2x144xf32, #tpu.memory_space<vmem>>, vector<16xf32>,
      tpu.vector_store %arg14[%swap3A_708, %swap3A_709], %exp3A_706 {strides = array<i32>} : memref<2x144xf32, #tpu.memory_space<vmem>>, vector<16xf32>,
      %get3A_711 = arith.constant 1 : i32
      %get3A_712 = arith.index_cast %get3A_711 : i32 to index
      %get3A_713 = arith.constant 112 : index
      %get3A_714 = tpu.vector_load %arg9[%get3A_712, %get3A_713] {strides = array<i32>} : memref<4x128xi32, #tpu.memory_space<vmem>>, vector<16xi32>,
      tpu.vector_store_idx %arg15[%get3A_714], %exp3A_706 {add = true} : memref<10240xf32, #tpu.memory_space<vmem>>[vector<16xi32>], vector<16xf32>,
      %dma_wait3A_715 = arith.constant 0 : i32
      %dma_wait3A_716 = arith.constant 0 : i32
      %dma_wait3A_717 = arith.constant 0 : i32
      %dma_wait3A_718 = arith.constant 0 : i32
      %dma_wait3A_719 = arith.constant 0 : i32
      %dma_wait3A_720 = tpu.memref_slice %arg11[%dma_wait3A_715, %dma_wait3A_718, %dma_wait3A_719] : memref<2x128x128xf32, #tpu.memory_space<vmem>> -> memref<1x128x128xf32, #tpu.memory_space<vmem>>
      %dma_wait3A_721 = tpu.memref_squeeze %dma_wait3A_720 : memref<1x128x128xf32, #tpu.memory_space<vmem>> -> memref<128x128xf32, #tpu.memory_space<vmem>>
      %dma_wait3A_722 = arith.constant 0 : i32
      %dma_wait3A_723 = tpu.memref_slice %arg9[%dma_wait3A_716, %dma_wait3A_722] : memref<4x128xi32, #tpu.memory_space<vmem>> -> memref<1x128xi32, #tpu.memory_space<vmem>>
      %dma_wait3A_724 = tpu.memref_squeeze %dma_wait3A_723 : memref<1x128xi32, #tpu.memory_space<vmem>> -> memref<128xi32, #tpu.memory_space<vmem>>
      %dma_wait3A_725 = arith.constant 0 : i32
      %dma_wait3A_726 = arith.constant 0 : i32
      %dma_wait3A_727 = tpu.memref_slice %arg16[%dma_wait3A_725, %dma_wait3A_726] : memref<10240x128xf32, #tpu.memory_space<vmem_shared>> -> memref<10240x128xf32, #tpu.memory_space<vmem_shared>>
      %dma_wait3A_728 = tpu.memref_slice %arg21[%dma_wait3A_717] : memref<2x!tpu.dma_semaphore, #tpu.memory_space<semaphore_mem>> -> memref<1x!tpu.dma_semaphore, #tpu.memory_space<semaphore_mem>>
      %dma_wait3A_729 = tpu.memref_squeeze %dma_wait3A_728 : memref<1x!tpu.dma_semaphore, #tpu.memory_space<semaphore_mem>> -> memref<!tpu.dma_semaphore, #tpu.memory_space<semaphore_mem>>
      tpu.wait_indirect_dma semaphore(%dma_wait3A_729 : memref<!tpu.dma_semaphore, #tpu.memory_space<semaphore_mem>>) src(%dma_wait3A_721 : memref<128x128xf32, #tpu.memory_space<vmem>>) dst(%dma_wait3A_727 : memref<10240x128xf32, #tpu.memory_space<vmem_shared>>)
      %add3A_730 = arith.constant 1 : i32
      %add3A_731 = arith.addi %add3A_459, %add3A_730 : i32
      %mul3A_732 = arith.constant 128 : i32
      %mul3A_733 = arith.muli %add3A_731, %mul3A_732 : i32
      %add3A_734 = arith.addi %select_n3A_8, %mul3A_733 : i32
      %dma_wait3A_735 = arith.constant 2 : i32
      %dma_wait3A_736 = arith.constant 0 : i32
      %dma_wait3A_737 = arith.constant 0 : i32
      %dma_wait3A_738 = tpu.memref_slice %arg9[%dma_wait3A_735, %dma_wait3A_737] : memref<4x128xi32, #tpu.memory_space<vmem>> -> memref<1x128xi32, #tpu.memory_space<vmem>>
      %dma_wait3A_739 = tpu.memref_squeeze %dma_wait3A_738 : memref<1x128xi32, #tpu.memory_space<vmem>> -> memref<128xi32, #tpu.memory_space<vmem>>
      %dma_wait3A_740 = tpu.memref_slice %arg5[%add3A_734] : memref<327680xi32, #tpu.memory_space<hbm>> -> memref<128xi32, #tpu.memory_space<hbm>>
      %dma_wait3A_741 = tpu.memref_slice %arg18[%dma_wait3A_736] : memref<2x!tpu.dma_semaphore, #tpu.memory_space<semaphore_mem>> -> memref<1x!tpu.dma_semaphore, #tpu.memory_space<semaphore_mem>>
      %dma_wait3A_742 = tpu.memref_squeeze %dma_wait3A_741 : memref<1x!tpu.dma_semaphore, #tpu.memory_space<semaphore_mem>> -> memref<!tpu.dma_semaphore, #tpu.memory_space<semaphore_mem>>
      %dma_wait3A_743 = arith.constant 0 : i32
      %dma_wait3A_744 = tpu.memref_slice %arg9[%dma_wait3A_735, %dma_wait3A_743] : memref<4x128xi32, #tpu.memory_space<vmem>> -> memref<1x128xi32, #tpu.memory_space<vmem>>
      %dma_wait3A_745 = tpu.memref_squeeze %dma_wait3A_744 : memref<1x128xi32, #tpu.memory_space<vmem>> -> memref<128xi32, #tpu.memory_space<vmem>>
      %dma_wait3A_746 = tpu.memref_slice %arg5[%add3A_734] : memref<327680xi32, #tpu.memory_space<hbm>> -> memref<128xi32, #tpu.memory_space<hbm>>
      tpu.wait_dma2 semaphore(%dma_wait3A_742 : memref<!tpu.dma_semaphore, #tpu.memory_space<semaphore_mem>>) src(%dma_wait3A_746 : memref<128xi32, #tpu.memory_space<hbm>>) dst(%dma_wait3A_745 : memref<128xi32, #tpu.memory_space<vmem>>)
      %dma_wait3A_747 = arith.constant 2 : i32
      %dma_wait3A_748 = arith.constant 1 : i32
      %dma_wait3A_749 = arith.constant 0 : i32
      %dma_wait3A_750 = tpu.memref_slice %arg10[%dma_wait3A_747, %dma_wait3A_749] : memref<4x128xi32, #tpu.memory_space<vmem>> -> memref<1x128xi32, #tpu.memory_space<vmem>>
      %dma_wait3A_751 = tpu.memref_squeeze %dma_wait3A_750 : memref<1x128xi32, #tpu.memory_space<vmem>> -> memref<128xi32, #tpu.memory_space<vmem>>
      %dma_wait3A_752 = tpu.memref_slice %arg6[%add3A_734] : memref<327680xi32, #tpu.memory_space<hbm>> -> memref<128xi32, #tpu.memory_space<hbm>>
      %dma_wait3A_753 = tpu.memref_slice %arg18[%dma_wait3A_748] : memref<2x!tpu.dma_semaphore, #tpu.memory_space<semaphore_mem>> -> memref<1x!tpu.dma_semaphore, #tpu.memory_space<semaphore_mem>>
      %dma_wait3A_754 = tpu.memref_squeeze %dma_wait3A_753 : memref<1x!tpu.dma_semaphore, #tpu.memory_space<semaphore_mem>> -> memref<!tpu.dma_semaphore, #tpu.memory_space<semaphore_mem>>
      %dma_wait3A_755 = arith.constant 0 : i32
      %dma_wait3A_756 = tpu.memref_slice %arg10[%dma_wait3A_747, %dma_wait3A_755] : memref<4x128xi32, #tpu.memory_space<vmem>> -> memref<1x128xi32, #tpu.memory_space<vmem>>
      %dma_wait3A_757 = tpu.memref_squeeze %dma_wait3A_756 : memref<1x128xi32, #tpu.memory_space<vmem>> -> memref<128xi32, #tpu.memory_space<vmem>>
      %dma_wait3A_758 = tpu.memref_slice %arg6[%add3A_734] : memref<327680xi32, #tpu.memory_space<hbm>> -> memref<128xi32, #tpu.memory_space<hbm>>
      tpu.wait_dma2 semaphore(%dma_wait3A_754 : memref<!tpu.dma_semaphore, #tpu.memory_space<semaphore_mem>>) src(%dma_wait3A_758 : memref<128xi32, #tpu.memory_space<hbm>>) dst(%dma_wait3A_757 : memref<128xi32, #tpu.memory_space<vmem>>)
      %dma_start3A_759 = arith.constant 2 : i32
      %dma_start3A_760 = arith.constant 0 : i32
      %dma_start3A_761 = arith.constant 0 : i32
      %dma_start3A_762 = arith.constant 0 : i32
      %dma_start3A_763 = arith.constant 0 : i32
      %dma_start3A_764 = tpu.memref_slice %arg11[%dma_start3A_760, %dma_start3A_762, %dma_start3A_763] : memref<2x128x128xf32, #tpu.memory_space<vmem>> -> memref<1x128x128xf32, #tpu.memory_space<vmem>>
      %dma_start3A_765 = tpu.memref_squeeze %dma_start3A_764 : memref<1x128x128xf32, #tpu.memory_space<vmem>> -> memref<128x128xf32, #tpu.memory_space<vmem>>
      %dma_start3A_766 = arith.constant 0 : i32
      %dma_start3A_767 = tpu.memref_slice %arg10[%dma_start3A_759, %dma_start3A_766] : memref<4x128xi32, #tpu.memory_space<vmem>> -> memref<1x128xi32, #tpu.memory_space<vmem>>
      %dma_start3A_768 = tpu.memref_squeeze %dma_start3A_767 : memref<1x128xi32, #tpu.memory_space<vmem>> -> memref<128xi32, #tpu.memory_space<vmem>>
      %dma_start3A_769 = arith.constant 0 : i32
      %dma_start3A_770 = arith.constant 0 : i32
      %dma_start3A_771 = tpu.memref_slice %arg2[%dma_start3A_769, %dma_start3A_770] : memref<10240x128xf32, #tpu.memory_space<hbm>> -> memref<10240x128xf32, #tpu.memory_space<hbm>>
      %dma_start3A_772 = tpu.memref_slice %arg17[%dma_start3A_761] : memref<2x!tpu.dma_semaphore, #tpu.memory_space<semaphore_mem>> -> memref<1x!tpu.dma_semaphore, #tpu.memory_space<semaphore_mem>>
      %dma_start3A_773 = tpu.memref_squeeze %dma_start3A_772 : memref<1x!tpu.dma_semaphore, #tpu.memory_space<semaphore_mem>> -> memref<!tpu.dma_semaphore, #tpu.memory_space<semaphore_mem>>
      tpu.enqueue_indirect_dma source(%dma_start3A_771 : memref<10240x128xf32, #tpu.memory_space<hbm>>) target(%dma_start3A_765 : memref<128x128xf32, #tpu.memory_space<vmem>>) offsets(%dma_start3A_768 : memref<128xi32, #tpu.memory_space<vmem>>) semaphore(%dma_start3A_773 : memref<!tpu.dma_semaphore, #tpu.memory_space<semaphore_mem>>)
      %dma_start3A_774 = arith.constant 2 : i32
      %dma_start3A_775 = arith.constant 0 : i32
      %dma_start3A_776 = arith.constant 0 : i32
      %dma_start3A_777 = arith.constant 0 : i32
      %dma_start3A_778 = tpu.memref_slice %arg12[%dma_start3A_775, %dma_start3A_777] : memref<2x128xf32, #tpu.memory_space<vmem>> -> memref<1x128xf32, #tpu.memory_space<vmem>>
      %dma_start3A_779 = tpu.memref_squeeze %dma_start3A_778 : memref<1x128xf32, #tpu.memory_space<vmem>> -> memref<128xf32, #tpu.memory_space<vmem>>
      %dma_start3A_780 = arith.constant 0 : i32
      %dma_start3A_781 = tpu.memref_slice %arg9[%dma_start3A_774, %dma_start3A_780] : memref<4x128xi32, #tpu.memory_space<vmem>> -> memref<1x128xi32, #tpu.memory_space<vmem>>
      %dma_start3A_782 = tpu.memref_squeeze %dma_start3A_781 : memref<1x128xi32, #tpu.memory_space<vmem>> -> memref<128xi32, #tpu.memory_space<vmem>>
      %dma_start3A_783 = arith.constant 0 : i32
      %dma_start3A_784 = tpu.memref_slice %arg3[%dma_start3A_783] : memref<10240xf32, #tpu.memory_space<hbm>> -> memref<10240xf32, #tpu.memory_space<hbm>>
      %dma_start3A_785 = tpu.memref_slice %arg19[%dma_start3A_776] : memref<2x!tpu.dma_semaphore, #tpu.memory_space<semaphore_mem>> -> memref<1x!tpu.dma_semaphore, #tpu.memory_space<semaphore_mem>>
      %dma_start3A_786 = tpu.memref_squeeze %dma_start3A_785 : memref<1x!tpu.dma_semaphore, #tpu.memory_space<semaphore_mem>> -> memref<!tpu.dma_semaphore, #tpu.memory_space<semaphore_mem>>
      tpu.enqueue_indirect_dma source(%dma_start3A_784 : memref<10240xf32, #tpu.memory_space<hbm>>) target(%dma_start3A_779 : memref<128xf32, #tpu.memory_space<vmem>>) offsets(%dma_start3A_782 : memref<128xi32, #tpu.memory_space<vmem>>) semaphore(%dma_start3A_786 : memref<!tpu.dma_semaphore, #tpu.memory_space<semaphore_mem>>)
      %dma_start3A_787 = arith.constant 2 : i32
      %dma_start3A_788 = arith.constant 0 : i32
      %dma_start3A_789 = arith.constant 0 : i32
      %dma_start3A_790 = arith.constant 0 : i32
      %dma_start3A_791 = tpu.memref_slice %arg13[%dma_start3A_788, %dma_start3A_790] : memref<2x128xf32, #tpu.memory_space<vmem>> -> memref<1x128xf32, #tpu.memory_space<vmem>>
      %dma_start3A_792 = tpu.memref_squeeze %dma_start3A_791 : memref<1x128xf32, #tpu.memory_space<vmem>> -> memref<128xf32, #tpu.memory_space<vmem>>
      %dma_start3A_793 = arith.constant 0 : i32
      %dma_start3A_794 = tpu.memref_slice %arg10[%dma_start3A_787, %dma_start3A_793] : memref<4x128xi32, #tpu.memory_space<vmem>> -> memref<1x128xi32, #tpu.memory_space<vmem>>
      %dma_start3A_795 = tpu.memref_squeeze %dma_start3A_794 : memref<1x128xi32, #tpu.memory_space<vmem>> -> memref<128xi32, #tpu.memory_space<vmem>>
      %dma_start3A_796 = arith.constant 0 : i32
      %dma_start3A_797 = tpu.memref_slice %arg4[%dma_start3A_796] : memref<10240xf32, #tpu.memory_space<hbm>> -> memref<10240xf32, #tpu.memory_space<hbm>>
      %dma_start3A_798 = tpu.memref_slice %arg20[%dma_start3A_789] : memref<2x!tpu.dma_semaphore, #tpu.memory_space<semaphore_mem>> -> memref<1x!tpu.dma_semaphore, #tpu.memory_space<semaphore_mem>>
      %dma_start3A_799 = tpu.memref_squeeze %dma_start3A_798 : memref<1x!tpu.dma_semaphore, #tpu.memory_space<semaphore_mem>> -> memref<!tpu.dma_semaphore, #tpu.memory_space<semaphore_mem>>
      tpu.enqueue_indirect_dma source(%dma_start3A_797 : memref<10240xf32, #tpu.memory_space<hbm>>) target(%dma_start3A_792 : memref<128xf32, #tpu.memory_space<vmem>>) offsets(%dma_start3A_795 : memref<128xi32, #tpu.memory_space<vmem>>) semaphore(%dma_start3A_799 : memref<!tpu.dma_semaphore, #tpu.memory_space<semaphore_mem>>)
      %dma_wait3A_800 = arith.constant 1 : i32
      %dma_wait3A_801 = arith.constant 1 : i32
      %dma_wait3A_802 = arith.constant 1 : i32
      %dma_wait3A_803 = arith.constant 0 : i32
      %dma_wait3A_804 = arith.constant 0 : i32
      %dma_wait3A_805 = tpu.memref_slice %arg11[%dma_wait3A_801, %dma_wait3A_803, %dma_wait3A_804] : memref<2x128x128xf32, #tpu.memory_space<vmem>> -> memref<1x128x128xf32, #tpu.memory_space<vmem>>
      %dma_wait3A_806 = tpu.memref_squeeze %dma_wait3A_805 : memref<1x128x128xf32, #tpu.memory_space<vmem>> -> memref<128x128xf32, #tpu.memory_space<vmem>>
      %dma_wait3A_807 = arith.constant 0 : i32
      %dma_wait3A_808 = tpu.memref_slice %arg10[%dma_wait3A_800, %dma_wait3A_807] : memref<4x128xi32, #tpu.memory_space<vmem>> -> memref<1x128xi32, #tpu.memory_space<vmem>>
      %dma_wait3A_809 = tpu.memref_squeeze %dma_wait3A_808 : memref<1x128xi32, #tpu.memory_space<vmem>> -> memref<128xi32, #tpu.memory_space<vmem>>
      %dma_wait3A_810 = arith.constant 0 : i32
      %dma_wait3A_811 = arith.constant 0 : i32
      %dma_wait3A_812 = tpu.memref_slice %arg2[%dma_wait3A_810, %dma_wait3A_811] : memref<10240x128xf32, #tpu.memory_space<hbm>> -> memref<10240x128xf32, #tpu.memory_space<hbm>>
      %dma_wait3A_813 = tpu.memref_slice %arg17[%dma_wait3A_802] : memref<2x!tpu.dma_semaphore, #tpu.memory_space<semaphore_mem>> -> memref<1x!tpu.dma_semaphore, #tpu.memory_space<semaphore_mem>>
      %dma_wait3A_814 = tpu.memref_squeeze %dma_wait3A_813 : memref<1x!tpu.dma_semaphore, #tpu.memory_space<semaphore_mem>> -> memref<!tpu.dma_semaphore, #tpu.memory_space<semaphore_mem>>
      tpu.wait_indirect_dma semaphore(%dma_wait3A_814 : memref<!tpu.dma_semaphore, #tpu.memory_space<semaphore_mem>>) src(%dma_wait3A_812 : memref<10240x128xf32, #tpu.memory_space<hbm>>) dst(%dma_wait3A_806 : memref<128x128xf32, #tpu.memory_space<vmem>>)
      %scan3A_815 = arith.constant 0 : i32
      %scan3A_816 = arith.constant 0 : i32
      %scan3A_817 = arith.constant 128 : i32
      %scan3A_818 = arith.addi %scan3A_816, %scan3A_817 : i32
      %scan3A_819 = arith.constant 1 : i32
      %scan3A_820 = scf.for %scan3A_1505 = %scan3A_816 to %scan3A_818 step %scan3A_819 iter_args(%scan3A_1506 = %scan3A_815) -> (i32)  : i32 {
        %get3A_1507 = arith.constant 1 : i32
        %get3A_1508 = arith.index_cast %get3A_1507 : i32 to index
        %get3A_1509 = arith.index_cast %scan3A_1505 : i32 to index
        %get3A_1510 = tpu.vector_load %arg14[%get3A_1508, %get3A_1509] {strides = array<i32>} : memref<2x144xf32, #tpu.memory_space<vmem>>, vector<16xf32>,
        %slice3A = vector.extract_strided_slice %get3A_1510 {offsets = [0], sizes = [1], strides = [1]} : vector<16xf32> to vector<1xf32>
        %squeeze3A = vector.extract %slice3A[0] : f32 from vector<1xf32>
        %get3A_1511 = arith.constant 1 : i32
        %get3A_1512 = arith.index_cast %get3A_1511 : i32 to index
        %get3A_1513 = arith.index_cast %scan3A_1505 : i32 to index
        %get3A_1514 = arith.constant 0 : index
        %get3A_1515 = tpu.vector_load %arg11[%get3A_1512, %get3A_1513, %get3A_1514] {strides = array<i32>} : memref<2x128x128xf32, #tpu.memory_space<vmem>>, vector<16xf32>,
        %mul3A_1516 = vector.broadcast %squeeze3A : f32 to vector<16xf32>
        %mul3A_1517 = arith.mulf %get3A_1515, %mul3A_1516 : vector<16xf32>
        %swap3A_1518 = arith.constant 1 : i32
        %swap3A_1519 = arith.index_cast %swap3A_1518 : i32 to index
        %swap3A_1520 = arith.index_cast %scan3A_1505 : i32 to index
        %swap3A_1521 = arith.constant 0 : index
        %swap3A_1522 = tpu.vector_load %arg11[%swap3A_1519, %swap3A_1520, %swap3A_1521] {strides = array<i32>} : memref<2x128x128xf32, #tpu.memory_space<vmem>>, vector<16xf32>,
        tpu.vector_store %arg11[%swap3A_1519, %swap3A_1520, %swap3A_1521], %mul3A_1517 {strides = array<i32>} : memref<2x128x128xf32, #tpu.memory_space<vmem>>, vector<16xf32>,
        %get3A_1523 = arith.constant 1 : i32
        %get3A_1524 = arith.index_cast %get3A_1523 : i32 to index
        %get3A_1525 = arith.index_cast %scan3A_1505 : i32 to index
        %get3A_1526 = arith.constant 16 : index
        %get3A_1527 = tpu.vector_load %arg11[%get3A_1524, %get3A_1525, %get3A_1526] {strides = array<i32>} : memref<2x128x128xf32, #tpu.memory_space<vmem>>, vector<16xf32>,
        %mul3A_1528 = vector.broadcast %squeeze3A : f32 to vector<16xf32>
        %mul3A_1529 = arith.mulf %get3A_1527, %mul3A_1528 : vector<16xf32>
        %swap3A_1530 = arith.constant 1 : i32
        %swap3A_1531 = arith.index_cast %swap3A_1530 : i32 to index
        %swap3A_1532 = arith.index_cast %scan3A_1505 : i32 to index
        %swap3A_1533 = arith.constant 16 : index
        %swap3A_1534 = tpu.vector_load %arg11[%swap3A_1531, %swap3A_1532, %swap3A_1533] {strides = array<i32>} : memref<2x128x128xf32, #tpu.memory_space<vmem>>, vector<16xf32>,
        tpu.vector_store %arg11[%swap3A_1531, %swap3A_1532, %swap3A_1533], %mul3A_1529 {strides = array<i32>} : memref<2x128x128xf32, #tpu.memory_space<vmem>>, vector<16xf32>,
        %get3A_1535 = arith.constant 1 : i32
        %get3A_1536 = arith.index_cast %get3A_1535 : i32 to index
        %get3A_1537 = arith.index_cast %scan3A_1505 : i32 to index
        %get3A_1538 = arith.constant 32 : index
        %get3A_1539 = tpu.vector_load %arg11[%get3A_1536, %get3A_1537, %get3A_1538] {strides = array<i32>} : memref<2x128x128xf32, #tpu.memory_space<vmem>>, vector<16xf32>,
        %mul3A_1540 = vector.broadcast %squeeze3A : f32 to vector<16xf32>
        %mul3A_1541 = arith.mulf %get3A_1539, %mul3A_1540 : vector<16xf32>
        %swap3A_1542 = arith.constant 1 : i32
        %swap3A_1543 = arith.index_cast %swap3A_1542 : i32 to index
        %swap3A_1544 = arith.index_cast %scan3A_1505 : i32 to index
        %swap3A_1545 = arith.constant 32 : index
        %swap3A_1546 = tpu.vector_load %arg11[%swap3A_1543, %swap3A_1544, %swap3A_1545] {strides = array<i32>} : memref<2x128x128xf32, #tpu.memory_space<vmem>>, vector<16xf32>,
        tpu.vector_store %arg11[%swap3A_1543, %swap3A_1544, %swap3A_1545], %mul3A_1541 {strides = array<i32>} : memref<2x128x128xf32, #tpu.memory_space<vmem>>, vector<16xf32>,
        %get3A_1547 = arith.constant 1 : i32
        %get3A_1548 = arith.index_cast %get3A_1547 : i32 to index
        %get3A_1549 = arith.index_cast %scan3A_1505 : i32 to index
        %get3A_1550 = arith.constant 48 : index
        %get3A_1551 = tpu.vector_load %arg11[%get3A_1548, %get3A_1549, %get3A_1550] {strides = array<i32>} : memref<2x128x128xf32, #tpu.memory_space<vmem>>, vector<16xf32>,
        %mul3A_1552 = vector.broadcast %squeeze3A : f32 to vector<16xf32>
        %mul3A_1553 = arith.mulf %get3A_1551, %mul3A_1552 : vector<16xf32>
        %swap3A_1554 = arith.constant 1 : i32
        %swap3A_1555 = arith.index_cast %swap3A_1554 : i32 to index
        %swap3A_1556 = arith.index_cast %scan3A_1505 : i32 to index
        %swap3A_1557 = arith.constant 48 : index
        %swap3A_1558 = tpu.vector_load %arg11[%swap3A_1555, %swap3A_1556, %swap3A_1557] {strides = array<i32>} : memref<2x128x128xf32, #tpu.memory_space<vmem>>, vector<16xf32>,
        tpu.vector_store %arg11[%swap3A_1555, %swap3A_1556, %swap3A_1557], %mul3A_1553 {strides = array<i32>} : memref<2x128x128xf32, #tpu.memory_space<vmem>>, vector<16xf32>,
        %get3A_1559 = arith.constant 1 : i32
        %get3A_1560 = arith.index_cast %get3A_1559 : i32 to index
        %get3A_1561 = arith.index_cast %scan3A_1505 : i32 to index
        %get3A_1562 = arith.constant 64 : index
        %get3A_1563 = tpu.vector_load %arg11[%get3A_1560, %get3A_1561, %get3A_1562] {strides = array<i32>} : memref<2x128x128xf32, #tpu.memory_space<vmem>>, vector<16xf32>,
        %mul3A_1564 = vector.broadcast %squeeze3A : f32 to vector<16xf32>
        %mul3A_1565 = arith.mulf %get3A_1563, %mul3A_1564 : vector<16xf32>
        %swap3A_1566 = arith.constant 1 : i32
        %swap3A_1567 = arith.index_cast %swap3A_1566 : i32 to index
        %swap3A_1568 = arith.index_cast %scan3A_1505 : i32 to index
        %swap3A_1569 = arith.constant 64 : index
        %swap3A_1570 = tpu.vector_load %arg11[%swap3A_1567, %swap3A_1568, %swap3A_1569] {strides = array<i32>} : memref<2x128x128xf32, #tpu.memory_space<vmem>>, vector<16xf32>,
        tpu.vector_store %arg11[%swap3A_1567, %swap3A_1568, %swap3A_1569], %mul3A_1565 {strides = array<i32>} : memref<2x128x128xf32, #tpu.memory_space<vmem>>, vector<16xf32>,
        %get3A_1571 = arith.constant 1 : i32
        %get3A_1572 = arith.index_cast %get3A_1571 : i32 to index
        %get3A_1573 = arith.index_cast %scan3A_1505 : i32 to index
        %get3A_1574 = arith.constant 80 : index
        %get3A_1575 = tpu.vector_load %arg11[%get3A_1572, %get3A_1573, %get3A_1574] {strides = array<i32>} : memref<2x128x128xf32, #tpu.memory_space<vmem>>, vector<16xf32>,
        %mul3A_1576 = vector.broadcast %squeeze3A : f32 to vector<16xf32>
        %mul3A_1577 = arith.mulf %get3A_1575, %mul3A_1576 : vector<16xf32>
        %swap3A_1578 = arith.constant 1 : i32
        %swap3A_1579 = arith.index_cast %swap3A_1578 : i32 to index
        %swap3A_1580 = arith.index_cast %scan3A_1505 : i32 to index
        %swap3A_1581 = arith.constant 80 : index
        %swap3A_1582 = tpu.vector_load %arg11[%swap3A_1579, %swap3A_1580, %swap3A_1581] {strides = array<i32>} : memref<2x128x128xf32, #tpu.memory_space<vmem>>, vector<16xf32>,
        tpu.vector_store %arg11[%swap3A_1579, %swap3A_1580, %swap3A_1581], %mul3A_1577 {strides = array<i32>} : memref<2x128x128xf32, #tpu.memory_space<vmem>>, vector<16xf32>,
        %get3A_1583 = arith.constant 1 : i32
        %get3A_1584 = arith.index_cast %get3A_1583 : i32 to index
        %get3A_1585 = arith.index_cast %scan3A_1505 : i32 to index
        %get3A_1586 = arith.constant 96 : index
        %get3A_1587 = tpu.vector_load %arg11[%get3A_1584, %get3A_1585, %get3A_1586] {strides = array<i32>} : memref<2x128x128xf32, #tpu.memory_space<vmem>>, vector<16xf32>,
        %mul3A_1588 = vector.broadcast %squeeze3A : f32 to vector<16xf32>
        %mul3A_1589 = arith.mulf %get3A_1587, %mul3A_1588 : vector<16xf32>
        %swap3A_1590 = arith.constant 1 : i32
        %swap3A_1591 = arith.index_cast %swap3A_1590 : i32 to index
        %swap3A_1592 = arith.index_cast %scan3A_1505 : i32 to index
        %swap3A_1593 = arith.constant 96 : index
        %swap3A_1594 = tpu.vector_load %arg11[%swap3A_1591, %swap3A_1592, %swap3A_1593] {strides = array<i32>} : memref<2x128x128xf32, #tpu.memory_space<vmem>>, vector<16xf32>,
        tpu.vector_store %arg11[%swap3A_1591, %swap3A_1592, %swap3A_1593], %mul3A_1589 {strides = array<i32>} : memref<2x128x128xf32, #tpu.memory_space<vmem>>, vector<16xf32>,
        %get3A_1595 = arith.constant 1 : i32
        %get3A_1596 = arith.index_cast %get3A_1595 : i32 to index
        %get3A_1597 = arith.index_cast %scan3A_1505 : i32 to index
        %get3A_1598 = arith.constant 112 : index
        %get3A_1599 = tpu.vector_load %arg11[%get3A_1596, %get3A_1597, %get3A_1598] {strides = array<i32>} : memref<2x128x128xf32, #tpu.memory_space<vmem>>, vector<16xf32>,
        %mul3A_1600 = vector.broadcast %squeeze3A : f32 to vector<16xf32>
        %mul3A_1601 = arith.mulf %get3A_1599, %mul3A_1600 : vector<16xf32>
        %swap3A_1602 = arith.constant 1 : i32
        %swap3A_1603 = arith.index_cast %swap3A_1602 : i32 to index
        %swap3A_1604 = arith.index_cast %scan3A_1505 : i32 to index
        %swap3A_1605 = arith.constant 112 : index
        %swap3A_1606 = tpu.vector_load %arg11[%swap3A_1603, %swap3A_1604, %swap3A_1605] {strides = array<i32>} : memref<2x128x128xf32, #tpu.memory_space<vmem>>, vector<16xf32>,
        tpu.vector_store %arg11[%swap3A_1603, %swap3A_1604, %swap3A_1605], %mul3A_1601 {strides = array<i32>} : memref<2x128x128xf32, #tpu.memory_space<vmem>>, vector<16xf32>,
        %scan3A_1607 = arith.constant 0 : i32
        scf.yield %scan3A_1607 : i32
      }
      %scan3A_821 = arith.constant 128 : i32
      %dma_start3A_822 = arith.constant 1 : i32
      %dma_start3A_823 = arith.constant 1 : i32
      %dma_start3A_824 = arith.constant 1 : i32
      %dma_start3A_825 = arith.constant 0 : i32
      %dma_start3A_826 = arith.constant 0 : i32
      %dma_start3A_827 = tpu.memref_slice %arg11[%dma_start3A_822, %dma_start3A_825, %dma_start3A_826] : memref<2x128x128xf32, #tpu.memory_space<vmem>> -> memref<1x128x128xf32, #tpu.memory_space<vmem>>
      %dma_start3A_828 = tpu.memref_squeeze %dma_start3A_827 : memref<1x128x128xf32, #tpu.memory_space<vmem>> -> memref<128x128xf32, #tpu.memory_space<vmem>>
      %dma_start3A_829 = arith.constant 0 : i32
      %dma_start3A_830 = tpu.memref_slice %arg9[%dma_start3A_823, %dma_start3A_829] : memref<4x128xi32, #tpu.memory_space<vmem>> -> memref<1x128xi32, #tpu.memory_space<vmem>>
      %dma_start3A_831 = tpu.memref_squeeze %dma_start3A_830 : memref<1x128xi32, #tpu.memory_space<vmem>> -> memref<128xi32, #tpu.memory_space<vmem>>
      %dma_start3A_832 = arith.constant 0 : i32
      %dma_start3A_833 = arith.constant 0 : i32
      %dma_start3A_834 = tpu.memref_slice %arg16[%dma_start3A_832, %dma_start3A_833] : memref<10240x128xf32, #tpu.memory_space<vmem_shared>> -> memref<10240x128xf32, #tpu.memory_space<vmem_shared>>
      %dma_start3A_835 = tpu.memref_slice %arg21[%dma_start3A_824] : memref<2x!tpu.dma_semaphore, #tpu.memory_space<semaphore_mem>> -> memref<1x!tpu.dma_semaphore, #tpu.memory_space<semaphore_mem>>
      %dma_start3A_836 = tpu.memref_squeeze %dma_start3A_835 : memref<1x!tpu.dma_semaphore, #tpu.memory_space<semaphore_mem>> -> memref<!tpu.dma_semaphore, #tpu.memory_space<semaphore_mem>>
      tpu.enqueue_indirect_dma source(%dma_start3A_828 : memref<128x128xf32, #tpu.memory_space<vmem>>) target(%dma_start3A_834 : memref<10240x128xf32, #tpu.memory_space<vmem_shared>>) offsets(%dma_start3A_831 : memref<128xi32, #tpu.memory_space<vmem>>) semaphore(%dma_start3A_836 : memref<!tpu.dma_semaphore, #tpu.memory_space<semaphore_mem>>) {add = true}
      %add3A_837 = arith.constant 2 : i32
      %add3A_838 = arith.addi %mul3A_93, %add3A_837 : i32
      %add3A_839 = arith.constant 1 : i32
      %add3A_840 = arith.addi %add3A_838, %add3A_839 : i32
      %mul3A_841 = arith.constant 128 : i32
      %mul3A_842 = arith.muli %add3A_840, %mul3A_841 : i32
      %add3A_843 = arith.addi %select_n3A_8, %mul3A_842 : i32
      %dma_start3A_844 = arith.constant 3 : i32
      %dma_start3A_845 = arith.constant 0 : i32
      %dma_start3A_846 = arith.constant 0 : i32
      %dma_start3A_847 = tpu.memref_slice %arg9[%dma_start3A_844, %dma_start3A_846] : memref<4x128xi32, #tpu.memory_space<vmem>> -> memref<1x128xi32, #tpu.memory_space<vmem>>
      %dma_start3A_848 = tpu.memref_squeeze %dma_start3A_847 : memref<1x128xi32, #tpu.memory_space<vmem>> -> memref<128xi32, #tpu.memory_space<vmem>>
      %dma_start3A_849 = tpu.memref_slice %arg5[%add3A_843] : memref<327680xi32, #tpu.memory_space<hbm>> -> memref<128xi32, #tpu.memory_space<hbm>>
      %dma_start3A_850 = tpu.memref_slice %arg18[%dma_start3A_845] : memref<2x!tpu.dma_semaphore, #tpu.memory_space<semaphore_mem>> -> memref<1x!tpu.dma_semaphore, #tpu.memory_space<semaphore_mem>>
      %dma_start3A_851 = tpu.memref_squeeze %dma_start3A_850 : memref<1x!tpu.dma_semaphore, #tpu.memory_space<semaphore_mem>> -> memref<!tpu.dma_semaphore, #tpu.memory_space<semaphore_mem>>
      %dma_start3A_852 = arith.constant 0 : i32
      %dma_start3A_853 = tpu.memref_slice %arg9[%dma_start3A_844, %dma_start3A_852] : memref<4x128xi32, #tpu.memory_space<vmem>> -> memref<1x128xi32, #tpu.memory_space<vmem>>
      %dma_start3A_854 = tpu.memref_squeeze %dma_start3A_853 : memref<1x128xi32, #tpu.memory_space<vmem>> -> memref<128xi32, #tpu.memory_space<vmem>>
      %dma_start3A_855 = tpu.memref_slice %arg5[%add3A_843] : memref<327680xi32, #tpu.memory_space<hbm>> -> memref<128xi32, #tpu.memory_space<hbm>>
      tpu.enqueue_dma source(%dma_start3A_855 : memref<128xi32, #tpu.memory_space<hbm>>) target(%dma_start3A_854 : memref<128xi32, #tpu.memory_space<vmem>>) target_semaphore(%dma_start3A_851 : memref<!tpu.dma_semaphore, #tpu.memory_space<semaphore_mem>>)
      %dma_start3A_856 = arith.constant 3 : i32
      %dma_start3A_857 = arith.constant 1 : i32
      %dma_start3A_858 = arith.constant 0 : i32
      %dma_start3A_859 = tpu.memref_slice %arg10[%dma_start3A_856, %dma_start3A_858] : memref<4x128xi32, #tpu.memory_space<vmem>> -> memref<1x128xi32, #tpu.memory_space<vmem>>
      %dma_start3A_860 = tpu.memref_squeeze %dma_start3A_859 : memref<1x128xi32, #tpu.memory_space<vmem>> -> memref<128xi32, #tpu.memory_space<vmem>>
      %dma_start3A_861 = tpu.memref_slice %arg6[%add3A_843] : memref<327680xi32, #tpu.memory_space<hbm>> -> memref<128xi32, #tpu.memory_space<hbm>>
      %dma_start3A_862 = tpu.memref_slice %arg18[%dma_start3A_857] : memref<2x!tpu.dma_semaphore, #tpu.memory_space<semaphore_mem>> -> memref<1x!tpu.dma_semaphore, #tpu.memory_space<semaphore_mem>>
      %dma_start3A_863 = tpu.memref_squeeze %dma_start3A_862 : memref<1x!tpu.dma_semaphore, #tpu.memory_space<semaphore_mem>> -> memref<!tpu.dma_semaphore, #tpu.memory_space<semaphore_mem>>
      %dma_start3A_864 = arith.constant 0 : i32
      %dma_start3A_865 = tpu.memref_slice %arg10[%dma_start3A_856, %dma_start3A_864] : memref<4x128xi32, #tpu.memory_space<vmem>> -> memref<1x128xi32, #tpu.memory_space<vmem>>
      %dma_start3A_866 = tpu.memref_squeeze %dma_start3A_865 : memref<1x128xi32, #tpu.memory_space<vmem>> -> memref<128xi32, #tpu.memory_space<vmem>>
      %dma_start3A_867 = tpu.memref_slice %arg6[%add3A_843] : memref<327680xi32, #tpu.memory_space<hbm>> -> memref<128xi32, #tpu.memory_space<hbm>>
      tpu.enqueue_dma source(%dma_start3A_867 : memref<128xi32, #tpu.memory_space<hbm>>) target(%dma_start3A_866 : memref<128xi32, #tpu.memory_space<vmem>>) target_semaphore(%dma_start3A_863 : memref<!tpu.dma_semaphore, #tpu.memory_space<semaphore_mem>>)
      %dma_wait3A_868 = arith.constant 2 : i32
      %dma_wait3A_869 = arith.constant 0 : i32
      %dma_wait3A_870 = arith.constant 0 : i32
      %dma_wait3A_871 = arith.constant 0 : i32
      %dma_wait3A_872 = tpu.memref_slice %arg12[%dma_wait3A_869, %dma_wait3A_871] : memref<2x128xf32, #tpu.memory_space<vmem>> -> memref<1x128xf32, #tpu.memory_space<vmem>>
      %dma_wait3A_873 = tpu.memref_squeeze %dma_wait3A_872 : memref<1x128xf32, #tpu.memory_space<vmem>> -> memref<128xf32, #tpu.memory_space<vmem>>
      %dma_wait3A_874 = arith.constant 0 : i32
      %dma_wait3A_875 = tpu.memref_slice %arg9[%dma_wait3A_868, %dma_wait3A_874] : memref<4x128xi32, #tpu.memory_space<vmem>> -> memref<1x128xi32, #tpu.memory_space<vmem>>
      %dma_wait3A_876 = tpu.memref_squeeze %dma_wait3A_875 : memref<1x128xi32, #tpu.memory_space<vmem>> -> memref<128xi32, #tpu.memory_space<vmem>>
      %dma_wait3A_877 = arith.constant 0 : i32
      %dma_wait3A_878 = tpu.memref_slice %arg3[%dma_wait3A_877] : memref<10240xf32, #tpu.memory_space<hbm>> -> memref<10240xf32, #tpu.memory_space<hbm>>
      %dma_wait3A_879 = tpu.memref_slice %arg19[%dma_wait3A_870] : memref<2x!tpu.dma_semaphore, #tpu.memory_space<semaphore_mem>> -> memref<1x!tpu.dma_semaphore, #tpu.memory_space<semaphore_mem>>
      %dma_wait3A_880 = tpu.memref_squeeze %dma_wait3A_879 : memref<1x!tpu.dma_semaphore, #tpu.memory_space<semaphore_mem>> -> memref<!tpu.dma_semaphore, #tpu.memory_space<semaphore_mem>>
      tpu.wait_indirect_dma semaphore(%dma_wait3A_880 : memref<!tpu.dma_semaphore, #tpu.memory_space<semaphore_mem>>) src(%dma_wait3A_878 : memref<10240xf32, #tpu.memory_space<hbm>>) dst(%dma_wait3A_873 : memref<128xf32, #tpu.memory_space<vmem>>)
      %dma_wait3A_881 = arith.constant 2 : i32
      %dma_wait3A_882 = arith.constant 0 : i32
      %dma_wait3A_883 = arith.constant 0 : i32
      %dma_wait3A_884 = arith.constant 0 : i32
      %dma_wait3A_885 = tpu.memref_slice %arg13[%dma_wait3A_882, %dma_wait3A_884] : memref<2x128xf32, #tpu.memory_space<vmem>> -> memref<1x128xf32, #tpu.memory_space<vmem>>
      %dma_wait3A_886 = tpu.memref_squeeze %dma_wait3A_885 : memref<1x128xf32, #tpu.memory_space<vmem>> -> memref<128xf32, #tpu.memory_space<vmem>>
      %dma_wait3A_887 = arith.constant 0 : i32
      %dma_wait3A_888 = tpu.memref_slice %arg10[%dma_wait3A_881, %dma_wait3A_887] : memref<4x128xi32, #tpu.memory_space<vmem>> -> memref<1x128xi32, #tpu.memory_space<vmem>>
      %dma_wait3A_889 = tpu.memref_squeeze %dma_wait3A_888 : memref<1x128xi32, #tpu.memory_space<vmem>> -> memref<128xi32, #tpu.memory_space<vmem>>
      %dma_wait3A_890 = arith.constant 0 : i32
      %dma_wait3A_891 = tpu.memref_slice %arg4[%dma_wait3A_890] : memref<10240xf32, #tpu.memory_space<hbm>> -> memref<10240xf32, #tpu.memory_space<hbm>>
      %dma_wait3A_892 = tpu.memref_slice %arg20[%dma_wait3A_883] : memref<2x!tpu.dma_semaphore, #tpu.memory_space<semaphore_mem>> -> memref<1x!tpu.dma_semaphore, #tpu.memory_space<semaphore_mem>>
      %dma_wait3A_893 = tpu.memref_squeeze %dma_wait3A_892 : memref<1x!tpu.dma_semaphore, #tpu.memory_space<semaphore_mem>> -> memref<!tpu.dma_semaphore, #tpu.memory_space<semaphore_mem>>
      tpu.wait_indirect_dma semaphore(%dma_wait3A_893 : memref<!tpu.dma_semaphore, #tpu.memory_space<semaphore_mem>>) src(%dma_wait3A_891 : memref<10240xf32, #tpu.memory_space<hbm>>) dst(%dma_wait3A_886 : memref<128xf32, #tpu.memory_space<vmem>>)
      %get3A_894 = arith.constant 0 : i32
      %get3A_895 = arith.index_cast %get3A_894 : i32 to index
      %get3A_896 = arith.constant 0 : index
      %get3A_897 = tpu.vector_load %arg12[%get3A_895, %get3A_896] {strides = array<i32>} : memref<2x128xf32, #tpu.memory_space<vmem>>, vector<16xf32>,
      %get3A_898 = arith.constant 0 : i32
      %get3A_899 = arith.index_cast %get3A_898 : i32 to index
      %get3A_900 = arith.constant 0 : index
      %get3A_901 = tpu.vector_load %arg13[%get3A_899, %get3A_900] {strides = array<i32>} : memref<2x128xf32, #tpu.memory_space<vmem>>, vector<16xf32>,
      %add3A_902 = arith.addf %get3A_897, %get3A_901 : vector<16xf32>
      %gt3A_903 = arith.constant 0.000000e+00 : f32
      %gt3A_904 = vector.broadcast %gt3A_903 : f32 to vector<16xf32>
      %gt3A_905 = arith.cmpf ogt, %add3A_902, %gt3A_904 : vector<16xf32>
      %mul3A_906 = arith.constant 2.000000e-01 : f32
      %mul3A_907 = vector.broadcast %mul3A_906 : f32 to vector<16xf32>
      %mul3A_908 = arith.mulf %mul3A_907, %add3A_902 : vector<16xf32>
      %select_n3A_909 = arith.select %gt3A_905, %add3A_902, %mul3A_908 : vector<16xi1>, vector<16xf32>
      %exp3A_910 = math.exp %select_n3A_909 : vector<16xf32>
      %swap3A_911 = arith.constant 0 : i32
      %swap3A_912 = arith.index_cast %swap3A_911 : i32 to index
      %swap3A_913 = arith.constant 0 : index
      %swap3A_914 = tpu.vector_load %arg14[%swap3A_912, %swap3A_913] {strides = array<i32>} : memref<2x144xf32, #tpu.memory_space<vmem>>, vector<16xf32>,
      tpu.vector_store %arg14[%swap3A_912, %swap3A_913], %exp3A_910 {strides = array<i32>} : memref<2x144xf32, #tpu.memory_space<vmem>>, vector<16xf32>,
      %get3A_915 = arith.constant 2 : i32
      %get3A_916 = arith.index_cast %get3A_915 : i32 to index
      %get3A_917 = arith.constant 0 : index
      %get3A_918 = tpu.vector_load %arg9[%get3A_916, %get3A_917] {strides = array<i32>} : memref<4x128xi32, #tpu.memory_space<vmem>>, vector<16xi32>,
      tpu.vector_store_idx %arg15[%get3A_918], %exp3A_910 {add = true} : memref<10240xf32, #tpu.memory_space<vmem>>[vector<16xi32>], vector<16xf32>,
      %get3A_919 = arith.constant 0 : i32
      %get3A_920 = arith.index_cast %get3A_919 : i32 to index
      %get3A_921 = arith.constant 16 : index
      %get3A_922 = tpu.vector_load %arg12[%get3A_920, %get3A_921] {strides = array<i32>} : memref<2x128xf32, #tpu.memory_space<vmem>>, vector<16xf32>,
      %get3A_923 = arith.constant 0 : i32
      %get3A_924 = arith.index_cast %get3A_923 : i32 to index
      %get3A_925 = arith.constant 16 : index
      %get3A_926 = tpu.vector_load %arg13[%get3A_924, %get3A_925] {strides = array<i32>} : memref<2x128xf32, #tpu.memory_space<vmem>>, vector<16xf32>,
      %add3A_927 = arith.addf %get3A_922, %get3A_926 : vector<16xf32>
      %gt3A_928 = arith.constant 0.000000e+00 : f32
      %gt3A_929 = vector.broadcast %gt3A_928 : f32 to vector<16xf32>
      %gt3A_930 = arith.cmpf ogt, %add3A_927, %gt3A_929 : vector<16xf32>
      %mul3A_931 = arith.constant 2.000000e-01 : f32
      %mul3A_932 = vector.broadcast %mul3A_931 : f32 to vector<16xf32>
      %mul3A_933 = arith.mulf %mul3A_932, %add3A_927 : vector<16xf32>
      %select_n3A_934 = arith.select %gt3A_930, %add3A_927, %mul3A_933 : vector<16xi1>, vector<16xf32>
      %exp3A_935 = math.exp %select_n3A_934 : vector<16xf32>
      %swap3A_936 = arith.constant 0 : i32
      %swap3A_937 = arith.index_cast %swap3A_936 : i32 to index
      %swap3A_938 = arith.constant 16 : index
      %swap3A_939 = tpu.vector_load %arg14[%swap3A_937, %swap3A_938] {strides = array<i32>} : memref<2x144xf32, #tpu.memory_space<vmem>>, vector<16xf32>,
      tpu.vector_store %arg14[%swap3A_937, %swap3A_938], %exp3A_935 {strides = array<i32>} : memref<2x144xf32, #tpu.memory_space<vmem>>, vector<16xf32>,
      %get3A_940 = arith.constant 2 : i32
      %get3A_941 = arith.index_cast %get3A_940 : i32 to index
      %get3A_942 = arith.constant 16 : index
      %get3A_943 = tpu.vector_load %arg9[%get3A_941, %get3A_942] {strides = array<i32>} : memref<4x128xi32, #tpu.memory_space<vmem>>, vector<16xi32>,
      tpu.vector_store_idx %arg15[%get3A_943], %exp3A_935 {add = true} : memref<10240xf32, #tpu.memory_space<vmem>>[vector<16xi32>], vector<16xf32>,
      %get3A_944 = arith.constant 0 : i32
      %get3A_945 = arith.index_cast %get3A_944 : i32 to index
      %get3A_946 = arith.constant 32 : index
      %get3A_947 = tpu.vector_load %arg12[%get3A_945, %get3A_946] {strides = array<i32>} : memref<2x128xf32, #tpu.memory_space<vmem>>, vector<16xf32>,
      %get3A_948 = arith.constant 0 : i32
      %get3A_949 = arith.index_cast %get3A_948 : i32 to index
      %get3A_950 = arith.constant 32 : index
      %get3A_951 = tpu.vector_load %arg13[%get3A_949, %get3A_950] {strides = array<i32>} : memref<2x128xf32, #tpu.memory_space<vmem>>, vector<16xf32>,
      %add3A_952 = arith.addf %get3A_947, %get3A_951 : vector<16xf32>
      %gt3A_953 = arith.constant 0.000000e+00 : f32
      %gt3A_954 = vector.broadcast %gt3A_953 : f32 to vector<16xf32>
      %gt3A_955 = arith.cmpf ogt, %add3A_952, %gt3A_954 : vector<16xf32>
      %mul3A_956 = arith.constant 2.000000e-01 : f32
      %mul3A_957 = vector.broadcast %mul3A_956 : f32 to vector<16xf32>
      %mul3A_958 = arith.mulf %mul3A_957, %add3A_952 : vector<16xf32>
      %select_n3A_959 = arith.select %gt3A_955, %add3A_952, %mul3A_958 : vector<16xi1>, vector<16xf32>
      %exp3A_960 = math.exp %select_n3A_959 : vector<16xf32>
      %swap3A_961 = arith.constant 0 : i32
      %swap3A_962 = arith.index_cast %swap3A_961 : i32 to index
      %swap3A_963 = arith.constant 32 : index
      %swap3A_964 = tpu.vector_load %arg14[%swap3A_962, %swap3A_963] {strides = array<i32>} : memref<2x144xf32, #tpu.memory_space<vmem>>, vector<16xf32>,
      tpu.vector_store %arg14[%swap3A_962, %swap3A_963], %exp3A_960 {strides = array<i32>} : memref<2x144xf32, #tpu.memory_space<vmem>>, vector<16xf32>,
      %get3A_965 = arith.constant 2 : i32
      %get3A_966 = arith.index_cast %get3A_965 : i32 to index
      %get3A_967 = arith.constant 32 : index
      %get3A_968 = tpu.vector_load %arg9[%get3A_966, %get3A_967] {strides = array<i32>} : memref<4x128xi32, #tpu.memory_space<vmem>>, vector<16xi32>,
      tpu.vector_store_idx %arg15[%get3A_968], %exp3A_960 {add = true} : memref<10240xf32, #tpu.memory_space<vmem>>[vector<16xi32>], vector<16xf32>,
      %get3A_969 = arith.constant 0 : i32
      %get3A_970 = arith.index_cast %get3A_969 : i32 to index
      %get3A_971 = arith.constant 48 : index
      %get3A_972 = tpu.vector_load %arg12[%get3A_970, %get3A_971] {strides = array<i32>} : memref<2x128xf32, #tpu.memory_space<vmem>>, vector<16xf32>,
      %get3A_973 = arith.constant 0 : i32
      %get3A_974 = arith.index_cast %get3A_973 : i32 to index
      %get3A_975 = arith.constant 48 : index
      %get3A_976 = tpu.vector_load %arg13[%get3A_974, %get3A_975] {strides = array<i32>} : memref<2x128xf32, #tpu.memory_space<vmem>>, vector<16xf32>,
      %add3A_977 = arith.addf %get3A_972, %get3A_976 : vector<16xf32>
      %gt3A_978 = arith.constant 0.000000e+00 : f32
      %gt3A_979 = vector.broadcast %gt3A_978 : f32 to vector<16xf32>
      %gt3A_980 = arith.cmpf ogt, %add3A_977, %gt3A_979 : vector<16xf32>
      %mul3A_981 = arith.constant 2.000000e-01 : f32
      %mul3A_982 = vector.broadcast %mul3A_981 : f32 to vector<16xf32>
      %mul3A_983 = arith.mulf %mul3A_982, %add3A_977 : vector<16xf32>
      %select_n3A_984 = arith.select %gt3A_980, %add3A_977, %mul3A_983 : vector<16xi1>, vector<16xf32>
      %exp3A_985 = math.exp %select_n3A_984 : vector<16xf32>
      %swap3A_986 = arith.constant 0 : i32
      %swap3A_987 = arith.index_cast %swap3A_986 : i32 to index
      %swap3A_988 = arith.constant 48 : index
      %swap3A_989 = tpu.vector_load %arg14[%swap3A_987, %swap3A_988] {strides = array<i32>} : memref<2x144xf32, #tpu.memory_space<vmem>>, vector<16xf32>,
      tpu.vector_store %arg14[%swap3A_987, %swap3A_988], %exp3A_985 {strides = array<i32>} : memref<2x144xf32, #tpu.memory_space<vmem>>, vector<16xf32>,
      %get3A_990 = arith.constant 2 : i32
      %get3A_991 = arith.index_cast %get3A_990 : i32 to index
      %get3A_992 = arith.constant 48 : index
      %get3A_993 = tpu.vector_load %arg9[%get3A_991, %get3A_992] {strides = array<i32>} : memref<4x128xi32, #tpu.memory_space<vmem>>, vector<16xi32>,
      tpu.vector_store_idx %arg15[%get3A_993], %exp3A_985 {add = true} : memref<10240xf32, #tpu.memory_space<vmem>>[vector<16xi32>], vector<16xf32>,
      %get3A_994 = arith.constant 0 : i32
      %get3A_995 = arith.index_cast %get3A_994 : i32 to index
      %get3A_996 = arith.constant 64 : index
      %get3A_997 = tpu.vector_load %arg12[%get3A_995, %get3A_996] {strides = array<i32>} : memref<2x128xf32, #tpu.memory_space<vmem>>, vector<16xf32>,
      %get3A_998 = arith.constant 0 : i32
      %get3A_999 = arith.index_cast %get3A_998 : i32 to index
      %get3A_1000 = arith.constant 64 : index
      %get3A_1001 = tpu.vector_load %arg13[%get3A_999, %get3A_1000] {strides = array<i32>} : memref<2x128xf32, #tpu.memory_space<vmem>>, vector<16xf32>,
      %add3A_1002 = arith.addf %get3A_997, %get3A_1001 : vector<16xf32>
      %gt3A_1003 = arith.constant 0.000000e+00 : f32
      %gt3A_1004 = vector.broadcast %gt3A_1003 : f32 to vector<16xf32>
      %gt3A_1005 = arith.cmpf ogt, %add3A_1002, %gt3A_1004 : vector<16xf32>
      %mul3A_1006 = arith.constant 2.000000e-01 : f32
      %mul3A_1007 = vector.broadcast %mul3A_1006 : f32 to vector<16xf32>
      %mul3A_1008 = arith.mulf %mul3A_1007, %add3A_1002 : vector<16xf32>
      %select_n3A_1009 = arith.select %gt3A_1005, %add3A_1002, %mul3A_1008 : vector<16xi1>, vector<16xf32>
      %exp3A_1010 = math.exp %select_n3A_1009 : vector<16xf32>
      %swap3A_1011 = arith.constant 0 : i32
      %swap3A_1012 = arith.index_cast %swap3A_1011 : i32 to index
      %swap3A_1013 = arith.constant 64 : index
      %swap3A_1014 = tpu.vector_load %arg14[%swap3A_1012, %swap3A_1013] {strides = array<i32>} : memref<2x144xf32, #tpu.memory_space<vmem>>, vector<16xf32>,
      tpu.vector_store %arg14[%swap3A_1012, %swap3A_1013], %exp3A_1010 {strides = array<i32>} : memref<2x144xf32, #tpu.memory_space<vmem>>, vector<16xf32>,
      %get3A_1015 = arith.constant 2 : i32
      %get3A_1016 = arith.index_cast %get3A_1015 : i32 to index
      %get3A_1017 = arith.constant 64 : index
      %get3A_1018 = tpu.vector_load %arg9[%get3A_1016, %get3A_1017] {strides = array<i32>} : memref<4x128xi32, #tpu.memory_space<vmem>>, vector<16xi32>,
      tpu.vector_store_idx %arg15[%get3A_1018], %exp3A_1010 {add = true} : memref<10240xf32, #tpu.memory_space<vmem>>[vector<16xi32>], vector<16xf32>,
      %get3A_1019 = arith.constant 0 : i32
      %get3A_1020 = arith.index_cast %get3A_1019 : i32 to index
      %get3A_1021 = arith.constant 80 : index
      %get3A_1022 = tpu.vector_load %arg12[%get3A_1020, %get3A_1021] {strides = array<i32>} : memref<2x128xf32, #tpu.memory_space<vmem>>, vector<16xf32>,
      %get3A_1023 = arith.constant 0 : i32
      %get3A_1024 = arith.index_cast %get3A_1023 : i32 to index
      %get3A_1025 = arith.constant 80 : index
      %get3A_1026 = tpu.vector_load %arg13[%get3A_1024, %get3A_1025] {strides = array<i32>} : memref<2x128xf32, #tpu.memory_space<vmem>>, vector<16xf32>,
      %add3A_1027 = arith.addf %get3A_1022, %get3A_1026 : vector<16xf32>
      %gt3A_1028 = arith.constant 0.000000e+00 : f32
      %gt3A_1029 = vector.broadcast %gt3A_1028 : f32 to vector<16xf32>
      %gt3A_1030 = arith.cmpf ogt, %add3A_1027, %gt3A_1029 : vector<16xf32>
      %mul3A_1031 = arith.constant 2.000000e-01 : f32
      %mul3A_1032 = vector.broadcast %mul3A_1031 : f32 to vector<16xf32>
      %mul3A_1033 = arith.mulf %mul3A_1032, %add3A_1027 : vector<16xf32>
      %select_n3A_1034 = arith.select %gt3A_1030, %add3A_1027, %mul3A_1033 : vector<16xi1>, vector<16xf32>
      %exp3A_1035 = math.exp %select_n3A_1034 : vector<16xf32>
      %swap3A_1036 = arith.constant 0 : i32
      %swap3A_1037 = arith.index_cast %swap3A_1036 : i32 to index
      %swap3A_1038 = arith.constant 80 : index
      %swap3A_1039 = tpu.vector_load %arg14[%swap3A_1037, %swap3A_1038] {strides = array<i32>} : memref<2x144xf32, #tpu.memory_space<vmem>>, vector<16xf32>,
      tpu.vector_store %arg14[%swap3A_1037, %swap3A_1038], %exp3A_1035 {strides = array<i32>} : memref<2x144xf32, #tpu.memory_space<vmem>>, vector<16xf32>,
      %get3A_1040 = arith.constant 2 : i32
      %get3A_1041 = arith.index_cast %get3A_1040 : i32 to index
      %get3A_1042 = arith.constant 80 : index
      %get3A_1043 = tpu.vector_load %arg9[%get3A_1041, %get3A_1042] {strides = array<i32>} : memref<4x128xi32, #tpu.memory_space<vmem>>, vector<16xi32>,
      tpu.vector_store_idx %arg15[%get3A_1043], %exp3A_1035 {add = true} : memref<10240xf32, #tpu.memory_space<vmem>>[vector<16xi32>], vector<16xf32>,
      %get3A_1044 = arith.constant 0 : i32
      %get3A_1045 = arith.index_cast %get3A_1044 : i32 to index
      %get3A_1046 = arith.constant 96 : index
      %get3A_1047 = tpu.vector_load %arg12[%get3A_1045, %get3A_1046] {strides = array<i32>} : memref<2x128xf32, #tpu.memory_space<vmem>>, vector<16xf32>,
      %get3A_1048 = arith.constant 0 : i32
      %get3A_1049 = arith.index_cast %get3A_1048 : i32 to index
      %get3A_1050 = arith.constant 96 : index
      %get3A_1051 = tpu.vector_load %arg13[%get3A_1049, %get3A_1050] {strides = array<i32>} : memref<2x128xf32, #tpu.memory_space<vmem>>, vector<16xf32>,
      %add3A_1052 = arith.addf %get3A_1047, %get3A_1051 : vector<16xf32>
      %gt3A_1053 = arith.constant 0.000000e+00 : f32
      %gt3A_1054 = vector.broadcast %gt3A_1053 : f32 to vector<16xf32>
      %gt3A_1055 = arith.cmpf ogt, %add3A_1052, %gt3A_1054 : vector<16xf32>
      %mul3A_1056 = arith.constant 2.000000e-01 : f32
      %mul3A_1057 = vector.broadcast %mul3A_1056 : f32 to vector<16xf32>
      %mul3A_1058 = arith.mulf %mul3A_1057, %add3A_1052 : vector<16xf32>
      %select_n3A_1059 = arith.select %gt3A_1055, %add3A_1052, %mul3A_1058 : vector<16xi1>, vector<16xf32>
      %exp3A_1060 = math.exp %select_n3A_1059 : vector<16xf32>
      %swap3A_1061 = arith.constant 0 : i32
      %swap3A_1062 = arith.index_cast %swap3A_1061 : i32 to index
      %swap3A_1063 = arith.constant 96 : index
      %swap3A_1064 = tpu.vector_load %arg14[%swap3A_1062, %swap3A_1063] {strides = array<i32>} : memref<2x144xf32, #tpu.memory_space<vmem>>, vector<16xf32>,
      tpu.vector_store %arg14[%swap3A_1062, %swap3A_1063], %exp3A_1060 {strides = array<i32>} : memref<2x144xf32, #tpu.memory_space<vmem>>, vector<16xf32>,
      %get3A_1065 = arith.constant 2 : i32
      %get3A_1066 = arith.index_cast %get3A_1065 : i32 to index
      %get3A_1067 = arith.constant 96 : index
      %get3A_1068 = tpu.vector_load %arg9[%get3A_1066, %get3A_1067] {strides = array<i32>} : memref<4x128xi32, #tpu.memory_space<vmem>>, vector<16xi32>,
      tpu.vector_store_idx %arg15[%get3A_1068], %exp3A_1060 {add = true} : memref<10240xf32, #tpu.memory_space<vmem>>[vector<16xi32>], vector<16xf32>,
      %get3A_1069 = arith.constant 0 : i32
      %get3A_1070 = arith.index_cast %get3A_1069 : i32 to index
      %get3A_1071 = arith.constant 112 : index
      %get3A_1072 = tpu.vector_load %arg12[%get3A_1070, %get3A_1071] {strides = array<i32>} : memref<2x128xf32, #tpu.memory_space<vmem>>, vector<16xf32>,
      %get3A_1073 = arith.constant 0 : i32
      %get3A_1074 = arith.index_cast %get3A_1073 : i32 to index
      %get3A_1075 = arith.constant 112 : index
      %get3A_1076 = tpu.vector_load %arg13[%get3A_1074, %get3A_1075] {strides = array<i32>} : memref<2x128xf32, #tpu.memory_space<vmem>>, vector<16xf32>,
      %add3A_1077 = arith.addf %get3A_1072, %get3A_1076 : vector<16xf32>
      %gt3A_1078 = arith.constant 0.000000e+00 : f32
      %gt3A_1079 = vector.broadcast %gt3A_1078 : f32 to vector<16xf32>
      %gt3A_1080 = arith.cmpf ogt, %add3A_1077, %gt3A_1079 : vector<16xf32>
      %mul3A_1081 = arith.constant 2.000000e-01 : f32
      %mul3A_1082 = vector.broadcast %mul3A_1081 : f32 to vector<16xf32>
      %mul3A_1083 = arith.mulf %mul3A_1082, %add3A_1077 : vector<16xf32>
      %select_n3A_1084 = arith.select %gt3A_1080, %add3A_1077, %mul3A_1083 : vector<16xi1>, vector<16xf32>
      %exp3A_1085 = math.exp %select_n3A_1084 : vector<16xf32>
      %swap3A_1086 = arith.constant 0 : i32
      %swap3A_1087 = arith.index_cast %swap3A_1086 : i32 to index
      %swap3A_1088 = arith.constant 112 : index
      %swap3A_1089 = tpu.vector_load %arg14[%swap3A_1087, %swap3A_1088] {strides = array<i32>} : memref<2x144xf32, #tpu.memory_space<vmem>>, vector<16xf32>,
      tpu.vector_store %arg14[%swap3A_1087, %swap3A_1088], %exp3A_1085 {strides = array<i32>} : memref<2x144xf32, #tpu.memory_space<vmem>>, vector<16xf32>,
      %get3A_1090 = arith.constant 2 : i32
      %get3A_1091 = arith.index_cast %get3A_1090 : i32 to index
      %get3A_1092 = arith.constant 112 : index
      %get3A_1093 = tpu.vector_load %arg9[%get3A_1091, %get3A_1092] {strides = array<i32>} : memref<4x128xi32, #tpu.memory_space<vmem>>, vector<16xi32>,
      tpu.vector_store_idx %arg15[%get3A_1093], %exp3A_1085 {add = true} : memref<10240xf32, #tpu.memory_space<vmem>>[vector<16xi32>], vector<16xf32>,
      %dma_wait3A_1094 = arith.constant 1 : i32
      %dma_wait3A_1095 = arith.constant 1 : i32
      %dma_wait3A_1096 = arith.constant 1 : i32
      %dma_wait3A_1097 = arith.constant 0 : i32
      %dma_wait3A_1098 = arith.constant 0 : i32
      %dma_wait3A_1099 = tpu.memref_slice %arg11[%dma_wait3A_1094, %dma_wait3A_1097, %dma_wait3A_1098] : memref<2x128x128xf32, #tpu.memory_space<vmem>> -> memref<1x128x128xf32, #tpu.memory_space<vmem>>
      %dma_wait3A_1100 = tpu.memref_squeeze %dma_wait3A_1099 : memref<1x128x128xf32, #tpu.memory_space<vmem>> -> memref<128x128xf32, #tpu.memory_space<vmem>>
      %dma_wait3A_1101 = arith.constant 0 : i32
      %dma_wait3A_1102 = tpu.memref_slice %arg9[%dma_wait3A_1095, %dma_wait3A_1101] : memref<4x128xi32, #tpu.memory_space<vmem>> -> memref<1x128xi32, #tpu.memory_space<vmem>>
      %dma_wait3A_1103 = tpu.memref_squeeze %dma_wait3A_1102 : memref<1x128xi32, #tpu.memory_space<vmem>> -> memref<128xi32, #tpu.memory_space<vmem>>
      %dma_wait3A_1104 = arith.constant 0 : i32
      %dma_wait3A_1105 = arith.constant 0 : i32
      %dma_wait3A_1106 = tpu.memref_slice %arg16[%dma_wait3A_1104, %dma_wait3A_1105] : memref<10240x128xf32, #tpu.memory_space<vmem_shared>> -> memref<10240x128xf32, #tpu.memory_space<vmem_shared>>
      %dma_wait3A_1107 = tpu.memref_slice %arg21[%dma_wait3A_1096] : memref<2x!tpu.dma_semaphore, #tpu.memory_space<semaphore_mem>> -> memref<1x!tpu.dma_semaphore, #tpu.memory_space<semaphore_mem>>
      %dma_wait3A_1108 = tpu.memref_squeeze %dma_wait3A_1107 : memref<1x!tpu.dma_semaphore, #tpu.memory_space<semaphore_mem>> -> memref<!tpu.dma_semaphore, #tpu.memory_space<semaphore_mem>>
      tpu.wait_indirect_dma semaphore(%dma_wait3A_1108 : memref<!tpu.dma_semaphore, #tpu.memory_space<semaphore_mem>>) src(%dma_wait3A_1100 : memref<128x128xf32, #tpu.memory_space<vmem>>) dst(%dma_wait3A_1106 : memref<10240x128xf32, #tpu.memory_space<vmem_shared>>)
      %add3A_1109 = arith.constant 1 : i32
      %add3A_1110 = arith.addi %add3A_838, %add3A_1109 : i32
      %mul3A_1111 = arith.constant 128 : i32
      %mul3A_1112 = arith.muli %add3A_1110, %mul3A_1111 : i32
      %add3A_1113 = arith.addi %select_n3A_8, %mul3A_1112 : i32
      %dma_wait3A_1114 = arith.constant 3 : i32
      %dma_wait3A_1115 = arith.constant 0 : i32
      %dma_wait3A_1116 = arith.constant 0 : i32
      %dma_wait3A_1117 = tpu.memref_slice %arg9[%dma_wait3A_1114, %dma_wait3A_1116] : memref<4x128xi32, #tpu.memory_space<vmem>> -> memref<1x128xi32, #tpu.memory_space<vmem>>
      %dma_wait3A_1118 = tpu.memref_squeeze %dma_wait3A_1117 : memref<1x128xi32, #tpu.memory_space<vmem>> -> memref<128xi32, #tpu.memory_space<vmem>>
      %dma_wait3A_1119 = tpu.memref_slice %arg5[%add3A_1113] : memref<327680xi32, #tpu.memory_space<hbm>> -> memref<128xi32, #tpu.memory_space<hbm>>
      %dma_wait3A_1120 = tpu.memref_slice %arg18[%dma_wait3A_1115] : memref<2x!tpu.dma_semaphore, #tpu.memory_space<semaphore_mem>> -> memref<1x!tpu.dma_semaphore, #tpu.memory_space<semaphore_mem>>
      %dma_wait3A_1121 = tpu.memref_squeeze %dma_wait3A_1120 : memref<1x!tpu.dma_semaphore, #tpu.memory_space<semaphore_mem>> -> memref<!tpu.dma_semaphore, #tpu.memory_space<semaphore_mem>>
      %dma_wait3A_1122 = arith.constant 0 : i32
      %dma_wait3A_1123 = tpu.memref_slice %arg9[%dma_wait3A_1114, %dma_wait3A_1122] : memref<4x128xi32, #tpu.memory_space<vmem>> -> memref<1x128xi32, #tpu.memory_space<vmem>>
      %dma_wait3A_1124 = tpu.memref_squeeze %dma_wait3A_1123 : memref<1x128xi32, #tpu.memory_space<vmem>> -> memref<128xi32, #tpu.memory_space<vmem>>
      %dma_wait3A_1125 = tpu.memref_slice %arg5[%add3A_1113] : memref<327680xi32, #tpu.memory_space<hbm>> -> memref<128xi32, #tpu.memory_space<hbm>>
      tpu.wait_dma2 semaphore(%dma_wait3A_1121 : memref<!tpu.dma_semaphore, #tpu.memory_space<semaphore_mem>>) src(%dma_wait3A_1125 : memref<128xi32, #tpu.memory_space<hbm>>) dst(%dma_wait3A_1124 : memref<128xi32, #tpu.memory_space<vmem>>)
      %dma_wait3A_1126 = arith.constant 3 : i32
      %dma_wait3A_1127 = arith.constant 1 : i32
      %dma_wait3A_1128 = arith.constant 0 : i32
      %dma_wait3A_1129 = tpu.memref_slice %arg10[%dma_wait3A_1126, %dma_wait3A_1128] : memref<4x128xi32, #tpu.memory_space<vmem>> -> memref<1x128xi32, #tpu.memory_space<vmem>>
      %dma_wait3A_1130 = tpu.memref_squeeze %dma_wait3A_1129 : memref<1x128xi32, #tpu.memory_space<vmem>> -> memref<128xi32, #tpu.memory_space<vmem>>
      %dma_wait3A_1131 = tpu.memref_slice %arg6[%add3A_1113] : memref<327680xi32, #tpu.memory_space<hbm>> -> memref<128xi32, #tpu.memory_space<hbm>>
      %dma_wait3A_1132 = tpu.memref_slice %arg18[%dma_wait3A_1127] : memref<2x!tpu.dma_semaphore, #tpu.memory_space<semaphore_mem>> -> memref<1x!tpu.dma_semaphore, #tpu.memory_space<semaphore_mem>>
      %dma_wait3A_1133 = tpu.memref_squeeze %dma_wait3A_1132 : memref<1x!tpu.dma_semaphore, #tpu.memory_space<semaphore_mem>> -> memref<!tpu.dma_semaphore, #tpu.memory_space<semaphore_mem>>
      %dma_wait3A_1134 = arith.constant 0 : i32
      %dma_wait3A_1135 = tpu.memref_slice %arg10[%dma_wait3A_1126, %dma_wait3A_1134] : memref<4x128xi32, #tpu.memory_space<vmem>> -> memref<1x128xi32, #tpu.memory_space<vmem>>
      %dma_wait3A_1136 = tpu.memref_squeeze %dma_wait3A_1135 : memref<1x128xi32, #tpu.memory_space<vmem>> -> memref<128xi32, #tpu.memory_space<vmem>>
      %dma_wait3A_1137 = tpu.memref_slice %arg6[%add3A_1113] : memref<327680xi32, #tpu.memory_space<hbm>> -> memref<128xi32, #tpu.memory_space<hbm>>
      tpu.wait_dma2 semaphore(%dma_wait3A_1133 : memref<!tpu.dma_semaphore, #tpu.memory_space<semaphore_mem>>) src(%dma_wait3A_1137 : memref<128xi32, #tpu.memory_space<hbm>>) dst(%dma_wait3A_1136 : memref<128xi32, #tpu.memory_space<vmem>>)
      %dma_start3A_1138 = arith.constant 3 : i32
      %dma_start3A_1139 = arith.constant 1 : i32
      %dma_start3A_1140 = arith.constant 1 : i32
      %dma_start3A_1141 = arith.constant 0 : i32
      %dma_start3A_1142 = arith.constant 0 : i32
      %dma_start3A_1143 = tpu.memref_slice %arg11[%dma_start3A_1139, %dma_start3A_1141, %dma_start3A_1142] : memref<2x128x128xf32, #tpu.memory_space<vmem>> -> memref<1x128x128xf32, #tpu.memory_space<vmem>>
      %dma_start3A_1144 = tpu.memref_squeeze %dma_start3A_1143 : memref<1x128x128xf32, #tpu.memory_space<vmem>> -> memref<128x128xf32, #tpu.memory_space<vmem>>
      %dma_start3A_1145 = arith.constant 0 : i32
      %dma_start3A_1146 = tpu.memref_slice %arg10[%dma_start3A_1138, %dma_start3A_1145] : memref<4x128xi32, #tpu.memory_space<vmem>> -> memref<1x128xi32, #tpu.memory_space<vmem>>
      %dma_start3A_1147 = tpu.memref_squeeze %dma_start3A_1146 : memref<1x128xi32, #tpu.memory_space<vmem>> -> memref<128xi32, #tpu.memory_space<vmem>>
      %dma_start3A_1148 = arith.constant 0 : i32
      %dma_start3A_1149 = arith.constant 0 : i32
      %dma_start3A_1150 = tpu.memref_slice %arg2[%dma_start3A_1148, %dma_start3A_1149] : memref<10240x128xf32, #tpu.memory_space<hbm>> -> memref<10240x128xf32, #tpu.memory_space<hbm>>
      %dma_start3A_1151 = tpu.memref_slice %arg17[%dma_start3A_1140] : memref<2x!tpu.dma_semaphore, #tpu.memory_space<semaphore_mem>> -> memref<1x!tpu.dma_semaphore, #tpu.memory_space<semaphore_mem>>
      %dma_start3A_1152 = tpu.memref_squeeze %dma_start3A_1151 : memref<1x!tpu.dma_semaphore, #tpu.memory_space<semaphore_mem>> -> memref<!tpu.dma_semaphore, #tpu.memory_space<semaphore_mem>>
      tpu.enqueue_indirect_dma source(%dma_start3A_1150 : memref<10240x128xf32, #tpu.memory_space<hbm>>) target(%dma_start3A_1144 : memref<128x128xf32, #tpu.memory_space<vmem>>) offsets(%dma_start3A_1147 : memref<128xi32, #tpu.memory_space<vmem>>) semaphore(%dma_start3A_1152 : memref<!tpu.dma_semaphore, #tpu.memory_space<semaphore_mem>>)
      %dma_start3A_1153 = arith.constant 3 : i32
      %dma_start3A_1154 = arith.constant 1 : i32
      %dma_start3A_1155 = arith.constant 1 : i32
      %dma_start3A_1156 = arith.constant 0 : i32
      %dma_start3A_1157 = tpu.memref_slice %arg12[%dma_start3A_1154, %dma_start3A_1156] : memref<2x128xf32, #tpu.memory_space<vmem>> -> memref<1x128xf32, #tpu.memory_space<vmem>>
      %dma_start3A_1158 = tpu.memref_squeeze %dma_start3A_1157 : memref<1x128xf32, #tpu.memory_space<vmem>> -> memref<128xf32, #tpu.memory_space<vmem>>
      %dma_start3A_1159 = arith.constant 0 : i32
      %dma_start3A_1160 = tpu.memref_slice %arg9[%dma_start3A_1153, %dma_start3A_1159] : memref<4x128xi32, #tpu.memory_space<vmem>> -> memref<1x128xi32, #tpu.memory_space<vmem>>
      %dma_start3A_1161 = tpu.memref_squeeze %dma_start3A_1160 : memref<1x128xi32, #tpu.memory_space<vmem>> -> memref<128xi32, #tpu.memory_space<vmem>>
      %dma_start3A_1162 = arith.constant 0 : i32
      %dma_start3A_1163 = tpu.memref_slice %arg3[%dma_start3A_1162] : memref<10240xf32, #tpu.memory_space<hbm>> -> memref<10240xf32, #tpu.memory_space<hbm>>
      %dma_start3A_1164 = tpu.memref_slice %arg19[%dma_start3A_1155] : memref<2x!tpu.dma_semaphore, #tpu.memory_space<semaphore_mem>> -> memref<1x!tpu.dma_semaphore, #tpu.memory_space<semaphore_mem>>
      %dma_start3A_1165 = tpu.memref_squeeze %dma_start3A_1164 : memref<1x!tpu.dma_semaphore, #tpu.memory_space<semaphore_mem>> -> memref<!tpu.dma_semaphore, #tpu.memory_space<semaphore_mem>>
      tpu.enqueue_indirect_dma source(%dma_start3A_1163 : memref<10240xf32, #tpu.memory_space<hbm>>) target(%dma_start3A_1158 : memref<128xf32, #tpu.memory_space<vmem>>) offsets(%dma_start3A_1161 : memref<128xi32, #tpu.memory_space<vmem>>) semaphore(%dma_start3A_1165 : memref<!tpu.dma_semaphore, #tpu.memory_space<semaphore_mem>>)
      %dma_start3A_1166 = arith.constant 3 : i32
      %dma_start3A_1167 = arith.constant 1 : i32
      %dma_start3A_1168 = arith.constant 1 : i32
      %dma_start3A_1169 = arith.constant 0 : i32
      %dma_start3A_1170 = tpu.memref_slice %arg13[%dma_start3A_1167, %dma_start3A_1169] : memref<2x128xf32, #tpu.memory_space<vmem>> -> memref<1x128xf32, #tpu.memory_space<vmem>>
      %dma_start3A_1171 = tpu.memref_squeeze %dma_start3A_1170 : memref<1x128xf32, #tpu.memory_space<vmem>> -> memref<128xf32, #tpu.memory_space<vmem>>
      %dma_start3A_1172 = arith.constant 0 : i32
      %dma_start3A_1173 = tpu.memref_slice %arg10[%dma_start3A_1166, %dma_start3A_1172] : memref<4x128xi32, #tpu.memory_space<vmem>> -> memref<1x128xi32, #tpu.memory_space<vmem>>
      %dma_start3A_1174 = tpu.memref_squeeze %dma_start3A_1173 : memref<1x128xi32, #tpu.memory_space<vmem>> -> memref<128xi32, #tpu.memory_space<vmem>>
      %dma_start3A_1175 = arith.constant 0 : i32
      %dma_start3A_1176 = tpu.memref_slice %arg4[%dma_start3A_1175] : memref<10240xf32, #tpu.memory_space<hbm>> -> memref<10240xf32, #tpu.memory_space<hbm>>
      %dma_start3A_1177 = tpu.memref_slice %arg20[%dma_start3A_1168] : memref<2x!tpu.dma_semaphore, #tpu.memory_space<semaphore_mem>> -> memref<1x!tpu.dma_semaphore, #tpu.memory_space<semaphore_mem>>
      %dma_start3A_1178 = tpu.memref_squeeze %dma_start3A_1177 : memref<1x!tpu.dma_semaphore, #tpu.memory_space<semaphore_mem>> -> memref<!tpu.dma_semaphore, #tpu.memory_space<semaphore_mem>>
      tpu.enqueue_indirect_dma source(%dma_start3A_1176 : memref<10240xf32, #tpu.memory_space<hbm>>) target(%dma_start3A_1171 : memref<128xf32, #tpu.memory_space<vmem>>) offsets(%dma_start3A_1174 : memref<128xi32, #tpu.memory_space<vmem>>) semaphore(%dma_start3A_1178 : memref<!tpu.dma_semaphore, #tpu.memory_space<semaphore_mem>>)
      %dma_wait3A_1179 = arith.constant 2 : i32
      %dma_wait3A_1180 = arith.constant 0 : i32
      %dma_wait3A_1181 = arith.constant 0 : i32
      %dma_wait3A_1182 = arith.constant 0 : i32
      %dma_wait3A_1183 = arith.constant 0 : i32
      %dma_wait3A_1184 = tpu.memref_slice %arg11[%dma_wait3A_1180, %dma_wait3A_1182, %dma_wait3A_1183] : memref<2x128x128xf32, #tpu.memory_space<vmem>> -> memref<1x128x128xf32, #tpu.memory_space<vmem>>
      %dma_wait3A_1185 = tpu.memref_squeeze %dma_wait3A_1184 : memref<1x128x128xf32, #tpu.memory_space<vmem>> -> memref<128x128xf32, #tpu.memory_space<vmem>>
      %dma_wait3A_1186 = arith.constant 0 : i32
      %dma_wait3A_1187 = tpu.memref_slice %arg10[%dma_wait3A_1179, %dma_wait3A_1186] : memref<4x128xi32, #tpu.memory_space<vmem>> -> memref<1x128xi32, #tpu.memory_space<vmem>>
      %dma_wait3A_1188 = tpu.memref_squeeze %dma_wait3A_1187 : memref<1x128xi32, #tpu.memory_space<vmem>> -> memref<128xi32, #tpu.memory_space<vmem>>
      %dma_wait3A_1189 = arith.constant 0 : i32
      %dma_wait3A_1190 = arith.constant 0 : i32
      %dma_wait3A_1191 = tpu.memref_slice %arg2[%dma_wait3A_1189, %dma_wait3A_1190] : memref<10240x128xf32, #tpu.memory_space<hbm>> -> memref<10240x128xf32, #tpu.memory_space<hbm>>
      %dma_wait3A_1192 = tpu.memref_slice %arg17[%dma_wait3A_1181] : memref<2x!tpu.dma_semaphore, #tpu.memory_space<semaphore_mem>> -> memref<1x!tpu.dma_semaphore, #tpu.memory_space<semaphore_mem>>
      %dma_wait3A_1193 = tpu.memref_squeeze %dma_wait3A_1192 : memref<1x!tpu.dma_semaphore, #tpu.memory_space<semaphore_mem>> -> memref<!tpu.dma_semaphore, #tpu.memory_space<semaphore_mem>>
      tpu.wait_indirect_dma semaphore(%dma_wait3A_1193 : memref<!tpu.dma_semaphore, #tpu.memory_space<semaphore_mem>>) src(%dma_wait3A_1191 : memref<10240x128xf32, #tpu.memory_space<hbm>>) dst(%dma_wait3A_1185 : memref<128x128xf32, #tpu.memory_space<vmem>>)
      %scan3A_1194 = arith.constant 0 : i32
      %scan3A_1195 = arith.constant 0 : i32
      %scan3A_1196 = arith.constant 128 : i32
      %scan3A_1197 = arith.addi %scan3A_1195, %scan3A_1196 : i32
      %scan3A_1198 = arith.constant 1 : i32
      %scan3A_1199 = scf.for %scan3A_1505 = %scan3A_1195 to %scan3A_1197 step %scan3A_1198 iter_args(%scan3A_1506 = %scan3A_1194) -> (i32)  : i32 {
        %get3A_1507 = arith.constant 0 : i32
        %get3A_1508 = arith.index_cast %get3A_1507 : i32 to index
        %get3A_1509 = arith.index_cast %scan3A_1505 : i32 to index
        %get3A_1510 = tpu.vector_load %arg14[%get3A_1508, %get3A_1509] {strides = array<i32>} : memref<2x144xf32, #tpu.memory_space<vmem>>, vector<16xf32>,
        %slice3A = vector.extract_strided_slice %get3A_1510 {offsets = [0], sizes = [1], strides = [1]} : vector<16xf32> to vector<1xf32>
        %squeeze3A = vector.extract %slice3A[0] : f32 from vector<1xf32>
        %get3A_1511 = arith.constant 0 : i32
        %get3A_1512 = arith.index_cast %get3A_1511 : i32 to index
        %get3A_1513 = arith.index_cast %scan3A_1505 : i32 to index
        %get3A_1514 = arith.constant 0 : index
        %get3A_1515 = tpu.vector_load %arg11[%get3A_1512, %get3A_1513, %get3A_1514] {strides = array<i32>} : memref<2x128x128xf32, #tpu.memory_space<vmem>>, vector<16xf32>,
        %mul3A_1516 = vector.broadcast %squeeze3A : f32 to vector<16xf32>
        %mul3A_1517 = arith.mulf %get3A_1515, %mul3A_1516 : vector<16xf32>
        %swap3A_1518 = arith.constant 0 : i32
        %swap3A_1519 = arith.index_cast %swap3A_1518 : i32 to index
        %swap3A_1520 = arith.index_cast %scan3A_1505 : i32 to index
        %swap3A_1521 = arith.constant 0 : index
        %swap3A_1522 = tpu.vector_load %arg11[%swap3A_1519, %swap3A_1520, %swap3A_1521] {strides = array<i32>} : memref<2x128x128xf32, #tpu.memory_space<vmem>>, vector<16xf32>,
        tpu.vector_store %arg11[%swap3A_1519, %swap3A_1520, %swap3A_1521], %mul3A_1517 {strides = array<i32>} : memref<2x128x128xf32, #tpu.memory_space<vmem>>, vector<16xf32>,
        %get3A_1523 = arith.constant 0 : i32
        %get3A_1524 = arith.index_cast %get3A_1523 : i32 to index
        %get3A_1525 = arith.index_cast %scan3A_1505 : i32 to index
        %get3A_1526 = arith.constant 16 : index
        %get3A_1527 = tpu.vector_load %arg11[%get3A_1524, %get3A_1525, %get3A_1526] {strides = array<i32>} : memref<2x128x128xf32, #tpu.memory_space<vmem>>, vector<16xf32>,
        %mul3A_1528 = vector.broadcast %squeeze3A : f32 to vector<16xf32>
        %mul3A_1529 = arith.mulf %get3A_1527, %mul3A_1528 : vector<16xf32>
        %swap3A_1530 = arith.constant 0 : i32
        %swap3A_1531 = arith.index_cast %swap3A_1530 : i32 to index
        %swap3A_1532 = arith.index_cast %scan3A_1505 : i32 to index
        %swap3A_1533 = arith.constant 16 : index
        %swap3A_1534 = tpu.vector_load %arg11[%swap3A_1531, %swap3A_1532, %swap3A_1533] {strides = array<i32>} : memref<2x128x128xf32, #tpu.memory_space<vmem>>, vector<16xf32>,
        tpu.vector_store %arg11[%swap3A_1531, %swap3A_1532, %swap3A_1533], %mul3A_1529 {strides = array<i32>} : memref<2x128x128xf32, #tpu.memory_space<vmem>>, vector<16xf32>,
        %get3A_1535 = arith.constant 0 : i32
        %get3A_1536 = arith.index_cast %get3A_1535 : i32 to index
        %get3A_1537 = arith.index_cast %scan3A_1505 : i32 to index
        %get3A_1538 = arith.constant 32 : index
        %get3A_1539 = tpu.vector_load %arg11[%get3A_1536, %get3A_1537, %get3A_1538] {strides = array<i32>} : memref<2x128x128xf32, #tpu.memory_space<vmem>>, vector<16xf32>,
        %mul3A_1540 = vector.broadcast %squeeze3A : f32 to vector<16xf32>
        %mul3A_1541 = arith.mulf %get3A_1539, %mul3A_1540 : vector<16xf32>
        %swap3A_1542 = arith.constant 0 : i32
        %swap3A_1543 = arith.index_cast %swap3A_1542 : i32 to index
        %swap3A_1544 = arith.index_cast %scan3A_1505 : i32 to index
        %swap3A_1545 = arith.constant 32 : index
        %swap3A_1546 = tpu.vector_load %arg11[%swap3A_1543, %swap3A_1544, %swap3A_1545] {strides = array<i32>} : memref<2x128x128xf32, #tpu.memory_space<vmem>>, vector<16xf32>,
        tpu.vector_store %arg11[%swap3A_1543, %swap3A_1544, %swap3A_1545], %mul3A_1541 {strides = array<i32>} : memref<2x128x128xf32, #tpu.memory_space<vmem>>, vector<16xf32>,
        %get3A_1547 = arith.constant 0 : i32
        %get3A_1548 = arith.index_cast %get3A_1547 : i32 to index
        %get3A_1549 = arith.index_cast %scan3A_1505 : i32 to index
        %get3A_1550 = arith.constant 48 : index
        %get3A_1551 = tpu.vector_load %arg11[%get3A_1548, %get3A_1549, %get3A_1550] {strides = array<i32>} : memref<2x128x128xf32, #tpu.memory_space<vmem>>, vector<16xf32>,
        %mul3A_1552 = vector.broadcast %squeeze3A : f32 to vector<16xf32>
        %mul3A_1553 = arith.mulf %get3A_1551, %mul3A_1552 : vector<16xf32>
        %swap3A_1554 = arith.constant 0 : i32
        %swap3A_1555 = arith.index_cast %swap3A_1554 : i32 to index
        %swap3A_1556 = arith.index_cast %scan3A_1505 : i32 to index
        %swap3A_1557 = arith.constant 48 : index
        %swap3A_1558 = tpu.vector_load %arg11[%swap3A_1555, %swap3A_1556, %swap3A_1557] {strides = array<i32>} : memref<2x128x128xf32, #tpu.memory_space<vmem>>, vector<16xf32>,
        tpu.vector_store %arg11[%swap3A_1555, %swap3A_1556, %swap3A_1557], %mul3A_1553 {strides = array<i32>} : memref<2x128x128xf32, #tpu.memory_space<vmem>>, vector<16xf32>,
        %get3A_1559 = arith.constant 0 : i32
        %get3A_1560 = arith.index_cast %get3A_1559 : i32 to index
        %get3A_1561 = arith.index_cast %scan3A_1505 : i32 to index
        %get3A_1562 = arith.constant 64 : index
        %get3A_1563 = tpu.vector_load %arg11[%get3A_1560, %get3A_1561, %get3A_1562] {strides = array<i32>} : memref<2x128x128xf32, #tpu.memory_space<vmem>>, vector<16xf32>,
        %mul3A_1564 = vector.broadcast %squeeze3A : f32 to vector<16xf32>
        %mul3A_1565 = arith.mulf %get3A_1563, %mul3A_1564 : vector<16xf32>
        %swap3A_1566 = arith.constant 0 : i32
        %swap3A_1567 = arith.index_cast %swap3A_1566 : i32 to index
        %swap3A_1568 = arith.index_cast %scan3A_1505 : i32 to index
        %swap3A_1569 = arith.constant 64 : index
        %swap3A_1570 = tpu.vector_load %arg11[%swap3A_1567, %swap3A_1568, %swap3A_1569] {strides = array<i32>} : memref<2x128x128xf32, #tpu.memory_space<vmem>>, vector<16xf32>,
        tpu.vector_store %arg11[%swap3A_1567, %swap3A_1568, %swap3A_1569], %mul3A_1565 {strides = array<i32>} : memref<2x128x128xf32, #tpu.memory_space<vmem>>, vector<16xf32>,
        %get3A_1571 = arith.constant 0 : i32
        %get3A_1572 = arith.index_cast %get3A_1571 : i32 to index
        %get3A_1573 = arith.index_cast %scan3A_1505 : i32 to index
        %get3A_1574 = arith.constant 80 : index
        %get3A_1575 = tpu.vector_load %arg11[%get3A_1572, %get3A_1573, %get3A_1574] {strides = array<i32>} : memref<2x128x128xf32, #tpu.memory_space<vmem>>, vector<16xf32>,
        %mul3A_1576 = vector.broadcast %squeeze3A : f32 to vector<16xf32>
        %mul3A_1577 = arith.mulf %get3A_1575, %mul3A_1576 : vector<16xf32>
        %swap3A_1578 = arith.constant 0 : i32
        %swap3A_1579 = arith.index_cast %swap3A_1578 : i32 to index
        %swap3A_1580 = arith.index_cast %scan3A_1505 : i32 to index
        %swap3A_1581 = arith.constant 80 : index
        %swap3A_1582 = tpu.vector_load %arg11[%swap3A_1579, %swap3A_1580, %swap3A_1581] {strides = array<i32>} : memref<2x128x128xf32, #tpu.memory_space<vmem>>, vector<16xf32>,
        tpu.vector_store %arg11[%swap3A_1579, %swap3A_1580, %swap3A_1581], %mul3A_1577 {strides = array<i32>} : memref<2x128x128xf32, #tpu.memory_space<vmem>>, vector<16xf32>,
        %get3A_1583 = arith.constant 0 : i32
        %get3A_1584 = arith.index_cast %get3A_1583 : i32 to index
        %get3A_1585 = arith.index_cast %scan3A_1505 : i32 to index
        %get3A_1586 = arith.constant 96 : index
        %get3A_1587 = tpu.vector_load %arg11[%get3A_1584, %get3A_1585, %get3A_1586] {strides = array<i32>} : memref<2x128x128xf32, #tpu.memory_space<vmem>>, vector<16xf32>,
        %mul3A_1588 = vector.broadcast %squeeze3A : f32 to vector<16xf32>
        %mul3A_1589 = arith.mulf %get3A_1587, %mul3A_1588 : vector<16xf32>
        %swap3A_1590 = arith.constant 0 : i32
        %swap3A_1591 = arith.index_cast %swap3A_1590 : i32 to index
        %swap3A_1592 = arith.index_cast %scan3A_1505 : i32 to index
        %swap3A_1593 = arith.constant 96 : index
        %swap3A_1594 = tpu.vector_load %arg11[%swap3A_1591, %swap3A_1592, %swap3A_1593] {strides = array<i32>} : memref<2x128x128xf32, #tpu.memory_space<vmem>>, vector<16xf32>,
        tpu.vector_store %arg11[%swap3A_1591, %swap3A_1592, %swap3A_1593], %mul3A_1589 {strides = array<i32>} : memref<2x128x128xf32, #tpu.memory_space<vmem>>, vector<16xf32>,
        %get3A_1595 = arith.constant 0 : i32
        %get3A_1596 = arith.index_cast %get3A_1595 : i32 to index
        %get3A_1597 = arith.index_cast %scan3A_1505 : i32 to index
        %get3A_1598 = arith.constant 112 : index
        %get3A_1599 = tpu.vector_load %arg11[%get3A_1596, %get3A_1597, %get3A_1598] {strides = array<i32>} : memref<2x128x128xf32, #tpu.memory_space<vmem>>, vector<16xf32>,
        %mul3A_1600 = vector.broadcast %squeeze3A : f32 to vector<16xf32>
        %mul3A_1601 = arith.mulf %get3A_1599, %mul3A_1600 : vector<16xf32>
        %swap3A_1602 = arith.constant 0 : i32
        %swap3A_1603 = arith.index_cast %swap3A_1602 : i32 to index
        %swap3A_1604 = arith.index_cast %scan3A_1505 : i32 to index
        %swap3A_1605 = arith.constant 112 : index
        %swap3A_1606 = tpu.vector_load %arg11[%swap3A_1603, %swap3A_1604, %swap3A_1605] {strides = array<i32>} : memref<2x128x128xf32, #tpu.memory_space<vmem>>, vector<16xf32>,
        tpu.vector_store %arg11[%swap3A_1603, %swap3A_1604, %swap3A_1605], %mul3A_1601 {strides = array<i32>} : memref<2x128x128xf32, #tpu.memory_space<vmem>>, vector<16xf32>,
        %scan3A_1607 = arith.constant 0 : i32
        scf.yield %scan3A_1607 : i32
      }
      %scan3A_1200 = arith.constant 128 : i32
      %dma_start3A_1201 = arith.constant 0 : i32
      %dma_start3A_1202 = arith.constant 2 : i32
      %dma_start3A_1203 = arith.constant 0 : i32
      %dma_start3A_1204 = arith.constant 0 : i32
      %dma_start3A_1205 = arith.constant 0 : i32
      %dma_start3A_1206 = tpu.memref_slice %arg11[%dma_start3A_1201, %dma_start3A_1204, %dma_start3A_1205] : memref<2x128x128xf32, #tpu.memory_space<vmem>> -> memref<1x128x128xf32, #tpu.memory_space<vmem>>
      %dma_start3A_1207 = tpu.memref_squeeze %dma_start3A_1206 : memref<1x128x128xf32, #tpu.memory_space<vmem>> -> memref<128x128xf32, #tpu.memory_space<vmem>>
      %dma_start3A_1208 = arith.constant 0 : i32
      %dma_start3A_1209 = tpu.memref_slice %arg9[%dma_start3A_1202, %dma_start3A_1208] : memref<4x128xi32, #tpu.memory_space<vmem>> -> memref<1x128xi32, #tpu.memory_space<vmem>>
      %dma_start3A_1210 = tpu.memref_squeeze %dma_start3A_1209 : memref<1x128xi32, #tpu.memory_space<vmem>> -> memref<128xi32, #tpu.memory_space<vmem>>
      %dma_start3A_1211 = arith.constant 0 : i32
      %dma_start3A_1212 = arith.constant 0 : i32
      %dma_start3A_1213 = tpu.memref_slice %arg16[%dma_start3A_1211, %dma_start3A_1212] : memref<10240x128xf32, #tpu.memory_space<vmem_shared>> -> memref<10240x128xf32, #tpu.memory_space<vmem_shared>>
      %dma_start3A_1214 = tpu.memref_slice %arg21[%dma_start3A_1203] : memref<2x!tpu.dma_semaphore, #tpu.memory_space<semaphore_mem>> -> memref<1x!tpu.dma_semaphore, #tpu.memory_space<semaphore_mem>>
      %dma_start3A_1215 = tpu.memref_squeeze %dma_start3A_1214 : memref<1x!tpu.dma_semaphore, #tpu.memory_space<semaphore_mem>> -> memref<!tpu.dma_semaphore, #tpu.memory_space<semaphore_mem>>
      tpu.enqueue_indirect_dma source(%dma_start3A_1207 : memref<128x128xf32, #tpu.memory_space<vmem>>) target(%dma_start3A_1213 : memref<10240x128xf32, #tpu.memory_space<vmem_shared>>) offsets(%dma_start3A_1210 : memref<128xi32, #tpu.memory_space<vmem>>) semaphore(%dma_start3A_1215 : memref<!tpu.dma_semaphore, #tpu.memory_space<semaphore_mem>>) {add = true}
      %add3A_1216 = arith.constant 3 : i32
      %add3A_1217 = arith.addi %mul3A_93, %add3A_1216 : i32
      %sub3A_1218 = arith.constant 1 : i32
      %sub3A_1219 = arith.subi %select_n3A_65, %sub3A_1218 : i32
      %lt3A = arith.cmpi slt, %while3A_90, %sub3A_1219 : i32
      %convert_element_type3A_1220 = arith.extui %lt3A : i1 to i32
      %cond3A_1221 = arith.constant 0 : i32
      %cond3A_1222 = arith.cmpi ne, %convert_element_type3A_1220, %cond3A_1221 : i32
      scf.if %cond3A_1222 {
        %add3A_1505 = arith.constant 1 : i32
        %add3A_1506 = arith.addi %add3A_1217, %add3A_1505 : i32
        %mul3A_1507 = arith.constant 128 : i32
        %mul3A_1508 = arith.muli %add3A_1506, %mul3A_1507 : i32
        %add3A_1509 = arith.addi %select_n3A_8, %mul3A_1508 : i32
        %dma_start3A_1510 = arith.constant 0 : i32
        %dma_start3A_1511 = arith.constant 0 : i32
        %dma_start3A_1512 = arith.constant 0 : i32
        %dma_start3A_1513 = tpu.memref_slice %arg9[%dma_start3A_1510, %dma_start3A_1512] : memref<4x128xi32, #tpu.memory_space<vmem>> -> memref<1x128xi32, #tpu.memory_space<vmem>>
        %dma_start3A_1514 = tpu.memref_squeeze %dma_start3A_1513 : memref<1x128xi32, #tpu.memory_space<vmem>> -> memref<128xi32, #tpu.memory_space<vmem>>
        %dma_start3A_1515 = tpu.memref_slice %arg5[%add3A_1509] : memref<327680xi32, #tpu.memory_space<hbm>> -> memref<128xi32, #tpu.memory_space<hbm>>
        %dma_start3A_1516 = tpu.memref_slice %arg18[%dma_start3A_1511] : memref<2x!tpu.dma_semaphore, #tpu.memory_space<semaphore_mem>> -> memref<1x!tpu.dma_semaphore, #tpu.memory_space<semaphore_mem>>
        %dma_start3A_1517 = tpu.memref_squeeze %dma_start3A_1516 : memref<1x!tpu.dma_semaphore, #tpu.memory_space<semaphore_mem>> -> memref<!tpu.dma_semaphore, #tpu.memory_space<semaphore_mem>>
        %dma_start3A_1518 = arith.constant 0 : i32
        %dma_start3A_1519 = tpu.memref_slice %arg9[%dma_start3A_1510, %dma_start3A_1518] : memref<4x128xi32, #tpu.memory_space<vmem>> -> memref<1x128xi32, #tpu.memory_space<vmem>>
        %dma_start3A_1520 = tpu.memref_squeeze %dma_start3A_1519 : memref<1x128xi32, #tpu.memory_space<vmem>> -> memref<128xi32, #tpu.memory_space<vmem>>
        %dma_start3A_1521 = tpu.memref_slice %arg5[%add3A_1509] : memref<327680xi32, #tpu.memory_space<hbm>> -> memref<128xi32, #tpu.memory_space<hbm>>
        tpu.enqueue_dma source(%dma_start3A_1521 : memref<128xi32, #tpu.memory_space<hbm>>) target(%dma_start3A_1520 : memref<128xi32, #tpu.memory_space<vmem>>) target_semaphore(%dma_start3A_1517 : memref<!tpu.dma_semaphore, #tpu.memory_space<semaphore_mem>>)
        %dma_start3A_1522 = arith.constant 0 : i32
        %dma_start3A_1523 = arith.constant 1 : i32
        %dma_start3A_1524 = arith.constant 0 : i32
        %dma_start3A_1525 = tpu.memref_slice %arg10[%dma_start3A_1522, %dma_start3A_1524] : memref<4x128xi32, #tpu.memory_space<vmem>> -> memref<1x128xi32, #tpu.memory_space<vmem>>
        %dma_start3A_1526 = tpu.memref_squeeze %dma_start3A_1525 : memref<1x128xi32, #tpu.memory_space<vmem>> -> memref<128xi32, #tpu.memory_space<vmem>>
        %dma_start3A_1527 = tpu.memref_slice %arg6[%add3A_1509] : memref<327680xi32, #tpu.memory_space<hbm>> -> memref<128xi32, #tpu.memory_space<hbm>>
        %dma_start3A_1528 = tpu.memref_slice %arg18[%dma_start3A_1523] : memref<2x!tpu.dma_semaphore, #tpu.memory_space<semaphore_mem>> -> memref<1x!tpu.dma_semaphore, #tpu.memory_space<semaphore_mem>>
        %dma_start3A_1529 = tpu.memref_squeeze %dma_start3A_1528 : memref<1x!tpu.dma_semaphore, #tpu.memory_space<semaphore_mem>> -> memref<!tpu.dma_semaphore, #tpu.memory_space<semaphore_mem>>
        %dma_start3A_1530 = arith.constant 0 : i32
        %dma_start3A_1531 = tpu.memref_slice %arg10[%dma_start3A_1522, %dma_start3A_1530] : memref<4x128xi32, #tpu.memory_space<vmem>> -> memref<1x128xi32, #tpu.memory_space<vmem>>
        %dma_start3A_1532 = tpu.memref_squeeze %dma_start3A_1531 : memref<1x128xi32, #tpu.memory_space<vmem>> -> memref<128xi32, #tpu.memory_space<vmem>>
        %dma_start3A_1533 = tpu.memref_slice %arg6[%add3A_1509] : memref<327680xi32, #tpu.memory_space<hbm>> -> memref<128xi32, #tpu.memory_space<hbm>>
        tpu.enqueue_dma source(%dma_start3A_1533 : memref<128xi32, #tpu.memory_space<hbm>>) target(%dma_start3A_1532 : memref<128xi32, #tpu.memory_space<vmem>>) target_semaphore(%dma_start3A_1529 : memref<!tpu.dma_semaphore, #tpu.memory_space<semaphore_mem>>)
      } else {
      }
      %dma_wait3A_1223 = arith.constant 3 : i32
      %dma_wait3A_1224 = arith.constant 1 : i32
      %dma_wait3A_1225 = arith.constant 1 : i32
      %dma_wait3A_1226 = arith.constant 0 : i32
      %dma_wait3A_1227 = tpu.memref_slice %arg12[%dma_wait3A_1224, %dma_wait3A_1226] : memref<2x128xf32, #tpu.memory_space<vmem>> -> memref<1x128xf32, #tpu.memory_space<vmem>>
      %dma_wait3A_1228 = tpu.memref_squeeze %dma_wait3A_1227 : memref<1x128xf32, #tpu.memory_space<vmem>> -> memref<128xf32, #tpu.memory_space<vmem>>
      %dma_wait3A_1229 = arith.constant 0 : i32
      %dma_wait3A_1230 = tpu.memref_slice %arg9[%dma_wait3A_1223, %dma_wait3A_1229] : memref<4x128xi32, #tpu.memory_space<vmem>> -> memref<1x128xi32, #tpu.memory_space<vmem>>
      %dma_wait3A_1231 = tpu.memref_squeeze %dma_wait3A_1230 : memref<1x128xi32, #tpu.memory_space<vmem>> -> memref<128xi32, #tpu.memory_space<vmem>>
      %dma_wait3A_1232 = arith.constant 0 : i32
      %dma_wait3A_1233 = tpu.memref_slice %arg3[%dma_wait3A_1232] : memref<10240xf32, #tpu.memory_space<hbm>> -> memref<10240xf32, #tpu.memory_space<hbm>>
      %dma_wait3A_1234 = tpu.memref_slice %arg19[%dma_wait3A_1225] : memref<2x!tpu.dma_semaphore, #tpu.memory_space<semaphore_mem>> -> memref<1x!tpu.dma_semaphore, #tpu.memory_space<semaphore_mem>>
      %dma_wait3A_1235 = tpu.memref_squeeze %dma_wait3A_1234 : memref<1x!tpu.dma_semaphore, #tpu.memory_space<semaphore_mem>> -> memref<!tpu.dma_semaphore, #tpu.memory_space<semaphore_mem>>
      tpu.wait_indirect_dma semaphore(%dma_wait3A_1235 : memref<!tpu.dma_semaphore, #tpu.memory_space<semaphore_mem>>) src(%dma_wait3A_1233 : memref<10240xf32, #tpu.memory_space<hbm>>) dst(%dma_wait3A_1228 : memref<128xf32, #tpu.memory_space<vmem>>)
      %dma_wait3A_1236 = arith.constant 3 : i32
      %dma_wait3A_1237 = arith.constant 1 : i32
      %dma_wait3A_1238 = arith.constant 1 : i32
      %dma_wait3A_1239 = arith.constant 0 : i32
      %dma_wait3A_1240 = tpu.memref_slice %arg13[%dma_wait3A_1237, %dma_wait3A_1239] : memref<2x128xf32, #tpu.memory_space<vmem>> -> memref<1x128xf32, #tpu.memory_space<vmem>>
      %dma_wait3A_1241 = tpu.memref_squeeze %dma_wait3A_1240 : memref<1x128xf32, #tpu.memory_space<vmem>> -> memref<128xf32, #tpu.memory_space<vmem>>
      %dma_wait3A_1242 = arith.constant 0 : i32
      %dma_wait3A_1243 = tpu.memref_slice %arg10[%dma_wait3A_1236, %dma_wait3A_1242] : memref<4x128xi32, #tpu.memory_space<vmem>> -> memref<1x128xi32, #tpu.memory_space<vmem>>
      %dma_wait3A_1244 = tpu.memref_squeeze %dma_wait3A_1243 : memref<1x128xi32, #tpu.memory_space<vmem>> -> memref<128xi32, #tpu.memory_space<vmem>>
      %dma_wait3A_1245 = arith.constant 0 : i32
      %dma_wait3A_1246 = tpu.memref_slice %arg4[%dma_wait3A_1245] : memref<10240xf32, #tpu.memory_space<hbm>> -> memref<10240xf32, #tpu.memory_space<hbm>>
      %dma_wait3A_1247 = tpu.memref_slice %arg20[%dma_wait3A_1238] : memref<2x!tpu.dma_semaphore, #tpu.memory_space<semaphore_mem>> -> memref<1x!tpu.dma_semaphore, #tpu.memory_space<semaphore_mem>>
      %dma_wait3A_1248 = tpu.memref_squeeze %dma_wait3A_1247 : memref<1x!tpu.dma_semaphore, #tpu.memory_space<semaphore_mem>> -> memref<!tpu.dma_semaphore, #tpu.memory_space<semaphore_mem>>
      tpu.wait_indirect_dma semaphore(%dma_wait3A_1248 : memref<!tpu.dma_semaphore, #tpu.memory_space<semaphore_mem>>) src(%dma_wait3A_1246 : memref<10240xf32, #tpu.memory_space<hbm>>) dst(%dma_wait3A_1241 : memref<128xf32, #tpu.memory_space<vmem>>)
      %get3A_1249 = arith.constant 1 : i32
      %get3A_1250 = arith.index_cast %get3A_1249 : i32 to index
      %get3A_1251 = arith.constant 0 : index
      %get3A_1252 = tpu.vector_load %arg12[%get3A_1250, %get3A_1251] {strides = array<i32>} : memref<2x128xf32, #tpu.memory_space<vmem>>, vector<16xf32>,
      %get3A_1253 = arith.constant 1 : i32
      %get3A_1254 = arith.index_cast %get3A_1253 : i32 to index
      %get3A_1255 = arith.constant 0 : index
      %get3A_1256 = tpu.vector_load %arg13[%get3A_1254, %get3A_1255] {strides = array<i32>} : memref<2x128xf32, #tpu.memory_space<vmem>>, vector<16xf32>,
      %add3A_1257 = arith.addf %get3A_1252, %get3A_1256 : vector<16xf32>
      %gt3A_1258 = arith.constant 0.000000e+00 : f32
      %gt3A_1259 = vector.broadcast %gt3A_1258 : f32 to vector<16xf32>
      %gt3A_1260 = arith.cmpf ogt, %add3A_1257, %gt3A_1259 : vector<16xf32>
      %mul3A_1261 = arith.constant 2.000000e-01 : f32
      %mul3A_1262 = vector.broadcast %mul3A_1261 : f32 to vector<16xf32>
      %mul3A_1263 = arith.mulf %mul3A_1262, %add3A_1257 : vector<16xf32>
      %select_n3A_1264 = arith.select %gt3A_1260, %add3A_1257, %mul3A_1263 : vector<16xi1>, vector<16xf32>
      %exp3A_1265 = math.exp %select_n3A_1264 : vector<16xf32>
      %swap3A_1266 = arith.constant 1 : i32
      %swap3A_1267 = arith.index_cast %swap3A_1266 : i32 to index
      %swap3A_1268 = arith.constant 0 : index
      %swap3A_1269 = tpu.vector_load %arg14[%swap3A_1267, %swap3A_1268] {strides = array<i32>} : memref<2x144xf32, #tpu.memory_space<vmem>>, vector<16xf32>,
      tpu.vector_store %arg14[%swap3A_1267, %swap3A_1268], %exp3A_1265 {strides = array<i32>} : memref<2x144xf32, #tpu.memory_space<vmem>>, vector<16xf32>,
      %get3A_1270 = arith.constant 3 : i32
      %get3A_1271 = arith.index_cast %get3A_1270 : i32 to index
      %get3A_1272 = arith.constant 0 : index
      %get3A_1273 = tpu.vector_load %arg9[%get3A_1271, %get3A_1272] {strides = array<i32>} : memref<4x128xi32, #tpu.memory_space<vmem>>, vector<16xi32>,
      tpu.vector_store_idx %arg15[%get3A_1273], %exp3A_1265 {add = true} : memref<10240xf32, #tpu.memory_space<vmem>>[vector<16xi32>], vector<16xf32>,
      %get3A_1274 = arith.constant 1 : i32
      %get3A_1275 = arith.index_cast %get3A_1274 : i32 to index
      %get3A_1276 = arith.constant 16 : index
      %get3A_1277 = tpu.vector_load %arg12[%get3A_1275, %get3A_1276] {strides = array<i32>} : memref<2x128xf32, #tpu.memory_space<vmem>>, vector<16xf32>,
      %get3A_1278 = arith.constant 1 : i32
      %get3A_1279 = arith.index_cast %get3A_1278 : i32 to index
      %get3A_1280 = arith.constant 16 : index
      %get3A_1281 = tpu.vector_load %arg13[%get3A_1279, %get3A_1280] {strides = array<i32>} : memref<2x128xf32, #tpu.memory_space<vmem>>, vector<16xf32>,
      %add3A_1282 = arith.addf %get3A_1277, %get3A_1281 : vector<16xf32>
      %gt3A_1283 = arith.constant 0.000000e+00 : f32
      %gt3A_1284 = vector.broadcast %gt3A_1283 : f32 to vector<16xf32>
      %gt3A_1285 = arith.cmpf ogt, %add3A_1282, %gt3A_1284 : vector<16xf32>
      %mul3A_1286 = arith.constant 2.000000e-01 : f32
      %mul3A_1287 = vector.broadcast %mul3A_1286 : f32 to vector<16xf32>
      %mul3A_1288 = arith.mulf %mul3A_1287, %add3A_1282 : vector<16xf32>
      %select_n3A_1289 = arith.select %gt3A_1285, %add3A_1282, %mul3A_1288 : vector<16xi1>, vector<16xf32>
      %exp3A_1290 = math.exp %select_n3A_1289 : vector<16xf32>
      %swap3A_1291 = arith.constant 1 : i32
      %swap3A_1292 = arith.index_cast %swap3A_1291 : i32 to index
      %swap3A_1293 = arith.constant 16 : index
      %swap3A_1294 = tpu.vector_load %arg14[%swap3A_1292, %swap3A_1293] {strides = array<i32>} : memref<2x144xf32, #tpu.memory_space<vmem>>, vector<16xf32>,
      tpu.vector_store %arg14[%swap3A_1292, %swap3A_1293], %exp3A_1290 {strides = array<i32>} : memref<2x144xf32, #tpu.memory_space<vmem>>, vector<16xf32>,
      %get3A_1295 = arith.constant 3 : i32
      %get3A_1296 = arith.index_cast %get3A_1295 : i32 to index
      %get3A_1297 = arith.constant 16 : index
      %get3A_1298 = tpu.vector_load %arg9[%get3A_1296, %get3A_1297] {strides = array<i32>} : memref<4x128xi32, #tpu.memory_space<vmem>>, vector<16xi32>,
      tpu.vector_store_idx %arg15[%get3A_1298], %exp3A_1290 {add = true} : memref<10240xf32, #tpu.memory_space<vmem>>[vector<16xi32>], vector<16xf32>,
      %get3A_1299 = arith.constant 1 : i32
      %get3A_1300 = arith.index_cast %get3A_1299 : i32 to index
      %get3A_1301 = arith.constant 32 : index
      %get3A_1302 = tpu.vector_load %arg12[%get3A_1300, %get3A_1301] {strides = array<i32>} : memref<2x128xf32, #tpu.memory_space<vmem>>, vector<16xf32>,
      %get3A_1303 = arith.constant 1 : i32
      %get3A_1304 = arith.index_cast %get3A_1303 : i32 to index
      %get3A_1305 = arith.constant 32 : index
      %get3A_1306 = tpu.vector_load %arg13[%get3A_1304, %get3A_1305] {strides = array<i32>} : memref<2x128xf32, #tpu.memory_space<vmem>>, vector<16xf32>,
      %add3A_1307 = arith.addf %get3A_1302, %get3A_1306 : vector<16xf32>
      %gt3A_1308 = arith.constant 0.000000e+00 : f32
      %gt3A_1309 = vector.broadcast %gt3A_1308 : f32 to vector<16xf32>
      %gt3A_1310 = arith.cmpf ogt, %add3A_1307, %gt3A_1309 : vector<16xf32>
      %mul3A_1311 = arith.constant 2.000000e-01 : f32
      %mul3A_1312 = vector.broadcast %mul3A_1311 : f32 to vector<16xf32>
      %mul3A_1313 = arith.mulf %mul3A_1312, %add3A_1307 : vector<16xf32>
      %select_n3A_1314 = arith.select %gt3A_1310, %add3A_1307, %mul3A_1313 : vector<16xi1>, vector<16xf32>
      %exp3A_1315 = math.exp %select_n3A_1314 : vector<16xf32>
      %swap3A_1316 = arith.constant 1 : i32
      %swap3A_1317 = arith.index_cast %swap3A_1316 : i32 to index
      %swap3A_1318 = arith.constant 32 : index
      %swap3A_1319 = tpu.vector_load %arg14[%swap3A_1317, %swap3A_1318] {strides = array<i32>} : memref<2x144xf32, #tpu.memory_space<vmem>>, vector<16xf32>,
      tpu.vector_store %arg14[%swap3A_1317, %swap3A_1318], %exp3A_1315 {strides = array<i32>} : memref<2x144xf32, #tpu.memory_space<vmem>>, vector<16xf32>,
      %get3A_1320 = arith.constant 3 : i32
      %get3A_1321 = arith.index_cast %get3A_1320 : i32 to index
      %get3A_1322 = arith.constant 32 : index
      %get3A_1323 = tpu.vector_load %arg9[%get3A_1321, %get3A_1322] {strides = array<i32>} : memref<4x128xi32, #tpu.memory_space<vmem>>, vector<16xi32>,
      tpu.vector_store_idx %arg15[%get3A_1323], %exp3A_1315 {add = true} : memref<10240xf32, #tpu.memory_space<vmem>>[vector<16xi32>], vector<16xf32>,
      %get3A_1324 = arith.constant 1 : i32
      %get3A_1325 = arith.index_cast %get3A_1324 : i32 to index
      %get3A_1326 = arith.constant 48 : index
      %get3A_1327 = tpu.vector_load %arg12[%get3A_1325, %get3A_1326] {strides = array<i32>} : memref<2x128xf32, #tpu.memory_space<vmem>>, vector<16xf32>,
      %get3A_1328 = arith.constant 1 : i32
      %get3A_1329 = arith.index_cast %get3A_1328 : i32 to index
      %get3A_1330 = arith.constant 48 : index
      %get3A_1331 = tpu.vector_load %arg13[%get3A_1329, %get3A_1330] {strides = array<i32>} : memref<2x128xf32, #tpu.memory_space<vmem>>, vector<16xf32>,
      %add3A_1332 = arith.addf %get3A_1327, %get3A_1331 : vector<16xf32>
      %gt3A_1333 = arith.constant 0.000000e+00 : f32
      %gt3A_1334 = vector.broadcast %gt3A_1333 : f32 to vector<16xf32>
      %gt3A_1335 = arith.cmpf ogt, %add3A_1332, %gt3A_1334 : vector<16xf32>
      %mul3A_1336 = arith.constant 2.000000e-01 : f32
      %mul3A_1337 = vector.broadcast %mul3A_1336 : f32 to vector<16xf32>
      %mul3A_1338 = arith.mulf %mul3A_1337, %add3A_1332 : vector<16xf32>
      %select_n3A_1339 = arith.select %gt3A_1335, %add3A_1332, %mul3A_1338 : vector<16xi1>, vector<16xf32>
      %exp3A_1340 = math.exp %select_n3A_1339 : vector<16xf32>
      %swap3A_1341 = arith.constant 1 : i32
      %swap3A_1342 = arith.index_cast %swap3A_1341 : i32 to index
      %swap3A_1343 = arith.constant 48 : index
      %swap3A_1344 = tpu.vector_load %arg14[%swap3A_1342, %swap3A_1343] {strides = array<i32>} : memref<2x144xf32, #tpu.memory_space<vmem>>, vector<16xf32>,
      tpu.vector_store %arg14[%swap3A_1342, %swap3A_1343], %exp3A_1340 {strides = array<i32>} : memref<2x144xf32, #tpu.memory_space<vmem>>, vector<16xf32>,
      %get3A_1345 = arith.constant 3 : i32
      %get3A_1346 = arith.index_cast %get3A_1345 : i32 to index
      %get3A_1347 = arith.constant 48 : index
      %get3A_1348 = tpu.vector_load %arg9[%get3A_1346, %get3A_1347] {strides = array<i32>} : memref<4x128xi32, #tpu.memory_space<vmem>>, vector<16xi32>,
      tpu.vector_store_idx %arg15[%get3A_1348], %exp3A_1340 {add = true} : memref<10240xf32, #tpu.memory_space<vmem>>[vector<16xi32>], vector<16xf32>,
      %get3A_1349 = arith.constant 1 : i32
      %get3A_1350 = arith.index_cast %get3A_1349 : i32 to index
      %get3A_1351 = arith.constant 64 : index
      %get3A_1352 = tpu.vector_load %arg12[%get3A_1350, %get3A_1351] {strides = array<i32>} : memref<2x128xf32, #tpu.memory_space<vmem>>, vector<16xf32>,
      %get3A_1353 = arith.constant 1 : i32
      %get3A_1354 = arith.index_cast %get3A_1353 : i32 to index
      %get3A_1355 = arith.constant 64 : index
      %get3A_1356 = tpu.vector_load %arg13[%get3A_1354, %get3A_1355] {strides = array<i32>} : memref<2x128xf32, #tpu.memory_space<vmem>>, vector<16xf32>,
      %add3A_1357 = arith.addf %get3A_1352, %get3A_1356 : vector<16xf32>
      %gt3A_1358 = arith.constant 0.000000e+00 : f32
      %gt3A_1359 = vector.broadcast %gt3A_1358 : f32 to vector<16xf32>
      %gt3A_1360 = arith.cmpf ogt, %add3A_1357, %gt3A_1359 : vector<16xf32>
      %mul3A_1361 = arith.constant 2.000000e-01 : f32
      %mul3A_1362 = vector.broadcast %mul3A_1361 : f32 to vector<16xf32>
      %mul3A_1363 = arith.mulf %mul3A_1362, %add3A_1357 : vector<16xf32>
      %select_n3A_1364 = arith.select %gt3A_1360, %add3A_1357, %mul3A_1363 : vector<16xi1>, vector<16xf32>
      %exp3A_1365 = math.exp %select_n3A_1364 : vector<16xf32>
      %swap3A_1366 = arith.constant 1 : i32
      %swap3A_1367 = arith.index_cast %swap3A_1366 : i32 to index
      %swap3A_1368 = arith.constant 64 : index
      %swap3A_1369 = tpu.vector_load %arg14[%swap3A_1367, %swap3A_1368] {strides = array<i32>} : memref<2x144xf32, #tpu.memory_space<vmem>>, vector<16xf32>,
      tpu.vector_store %arg14[%swap3A_1367, %swap3A_1368], %exp3A_1365 {strides = array<i32>} : memref<2x144xf32, #tpu.memory_space<vmem>>, vector<16xf32>,
      %get3A_1370 = arith.constant 3 : i32
      %get3A_1371 = arith.index_cast %get3A_1370 : i32 to index
      %get3A_1372 = arith.constant 64 : index
      %get3A_1373 = tpu.vector_load %arg9[%get3A_1371, %get3A_1372] {strides = array<i32>} : memref<4x128xi32, #tpu.memory_space<vmem>>, vector<16xi32>,
      tpu.vector_store_idx %arg15[%get3A_1373], %exp3A_1365 {add = true} : memref<10240xf32, #tpu.memory_space<vmem>>[vector<16xi32>], vector<16xf32>,
      %get3A_1374 = arith.constant 1 : i32
      %get3A_1375 = arith.index_cast %get3A_1374 : i32 to index
      %get3A_1376 = arith.constant 80 : index
      %get3A_1377 = tpu.vector_load %arg12[%get3A_1375, %get3A_1376] {strides = array<i32>} : memref<2x128xf32, #tpu.memory_space<vmem>>, vector<16xf32>,
      %get3A_1378 = arith.constant 1 : i32
      %get3A_1379 = arith.index_cast %get3A_1378 : i32 to index
      %get3A_1380 = arith.constant 80 : index
      %get3A_1381 = tpu.vector_load %arg13[%get3A_1379, %get3A_1380] {strides = array<i32>} : memref<2x128xf32, #tpu.memory_space<vmem>>, vector<16xf32>,
      %add3A_1382 = arith.addf %get3A_1377, %get3A_1381 : vector<16xf32>
      %gt3A_1383 = arith.constant 0.000000e+00 : f32
      %gt3A_1384 = vector.broadcast %gt3A_1383 : f32 to vector<16xf32>
      %gt3A_1385 = arith.cmpf ogt, %add3A_1382, %gt3A_1384 : vector<16xf32>
      %mul3A_1386 = arith.constant 2.000000e-01 : f32
      %mul3A_1387 = vector.broadcast %mul3A_1386 : f32 to vector<16xf32>
      %mul3A_1388 = arith.mulf %mul3A_1387, %add3A_1382 : vector<16xf32>
      %select_n3A_1389 = arith.select %gt3A_1385, %add3A_1382, %mul3A_1388 : vector<16xi1>, vector<16xf32>
      %exp3A_1390 = math.exp %select_n3A_1389 : vector<16xf32>
      %swap3A_1391 = arith.constant 1 : i32
      %swap3A_1392 = arith.index_cast %swap3A_1391 : i32 to index
      %swap3A_1393 = arith.constant 80 : index
      %swap3A_1394 = tpu.vector_load %arg14[%swap3A_1392, %swap3A_1393] {strides = array<i32>} : memref<2x144xf32, #tpu.memory_space<vmem>>, vector<16xf32>,
      tpu.vector_store %arg14[%swap3A_1392, %swap3A_1393], %exp3A_1390 {strides = array<i32>} : memref<2x144xf32, #tpu.memory_space<vmem>>, vector<16xf32>,
      %get3A_1395 = arith.constant 3 : i32
      %get3A_1396 = arith.index_cast %get3A_1395 : i32 to index
      %get3A_1397 = arith.constant 80 : index
      %get3A_1398 = tpu.vector_load %arg9[%get3A_1396, %get3A_1397] {strides = array<i32>} : memref<4x128xi32, #tpu.memory_space<vmem>>, vector<16xi32>,
      tpu.vector_store_idx %arg15[%get3A_1398], %exp3A_1390 {add = true} : memref<10240xf32, #tpu.memory_space<vmem>>[vector<16xi32>], vector<16xf32>,
      %get3A_1399 = arith.constant 1 : i32
      %get3A_1400 = arith.index_cast %get3A_1399 : i32 to index
      %get3A_1401 = arith.constant 96 : index
      %get3A_1402 = tpu.vector_load %arg12[%get3A_1400, %get3A_1401] {strides = array<i32>} : memref<2x128xf32, #tpu.memory_space<vmem>>, vector<16xf32>,
      %get3A_1403 = arith.constant 1 : i32
      %get3A_1404 = arith.index_cast %get3A_1403 : i32 to index
      %get3A_1405 = arith.constant 96 : index
      %get3A_1406 = tpu.vector_load %arg13[%get3A_1404, %get3A_1405] {strides = array<i32>} : memref<2x128xf32, #tpu.memory_space<vmem>>, vector<16xf32>,
      %add3A_1407 = arith.addf %get3A_1402, %get3A_1406 : vector<16xf32>
      %gt3A_1408 = arith.constant 0.000000e+00 : f32
      %gt3A_1409 = vector.broadcast %gt3A_1408 : f32 to vector<16xf32>
      %gt3A_1410 = arith.cmpf ogt, %add3A_1407, %gt3A_1409 : vector<16xf32>
      %mul3A_1411 = arith.constant 2.000000e-01 : f32
      %mul3A_1412 = vector.broadcast %mul3A_1411 : f32 to vector<16xf32>
      %mul3A_1413 = arith.mulf %mul3A_1412, %add3A_1407 : vector<16xf32>
      %select_n3A_1414 = arith.select %gt3A_1410, %add3A_1407, %mul3A_1413 : vector<16xi1>, vector<16xf32>
      %exp3A_1415 = math.exp %select_n3A_1414 : vector<16xf32>
      %swap3A_1416 = arith.constant 1 : i32
      %swap3A_1417 = arith.index_cast %swap3A_1416 : i32 to index
      %swap3A_1418 = arith.constant 96 : index
      %swap3A_1419 = tpu.vector_load %arg14[%swap3A_1417, %swap3A_1418] {strides = array<i32>} : memref<2x144xf32, #tpu.memory_space<vmem>>, vector<16xf32>,
      tpu.vector_store %arg14[%swap3A_1417, %swap3A_1418], %exp3A_1415 {strides = array<i32>} : memref<2x144xf32, #tpu.memory_space<vmem>>, vector<16xf32>,
      %get3A_1420 = arith.constant 3 : i32
      %get3A_1421 = arith.index_cast %get3A_1420 : i32 to index
      %get3A_1422 = arith.constant 96 : index
      %get3A_1423 = tpu.vector_load %arg9[%get3A_1421, %get3A_1422] {strides = array<i32>} : memref<4x128xi32, #tpu.memory_space<vmem>>, vector<16xi32>,
      tpu.vector_store_idx %arg15[%get3A_1423], %exp3A_1415 {add = true} : memref<10240xf32, #tpu.memory_space<vmem>>[vector<16xi32>], vector<16xf32>,
      %get3A_1424 = arith.constant 1 : i32
      %get3A_1425 = arith.index_cast %get3A_1424 : i32 to index
      %get3A_1426 = arith.constant 112 : index
      %get3A_1427 = tpu.vector_load %arg12[%get3A_1425, %get3A_1426] {strides = array<i32>} : memref<2x128xf32, #tpu.memory_space<vmem>>, vector<16xf32>,
      %get3A_1428 = arith.constant 1 : i32
      %get3A_1429 = arith.index_cast %get3A_1428 : i32 to index
      %get3A_1430 = arith.constant 112 : index
      %get3A_1431 = tpu.vector_load %arg13[%get3A_1429, %get3A_1430] {strides = array<i32>} : memref<2x128xf32, #tpu.memory_space<vmem>>, vector<16xf32>,
      %add3A_1432 = arith.addf %get3A_1427, %get3A_1431 : vector<16xf32>
      %gt3A_1433 = arith.constant 0.000000e+00 : f32
      %gt3A_1434 = vector.broadcast %gt3A_1433 : f32 to vector<16xf32>
      %gt3A_1435 = arith.cmpf ogt, %add3A_1432, %gt3A_1434 : vector<16xf32>
      %mul3A_1436 = arith.constant 2.000000e-01 : f32
      %mul3A_1437 = vector.broadcast %mul3A_1436 : f32 to vector<16xf32>
      %mul3A_1438 = arith.mulf %mul3A_1437, %add3A_1432 : vector<16xf32>
      %select_n3A_1439 = arith.select %gt3A_1435, %add3A_1432, %mul3A_1438 : vector<16xi1>, vector<16xf32>
      %exp3A_1440 = math.exp %select_n3A_1439 : vector<16xf32>
      %swap3A_1441 = arith.constant 1 : i32
      %swap3A_1442 = arith.index_cast %swap3A_1441 : i32 to index
      %swap3A_1443 = arith.constant 112 : index
      %swap3A_1444 = tpu.vector_load %arg14[%swap3A_1442, %swap3A_1443] {strides = array<i32>} : memref<2x144xf32, #tpu.memory_space<vmem>>, vector<16xf32>,
      tpu.vector_store %arg14[%swap3A_1442, %swap3A_1443], %exp3A_1440 {strides = array<i32>} : memref<2x144xf32, #tpu.memory_space<vmem>>, vector<16xf32>,
      %get3A_1445 = arith.constant 3 : i32
      %get3A_1446 = arith.index_cast %get3A_1445 : i32 to index
      %get3A_1447 = arith.constant 112 : index
      %get3A_1448 = tpu.vector_load %arg9[%get3A_1446, %get3A_1447] {strides = array<i32>} : memref<4x128xi32, #tpu.memory_space<vmem>>, vector<16xi32>,
      tpu.vector_store_idx %arg15[%get3A_1448], %exp3A_1440 {add = true} : memref<10240xf32, #tpu.memory_space<vmem>>[vector<16xi32>], vector<16xf32>,
      %dma_wait3A_1449 = arith.constant 0 : i32
      %dma_wait3A_1450 = arith.constant 2 : i32
      %dma_wait3A_1451 = arith.constant 0 : i32
      %dma_wait3A_1452 = arith.constant 0 : i32
      %dma_wait3A_1453 = arith.constant 0 : i32
      %dma_wait3A_1454 = tpu.memref_slice %arg11[%dma_wait3A_1449, %dma_wait3A_1452, %dma_wait3A_1453] : memref<2x128x128xf32, #tpu.memory_space<vmem>> -> memref<1x128x128xf32, #tpu.memory_space<vmem>>
      %dma_wait3A_1455 = tpu.memref_squeeze %dma_wait3A_1454 : memref<1x128x128xf32, #tpu.memory_space<vmem>> -> memref<128x128xf32, #tpu.memory_space<vmem>>
      %dma_wait3A_1456 = arith.constant 0 : i32
      %dma_wait3A_1457 = tpu.memref_slice %arg9[%dma_wait3A_1450, %dma_wait3A_1456] : memref<4x128xi32, #tpu.memory_space<vmem>> -> memref<1x128xi32, #tpu.memory_space<vmem>>
      %dma_wait3A_1458 = tpu.memref_squeeze %dma_wait3A_1457 : memref<1x128xi32, #tpu.memory_space<vmem>> -> memref<128xi32, #tpu.memory_space<vmem>>
      %dma_wait3A_1459 = arith.constant 0 : i32
      %dma_wait3A_1460 = arith.constant 0 : i32
      %dma_wait3A_1461 = tpu.memref_slice %arg16[%dma_wait3A_1459, %dma_wait3A_1460] : memref<10240x128xf32, #tpu.memory_space<vmem_shared>> -> memref<10240x128xf32, #tpu.memory_space<vmem_shared>>
      %dma_wait3A_1462 = tpu.memref_slice %arg21[%dma_wait3A_1451] : memref<2x!tpu.dma_semaphore, #tpu.memory_space<semaphore_mem>> -> memref<1x!tpu.dma_semaphore, #tpu.memory_space<semaphore_mem>>
      %dma_wait3A_1463 = tpu.memref_squeeze %dma_wait3A_1462 : memref<1x!tpu.dma_semaphore, #tpu.memory_space<semaphore_mem>> -> memref<!tpu.dma_semaphore, #tpu.memory_space<semaphore_mem>>
      tpu.wait_indirect_dma semaphore(%dma_wait3A_1463 : memref<!tpu.dma_semaphore, #tpu.memory_space<semaphore_mem>>) src(%dma_wait3A_1455 : memref<128x128xf32, #tpu.memory_space<vmem>>) dst(%dma_wait3A_1461 : memref<10240x128xf32, #tpu.memory_space<vmem_shared>>)
      %convert_element_type3A_1464 = arith.extui %lt3A : i1 to i32
      %cond3A_1465 = arith.constant 0 : i32
      %cond3A_1466 = arith.cmpi ne, %convert_element_type3A_1464, %cond3A_1465 : i32
      scf.if %cond3A_1466 {
        %add3A_1505 = arith.constant 1 : i32
        %add3A_1506 = arith.addi %add3A_1217, %add3A_1505 : i32
        %mul3A_1507 = arith.constant 128 : i32
        %mul3A_1508 = arith.muli %add3A_1506, %mul3A_1507 : i32
        %add3A_1509 = arith.addi %select_n3A_8, %mul3A_1508 : i32
        %dma_wait3A_1510 = arith.constant 0 : i32
        %dma_wait3A_1511 = arith.constant 0 : i32
        %dma_wait3A_1512 = arith.constant 0 : i32
        %dma_wait3A_1513 = tpu.memref_slice %arg9[%dma_wait3A_1510, %dma_wait3A_1512] : memref<4x128xi32, #tpu.memory_space<vmem>> -> memref<1x128xi32, #tpu.memory_space<vmem>>
        %dma_wait3A_1514 = tpu.memref_squeeze %dma_wait3A_1513 : memref<1x128xi32, #tpu.memory_space<vmem>> -> memref<128xi32, #tpu.memory_space<vmem>>
        %dma_wait3A_1515 = tpu.memref_slice %arg5[%add3A_1509] : memref<327680xi32, #tpu.memory_space<hbm>> -> memref<128xi32, #tpu.memory_space<hbm>>
        %dma_wait3A_1516 = tpu.memref_slice %arg18[%dma_wait3A_1511] : memref<2x!tpu.dma_semaphore, #tpu.memory_space<semaphore_mem>> -> memref<1x!tpu.dma_semaphore, #tpu.memory_space<semaphore_mem>>
        %dma_wait3A_1517 = tpu.memref_squeeze %dma_wait3A_1516 : memref<1x!tpu.dma_semaphore, #tpu.memory_space<semaphore_mem>> -> memref<!tpu.dma_semaphore, #tpu.memory_space<semaphore_mem>>
        %dma_wait3A_1518 = arith.constant 0 : i32
        %dma_wait3A_1519 = tpu.memref_slice %arg9[%dma_wait3A_1510, %dma_wait3A_1518] : memref<4x128xi32, #tpu.memory_space<vmem>> -> memref<1x128xi32, #tpu.memory_space<vmem>>
        %dma_wait3A_1520 = tpu.memref_squeeze %dma_wait3A_1519 : memref<1x128xi32, #tpu.memory_space<vmem>> -> memref<128xi32, #tpu.memory_space<vmem>>
        %dma_wait3A_1521 = tpu.memref_slice %arg5[%add3A_1509] : memref<327680xi32, #tpu.memory_space<hbm>> -> memref<128xi32, #tpu.memory_space<hbm>>
        tpu.wait_dma2 semaphore(%dma_wait3A_1517 : memref<!tpu.dma_semaphore, #tpu.memory_space<semaphore_mem>>) src(%dma_wait3A_1521 : memref<128xi32, #tpu.memory_space<hbm>>) dst(%dma_wait3A_1520 : memref<128xi32, #tpu.memory_space<vmem>>)
        %dma_wait3A_1522 = arith.constant 0 : i32
        %dma_wait3A_1523 = arith.constant 1 : i32
        %dma_wait3A_1524 = arith.constant 0 : i32
        %dma_wait3A_1525 = tpu.memref_slice %arg10[%dma_wait3A_1522, %dma_wait3A_1524] : memref<4x128xi32, #tpu.memory_space<vmem>> -> memref<1x128xi32, #tpu.memory_space<vmem>>
        %dma_wait3A_1526 = tpu.memref_squeeze %dma_wait3A_1525 : memref<1x128xi32, #tpu.memory_space<vmem>> -> memref<128xi32, #tpu.memory_space<vmem>>
        %dma_wait3A_1527 = tpu.memref_slice %arg6[%add3A_1509] : memref<327680xi32, #tpu.memory_space<hbm>> -> memref<128xi32, #tpu.memory_space<hbm>>
        %dma_wait3A_1528 = tpu.memref_slice %arg18[%dma_wait3A_1523] : memref<2x!tpu.dma_semaphore, #tpu.memory_space<semaphore_mem>> -> memref<1x!tpu.dma_semaphore, #tpu.memory_space<semaphore_mem>>
        %dma_wait3A_1529 = tpu.memref_squeeze %dma_wait3A_1528 : memref<1x!tpu.dma_semaphore, #tpu.memory_space<semaphore_mem>> -> memref<!tpu.dma_semaphore, #tpu.memory_space<semaphore_mem>>
        %dma_wait3A_1530 = arith.constant 0 : i32
        %dma_wait3A_1531 = tpu.memref_slice %arg10[%dma_wait3A_1522, %dma_wait3A_1530] : memref<4x128xi32, #tpu.memory_space<vmem>> -> memref<1x128xi32, #tpu.memory_space<vmem>>
        %dma_wait3A_1532 = tpu.memref_squeeze %dma_wait3A_1531 : memref<1x128xi32, #tpu.memory_space<vmem>> -> memref<128xi32, #tpu.memory_space<vmem>>
        %dma_wait3A_1533 = tpu.memref_slice %arg6[%add3A_1509] : memref<327680xi32, #tpu.memory_space<hbm>> -> memref<128xi32, #tpu.memory_space<hbm>>
        tpu.wait_dma2 semaphore(%dma_wait3A_1529 : memref<!tpu.dma_semaphore, #tpu.memory_space<semaphore_mem>>) src(%dma_wait3A_1533 : memref<128xi32, #tpu.memory_space<hbm>>) dst(%dma_wait3A_1532 : memref<128xi32, #tpu.memory_space<vmem>>)
        %dma_start3A_1534 = arith.constant 0 : i32
        %dma_start3A_1535 = arith.constant 0 : i32
        %dma_start3A_1536 = arith.constant 0 : i32
        %dma_start3A_1537 = arith.constant 0 : i32
        %dma_start3A_1538 = arith.constant 0 : i32
        %dma_start3A_1539 = tpu.memref_slice %arg11[%dma_start3A_1535, %dma_start3A_1537, %dma_start3A_1538] : memref<2x128x128xf32, #tpu.memory_space<vmem>> -> memref<1x128x128xf32, #tpu.memory_space<vmem>>
        %dma_start3A_1540 = tpu.memref_squeeze %dma_start3A_1539 : memref<1x128x128xf32, #tpu.memory_space<vmem>> -> memref<128x128xf32, #tpu.memory_space<vmem>>
        %dma_start3A_1541 = arith.constant 0 : i32
        %dma_start3A_1542 = tpu.memref_slice %arg10[%dma_start3A_1534, %dma_start3A_1541] : memref<4x128xi32, #tpu.memory_space<vmem>> -> memref<1x128xi32, #tpu.memory_space<vmem>>
        %dma_start3A_1543 = tpu.memref_squeeze %dma_start3A_1542 : memref<1x128xi32, #tpu.memory_space<vmem>> -> memref<128xi32, #tpu.memory_space<vmem>>
        %dma_start3A_1544 = arith.constant 0 : i32
        %dma_start3A_1545 = arith.constant 0 : i32
        %dma_start3A_1546 = tpu.memref_slice %arg2[%dma_start3A_1544, %dma_start3A_1545] : memref<10240x128xf32, #tpu.memory_space<hbm>> -> memref<10240x128xf32, #tpu.memory_space<hbm>>
        %dma_start3A_1547 = tpu.memref_slice %arg17[%dma_start3A_1536] : memref<2x!tpu.dma_semaphore, #tpu.memory_space<semaphore_mem>> -> memref<1x!tpu.dma_semaphore, #tpu.memory_space<semaphore_mem>>
        %dma_start3A_1548 = tpu.memref_squeeze %dma_start3A_1547 : memref<1x!tpu.dma_semaphore, #tpu.memory_space<semaphore_mem>> -> memref<!tpu.dma_semaphore, #tpu.memory_space<semaphore_mem>>
        tpu.enqueue_indirect_dma source(%dma_start3A_1546 : memref<10240x128xf32, #tpu.memory_space<hbm>>) target(%dma_start3A_1540 : memref<128x128xf32, #tpu.memory_space<vmem>>) offsets(%dma_start3A_1543 : memref<128xi32, #tpu.memory_space<vmem>>) semaphore(%dma_start3A_1548 : memref<!tpu.dma_semaphore, #tpu.memory_space<semaphore_mem>>)
        %dma_start3A_1549 = arith.constant 0 : i32
        %dma_start3A_1550 = arith.constant 0 : i32
        %dma_start3A_1551 = arith.constant 0 : i32
        %dma_start3A_1552 = arith.constant 0 : i32
        %dma_start3A_1553 = tpu.memref_slice %arg12[%dma_start3A_1550, %dma_start3A_1552] : memref<2x128xf32, #tpu.memory_space<vmem>> -> memref<1x128xf32, #tpu.memory_space<vmem>>
        %dma_start3A_1554 = tpu.memref_squeeze %dma_start3A_1553 : memref<1x128xf32, #tpu.memory_space<vmem>> -> memref<128xf32, #tpu.memory_space<vmem>>
        %dma_start3A_1555 = arith.constant 0 : i32
        %dma_start3A_1556 = tpu.memref_slice %arg9[%dma_start3A_1549, %dma_start3A_1555] : memref<4x128xi32, #tpu.memory_space<vmem>> -> memref<1x128xi32, #tpu.memory_space<vmem>>
        %dma_start3A_1557 = tpu.memref_squeeze %dma_start3A_1556 : memref<1x128xi32, #tpu.memory_space<vmem>> -> memref<128xi32, #tpu.memory_space<vmem>>
        %dma_start3A_1558 = arith.constant 0 : i32
        %dma_start3A_1559 = tpu.memref_slice %arg3[%dma_start3A_1558] : memref<10240xf32, #tpu.memory_space<hbm>> -> memref<10240xf32, #tpu.memory_space<hbm>>
        %dma_start3A_1560 = tpu.memref_slice %arg19[%dma_start3A_1551] : memref<2x!tpu.dma_semaphore, #tpu.memory_space<semaphore_mem>> -> memref<1x!tpu.dma_semaphore, #tpu.memory_space<semaphore_mem>>
        %dma_start3A_1561 = tpu.memref_squeeze %dma_start3A_1560 : memref<1x!tpu.dma_semaphore, #tpu.memory_space<semaphore_mem>> -> memref<!tpu.dma_semaphore, #tpu.memory_space<semaphore_mem>>
        tpu.enqueue_indirect_dma source(%dma_start3A_1559 : memref<10240xf32, #tpu.memory_space<hbm>>) target(%dma_start3A_1554 : memref<128xf32, #tpu.memory_space<vmem>>) offsets(%dma_start3A_1557 : memref<128xi32, #tpu.memory_space<vmem>>) semaphore(%dma_start3A_1561 : memref<!tpu.dma_semaphore, #tpu.memory_space<semaphore_mem>>)
        %dma_start3A_1562 = arith.constant 0 : i32
        %dma_start3A_1563 = arith.constant 0 : i32
        %dma_start3A_1564 = arith.constant 0 : i32
        %dma_start3A_1565 = arith.constant 0 : i32
        %dma_start3A_1566 = tpu.memref_slice %arg13[%dma_start3A_1563, %dma_start3A_1565] : memref<2x128xf32, #tpu.memory_space<vmem>> -> memref<1x128xf32, #tpu.memory_space<vmem>>
        %dma_start3A_1567 = tpu.memref_squeeze %dma_start3A_1566 : memref<1x128xf32, #tpu.memory_space<vmem>> -> memref<128xf32, #tpu.memory_space<vmem>>
        %dma_start3A_1568 = arith.constant 0 : i32
        %dma_start3A_1569 = tpu.memref_slice %arg10[%dma_start3A_1562, %dma_start3A_1568] : memref<4x128xi32, #tpu.memory_space<vmem>> -> memref<1x128xi32, #tpu.memory_space<vmem>>
        %dma_start3A_1570 = tpu.memref_squeeze %dma_start3A_1569 : memref<1x128xi32, #tpu.memory_space<vmem>> -> memref<128xi32, #tpu.memory_space<vmem>>
        %dma_start3A_1571 = arith.constant 0 : i32
        %dma_start3A_1572 = tpu.memref_slice %arg4[%dma_start3A_1571] : memref<10240xf32, #tpu.memory_space<hbm>> -> memref<10240xf32, #tpu.memory_space<hbm>>
        %dma_start3A_1573 = tpu.memref_slice %arg20[%dma_start3A_1564] : memref<2x!tpu.dma_semaphore, #tpu.memory_space<semaphore_mem>> -> memref<1x!tpu.dma_semaphore, #tpu.memory_space<semaphore_mem>>
        %dma_start3A_1574 = tpu.memref_squeeze %dma_start3A_1573 : memref<1x!tpu.dma_semaphore, #tpu.memory_space<semaphore_mem>> -> memref<!tpu.dma_semaphore, #tpu.memory_space<semaphore_mem>>
        tpu.enqueue_indirect_dma source(%dma_start3A_1572 : memref<10240xf32, #tpu.memory_space<hbm>>) target(%dma_start3A_1567 : memref<128xf32, #tpu.memory_space<vmem>>) offsets(%dma_start3A_1570 : memref<128xi32, #tpu.memory_space<vmem>>) semaphore(%dma_start3A_1574 : memref<!tpu.dma_semaphore, #tpu.memory_space<semaphore_mem>>)
      } else {
      }
      %dma_wait3A_1467 = arith.constant 3 : i32
      %dma_wait3A_1468 = arith.constant 1 : i32
      %dma_wait3A_1469 = arith.constant 1 : i32
      %dma_wait3A_1470 = arith.constant 0 : i32
      %dma_wait3A_1471 = arith.constant 0 : i32
      %dma_wait3A_1472 = tpu.memref_slice %arg11[%dma_wait3A_1468, %dma_wait3A_1470, %dma_wait3A_1471] : memref<2x128x128xf32, #tpu.memory_space<vmem>> -> memref<1x128x128xf32, #tpu.memory_space<vmem>>
      %dma_wait3A_1473 = tpu.memref_squeeze %dma_wait3A_1472 : memref<1x128x128xf32, #tpu.memory_space<vmem>> -> memref<128x128xf32, #tpu.memory_space<vmem>>
      %dma_wait3A_1474 = arith.constant 0 : i32
      %dma_wait3A_1475 = tpu.memref_slice %arg10[%dma_wait3A_1467, %dma_wait3A_1474] : memref<4x128xi32, #tpu.memory_space<vmem>> -> memref<1x128xi32, #tpu.memory_space<vmem>>
      %dma_wait3A_1476 = tpu.memref_squeeze %dma_wait3A_1475 : memref<1x128xi32, #tpu.memory_space<vmem>> -> memref<128xi32, #tpu.memory_space<vmem>>
      %dma_wait3A_1477 = arith.constant 0 : i32
      %dma_wait3A_1478 = arith.constant 0 : i32
      %dma_wait3A_1479 = tpu.memref_slice %arg2[%dma_wait3A_1477, %dma_wait3A_1478] : memref<10240x128xf32, #tpu.memory_space<hbm>> -> memref<10240x128xf32, #tpu.memory_space<hbm>>
      %dma_wait3A_1480 = tpu.memref_slice %arg17[%dma_wait3A_1469] : memref<2x!tpu.dma_semaphore, #tpu.memory_space<semaphore_mem>> -> memref<1x!tpu.dma_semaphore, #tpu.memory_space<semaphore_mem>>
      %dma_wait3A_1481 = tpu.memref_squeeze %dma_wait3A_1480 : memref<1x!tpu.dma_semaphore, #tpu.memory_space<semaphore_mem>> -> memref<!tpu.dma_semaphore, #tpu.memory_space<semaphore_mem>>
      tpu.wait_indirect_dma semaphore(%dma_wait3A_1481 : memref<!tpu.dma_semaphore, #tpu.memory_space<semaphore_mem>>) src(%dma_wait3A_1479 : memref<10240x128xf32, #tpu.memory_space<hbm>>) dst(%dma_wait3A_1473 : memref<128x128xf32, #tpu.memory_space<vmem>>)
      %scan3A_1482 = arith.constant 0 : i32
      %scan3A_1483 = arith.constant 0 : i32
      %scan3A_1484 = arith.constant 128 : i32
      %scan3A_1485 = arith.addi %scan3A_1483, %scan3A_1484 : i32
      %scan3A_1486 = arith.constant 1 : i32
      %scan3A_1487 = scf.for %scan3A_1505 = %scan3A_1483 to %scan3A_1485 step %scan3A_1486 iter_args(%scan3A_1506 = %scan3A_1482) -> (i32)  : i32 {
        %get3A_1507 = arith.constant 1 : i32
        %get3A_1508 = arith.index_cast %get3A_1507 : i32 to index
        %get3A_1509 = arith.index_cast %scan3A_1505 : i32 to index
        %get3A_1510 = tpu.vector_load %arg14[%get3A_1508, %get3A_1509] {strides = array<i32>} : memref<2x144xf32, #tpu.memory_space<vmem>>, vector<16xf32>,
        %slice3A = vector.extract_strided_slice %get3A_1510 {offsets = [0], sizes = [1], strides = [1]} : vector<16xf32> to vector<1xf32>
        %squeeze3A = vector.extract %slice3A[0] : f32 from vector<1xf32>
        %get3A_1511 = arith.constant 1 : i32
        %get3A_1512 = arith.index_cast %get3A_1511 : i32 to index
        %get3A_1513 = arith.index_cast %scan3A_1505 : i32 to index
        %get3A_1514 = arith.constant 0 : index
        %get3A_1515 = tpu.vector_load %arg11[%get3A_1512, %get3A_1513, %get3A_1514] {strides = array<i32>} : memref<2x128x128xf32, #tpu.memory_space<vmem>>, vector<16xf32>,
        %mul3A_1516 = vector.broadcast %squeeze3A : f32 to vector<16xf32>
        %mul3A_1517 = arith.mulf %get3A_1515, %mul3A_1516 : vector<16xf32>
        %swap3A_1518 = arith.constant 1 : i32
        %swap3A_1519 = arith.index_cast %swap3A_1518 : i32 to index
        %swap3A_1520 = arith.index_cast %scan3A_1505 : i32 to index
        %swap3A_1521 = arith.constant 0 : index
        %swap3A_1522 = tpu.vector_load %arg11[%swap3A_1519, %swap3A_1520, %swap3A_1521] {strides = array<i32>} : memref<2x128x128xf32, #tpu.memory_space<vmem>>, vector<16xf32>,
        tpu.vector_store %arg11[%swap3A_1519, %swap3A_1520, %swap3A_1521], %mul3A_1517 {strides = array<i32>} : memref<2x128x128xf32, #tpu.memory_space<vmem>>, vector<16xf32>,
        %get3A_1523 = arith.constant 1 : i32
        %get3A_1524 = arith.index_cast %get3A_1523 : i32 to index
        %get3A_1525 = arith.index_cast %scan3A_1505 : i32 to index
        %get3A_1526 = arith.constant 16 : index
        %get3A_1527 = tpu.vector_load %arg11[%get3A_1524, %get3A_1525, %get3A_1526] {strides = array<i32>} : memref<2x128x128xf32, #tpu.memory_space<vmem>>, vector<16xf32>,
        %mul3A_1528 = vector.broadcast %squeeze3A : f32 to vector<16xf32>
        %mul3A_1529 = arith.mulf %get3A_1527, %mul3A_1528 : vector<16xf32>
        %swap3A_1530 = arith.constant 1 : i32
        %swap3A_1531 = arith.index_cast %swap3A_1530 : i32 to index
        %swap3A_1532 = arith.index_cast %scan3A_1505 : i32 to index
        %swap3A_1533 = arith.constant 16 : index
        %swap3A_1534 = tpu.vector_load %arg11[%swap3A_1531, %swap3A_1532, %swap3A_1533] {strides = array<i32>} : memref<2x128x128xf32, #tpu.memory_space<vmem>>, vector<16xf32>,
        tpu.vector_store %arg11[%swap3A_1531, %swap3A_1532, %swap3A_1533], %mul3A_1529 {strides = array<i32>} : memref<2x128x128xf32, #tpu.memory_space<vmem>>, vector<16xf32>,
        %get3A_1535 = arith.constant 1 : i32
        %get3A_1536 = arith.index_cast %get3A_1535 : i32 to index
        %get3A_1537 = arith.index_cast %scan3A_1505 : i32 to index
        %get3A_1538 = arith.constant 32 : index
        %get3A_1539 = tpu.vector_load %arg11[%get3A_1536, %get3A_1537, %get3A_1538] {strides = array<i32>} : memref<2x128x128xf32, #tpu.memory_space<vmem>>, vector<16xf32>,
        %mul3A_1540 = vector.broadcast %squeeze3A : f32 to vector<16xf32>
        %mul3A_1541 = arith.mulf %get3A_1539, %mul3A_1540 : vector<16xf32>
        %swap3A_1542 = arith.constant 1 : i32
        %swap3A_1543 = arith.index_cast %swap3A_1542 : i32 to index
        %swap3A_1544 = arith.index_cast %scan3A_1505 : i32 to index
        %swap3A_1545 = arith.constant 32 : index
        %swap3A_1546 = tpu.vector_load %arg11[%swap3A_1543, %swap3A_1544, %swap3A_1545] {strides = array<i32>} : memref<2x128x128xf32, #tpu.memory_space<vmem>>, vector<16xf32>,
        tpu.vector_store %arg11[%swap3A_1543, %swap3A_1544, %swap3A_1545], %mul3A_1541 {strides = array<i32>} : memref<2x128x128xf32, #tpu.memory_space<vmem>>, vector<16xf32>,
        %get3A_1547 = arith.constant 1 : i32
        %get3A_1548 = arith.index_cast %get3A_1547 : i32 to index
        %get3A_1549 = arith.index_cast %scan3A_1505 : i32 to index
        %get3A_1550 = arith.constant 48 : index
        %get3A_1551 = tpu.vector_load %arg11[%get3A_1548, %get3A_1549, %get3A_1550] {strides = array<i32>} : memref<2x128x128xf32, #tpu.memory_space<vmem>>, vector<16xf32>,
        %mul3A_1552 = vector.broadcast %squeeze3A : f32 to vector<16xf32>
        %mul3A_1553 = arith.mulf %get3A_1551, %mul3A_1552 : vector<16xf32>
        %swap3A_1554 = arith.constant 1 : i32
        %swap3A_1555 = arith.index_cast %swap3A_1554 : i32 to index
        %swap3A_1556 = arith.index_cast %scan3A_1505 : i32 to index
        %swap3A_1557 = arith.constant 48 : index
        %swap3A_1558 = tpu.vector_load %arg11[%swap3A_1555, %swap3A_1556, %swap3A_1557] {strides = array<i32>} : memref<2x128x128xf32, #tpu.memory_space<vmem>>, vector<16xf32>,
        tpu.vector_store %arg11[%swap3A_1555, %swap3A_1556, %swap3A_1557], %mul3A_1553 {strides = array<i32>} : memref<2x128x128xf32, #tpu.memory_space<vmem>>, vector<16xf32>,
        %get3A_1559 = arith.constant 1 : i32
        %get3A_1560 = arith.index_cast %get3A_1559 : i32 to index
        %get3A_1561 = arith.index_cast %scan3A_1505 : i32 to index
        %get3A_1562 = arith.constant 64 : index
        %get3A_1563 = tpu.vector_load %arg11[%get3A_1560, %get3A_1561, %get3A_1562] {strides = array<i32>} : memref<2x128x128xf32, #tpu.memory_space<vmem>>, vector<16xf32>,
        %mul3A_1564 = vector.broadcast %squeeze3A : f32 to vector<16xf32>
        %mul3A_1565 = arith.mulf %get3A_1563, %mul3A_1564 : vector<16xf32>
        %swap3A_1566 = arith.constant 1 : i32
        %swap3A_1567 = arith.index_cast %swap3A_1566 : i32 to index
        %swap3A_1568 = arith.index_cast %scan3A_1505 : i32 to index
        %swap3A_1569 = arith.constant 64 : index
        %swap3A_1570 = tpu.vector_load %arg11[%swap3A_1567, %swap3A_1568, %swap3A_1569] {strides = array<i32>} : memref<2x128x128xf32, #tpu.memory_space<vmem>>, vector<16xf32>,
        tpu.vector_store %arg11[%swap3A_1567, %swap3A_1568, %swap3A_1569], %mul3A_1565 {strides = array<i32>} : memref<2x128x128xf32, #tpu.memory_space<vmem>>, vector<16xf32>,
        %get3A_1571 = arith.constant 1 : i32
        %get3A_1572 = arith.index_cast %get3A_1571 : i32 to index
        %get3A_1573 = arith.index_cast %scan3A_1505 : i32 to index
        %get3A_1574 = arith.constant 80 : index
        %get3A_1575 = tpu.vector_load %arg11[%get3A_1572, %get3A_1573, %get3A_1574] {strides = array<i32>} : memref<2x128x128xf32, #tpu.memory_space<vmem>>, vector<16xf32>,
        %mul3A_1576 = vector.broadcast %squeeze3A : f32 to vector<16xf32>
        %mul3A_1577 = arith.mulf %get3A_1575, %mul3A_1576 : vector<16xf32>
        %swap3A_1578 = arith.constant 1 : i32
        %swap3A_1579 = arith.index_cast %swap3A_1578 : i32 to index
        %swap3A_1580 = arith.index_cast %scan3A_1505 : i32 to index
        %swap3A_1581 = arith.constant 80 : index
        %swap3A_1582 = tpu.vector_load %arg11[%swap3A_1579, %swap3A_1580, %swap3A_1581] {strides = array<i32>} : memref<2x128x128xf32, #tpu.memory_space<vmem>>, vector<16xf32>,
        tpu.vector_store %arg11[%swap3A_1579, %swap3A_1580, %swap3A_1581], %mul3A_1577 {strides = array<i32>} : memref<2x128x128xf32, #tpu.memory_space<vmem>>, vector<16xf32>,
        %get3A_1583 = arith.constant 1 : i32
        %get3A_1584 = arith.index_cast %get3A_1583 : i32 to index
        %get3A_1585 = arith.index_cast %scan3A_1505 : i32 to index
        %get3A_1586 = arith.constant 96 : index
        %get3A_1587 = tpu.vector_load %arg11[%get3A_1584, %get3A_1585, %get3A_1586] {strides = array<i32>} : memref<2x128x128xf32, #tpu.memory_space<vmem>>, vector<16xf32>,
        %mul3A_1588 = vector.broadcast %squeeze3A : f32 to vector<16xf32>
        %mul3A_1589 = arith.mulf %get3A_1587, %mul3A_1588 : vector<16xf32>
        %swap3A_1590 = arith.constant 1 : i32
        %swap3A_1591 = arith.index_cast %swap3A_1590 : i32 to index
        %swap3A_1592 = arith.index_cast %scan3A_1505 : i32 to index
        %swap3A_1593 = arith.constant 96 : index
        %swap3A_1594 = tpu.vector_load %arg11[%swap3A_1591, %swap3A_1592, %swap3A_1593] {strides = array<i32>} : memref<2x128x128xf32, #tpu.memory_space<vmem>>, vector<16xf32>,
        tpu.vector_store %arg11[%swap3A_1591, %swap3A_1592, %swap3A_1593], %mul3A_1589 {strides = array<i32>} : memref<2x128x128xf32, #tpu.memory_space<vmem>>, vector<16xf32>,
        %get3A_1595 = arith.constant 1 : i32
        %get3A_1596 = arith.index_cast %get3A_1595 : i32 to index
        %get3A_1597 = arith.index_cast %scan3A_1505 : i32 to index
        %get3A_1598 = arith.constant 112 : index
        %get3A_1599 = tpu.vector_load %arg11[%get3A_1596, %get3A_1597, %get3A_1598] {strides = array<i32>} : memref<2x128x128xf32, #tpu.memory_space<vmem>>, vector<16xf32>,
        %mul3A_1600 = vector.broadcast %squeeze3A : f32 to vector<16xf32>
        %mul3A_1601 = arith.mulf %get3A_1599, %mul3A_1600 : vector<16xf32>
        %swap3A_1602 = arith.constant 1 : i32
        %swap3A_1603 = arith.index_cast %swap3A_1602 : i32 to index
        %swap3A_1604 = arith.index_cast %scan3A_1505 : i32 to index
        %swap3A_1605 = arith.constant 112 : index
        %swap3A_1606 = tpu.vector_load %arg11[%swap3A_1603, %swap3A_1604, %swap3A_1605] {strides = array<i32>} : memref<2x128x128xf32, #tpu.memory_space<vmem>>, vector<16xf32>,
        tpu.vector_store %arg11[%swap3A_1603, %swap3A_1604, %swap3A_1605], %mul3A_1601 {strides = array<i32>} : memref<2x128x128xf32, #tpu.memory_space<vmem>>, vector<16xf32>,
        %scan3A_1607 = arith.constant 0 : i32
        scf.yield %scan3A_1607 : i32
      }
      %scan3A_1488 = arith.constant 128 : i32
      %dma_start3A_1489 = arith.constant 1 : i32
      %dma_start3A_1490 = arith.constant 3 : i32
      %dma_start3A_1491 = arith.constant 1 : i32
      %dma_start3A_1492 = arith.constant 0 : i32
      %dma_start3A_1493 = arith.constant 0 : i32
      %dma_start3A_1494 = tpu.memref_slice %arg11[%dma_start3A_1489, %dma_start3A_1492, %dma_start3A_1493] : memref<2x128x128xf32, #tpu.memory_space<vmem>> -> memref<1x128x128xf32, #tpu.memory_space<vmem>>
      %dma_start3A_1495 = tpu.memref_squeeze %dma_start3A_1494 : memref<1x128x128xf32, #tpu.memory_space<vmem>> -> memref<128x128xf32, #tpu.memory_space<vmem>>
      %dma_start3A_1496 = arith.constant 0 : i32
      %dma_start3A_1497 = tpu.memref_slice %arg9[%dma_start3A_1490, %dma_start3A_1496] : memref<4x128xi32, #tpu.memory_space<vmem>> -> memref<1x128xi32, #tpu.memory_space<vmem>>
      %dma_start3A_1498 = tpu.memref_squeeze %dma_start3A_1497 : memref<1x128xi32, #tpu.memory_space<vmem>> -> memref<128xi32, #tpu.memory_space<vmem>>
      %dma_start3A_1499 = arith.constant 0 : i32
      %dma_start3A_1500 = arith.constant 0 : i32
      %dma_start3A_1501 = tpu.memref_slice %arg16[%dma_start3A_1499, %dma_start3A_1500] : memref<10240x128xf32, #tpu.memory_space<vmem_shared>> -> memref<10240x128xf32, #tpu.memory_space<vmem_shared>>
      %dma_start3A_1502 = tpu.memref_slice %arg21[%dma_start3A_1491] : memref<2x!tpu.dma_semaphore, #tpu.memory_space<semaphore_mem>> -> memref<1x!tpu.dma_semaphore, #tpu.memory_space<semaphore_mem>>
      %dma_start3A_1503 = tpu.memref_squeeze %dma_start3A_1502 : memref<1x!tpu.dma_semaphore, #tpu.memory_space<semaphore_mem>> -> memref<!tpu.dma_semaphore, #tpu.memory_space<semaphore_mem>>
      tpu.enqueue_indirect_dma source(%dma_start3A_1495 : memref<128x128xf32, #tpu.memory_space<vmem>>) target(%dma_start3A_1501 : memref<10240x128xf32, #tpu.memory_space<vmem_shared>>) offsets(%dma_start3A_1498 : memref<128xi32, #tpu.memory_space<vmem>>) semaphore(%dma_start3A_1503 : memref<!tpu.dma_semaphore, #tpu.memory_space<semaphore_mem>>) {add = true}
      %while3A_1504 = arith.constant 0 : i32
      scf.yield %while3A_1504 : i32
    }
    %while3A_75 = arith.constant 1 : i32
    %while3A_76 = scf.for %while3A_90 = %while3A_72 to %while3A_68 step %while3A_75 iter_args(%while3A_91 = %while3A_74) -> (i32)  : i32 {
      %mul3A_92 = arith.constant 4 : i32
      %mul3A_93 = arith.muli %mul3A_92, %while3A_90 : i32
      %add3A_94 = arith.constant 0 : i32
      %add3A_95 = arith.addi %mul3A_93, %add3A_94 : i32
      %gt3A_96 = arith.constant 0 : i32
      %gt3A_97 = arith.cmpi sgt, %while3A_90, %gt3A_96 : i32
      %add3A_98 = arith.constant 1 : i32
      %add3A_99 = arith.addi %add3A_95, %add3A_98 : i32
      %mul3A_100 = arith.constant 128 : i32
      %mul3A_101 = arith.muli %add3A_99, %mul3A_100 : i32
      %add3A_102 = arith.addi %select_n3A_8, %mul3A_101 : i32
      %dma_start3A = arith.constant 1 : i32
      %dma_start3A_103 = arith.constant 0 : i32
      %dma_start3A_104 = arith.constant 0 : i32
      %dma_start3A_105 = tpu.memref_slice %arg9[%dma_start3A, %dma_start3A_104] : memref<4x128xi32, #tpu.memory_space<vmem>> -> memref<1x128xi32, #tpu.memory_space<vmem>>
      %dma_start3A_106 = tpu.memref_squeeze %dma_start3A_105 : memref<1x128xi32, #tpu.memory_space<vmem>> -> memref<128xi32, #tpu.memory_space<vmem>>
      %dma_start3A_107 = tpu.memref_slice %arg5[%add3A_102] : memref<327680xi32, #tpu.memory_space<hbm>> -> memref<128xi32, #tpu.memory_space<hbm>>
      %dma_start3A_108 = tpu.memref_slice %arg18[%dma_start3A_103] : memref<2x!tpu.dma_semaphore, #tpu.memory_space<semaphore_mem>> -> memref<1x!tpu.dma_semaphore, #tpu.memory_space<semaphore_mem>>
      %dma_start3A_109 = tpu.memref_squeeze %dma_start3A_108 : memref<1x!tpu.dma_semaphore, #tpu.memory_space<semaphore_mem>> -> memref<!tpu.dma_semaphore, #tpu.memory_space<semaphore_mem>>
      %dma_start3A_110 = arith.constant 0 : i32
      %dma_start3A_111 = tpu.memref_slice %arg9[%dma_start3A, %dma_start3A_110] : memref<4x128xi32, #tpu.memory_space<vmem>> -> memref<1x128xi32, #tpu.memory_space<vmem>>
      %dma_start3A_112 = tpu.memref_squeeze %dma_start3A_111 : memref<1x128xi32, #tpu.memory_space<vmem>> -> memref<128xi32, #tpu.memory_space<vmem>>
      %dma_start3A_113 = tpu.memref_slice %arg5[%add3A_102] : memref<327680xi32, #tpu.memory_space<hbm>> -> memref<128xi32, #tpu.memory_space<hbm>>
      tpu.enqueue_dma source(%dma_start3A_113 : memref<128xi32, #tpu.memory_space<hbm>>) target(%dma_start3A_112 : memref<128xi32, #tpu.memory_space<vmem>>) target_semaphore(%dma_start3A_109 : memref<!tpu.dma_semaphore, #tpu.memory_space<semaphore_mem>>)
      %dma_start3A_114 = arith.constant 1 : i32
      %dma_start3A_115 = arith.constant 1 : i32
      %dma_start3A_116 = arith.constant 0 : i32
      %dma_start3A_117 = tpu.memref_slice %arg10[%dma_start3A_114, %dma_start3A_116] : memref<4x128xi32, #tpu.memory_space<vmem>> -> memref<1x128xi32, #tpu.memory_space<vmem>>
      %dma_start3A_118 = tpu.memref_squeeze %dma_start3A_117 : memref<1x128xi32, #tpu.memory_space<vmem>> -> memref<128xi32, #tpu.memory_space<vmem>>
      %dma_start3A_119 = tpu.memref_slice %arg6[%add3A_102] : memref<327680xi32, #tpu.memory_space<hbm>> -> memref<128xi32, #tpu.memory_space<hbm>>
      %dma_start3A_120 = tpu.memref_slice %arg18[%dma_start3A_115] : memref<2x!tpu.dma_semaphore, #tpu.memory_space<semaphore_mem>> -> memref<1x!tpu.dma_semaphore, #tpu.memory_space<semaphore_mem>>
      %dma_start3A_121 = tpu.memref_squeeze %dma_start3A_120 : memref<1x!tpu.dma_semaphore, #tpu.memory_space<semaphore_mem>> -> memref<!tpu.dma_semaphore, #tpu.memory_space<semaphore_mem>>
      %dma_start3A_122 = arith.constant 0 : i32
      %dma_start3A_123 = tpu.memref_slice %arg10[%dma_start3A_114, %dma_start3A_122] : memref<4x128xi32, #tpu.memory_space<vmem>> -> memref<1x128xi32, #tpu.memory_space<vmem>>
      %dma_start3A_124 = tpu.memref_squeeze %dma_start3A_123 : memref<1x128xi32, #tpu.memory_space<vmem>> -> memref<128xi32, #tpu.memory_space<vmem>>
      %dma_start3A_125 = tpu.memref_slice %arg6[%add3A_102] : memref<327680xi32, #tpu.memory_space<hbm>> -> memref<128xi32, #tpu.memory_space<hbm>>
      tpu.enqueue_dma source(%dma_start3A_125 : memref<128xi32, #tpu.memory_space<hbm>>) target(%dma_start3A_124 : memref<128xi32, #tpu.memory_space<vmem>>) target_semaphore(%dma_start3A_121 : memref<!tpu.dma_semaphore, #tpu.memory_space<semaphore_mem>>)
      %dma_wait3A = arith.constant 0 : i32
      %dma_wait3A_126 = arith.constant 0 : i32
      %dma_wait3A_127 = arith.constant 0 : i32
      %dma_wait3A_128 = arith.constant 0 : i32
      %dma_wait3A_129 = tpu.memref_slice %arg12[%dma_wait3A_126, %dma_wait3A_128] : memref<2x128xf32, #tpu.memory_space<vmem>> -> memref<1x128xf32, #tpu.memory_space<vmem>>
      %dma_wait3A_130 = tpu.memref_squeeze %dma_wait3A_129 : memref<1x128xf32, #tpu.memory_space<vmem>> -> memref<128xf32, #tpu.memory_space<vmem>>
      %dma_wait3A_131 = arith.constant 0 : i32
      %dma_wait3A_132 = tpu.memref_slice %arg9[%dma_wait3A, %dma_wait3A_131] : memref<4x128xi32, #tpu.memory_space<vmem>> -> memref<1x128xi32, #tpu.memory_space<vmem>>
      %dma_wait3A_133 = tpu.memref_squeeze %dma_wait3A_132 : memref<1x128xi32, #tpu.memory_space<vmem>> -> memref<128xi32, #tpu.memory_space<vmem>>
      %dma_wait3A_134 = arith.constant 0 : i32
      %dma_wait3A_135 = tpu.memref_slice %arg3[%dma_wait3A_134] : memref<10240xf32, #tpu.memory_space<hbm>> -> memref<10240xf32, #tpu.memory_space<hbm>>
      %dma_wait3A_136 = tpu.memref_slice %arg19[%dma_wait3A_127] : memref<2x!tpu.dma_semaphore, #tpu.memory_space<semaphore_mem>> -> memref<1x!tpu.dma_semaphore, #tpu.memory_space<semaphore_mem>>
      %dma_wait3A_137 = tpu.memref_squeeze %dma_wait3A_136 : memref<1x!tpu.dma_semaphore, #tpu.memory_space<semaphore_mem>> -> memref<!tpu.dma_semaphore, #tpu.memory_space<semaphore_mem>>
      tpu.wait_indirect_dma semaphore(%dma_wait3A_137 : memref<!tpu.dma_semaphore, #tpu.memory_space<semaphore_mem>>) src(%dma_wait3A_135 : memref<10240xf32, #tpu.memory_space<hbm>>) dst(%dma_wait3A_130 : memref<128xf32, #tpu.memory_space<vmem>>)
      %dma_wait3A_138 = arith.constant 0 : i32
      %dma_wait3A_139 = arith.constant 0 : i32
      %dma_wait3A_140 = arith.constant 0 : i32
      %dma_wait3A_141 = arith.constant 0 : i32
      %dma_wait3A_142 = tpu.memref_slice %arg13[%dma_wait3A_139, %dma_wait3A_141] : memref<2x128xf32, #tpu.memory_space<vmem>> -> memref<1x128xf32, #tpu.memory_space<vmem>>
      %dma_wait3A_143 = tpu.memref_squeeze %dma_wait3A_142 : memref<1x128xf32, #tpu.memory_space<vmem>> -> memref<128xf32, #tpu.memory_space<vmem>>
      %dma_wait3A_144 = arith.constant 0 : i32
      %dma_wait3A_145 = tpu.memref_slice %arg10[%dma_wait3A_138, %dma_wait3A_144] : memref<4x128xi32, #tpu.memory_space<vmem>> -> memref<1x128xi32, #tpu.memory_space<vmem>>
      %dma_wait3A_146 = tpu.memref_squeeze %dma_wait3A_145 : memref<1x128xi32, #tpu.memory_space<vmem>> -> memref<128xi32, #tpu.memory_space<vmem>>
      %dma_wait3A_147 = arith.constant 0 : i32
      %dma_wait3A_148 = tpu.memref_slice %arg4[%dma_wait3A_147] : memref<10240xf32, #tpu.memory_space<hbm>> -> memref<10240xf32, #tpu.memory_space<hbm>>
      %dma_wait3A_149 = tpu.memref_slice %arg20[%dma_wait3A_140] : memref<2x!tpu.dma_semaphore, #tpu.memory_space<semaphore_mem>> -> memref<1x!tpu.dma_semaphore, #tpu.memory_space<semaphore_mem>>
      %dma_wait3A_150 = tpu.memref_squeeze %dma_wait3A_149 : memref<1x!tpu.dma_semaphore, #tpu.memory_space<semaphore_mem>> -> memref<!tpu.dma_semaphore, #tpu.memory_space<semaphore_mem>>
      tpu.wait_indirect_dma semaphore(%dma_wait3A_150 : memref<!tpu.dma_semaphore, #tpu.memory_space<semaphore_mem>>) src(%dma_wait3A_148 : memref<10240xf32, #tpu.memory_space<hbm>>) dst(%dma_wait3A_143 : memref<128xf32, #tpu.memory_space<vmem>>)
      %get3A = arith.constant 0 : i32
      %get3A_151 = arith.index_cast %get3A : i32 to index
      %get3A_152 = arith.constant 0 : index
      %get3A_153 = tpu.vector_load %arg12[%get3A_151, %get3A_152] {strides = array<i32>} : memref<2x128xf32, #tpu.memory_space<vmem>>, vector<16xf32>,
      %get3A_154 = arith.constant 0 : i32
      %get3A_155 = arith.index_cast %get3A_154 : i32 to index
      %get3A_156 = arith.constant 0 : index
      %get3A_157 = tpu.vector_load %arg13[%get3A_155, %get3A_156] {strides = array<i32>} : memref<2x128xf32, #tpu.memory_space<vmem>>, vector<16xf32>,
      %add3A_158 = arith.addf %get3A_153, %get3A_157 : vector<16xf32>
      %gt3A_159 = arith.constant 0.000000e+00 : f32
      %gt3A_160 = vector.broadcast %gt3A_159 : f32 to vector<16xf32>
      %gt3A_161 = arith.cmpf ogt, %add3A_158, %gt3A_160 : vector<16xf32>
      %mul3A_162 = arith.constant 2.000000e-01 : f32
      %mul3A_163 = vector.broadcast %mul3A_162 : f32 to vector<16xf32>
      %mul3A_164 = arith.mulf %mul3A_163, %add3A_158 : vector<16xf32>
      %select_n3A_165 = arith.select %gt3A_161, %add3A_158, %mul3A_164 : vector<16xi1>, vector<16xf32>
      %exp3A = math.exp %select_n3A_165 : vector<16xf32>
      %swap3A = arith.constant 0 : i32
      %swap3A_166 = arith.index_cast %swap3A : i32 to index
      %swap3A_167 = arith.constant 0 : index
      %swap3A_168 = tpu.vector_load %arg14[%swap3A_166, %swap3A_167] {strides = array<i32>} : memref<2x144xf32, #tpu.memory_space<vmem>>, vector<16xf32>,
      tpu.vector_store %arg14[%swap3A_166, %swap3A_167], %exp3A {strides = array<i32>} : memref<2x144xf32, #tpu.memory_space<vmem>>, vector<16xf32>,
      %get3A_169 = arith.constant 0 : i32
      %get3A_170 = arith.index_cast %get3A_169 : i32 to index
      %get3A_171 = arith.constant 0 : index
      %get3A_172 = tpu.vector_load %arg9[%get3A_170, %get3A_171] {strides = array<i32>} : memref<4x128xi32, #tpu.memory_space<vmem>>, vector<16xi32>,
      tpu.vector_store_idx %arg15[%get3A_172], %exp3A {add = true} : memref<10240xf32, #tpu.memory_space<vmem>>[vector<16xi32>], vector<16xf32>,
      %get3A_173 = arith.constant 0 : i32
      %get3A_174 = arith.index_cast %get3A_173 : i32 to index
      %get3A_175 = arith.constant 16 : index
      %get3A_176 = tpu.vector_load %arg12[%get3A_174, %get3A_175] {strides = array<i32>} : memref<2x128xf32, #tpu.memory_space<vmem>>, vector<16xf32>,
      %get3A_177 = arith.constant 0 : i32
      %get3A_178 = arith.index_cast %get3A_177 : i32 to index
      %get3A_179 = arith.constant 16 : index
      %get3A_180 = tpu.vector_load %arg13[%get3A_178, %get3A_179] {strides = array<i32>} : memref<2x128xf32, #tpu.memory_space<vmem>>, vector<16xf32>,
      %add3A_181 = arith.addf %get3A_176, %get3A_180 : vector<16xf32>
      %gt3A_182 = arith.constant 0.000000e+00 : f32
      %gt3A_183 = vector.broadcast %gt3A_182 : f32 to vector<16xf32>
      %gt3A_184 = arith.cmpf ogt, %add3A_181, %gt3A_183 : vector<16xf32>
      %mul3A_185 = arith.constant 2.000000e-01 : f32
      %mul3A_186 = vector.broadcast %mul3A_185 : f32 to vector<16xf32>
      %mul3A_187 = arith.mulf %mul3A_186, %add3A_181 : vector<16xf32>
      %select_n3A_188 = arith.select %gt3A_184, %add3A_181, %mul3A_187 : vector<16xi1>, vector<16xf32>
      %exp3A_189 = math.exp %select_n3A_188 : vector<16xf32>
      %swap3A_190 = arith.constant 0 : i32
      %swap3A_191 = arith.index_cast %swap3A_190 : i32 to index
      %swap3A_192 = arith.constant 16 : index
      %swap3A_193 = tpu.vector_load %arg14[%swap3A_191, %swap3A_192] {strides = array<i32>} : memref<2x144xf32, #tpu.memory_space<vmem>>, vector<16xf32>,
      tpu.vector_store %arg14[%swap3A_191, %swap3A_192], %exp3A_189 {strides = array<i32>} : memref<2x144xf32, #tpu.memory_space<vmem>>, vector<16xf32>,
      %get3A_194 = arith.constant 0 : i32
      %get3A_195 = arith.index_cast %get3A_194 : i32 to index
      %get3A_196 = arith.constant 16 : index
      %get3A_197 = tpu.vector_load %arg9[%get3A_195, %get3A_196] {strides = array<i32>} : memref<4x128xi32, #tpu.memory_space<vmem>>, vector<16xi32>,
      tpu.vector_store_idx %arg15[%get3A_197], %exp3A_189 {add = true} : memref<10240xf32, #tpu.memory_space<vmem>>[vector<16xi32>], vector<16xf32>,
      %get3A_198 = arith.constant 0 : i32
      %get3A_199 = arith.index_cast %get3A_198 : i32 to index
      %get3A_200 = arith.constant 32 : index
      %get3A_201 = tpu.vector_load %arg12[%get3A_199, %get3A_200] {strides = array<i32>} : memref<2x128xf32, #tpu.memory_space<vmem>>, vector<16xf32>,
      %get3A_202 = arith.constant 0 : i32
      %get3A_203 = arith.index_cast %get3A_202 : i32 to index
      %get3A_204 = arith.constant 32 : index
      %get3A_205 = tpu.vector_load %arg13[%get3A_203, %get3A_204] {strides = array<i32>} : memref<2x128xf32, #tpu.memory_space<vmem>>, vector<16xf32>,
      %add3A_206 = arith.addf %get3A_201, %get3A_205 : vector<16xf32>
      %gt3A_207 = arith.constant 0.000000e+00 : f32
      %gt3A_208 = vector.broadcast %gt3A_207 : f32 to vector<16xf32>
      %gt3A_209 = arith.cmpf ogt, %add3A_206, %gt3A_208 : vector<16xf32>
      %mul3A_210 = arith.constant 2.000000e-01 : f32
      %mul3A_211 = vector.broadcast %mul3A_210 : f32 to vector<16xf32>
      %mul3A_212 = arith.mulf %mul3A_211, %add3A_206 : vector<16xf32>
      %select_n3A_213 = arith.select %gt3A_209, %add3A_206, %mul3A_212 : vector<16xi1>, vector<16xf32>
      %exp3A_214 = math.exp %select_n3A_213 : vector<16xf32>
      %swap3A_215 = arith.constant 0 : i32
      %swap3A_216 = arith.index_cast %swap3A_215 : i32 to index
      %swap3A_217 = arith.constant 32 : index
      %swap3A_218 = tpu.vector_load %arg14[%swap3A_216, %swap3A_217] {strides = array<i32>} : memref<2x144xf32, #tpu.memory_space<vmem>>, vector<16xf32>,
      tpu.vector_store %arg14[%swap3A_216, %swap3A_217], %exp3A_214 {strides = array<i32>} : memref<2x144xf32, #tpu.memory_space<vmem>>, vector<16xf32>,
      %get3A_219 = arith.constant 0 : i32
      %get3A_220 = arith.index_cast %get3A_219 : i32 to index
      %get3A_221 = arith.constant 32 : index
      %get3A_222 = tpu.vector_load %arg9[%get3A_220, %get3A_221] {strides = array<i32>} : memref<4x128xi32, #tpu.memory_space<vmem>>, vector<16xi32>,
      tpu.vector_store_idx %arg15[%get3A_222], %exp3A_214 {add = true} : memref<10240xf32, #tpu.memory_space<vmem>>[vector<16xi32>], vector<16xf32>,
      %get3A_223 = arith.constant 0 : i32
      %get3A_224 = arith.index_cast %get3A_223 : i32 to index
      %get3A_225 = arith.constant 48 : index
      %get3A_226 = tpu.vector_load %arg12[%get3A_224, %get3A_225] {strides = array<i32>} : memref<2x128xf32, #tpu.memory_space<vmem>>, vector<16xf32>,
      %get3A_227 = arith.constant 0 : i32
      %get3A_228 = arith.index_cast %get3A_227 : i32 to index
      %get3A_229 = arith.constant 48 : index
      %get3A_230 = tpu.vector_load %arg13[%get3A_228, %get3A_229] {strides = array<i32>} : memref<2x128xf32, #tpu.memory_space<vmem>>, vector<16xf32>,
      %add3A_231 = arith.addf %get3A_226, %get3A_230 : vector<16xf32>
      %gt3A_232 = arith.constant 0.000000e+00 : f32
      %gt3A_233 = vector.broadcast %gt3A_232 : f32 to vector<16xf32>
      %gt3A_234 = arith.cmpf ogt, %add3A_231, %gt3A_233 : vector<16xf32>
      %mul3A_235 = arith.constant 2.000000e-01 : f32
      %mul3A_236 = vector.broadcast %mul3A_235 : f32 to vector<16xf32>
      %mul3A_237 = arith.mulf %mul3A_236, %add3A_231 : vector<16xf32>
      %select_n3A_238 = arith.select %gt3A_234, %add3A_231, %mul3A_237 : vector<16xi1>, vector<16xf32>
      %exp3A_239 = math.exp %select_n3A_238 : vector<16xf32>
      %swap3A_240 = arith.constant 0 : i32
      %swap3A_241 = arith.index_cast %swap3A_240 : i32 to index
      %swap3A_242 = arith.constant 48 : index
      %swap3A_243 = tpu.vector_load %arg14[%swap3A_241, %swap3A_242] {strides = array<i32>} : memref<2x144xf32, #tpu.memory_space<vmem>>, vector<16xf32>,
      tpu.vector_store %arg14[%swap3A_241, %swap3A_242], %exp3A_239 {strides = array<i32>} : memref<2x144xf32, #tpu.memory_space<vmem>>, vector<16xf32>,
      %get3A_244 = arith.constant 0 : i32
      %get3A_245 = arith.index_cast %get3A_244 : i32 to index
      %get3A_246 = arith.constant 48 : index
      %get3A_247 = tpu.vector_load %arg9[%get3A_245, %get3A_246] {strides = array<i32>} : memref<4x128xi32, #tpu.memory_space<vmem>>, vector<16xi32>,
      tpu.vector_store_idx %arg15[%get3A_247], %exp3A_239 {add = true} : memref<10240xf32, #tpu.memory_space<vmem>>[vector<16xi32>], vector<16xf32>,
      %get3A_248 = arith.constant 0 : i32
      %get3A_249 = arith.index_cast %get3A_248 : i32 to index
      %get3A_250 = arith.constant 64 : index
      %get3A_251 = tpu.vector_load %arg12[%get3A_249, %get3A_250] {strides = array<i32>} : memref<2x128xf32, #tpu.memory_space<vmem>>, vector<16xf32>,
      %get3A_252 = arith.constant 0 : i32
      %get3A_253 = arith.index_cast %get3A_252 : i32 to index
      %get3A_254 = arith.constant 64 : index
      %get3A_255 = tpu.vector_load %arg13[%get3A_253, %get3A_254] {strides = array<i32>} : memref<2x128xf32, #tpu.memory_space<vmem>>, vector<16xf32>,
      %add3A_256 = arith.addf %get3A_251, %get3A_255 : vector<16xf32>
      %gt3A_257 = arith.constant 0.000000e+00 : f32
      %gt3A_258 = vector.broadcast %gt3A_257 : f32 to vector<16xf32>
      %gt3A_259 = arith.cmpf ogt, %add3A_256, %gt3A_258 : vector<16xf32>
      %mul3A_260 = arith.constant 2.000000e-01 : f32
      %mul3A_261 = vector.broadcast %mul3A_260 : f32 to vector<16xf32>
      %mul3A_262 = arith.mulf %mul3A_261, %add3A_256 : vector<16xf32>
      %select_n3A_263 = arith.select %gt3A_259, %add3A_256, %mul3A_262 : vector<16xi1>, vector<16xf32>
      %exp3A_264 = math.exp %select_n3A_263 : vector<16xf32>
      %swap3A_265 = arith.constant 0 : i32
      %swap3A_266 = arith.index_cast %swap3A_265 : i32 to index
      %swap3A_267 = arith.constant 64 : index
      %swap3A_268 = tpu.vector_load %arg14[%swap3A_266, %swap3A_267] {strides = array<i32>} : memref<2x144xf32, #tpu.memory_space<vmem>>, vector<16xf32>,
      tpu.vector_store %arg14[%swap3A_266, %swap3A_267], %exp3A_264 {strides = array<i32>} : memref<2x144xf32, #tpu.memory_space<vmem>>, vector<16xf32>,
      %get3A_269 = arith.constant 0 : i32
      %get3A_270 = arith.index_cast %get3A_269 : i32 to index
      %get3A_271 = arith.constant 64 : index
      %get3A_272 = tpu.vector_load %arg9[%get3A_270, %get3A_271] {strides = array<i32>} : memref<4x128xi32, #tpu.memory_space<vmem>>, vector<16xi32>,
      tpu.vector_store_idx %arg15[%get3A_272], %exp3A_264 {add = true} : memref<10240xf32, #tpu.memory_space<vmem>>[vector<16xi32>], vector<16xf32>,
      %get3A_273 = arith.constant 0 : i32
      %get3A_274 = arith.index_cast %get3A_273 : i32 to index
      %get3A_275 = arith.constant 80 : index
      %get3A_276 = tpu.vector_load %arg12[%get3A_274, %get3A_275] {strides = array<i32>} : memref<2x128xf32, #tpu.memory_space<vmem>>, vector<16xf32>,
      %get3A_277 = arith.constant 0 : i32
      %get3A_278 = arith.index_cast %get3A_277 : i32 to index
      %get3A_279 = arith.constant 80 : index
      %get3A_280 = tpu.vector_load %arg13[%get3A_278, %get3A_279] {strides = array<i32>} : memref<2x128xf32, #tpu.memory_space<vmem>>, vector<16xf32>,
      %add3A_281 = arith.addf %get3A_276, %get3A_280 : vector<16xf32>
      %gt3A_282 = arith.constant 0.000000e+00 : f32
      %gt3A_283 = vector.broadcast %gt3A_282 : f32 to vector<16xf32>
      %gt3A_284 = arith.cmpf ogt, %add3A_281, %gt3A_283 : vector<16xf32>
      %mul3A_285 = arith.constant 2.000000e-01 : f32
      %mul3A_286 = vector.broadcast %mul3A_285 : f32 to vector<16xf32>
      %mul3A_287 = arith.mulf %mul3A_286, %add3A_281 : vector<16xf32>
      %select_n3A_288 = arith.select %gt3A_284, %add3A_281, %mul3A_287 : vector<16xi1>, vector<16xf32>
      %exp3A_289 = math.exp %select_n3A_288 : vector<16xf32>
      %swap3A_290 = arith.constant 0 : i32
      %swap3A_291 = arith.index_cast %swap3A_290 : i32 to index
      %swap3A_292 = arith.constant 80 : index
      %swap3A_293 = tpu.vector_load %arg14[%swap3A_291, %swap3A_292] {strides = array<i32>} : memref<2x144xf32, #tpu.memory_space<vmem>>, vector<16xf32>,
      tpu.vector_store %arg14[%swap3A_291, %swap3A_292], %exp3A_289 {strides = array<i32>} : memref<2x144xf32, #tpu.memory_space<vmem>>, vector<16xf32>,
      %get3A_294 = arith.constant 0 : i32
      %get3A_295 = arith.index_cast %get3A_294 : i32 to index
      %get3A_296 = arith.constant 80 : index
      %get3A_297 = tpu.vector_load %arg9[%get3A_295, %get3A_296] {strides = array<i32>} : memref<4x128xi32, #tpu.memory_space<vmem>>, vector<16xi32>,
      tpu.vector_store_idx %arg15[%get3A_297], %exp3A_289 {add = true} : memref<10240xf32, #tpu.memory_space<vmem>>[vector<16xi32>], vector<16xf32>,
      %get3A_298 = arith.constant 0 : i32
      %get3A_299 = arith.index_cast %get3A_298 : i32 to index
      %get3A_300 = arith.constant 96 : index
      %get3A_301 = tpu.vector_load %arg12[%get3A_299, %get3A_300] {strides = array<i32>} : memref<2x128xf32, #tpu.memory_space<vmem>>, vector<16xf32>,
      %get3A_302 = arith.constant 0 : i32
      %get3A_303 = arith.index_cast %get3A_302 : i32 to index
      %get3A_304 = arith.constant 96 : index
      %get3A_305 = tpu.vector_load %arg13[%get3A_303, %get3A_304] {strides = array<i32>} : memref<2x128xf32, #tpu.memory_space<vmem>>, vector<16xf32>,
      %add3A_306 = arith.addf %get3A_301, %get3A_305 : vector<16xf32>
      %gt3A_307 = arith.constant 0.000000e+00 : f32
      %gt3A_308 = vector.broadcast %gt3A_307 : f32 to vector<16xf32>
      %gt3A_309 = arith.cmpf ogt, %add3A_306, %gt3A_308 : vector<16xf32>
      %mul3A_310 = arith.constant 2.000000e-01 : f32
      %mul3A_311 = vector.broadcast %mul3A_310 : f32 to vector<16xf32>
      %mul3A_312 = arith.mulf %mul3A_311, %add3A_306 : vector<16xf32>
      %select_n3A_313 = arith.select %gt3A_309, %add3A_306, %mul3A_312 : vector<16xi1>, vector<16xf32>
      %exp3A_314 = math.exp %select_n3A_313 : vector<16xf32>
      %swap3A_315 = arith.constant 0 : i32
      %swap3A_316 = arith.index_cast %swap3A_315 : i32 to index
      %swap3A_317 = arith.constant 96 : index
      %swap3A_318 = tpu.vector_load %arg14[%swap3A_316, %swap3A_317] {strides = array<i32>} : memref<2x144xf32, #tpu.memory_space<vmem>>, vector<16xf32>,
      tpu.vector_store %arg14[%swap3A_316, %swap3A_317], %exp3A_314 {strides = array<i32>} : memref<2x144xf32, #tpu.memory_space<vmem>>, vector<16xf32>,
      %get3A_319 = arith.constant 0 : i32
      %get3A_320 = arith.index_cast %get3A_319 : i32 to index
      %get3A_321 = arith.constant 96 : index
      %get3A_322 = tpu.vector_load %arg9[%get3A_320, %get3A_321] {strides = array<i32>} : memref<4x128xi32, #tpu.memory_space<vmem>>, vector<16xi32>,
      tpu.vector_store_idx %arg15[%get3A_322], %exp3A_314 {add = true} : memref<10240xf32, #tpu.memory_space<vmem>>[vector<16xi32>], vector<16xf32>,
      %get3A_323 = arith.constant 0 : i32
      %get3A_324 = arith.index_cast %get3A_323 : i32 to index
      %get3A_325 = arith.constant 112 : index
      %get3A_326 = tpu.vector_load %arg12[%get3A_324, %get3A_325] {strides = array<i32>} : memref<2x128xf32, #tpu.memory_space<vmem>>, vector<16xf32>,
      %get3A_327 = arith.constant 0 : i32
      %get3A_328 = arith.index_cast %get3A_327 : i32 to index
      %get3A_329 = arith.constant 112 : index
      %get3A_330 = tpu.vector_load %arg13[%get3A_328, %get3A_329] {strides = array<i32>} : memref<2x128xf32, #tpu.memory_space<vmem>>, vector<16xf32>,
      %add3A_331 = arith.addf %get3A_326, %get3A_330 : vector<16xf32>
      %gt3A_332 = arith.constant 0.000000e+00 : f32
      %gt3A_333 = vector.broadcast %gt3A_332 : f32 to vector<16xf32>
      %gt3A_334 = arith.cmpf ogt, %add3A_331, %gt3A_333 : vector<16xf32>
      %mul3A_335 = arith.constant 2.000000e-01 : f32
      %mul3A_336 = vector.broadcast %mul3A_335 : f32 to vector<16xf32>
      %mul3A_337 = arith.mulf %mul3A_336, %add3A_331 : vector<16xf32>
      %select_n3A_338 = arith.select %gt3A_334, %add3A_331, %mul3A_337 : vector<16xi1>, vector<16xf32>
      %exp3A_339 = math.exp %select_n3A_338 : vector<16xf32>
      %swap3A_340 = arith.constant 0 : i32
      %swap3A_341 = arith.index_cast %swap3A_340 : i32 to index
      %swap3A_342 = arith.constant 112 : index
      %swap3A_343 = tpu.vector_load %arg14[%swap3A_341, %swap3A_342] {strides = array<i32>} : memref<2x144xf32, #tpu.memory_space<vmem>>, vector<16xf32>,
      tpu.vector_store %arg14[%swap3A_341, %swap3A_342], %exp3A_339 {strides = array<i32>} : memref<2x144xf32, #tpu.memory_space<vmem>>, vector<16xf32>,
      %get3A_344 = arith.constant 0 : i32
      %get3A_345 = arith.index_cast %get3A_344 : i32 to index
      %get3A_346 = arith.constant 112 : index
      %get3A_347 = tpu.vector_load %arg9[%get3A_345, %get3A_346] {strides = array<i32>} : memref<4x128xi32, #tpu.memory_space<vmem>>, vector<16xi32>,
      tpu.vector_store_idx %arg15[%get3A_347], %exp3A_339 {add = true} : memref<10240xf32, #tpu.memory_space<vmem>>[vector<16xi32>], vector<16xf32>,
      %convert_element_type3A_348 = arith.extui %gt3A_97 : i1 to i32
      %cond3A_349 = arith.constant 0 : i32
      %cond3A_350 = arith.cmpi ne, %convert_element_type3A_348, %cond3A_349 : i32
      scf.if %cond3A_350 {
        %dma_wait3A_1505 = arith.constant 1 : i32
        %dma_wait3A_1506 = arith.constant 3 : i32
        %dma_wait3A_1507 = arith.constant 1 : i32
        %dma_wait3A_1508 = arith.constant 0 : i32
        %dma_wait3A_1509 = arith.constant 0 : i32
        %dma_wait3A_1510 = tpu.memref_slice %arg11[%dma_wait3A_1505, %dma_wait3A_1508, %dma_wait3A_1509] : memref<2x128x128xf32, #tpu.memory_space<vmem>> -> memref<1x128x128xf32, #tpu.memory_space<vmem>>
        %dma_wait3A_1511 = tpu.memref_squeeze %dma_wait3A_1510 : memref<1x128x128xf32, #tpu.memory_space<vmem>> -> memref<128x128xf32, #tpu.memory_space<vmem>>
        %dma_wait3A_1512 = arith.constant 0 : i32
        %dma_wait3A_1513 = tpu.memref_slice %arg9[%dma_wait3A_1506, %dma_wait3A_1512] : memref<4x128xi32, #tpu.memory_space<vmem>> -> memref<1x128xi32, #tpu.memory_space<vmem>>
        %dma_wait3A_1514 = tpu.memref_squeeze %dma_wait3A_1513 : memref<1x128xi32, #tpu.memory_space<vmem>> -> memref<128xi32, #tpu.memory_space<vmem>>
        %dma_wait3A_1515 = arith.constant 0 : i32
        %dma_wait3A_1516 = arith.constant 0 : i32
        %dma_wait3A_1517 = tpu.memref_slice %arg16[%dma_wait3A_1515, %dma_wait3A_1516] : memref<10240x128xf32, #tpu.memory_space<vmem_shared>> -> memref<10240x128xf32, #tpu.memory_space<vmem_shared>>
        %dma_wait3A_1518 = tpu.memref_slice %arg21[%dma_wait3A_1507] : memref<2x!tpu.dma_semaphore, #tpu.memory_space<semaphore_mem>> -> memref<1x!tpu.dma_semaphore, #tpu.memory_space<semaphore_mem>>
        %dma_wait3A_1519 = tpu.memref_squeeze %dma_wait3A_1518 : memref<1x!tpu.dma_semaphore, #tpu.memory_space<semaphore_mem>> -> memref<!tpu.dma_semaphore, #tpu.memory_space<semaphore_mem>>
        tpu.wait_indirect_dma semaphore(%dma_wait3A_1519 : memref<!tpu.dma_semaphore, #tpu.memory_space<semaphore_mem>>) src(%dma_wait3A_1511 : memref<128x128xf32, #tpu.memory_space<vmem>>) dst(%dma_wait3A_1517 : memref<10240x128xf32, #tpu.memory_space<vmem_shared>>)
      } else {
      }
      %add3A_351 = arith.constant 1 : i32
      %add3A_352 = arith.addi %add3A_95, %add3A_351 : i32
      %mul3A_353 = arith.constant 128 : i32
      %mul3A_354 = arith.muli %add3A_352, %mul3A_353 : i32
      %add3A_355 = arith.addi %select_n3A_8, %mul3A_354 : i32
      %dma_wait3A_356 = arith.constant 1 : i32
      %dma_wait3A_357 = arith.constant 0 : i32
      %dma_wait3A_358 = arith.constant 0 : i32
      %dma_wait3A_359 = tpu.memref_slice %arg9[%dma_wait3A_356, %dma_wait3A_358] : memref<4x128xi32, #tpu.memory_space<vmem>> -> memref<1x128xi32, #tpu.memory_space<vmem>>
      %dma_wait3A_360 = tpu.memref_squeeze %dma_wait3A_359 : memref<1x128xi32, #tpu.memory_space<vmem>> -> memref<128xi32, #tpu.memory_space<vmem>>
      %dma_wait3A_361 = tpu.memref_slice %arg5[%add3A_355] : memref<327680xi32, #tpu.memory_space<hbm>> -> memref<128xi32, #tpu.memory_space<hbm>>
      %dma_wait3A_362 = tpu.memref_slice %arg18[%dma_wait3A_357] : memref<2x!tpu.dma_semaphore, #tpu.memory_space<semaphore_mem>> -> memref<1x!tpu.dma_semaphore, #tpu.memory_space<semaphore_mem>>
      %dma_wait3A_363 = tpu.memref_squeeze %dma_wait3A_362 : memref<1x!tpu.dma_semaphore, #tpu.memory_space<semaphore_mem>> -> memref<!tpu.dma_semaphore, #tpu.memory_space<semaphore_mem>>
      %dma_wait3A_364 = arith.constant 0 : i32
      %dma_wait3A_365 = tpu.memref_slice %arg9[%dma_wait3A_356, %dma_wait3A_364] : memref<4x128xi32, #tpu.memory_space<vmem>> -> memref<1x128xi32, #tpu.memory_space<vmem>>
      %dma_wait3A_366 = tpu.memref_squeeze %dma_wait3A_365 : memref<1x128xi32, #tpu.memory_space<vmem>> -> memref<128xi32, #tpu.memory_space<vmem>>
      %dma_wait3A_367 = tpu.memref_slice %arg5[%add3A_355] : memref<327680xi32, #tpu.memory_space<hbm>> -> memref<128xi32, #tpu.memory_space<hbm>>
      tpu.wait_dma2 semaphore(%dma_wait3A_363 : memref<!tpu.dma_semaphore, #tpu.memory_space<semaphore_mem>>) src(%dma_wait3A_367 : memref<128xi32, #tpu.memory_space<hbm>>) dst(%dma_wait3A_366 : memref<128xi32, #tpu.memory_space<vmem>>)
      %dma_wait3A_368 = arith.constant 1 : i32
      %dma_wait3A_369 = arith.constant 1 : i32
      %dma_wait3A_370 = arith.constant 0 : i32
      %dma_wait3A_371 = tpu.memref_slice %arg10[%dma_wait3A_368, %dma_wait3A_370] : memref<4x128xi32, #tpu.memory_space<vmem>> -> memref<1x128xi32, #tpu.memory_space<vmem>>
      %dma_wait3A_372 = tpu.memref_squeeze %dma_wait3A_371 : memref<1x128xi32, #tpu.memory_space<vmem>> -> memref<128xi32, #tpu.memory_space<vmem>>
      %dma_wait3A_373 = tpu.memref_slice %arg6[%add3A_355] : memref<327680xi32, #tpu.memory_space<hbm>> -> memref<128xi32, #tpu.memory_space<hbm>>
      %dma_wait3A_374 = tpu.memref_slice %arg18[%dma_wait3A_369] : memref<2x!tpu.dma_semaphore, #tpu.memory_space<semaphore_mem>> -> memref<1x!tpu.dma_semaphore, #tpu.memory_space<semaphore_mem>>
      %dma_wait3A_375 = tpu.memref_squeeze %dma_wait3A_374 : memref<1x!tpu.dma_semaphore, #tpu.memory_space<semaphore_mem>> -> memref<!tpu.dma_semaphore, #tpu.memory_space<semaphore_mem>>
      %dma_wait3A_376 = arith.constant 0 : i32
      %dma_wait3A_377 = tpu.memref_slice %arg10[%dma_wait3A_368, %dma_wait3A_376] : memref<4x128xi32, #tpu.memory_space<vmem>> -> memref<1x128xi32, #tpu.memory_space<vmem>>
      %dma_wait3A_378 = tpu.memref_squeeze %dma_wait3A_377 : memref<1x128xi32, #tpu.memory_space<vmem>> -> memref<128xi32, #tpu.memory_space<vmem>>
      %dma_wait3A_379 = tpu.memref_slice %arg6[%add3A_355] : memref<327680xi32, #tpu.memory_space<hbm>> -> memref<128xi32, #tpu.memory_space<hbm>>
      tpu.wait_dma2 semaphore(%dma_wait3A_375 : memref<!tpu.dma_semaphore, #tpu.memory_space<semaphore_mem>>) src(%dma_wait3A_379 : memref<128xi32, #tpu.memory_space<hbm>>) dst(%dma_wait3A_378 : memref<128xi32, #tpu.memory_space<vmem>>)
      %dma_start3A_380 = arith.constant 1 : i32
      %dma_start3A_381 = arith.constant 1 : i32
      %dma_start3A_382 = arith.constant 1 : i32
      %dma_start3A_383 = arith.constant 0 : i32
      %dma_start3A_384 = arith.constant 0 : i32
      %dma_start3A_385 = tpu.memref_slice %arg11[%dma_start3A_381, %dma_start3A_383, %dma_start3A_384] : memref<2x128x128xf32, #tpu.memory_space<vmem>> -> memref<1x128x128xf32, #tpu.memory_space<vmem>>
      %dma_start3A_386 = tpu.memref_squeeze %dma_start3A_385 : memref<1x128x128xf32, #tpu.memory_space<vmem>> -> memref<128x128xf32, #tpu.memory_space<vmem>>
      %dma_start3A_387 = arith.constant 0 : i32
      %dma_start3A_388 = tpu.memref_slice %arg10[%dma_start3A_380, %dma_start3A_387] : memref<4x128xi32, #tpu.memory_space<vmem>> -> memref<1x128xi32, #tpu.memory_space<vmem>>
      %dma_start3A_389 = tpu.memref_squeeze %dma_start3A_388 : memref<1x128xi32, #tpu.memory_space<vmem>> -> memref<128xi32, #tpu.memory_space<vmem>>
      %dma_start3A_390 = arith.constant 0 : i32
      %dma_start3A_391 = arith.constant 0 : i32
      %dma_start3A_392 = tpu.memref_slice %arg2[%dma_start3A_390, %dma_start3A_391] : memref<10240x128xf32, #tpu.memory_space<hbm>> -> memref<10240x128xf32, #tpu.memory_space<hbm>>
      %dma_start3A_393 = tpu.memref_slice %arg17[%dma_start3A_382] : memref<2x!tpu.dma_semaphore, #tpu.memory_space<semaphore_mem>> -> memref<1x!tpu.dma_semaphore, #tpu.memory_space<semaphore_mem>>
      %dma_start3A_394 = tpu.memref_squeeze %dma_start3A_393 : memref<1x!tpu.dma_semaphore, #tpu.memory_space<semaphore_mem>> -> memref<!tpu.dma_semaphore, #tpu.memory_space<semaphore_mem>>
      tpu.enqueue_indirect_dma source(%dma_start3A_392 : memref<10240x128xf32, #tpu.memory_space<hbm>>) target(%dma_start3A_386 : memref<128x128xf32, #tpu.memory_space<vmem>>) offsets(%dma_start3A_389 : memref<128xi32, #tpu.memory_space<vmem>>) semaphore(%dma_start3A_394 : memref<!tpu.dma_semaphore, #tpu.memory_space<semaphore_mem>>)
      %dma_start3A_395 = arith.constant 1 : i32
      %dma_start3A_396 = arith.constant 1 : i32
      %dma_start3A_397 = arith.constant 1 : i32
      %dma_start3A_398 = arith.constant 0 : i32
      %dma_start3A_399 = tpu.memref_slice %arg12[%dma_start3A_396, %dma_start3A_398] : memref<2x128xf32, #tpu.memory_space<vmem>> -> memref<1x128xf32, #tpu.memory_space<vmem>>
      %dma_start3A_400 = tpu.memref_squeeze %dma_start3A_399 : memref<1x128xf32, #tpu.memory_space<vmem>> -> memref<128xf32, #tpu.memory_space<vmem>>
      %dma_start3A_401 = arith.constant 0 : i32
      %dma_start3A_402 = tpu.memref_slice %arg9[%dma_start3A_395, %dma_start3A_401] : memref<4x128xi32, #tpu.memory_space<vmem>> -> memref<1x128xi32, #tpu.memory_space<vmem>>
      %dma_start3A_403 = tpu.memref_squeeze %dma_start3A_402 : memref<1x128xi32, #tpu.memory_space<vmem>> -> memref<128xi32, #tpu.memory_space<vmem>>
      %dma_start3A_404 = arith.constant 0 : i32
      %dma_start3A_405 = tpu.memref_slice %arg3[%dma_start3A_404] : memref<10240xf32, #tpu.memory_space<hbm>> -> memref<10240xf32, #tpu.memory_space<hbm>>
      %dma_start3A_406 = tpu.memref_slice %arg19[%dma_start3A_397] : memref<2x!tpu.dma_semaphore, #tpu.memory_space<semaphore_mem>> -> memref<1x!tpu.dma_semaphore, #tpu.memory_space<semaphore_mem>>
      %dma_start3A_407 = tpu.memref_squeeze %dma_start3A_406 : memref<1x!tpu.dma_semaphore, #tpu.memory_space<semaphore_mem>> -> memref<!tpu.dma_semaphore, #tpu.memory_space<semaphore_mem>>
      tpu.enqueue_indirect_dma source(%dma_start3A_405 : memref<10240xf32, #tpu.memory_space<hbm>>) target(%dma_start3A_400 : memref<128xf32, #tpu.memory_space<vmem>>) offsets(%dma_start3A_403 : memref<128xi32, #tpu.memory_space<vmem>>) semaphore(%dma_start3A_407 : memref<!tpu.dma_semaphore, #tpu.memory_space<semaphore_mem>>)
      %dma_start3A_408 = arith.constant 1 : i32
      %dma_start3A_409 = arith.constant 1 : i32
      %dma_start3A_410 = arith.constant 1 : i32
      %dma_start3A_411 = arith.constant 0 : i32
      %dma_start3A_412 = tpu.memref_slice %arg13[%dma_start3A_409, %dma_start3A_411] : memref<2x128xf32, #tpu.memory_space<vmem>> -> memref<1x128xf32, #tpu.memory_space<vmem>>
      %dma_start3A_413 = tpu.memref_squeeze %dma_start3A_412 : memref<1x128xf32, #tpu.memory_space<vmem>> -> memref<128xf32, #tpu.memory_space<vmem>>
      %dma_start3A_414 = arith.constant 0 : i32
      %dma_start3A_415 = tpu.memref_slice %arg10[%dma_start3A_408, %dma_start3A_414] : memref<4x128xi32, #tpu.memory_space<vmem>> -> memref<1x128xi32, #tpu.memory_space<vmem>>
      %dma_start3A_416 = tpu.memref_squeeze %dma_start3A_415 : memref<1x128xi32, #tpu.memory_space<vmem>> -> memref<128xi32, #tpu.memory_space<vmem>>
      %dma_start3A_417 = arith.constant 0 : i32
      %dma_start3A_418 = tpu.memref_slice %arg4[%dma_start3A_417] : memref<10240xf32, #tpu.memory_space<hbm>> -> memref<10240xf32, #tpu.memory_space<hbm>>
      %dma_start3A_419 = tpu.memref_slice %arg20[%dma_start3A_410] : memref<2x!tpu.dma_semaphore, #tpu.memory_space<semaphore_mem>> -> memref<1x!tpu.dma_semaphore, #tpu.memory_space<semaphore_mem>>
      %dma_start3A_420 = tpu.memref_squeeze %dma_start3A_419 : memref<1x!tpu.dma_semaphore, #tpu.memory_space<semaphore_mem>> -> memref<!tpu.dma_semaphore, #tpu.memory_space<semaphore_mem>>
      tpu.enqueue_indirect_dma source(%dma_start3A_418 : memref<10240xf32, #tpu.memory_space<hbm>>) target(%dma_start3A_413 : memref<128xf32, #tpu.memory_space<vmem>>) offsets(%dma_start3A_416 : memref<128xi32, #tpu.memory_space<vmem>>) semaphore(%dma_start3A_420 : memref<!tpu.dma_semaphore, #tpu.memory_space<semaphore_mem>>)
      %dma_wait3A_421 = arith.constant 0 : i32
      %dma_wait3A_422 = arith.constant 0 : i32
      %dma_wait3A_423 = arith.constant 0 : i32
      %dma_wait3A_424 = arith.constant 0 : i32
      %dma_wait3A_425 = arith.constant 0 : i32
      %dma_wait3A_426 = tpu.memref_slice %arg11[%dma_wait3A_422, %dma_wait3A_424, %dma_wait3A_425] : memref<2x128x128xf32, #tpu.memory_space<vmem>> -> memref<1x128x128xf32, #tpu.memory_space<vmem>>
      %dma_wait3A_427 = tpu.memref_squeeze %dma_wait3A_426 : memref<1x128x128xf32, #tpu.memory_space<vmem>> -> memref<128x128xf32, #tpu.memory_space<vmem>>
      %dma_wait3A_428 = arith.constant 0 : i32
      %dma_wait3A_429 = tpu.memref_slice %arg10[%dma_wait3A_421, %dma_wait3A_428] : memref<4x128xi32, #tpu.memory_space<vmem>> -> memref<1x128xi32, #tpu.memory_space<vmem>>
      %dma_wait3A_430 = tpu.memref_squeeze %dma_wait3A_429 : memref<1x128xi32, #tpu.memory_space<vmem>> -> memref<128xi32, #tpu.memory_space<vmem>>
      %dma_wait3A_431 = arith.constant 0 : i32
      %dma_wait3A_432 = arith.constant 0 : i32
      %dma_wait3A_433 = tpu.memref_slice %arg2[%dma_wait3A_431, %dma_wait3A_432] : memref<10240x128xf32, #tpu.memory_space<hbm>> -> memref<10240x128xf32, #tpu.memory_space<hbm>>
      %dma_wait3A_434 = tpu.memref_slice %arg17[%dma_wait3A_423] : memref<2x!tpu.dma_semaphore, #tpu.memory_space<semaphore_mem>> -> memref<1x!tpu.dma_semaphore, #tpu.memory_space<semaphore_mem>>
      %dma_wait3A_435 = tpu.memref_squeeze %dma_wait3A_434 : memref<1x!tpu.dma_semaphore, #tpu.memory_space<semaphore_mem>> -> memref<!tpu.dma_semaphore, #tpu.memory_space<semaphore_mem>>
      tpu.wait_indirect_dma semaphore(%dma_wait3A_435 : memref<!tpu.dma_semaphore, #tpu.memory_space<semaphore_mem>>) src(%dma_wait3A_433 : memref<10240x128xf32, #tpu.memory_space<hbm>>) dst(%dma_wait3A_427 : memref<128x128xf32, #tpu.memory_space<vmem>>)
      %scan3A_436 = arith.constant 0 : i32
      %scan3A_437 = arith.constant 0 : i32
      %scan3A_438 = arith.constant 128 : i32
      %scan3A_439 = arith.addi %scan3A_437, %scan3A_438 : i32
      %scan3A_440 = arith.constant 1 : i32
      %scan3A_441 = scf.for %scan3A_1505 = %scan3A_437 to %scan3A_439 step %scan3A_440 iter_args(%scan3A_1506 = %scan3A_436) -> (i32)  : i32 {
        %get3A_1507 = arith.constant 0 : i32
        %get3A_1508 = arith.index_cast %get3A_1507 : i32 to index
        %get3A_1509 = arith.index_cast %scan3A_1505 : i32 to index
        %get3A_1510 = tpu.vector_load %arg14[%get3A_1508, %get3A_1509] {strides = array<i32>} : memref<2x144xf32, #tpu.memory_space<vmem>>, vector<16xf32>,
        %slice3A = vector.extract_strided_slice %get3A_1510 {offsets = [0], sizes = [1], strides = [1]} : vector<16xf32> to vector<1xf32>
        %squeeze3A = vector.extract %slice3A[0] : f32 from vector<1xf32>
        %get3A_1511 = arith.constant 0 : i32
        %get3A_1512 = arith.index_cast %get3A_1511 : i32 to index
        %get3A_1513 = arith.index_cast %scan3A_1505 : i32 to index
        %get3A_1514 = arith.constant 0 : index
        %get3A_1515 = tpu.vector_load %arg11[%get3A_1512, %get3A_1513, %get3A_1514] {strides = array<i32>} : memref<2x128x128xf32, #tpu.memory_space<vmem>>, vector<16xf32>,
        %mul3A_1516 = vector.broadcast %squeeze3A : f32 to vector<16xf32>
        %mul3A_1517 = arith.mulf %get3A_1515, %mul3A_1516 : vector<16xf32>
        %swap3A_1518 = arith.constant 0 : i32
        %swap3A_1519 = arith.index_cast %swap3A_1518 : i32 to index
        %swap3A_1520 = arith.index_cast %scan3A_1505 : i32 to index
        %swap3A_1521 = arith.constant 0 : index
        %swap3A_1522 = tpu.vector_load %arg11[%swap3A_1519, %swap3A_1520, %swap3A_1521] {strides = array<i32>} : memref<2x128x128xf32, #tpu.memory_space<vmem>>, vector<16xf32>,
        tpu.vector_store %arg11[%swap3A_1519, %swap3A_1520, %swap3A_1521], %mul3A_1517 {strides = array<i32>} : memref<2x128x128xf32, #tpu.memory_space<vmem>>, vector<16xf32>,
        %get3A_1523 = arith.constant 0 : i32
        %get3A_1524 = arith.index_cast %get3A_1523 : i32 to index
        %get3A_1525 = arith.index_cast %scan3A_1505 : i32 to index
        %get3A_1526 = arith.constant 16 : index
        %get3A_1527 = tpu.vector_load %arg11[%get3A_1524, %get3A_1525, %get3A_1526] {strides = array<i32>} : memref<2x128x128xf32, #tpu.memory_space<vmem>>, vector<16xf32>,
        %mul3A_1528 = vector.broadcast %squeeze3A : f32 to vector<16xf32>
        %mul3A_1529 = arith.mulf %get3A_1527, %mul3A_1528 : vector<16xf32>
        %swap3A_1530 = arith.constant 0 : i32
        %swap3A_1531 = arith.index_cast %swap3A_1530 : i32 to index
        %swap3A_1532 = arith.index_cast %scan3A_1505 : i32 to index
        %swap3A_1533 = arith.constant 16 : index
        %swap3A_1534 = tpu.vector_load %arg11[%swap3A_1531, %swap3A_1532, %swap3A_1533] {strides = array<i32>} : memref<2x128x128xf32, #tpu.memory_space<vmem>>, vector<16xf32>,
        tpu.vector_store %arg11[%swap3A_1531, %swap3A_1532, %swap3A_1533], %mul3A_1529 {strides = array<i32>} : memref<2x128x128xf32, #tpu.memory_space<vmem>>, vector<16xf32>,
        %get3A_1535 = arith.constant 0 : i32
        %get3A_1536 = arith.index_cast %get3A_1535 : i32 to index
        %get3A_1537 = arith.index_cast %scan3A_1505 : i32 to index
        %get3A_1538 = arith.constant 32 : index
        %get3A_1539 = tpu.vector_load %arg11[%get3A_1536, %get3A_1537, %get3A_1538] {strides = array<i32>} : memref<2x128x128xf32, #tpu.memory_space<vmem>>, vector<16xf32>,
        %mul3A_1540 = vector.broadcast %squeeze3A : f32 to vector<16xf32>
        %mul3A_1541 = arith.mulf %get3A_1539, %mul3A_1540 : vector<16xf32>
        %swap3A_1542 = arith.constant 0 : i32
        %swap3A_1543 = arith.index_cast %swap3A_1542 : i32 to index
        %swap3A_1544 = arith.index_cast %scan3A_1505 : i32 to index
        %swap3A_1545 = arith.constant 32 : index
        %swap3A_1546 = tpu.vector_load %arg11[%swap3A_1543, %swap3A_1544, %swap3A_1545] {strides = array<i32>} : memref<2x128x128xf32, #tpu.memory_space<vmem>>, vector<16xf32>,
        tpu.vector_store %arg11[%swap3A_1543, %swap3A_1544, %swap3A_1545], %mul3A_1541 {strides = array<i32>} : memref<2x128x128xf32, #tpu.memory_space<vmem>>, vector<16xf32>,
        %get3A_1547 = arith.constant 0 : i32
        %get3A_1548 = arith.index_cast %get3A_1547 : i32 to index
        %get3A_1549 = arith.index_cast %scan3A_1505 : i32 to index
        %get3A_1550 = arith.constant 48 : index
        %get3A_1551 = tpu.vector_load %arg11[%get3A_1548, %get3A_1549, %get3A_1550] {strides = array<i32>} : memref<2x128x128xf32, #tpu.memory_space<vmem>>, vector<16xf32>,
        %mul3A_1552 = vector.broadcast %squeeze3A : f32 to vector<16xf32>
        %mul3A_1553 = arith.mulf %get3A_1551, %mul3A_1552 : vector<16xf32>
        %swap3A_1554 = arith.constant 0 : i32
        %swap3A_1555 = arith.index_cast %swap3A_1554 : i32 to index
        %swap3A_1556 = arith.index_cast %scan3A_1505 : i32 to index
        %swap3A_1557 = arith.constant 48 : index
        %swap3A_1558 = tpu.vector_load %arg11[%swap3A_1555, %swap3A_1556, %swap3A_1557] {strides = array<i32>} : memref<2x128x128xf32, #tpu.memory_space<vmem>>, vector<16xf32>,
        tpu.vector_store %arg11[%swap3A_1555, %swap3A_1556, %swap3A_1557], %mul3A_1553 {strides = array<i32>} : memref<2x128x128xf32, #tpu.memory_space<vmem>>, vector<16xf32>,
        %get3A_1559 = arith.constant 0 : i32
        %get3A_1560 = arith.index_cast %get3A_1559 : i32 to index
        %get3A_1561 = arith.index_cast %scan3A_1505 : i32 to index
        %get3A_1562 = arith.constant 64 : index
        %get3A_1563 = tpu.vector_load %arg11[%get3A_1560, %get3A_1561, %get3A_1562] {strides = array<i32>} : memref<2x128x128xf32, #tpu.memory_space<vmem>>, vector<16xf32>,
        %mul3A_1564 = vector.broadcast %squeeze3A : f32 to vector<16xf32>
        %mul3A_1565 = arith.mulf %get3A_1563, %mul3A_1564 : vector<16xf32>
        %swap3A_1566 = arith.constant 0 : i32
        %swap3A_1567 = arith.index_cast %swap3A_1566 : i32 to index
        %swap3A_1568 = arith.index_cast %scan3A_1505 : i32 to index
        %swap3A_1569 = arith.constant 64 : index
        %swap3A_1570 = tpu.vector_load %arg11[%swap3A_1567, %swap3A_1568, %swap3A_1569] {strides = array<i32>} : memref<2x128x128xf32, #tpu.memory_space<vmem>>, vector<16xf32>,
        tpu.vector_store %arg11[%swap3A_1567, %swap3A_1568, %swap3A_1569], %mul3A_1565 {strides = array<i32>} : memref<2x128x128xf32, #tpu.memory_space<vmem>>, vector<16xf32>,
        %get3A_1571 = arith.constant 0 : i32
        %get3A_1572 = arith.index_cast %get3A_1571 : i32 to index
        %get3A_1573 = arith.index_cast %scan3A_1505 : i32 to index
        %get3A_1574 = arith.constant 80 : index
        %get3A_1575 = tpu.vector_load %arg11[%get3A_1572, %get3A_1573, %get3A_1574] {strides = array<i32>} : memref<2x128x128xf32, #tpu.memory_space<vmem>>, vector<16xf32>,
        %mul3A_1576 = vector.broadcast %squeeze3A : f32 to vector<16xf32>
        %mul3A_1577 = arith.mulf %get3A_1575, %mul3A_1576 : vector<16xf32>
        %swap3A_1578 = arith.constant 0 : i32
        %swap3A_1579 = arith.index_cast %swap3A_1578 : i32 to index
        %swap3A_1580 = arith.index_cast %scan3A_1505 : i32 to index
        %swap3A_1581 = arith.constant 80 : index
        %swap3A_1582 = tpu.vector_load %arg11[%swap3A_1579, %swap3A_1580, %swap3A_1581] {strides = array<i32>} : memref<2x128x128xf32, #tpu.memory_space<vmem>>, vector<16xf32>,
        tpu.vector_store %arg11[%swap3A_1579, %swap3A_1580, %swap3A_1581], %mul3A_1577 {strides = array<i32>} : memref<2x128x128xf32, #tpu.memory_space<vmem>>, vector<16xf32>,
        %get3A_1583 = arith.constant 0 : i32
        %get3A_1584 = arith.index_cast %get3A_1583 : i32 to index
        %get3A_1585 = arith.index_cast %scan3A_1505 : i32 to index
        %get3A_1586 = arith.constant 96 : index
        %get3A_1587 = tpu.vector_load %arg11[%get3A_1584, %get3A_1585, %get3A_1586] {strides = array<i32>} : memref<2x128x128xf32, #tpu.memory_space<vmem>>, vector<16xf32>,
        %mul3A_1588 = vector.broadcast %squeeze3A : f32 to vector<16xf32>
        %mul3A_1589 = arith.mulf %get3A_1587, %mul3A_1588 : vector<16xf32>
        %swap3A_1590 = arith.constant 0 : i32
        %swap3A_1591 = arith.index_cast %swap3A_1590 : i32 to index
        %swap3A_1592 = arith.index_cast %scan3A_1505 : i32 to index
        %swap3A_1593 = arith.constant 96 : index
        %swap3A_1594 = tpu.vector_load %arg11[%swap3A_1591, %swap3A_1592, %swap3A_1593] {strides = array<i32>} : memref<2x128x128xf32, #tpu.memory_space<vmem>>, vector<16xf32>,
        tpu.vector_store %arg11[%swap3A_1591, %swap3A_1592, %swap3A_1593], %mul3A_1589 {strides = array<i32>} : memref<2x128x128xf32, #tpu.memory_space<vmem>>, vector<16xf32>,
        %get3A_1595 = arith.constant 0 : i32
        %get3A_1596 = arith.index_cast %get3A_1595 : i32 to index
        %get3A_1597 = arith.index_cast %scan3A_1505 : i32 to index
        %get3A_1598 = arith.constant 112 : index
        %get3A_1599 = tpu.vector_load %arg11[%get3A_1596, %get3A_1597, %get3A_1598] {strides = array<i32>} : memref<2x128x128xf32, #tpu.memory_space<vmem>>, vector<16xf32>,
        %mul3A_1600 = vector.broadcast %squeeze3A : f32 to vector<16xf32>
        %mul3A_1601 = arith.mulf %get3A_1599, %mul3A_1600 : vector<16xf32>
        %swap3A_1602 = arith.constant 0 : i32
        %swap3A_1603 = arith.index_cast %swap3A_1602 : i32 to index
        %swap3A_1604 = arith.index_cast %scan3A_1505 : i32 to index
        %swap3A_1605 = arith.constant 112 : index
        %swap3A_1606 = tpu.vector_load %arg11[%swap3A_1603, %swap3A_1604, %swap3A_1605] {strides = array<i32>} : memref<2x128x128xf32, #tpu.memory_space<vmem>>, vector<16xf32>,
        tpu.vector_store %arg11[%swap3A_1603, %swap3A_1604, %swap3A_1605], %mul3A_1601 {strides = array<i32>} : memref<2x128x128xf32, #tpu.memory_space<vmem>>, vector<16xf32>,
        %scan3A_1607 = arith.constant 0 : i32
        scf.yield %scan3A_1607 : i32
      }
      %scan3A_442 = arith.constant 128 : i32
      %dma_start3A_443 = arith.constant 0 : i32
      %dma_start3A_444 = arith.constant 0 : i32
      %dma_start3A_445 = arith.constant 0 : i32
      %dma_start3A_446 = arith.constant 0 : i32
      %dma_start3A_447 = arith.constant 0 : i32
      %dma_start3A_448 = tpu.memref_slice %arg11[%dma_start3A_443, %dma_start3A_446, %dma_start3A_447] : memref<2x128x128xf32, #tpu.memory_space<vmem>> -> memref<1x128x128xf32, #tpu.memory_space<vmem>>
      %dma_start3A_449 = tpu.memref_squeeze %dma_start3A_448 : memref<1x128x128xf32, #tpu.memory_space<vmem>> -> memref<128x128xf32, #tpu.memory_space<vmem>>
      %dma_start3A_450 = arith.constant 0 : i32
      %dma_start3A_451 = tpu.memref_slice %arg9[%dma_start3A_444, %dma_start3A_450] : memref<4x128xi32, #tpu.memory_space<vmem>> -> memref<1x128xi32, #tpu.memory_space<vmem>>
      %dma_start3A_452 = tpu.memref_squeeze %dma_start3A_451 : memref<1x128xi32, #tpu.memory_space<vmem>> -> memref<128xi32, #tpu.memory_space<vmem>>
      %dma_start3A_453 = arith.constant 0 : i32
      %dma_start3A_454 = arith.constant 0 : i32
      %dma_start3A_455 = tpu.memref_slice %arg16[%dma_start3A_453, %dma_start3A_454] : memref<10240x128xf32, #tpu.memory_space<vmem_shared>> -> memref<10240x128xf32, #tpu.memory_space<vmem_shared>>
      %dma_start3A_456 = tpu.memref_slice %arg21[%dma_start3A_445] : memref<2x!tpu.dma_semaphore, #tpu.memory_space<semaphore_mem>> -> memref<1x!tpu.dma_semaphore, #tpu.memory_space<semaphore_mem>>
      %dma_start3A_457 = tpu.memref_squeeze %dma_start3A_456 : memref<1x!tpu.dma_semaphore, #tpu.memory_space<semaphore_mem>> -> memref<!tpu.dma_semaphore, #tpu.memory_space<semaphore_mem>>
      tpu.enqueue_indirect_dma source(%dma_start3A_449 : memref<128x128xf32, #tpu.memory_space<vmem>>) target(%dma_start3A_455 : memref<10240x128xf32, #tpu.memory_space<vmem_shared>>) offsets(%dma_start3A_452 : memref<128xi32, #tpu.memory_space<vmem>>) semaphore(%dma_start3A_457 : memref<!tpu.dma_semaphore, #tpu.memory_space<semaphore_mem>>) {add = true}
      %add3A_458 = arith.constant 1 : i32
      %add3A_459 = arith.addi %mul3A_93, %add3A_458 : i32
      %add3A_460 = arith.constant 1 : i32
      %add3A_461 = arith.addi %add3A_459, %add3A_460 : i32
      %mul3A_462 = arith.constant 128 : i32
      %mul3A_463 = arith.muli %add3A_461, %mul3A_462 : i32
      %add3A_464 = arith.addi %select_n3A_8, %mul3A_463 : i32
      %dma_start3A_465 = arith.constant 2 : i32
      %dma_start3A_466 = arith.constant 0 : i32
      %dma_start3A_467 = arith.constant 0 : i32
      %dma_start3A_468 = tpu.memref_slice %arg9[%dma_start3A_465, %dma_start3A_467] : memref<4x128xi32, #tpu.memory_space<vmem>> -> memref<1x128xi32, #tpu.memory_space<vmem>>
      %dma_start3A_469 = tpu.memref_squeeze %dma_start3A_468 : memref<1x128xi32, #tpu.memory_space<vmem>> -> memref<128xi32, #tpu.memory_space<vmem>>
      %dma_start3A_470 = tpu.memref_slice %arg5[%add3A_464] : memref<327680xi32, #tpu.memory_space<hbm>> -> memref<128xi32, #tpu.memory_space<hbm>>
      %dma_start3A_471 = tpu.memref_slice %arg18[%dma_start3A_466] : memref<2x!tpu.dma_semaphore, #tpu.memory_space<semaphore_mem>> -> memref<1x!tpu.dma_semaphore, #tpu.memory_space<semaphore_mem>>
      %dma_start3A_472 = tpu.memref_squeeze %dma_start3A_471 : memref<1x!tpu.dma_semaphore, #tpu.memory_space<semaphore_mem>> -> memref<!tpu.dma_semaphore, #tpu.memory_space<semaphore_mem>>
      %dma_start3A_473 = arith.constant 0 : i32
      %dma_start3A_474 = tpu.memref_slice %arg9[%dma_start3A_465, %dma_start3A_473] : memref<4x128xi32, #tpu.memory_space<vmem>> -> memref<1x128xi32, #tpu.memory_space<vmem>>
      %dma_start3A_475 = tpu.memref_squeeze %dma_start3A_474 : memref<1x128xi32, #tpu.memory_space<vmem>> -> memref<128xi32, #tpu.memory_space<vmem>>
      %dma_start3A_476 = tpu.memref_slice %arg5[%add3A_464] : memref<327680xi32, #tpu.memory_space<hbm>> -> memref<128xi32, #tpu.memory_space<hbm>>
      tpu.enqueue_dma source(%dma_start3A_476 : memref<128xi32, #tpu.memory_space<hbm>>) target(%dma_start3A_475 : memref<128xi32, #tpu.memory_space<vmem>>) target_semaphore(%dma_start3A_472 : memref<!tpu.dma_semaphore, #tpu.memory_space<semaphore_mem>>)
      %dma_start3A_477 = arith.constant 2 : i32
      %dma_start3A_478 = arith.constant 1 : i32
      %dma_start3A_479 = arith.constant 0 : i32
      %dma_start3A_480 = tpu.memref_slice %arg10[%dma_start3A_477, %dma_start3A_479] : memref<4x128xi32, #tpu.memory_space<vmem>> -> memref<1x128xi32, #tpu.memory_space<vmem>>
      %dma_start3A_481 = tpu.memref_squeeze %dma_start3A_480 : memref<1x128xi32, #tpu.memory_space<vmem>> -> memref<128xi32, #tpu.memory_space<vmem>>
      %dma_start3A_482 = tpu.memref_slice %arg6[%add3A_464] : memref<327680xi32, #tpu.memory_space<hbm>> -> memref<128xi32, #tpu.memory_space<hbm>>
      %dma_start3A_483 = tpu.memref_slice %arg18[%dma_start3A_478] : memref<2x!tpu.dma_semaphore, #tpu.memory_space<semaphore_mem>> -> memref<1x!tpu.dma_semaphore, #tpu.memory_space<semaphore_mem>>
      %dma_start3A_484 = tpu.memref_squeeze %dma_start3A_483 : memref<1x!tpu.dma_semaphore, #tpu.memory_space<semaphore_mem>> -> memref<!tpu.dma_semaphore, #tpu.memory_space<semaphore_mem>>
      %dma_start3A_485 = arith.constant 0 : i32
      %dma_start3A_486 = tpu.memref_slice %arg10[%dma_start3A_477, %dma_start3A_485] : memref<4x128xi32, #tpu.memory_space<vmem>> -> memref<1x128xi32, #tpu.memory_space<vmem>>
      %dma_start3A_487 = tpu.memref_squeeze %dma_start3A_486 : memref<1x128xi32, #tpu.memory_space<vmem>> -> memref<128xi32, #tpu.memory_space<vmem>>
      %dma_start3A_488 = tpu.memref_slice %arg6[%add3A_464] : memref<327680xi32, #tpu.memory_space<hbm>> -> memref<128xi32, #tpu.memory_space<hbm>>
      tpu.enqueue_dma source(%dma_start3A_488 : memref<128xi32, #tpu.memory_space<hbm>>) target(%dma_start3A_487 : memref<128xi32, #tpu.memory_space<vmem>>) target_semaphore(%dma_start3A_484 : memref<!tpu.dma_semaphore, #tpu.memory_space<semaphore_mem>>)
      %dma_wait3A_489 = arith.constant 1 : i32
      %dma_wait3A_490 = arith.constant 1 : i32
      %dma_wait3A_491 = arith.constant 1 : i32
      %dma_wait3A_492 = arith.constant 0 : i32
      %dma_wait3A_493 = tpu.memref_slice %arg12[%dma_wait3A_490, %dma_wait3A_492] : memref<2x128xf32, #tpu.memory_space<vmem>> -> memref<1x128xf32, #tpu.memory_space<vmem>>
      %dma_wait3A_494 = tpu.memref_squeeze %dma_wait3A_493 : memref<1x128xf32, #tpu.memory_space<vmem>> -> memref<128xf32, #tpu.memory_space<vmem>>
      %dma_wait3A_495 = arith.constant 0 : i32
      %dma_wait3A_496 = tpu.memref_slice %arg9[%dma_wait3A_489, %dma_wait3A_495] : memref<4x128xi32, #tpu.memory_space<vmem>> -> memref<1x128xi32, #tpu.memory_space<vmem>>
      %dma_wait3A_497 = tpu.memref_squeeze %dma_wait3A_496 : memref<1x128xi32, #tpu.memory_space<vmem>> -> memref<128xi32, #tpu.memory_space<vmem>>
      %dma_wait3A_498 = arith.constant 0 : i32
      %dma_wait3A_499 = tpu.memref_slice %arg3[%dma_wait3A_498] : memref<10240xf32, #tpu.memory_space<hbm>> -> memref<10240xf32, #tpu.memory_space<hbm>>
      %dma_wait3A_500 = tpu.memref_slice %arg19[%dma_wait3A_491] : memref<2x!tpu.dma_semaphore, #tpu.memory_space<semaphore_mem>> -> memref<1x!tpu.dma_semaphore, #tpu.memory_space<semaphore_mem>>
      %dma_wait3A_501 = tpu.memref_squeeze %dma_wait3A_500 : memref<1x!tpu.dma_semaphore, #tpu.memory_space<semaphore_mem>> -> memref<!tpu.dma_semaphore, #tpu.memory_space<semaphore_mem>>
      tpu.wait_indirect_dma semaphore(%dma_wait3A_501 : memref<!tpu.dma_semaphore, #tpu.memory_space<semaphore_mem>>) src(%dma_wait3A_499 : memref<10240xf32, #tpu.memory_space<hbm>>) dst(%dma_wait3A_494 : memref<128xf32, #tpu.memory_space<vmem>>)
      %dma_wait3A_502 = arith.constant 1 : i32
      %dma_wait3A_503 = arith.constant 1 : i32
      %dma_wait3A_504 = arith.constant 1 : i32
      %dma_wait3A_505 = arith.constant 0 : i32
      %dma_wait3A_506 = tpu.memref_slice %arg13[%dma_wait3A_503, %dma_wait3A_505] : memref<2x128xf32, #tpu.memory_space<vmem>> -> memref<1x128xf32, #tpu.memory_space<vmem>>
      %dma_wait3A_507 = tpu.memref_squeeze %dma_wait3A_506 : memref<1x128xf32, #tpu.memory_space<vmem>> -> memref<128xf32, #tpu.memory_space<vmem>>
      %dma_wait3A_508 = arith.constant 0 : i32
      %dma_wait3A_509 = tpu.memref_slice %arg10[%dma_wait3A_502, %dma_wait3A_508] : memref<4x128xi32, #tpu.memory_space<vmem>> -> memref<1x128xi32, #tpu.memory_space<vmem>>
      %dma_wait3A_510 = tpu.memref_squeeze %dma_wait3A_509 : memref<1x128xi32, #tpu.memory_space<vmem>> -> memref<128xi32, #tpu.memory_space<vmem>>
      %dma_wait3A_511 = arith.constant 0 : i32
      %dma_wait3A_512 = tpu.memref_slice %arg4[%dma_wait3A_511] : memref<10240xf32, #tpu.memory_space<hbm>> -> memref<10240xf32, #tpu.memory_space<hbm>>
      %dma_wait3A_513 = tpu.memref_slice %arg20[%dma_wait3A_504] : memref<2x!tpu.dma_semaphore, #tpu.memory_space<semaphore_mem>> -> memref<1x!tpu.dma_semaphore, #tpu.memory_space<semaphore_mem>>
      %dma_wait3A_514 = tpu.memref_squeeze %dma_wait3A_513 : memref<1x!tpu.dma_semaphore, #tpu.memory_space<semaphore_mem>> -> memref<!tpu.dma_semaphore, #tpu.memory_space<semaphore_mem>>
      tpu.wait_indirect_dma semaphore(%dma_wait3A_514 : memref<!tpu.dma_semaphore, #tpu.memory_space<semaphore_mem>>) src(%dma_wait3A_512 : memref<10240xf32, #tpu.memory_space<hbm>>) dst(%dma_wait3A_507 : memref<128xf32, #tpu.memory_space<vmem>>)
      %get3A_515 = arith.constant 1 : i32
      %get3A_516 = arith.index_cast %get3A_515 : i32 to index
      %get3A_517 = arith.constant 0 : index
      %get3A_518 = tpu.vector_load %arg12[%get3A_516, %get3A_517] {strides = array<i32>} : memref<2x128xf32, #tpu.memory_space<vmem>>, vector<16xf32>,
      %get3A_519 = arith.constant 1 : i32
      %get3A_520 = arith.index_cast %get3A_519 : i32 to index
      %get3A_521 = arith.constant 0 : index
      %get3A_522 = tpu.vector_load %arg13[%get3A_520, %get3A_521] {strides = array<i32>} : memref<2x128xf32, #tpu.memory_space<vmem>>, vector<16xf32>,
      %add3A_523 = arith.addf %get3A_518, %get3A_522 : vector<16xf32>
      %gt3A_524 = arith.constant 0.000000e+00 : f32
      %gt3A_525 = vector.broadcast %gt3A_524 : f32 to vector<16xf32>
      %gt3A_526 = arith.cmpf ogt, %add3A_523, %gt3A_525 : vector<16xf32>
      %mul3A_527 = arith.constant 2.000000e-01 : f32
      %mul3A_528 = vector.broadcast %mul3A_527 : f32 to vector<16xf32>
      %mul3A_529 = arith.mulf %mul3A_528, %add3A_523 : vector<16xf32>
      %select_n3A_530 = arith.select %gt3A_526, %add3A_523, %mul3A_529 : vector<16xi1>, vector<16xf32>
      %exp3A_531 = math.exp %select_n3A_530 : vector<16xf32>
      %swap3A_532 = arith.constant 1 : i32
      %swap3A_533 = arith.index_cast %swap3A_532 : i32 to index
      %swap3A_534 = arith.constant 0 : index
      %swap3A_535 = tpu.vector_load %arg14[%swap3A_533, %swap3A_534] {strides = array<i32>} : memref<2x144xf32, #tpu.memory_space<vmem>>, vector<16xf32>,
      tpu.vector_store %arg14[%swap3A_533, %swap3A_534], %exp3A_531 {strides = array<i32>} : memref<2x144xf32, #tpu.memory_space<vmem>>, vector<16xf32>,
      %get3A_536 = arith.constant 1 : i32
      %get3A_537 = arith.index_cast %get3A_536 : i32 to index
      %get3A_538 = arith.constant 0 : index
      %get3A_539 = tpu.vector_load %arg9[%get3A_537, %get3A_538] {strides = array<i32>} : memref<4x128xi32, #tpu.memory_space<vmem>>, vector<16xi32>,
      tpu.vector_store_idx %arg15[%get3A_539], %exp3A_531 {add = true} : memref<10240xf32, #tpu.memory_space<vmem>>[vector<16xi32>], vector<16xf32>,
      %get3A_540 = arith.constant 1 : i32
      %get3A_541 = arith.index_cast %get3A_540 : i32 to index
      %get3A_542 = arith.constant 16 : index
      %get3A_543 = tpu.vector_load %arg12[%get3A_541, %get3A_542] {strides = array<i32>} : memref<2x128xf32, #tpu.memory_space<vmem>>, vector<16xf32>,
      %get3A_544 = arith.constant 1 : i32
      %get3A_545 = arith.index_cast %get3A_544 : i32 to index
      %get3A_546 = arith.constant 16 : index
      %get3A_547 = tpu.vector_load %arg13[%get3A_545, %get3A_546] {strides = array<i32>} : memref<2x128xf32, #tpu.memory_space<vmem>>, vector<16xf32>,
      %add3A_548 = arith.addf %get3A_543, %get3A_547 : vector<16xf32>
      %gt3A_549 = arith.constant 0.000000e+00 : f32
      %gt3A_550 = vector.broadcast %gt3A_549 : f32 to vector<16xf32>
      %gt3A_551 = arith.cmpf ogt, %add3A_548, %gt3A_550 : vector<16xf32>
      %mul3A_552 = arith.constant 2.000000e-01 : f32
      %mul3A_553 = vector.broadcast %mul3A_552 : f32 to vector<16xf32>
      %mul3A_554 = arith.mulf %mul3A_553, %add3A_548 : vector<16xf32>
      %select_n3A_555 = arith.select %gt3A_551, %add3A_548, %mul3A_554 : vector<16xi1>, vector<16xf32>
      %exp3A_556 = math.exp %select_n3A_555 : vector<16xf32>
      %swap3A_557 = arith.constant 1 : i32
      %swap3A_558 = arith.index_cast %swap3A_557 : i32 to index
      %swap3A_559 = arith.constant 16 : index
      %swap3A_560 = tpu.vector_load %arg14[%swap3A_558, %swap3A_559] {strides = array<i32>} : memref<2x144xf32, #tpu.memory_space<vmem>>, vector<16xf32>,
      tpu.vector_store %arg14[%swap3A_558, %swap3A_559], %exp3A_556 {strides = array<i32>} : memref<2x144xf32, #tpu.memory_space<vmem>>, vector<16xf32>,
      %get3A_561 = arith.constant 1 : i32
      %get3A_562 = arith.index_cast %get3A_561 : i32 to index
      %get3A_563 = arith.constant 16 : index
      %get3A_564 = tpu.vector_load %arg9[%get3A_562, %get3A_563] {strides = array<i32>} : memref<4x128xi32, #tpu.memory_space<vmem>>, vector<16xi32>,
      tpu.vector_store_idx %arg15[%get3A_564], %exp3A_556 {add = true} : memref<10240xf32, #tpu.memory_space<vmem>>[vector<16xi32>], vector<16xf32>,
      %get3A_565 = arith.constant 1 : i32
      %get3A_566 = arith.index_cast %get3A_565 : i32 to index
      %get3A_567 = arith.constant 32 : index
      %get3A_568 = tpu.vector_load %arg12[%get3A_566, %get3A_567] {strides = array<i32>} : memref<2x128xf32, #tpu.memory_space<vmem>>, vector<16xf32>,
      %get3A_569 = arith.constant 1 : i32
      %get3A_570 = arith.index_cast %get3A_569 : i32 to index
      %get3A_571 = arith.constant 32 : index
      %get3A_572 = tpu.vector_load %arg13[%get3A_570, %get3A_571] {strides = array<i32>} : memref<2x128xf32, #tpu.memory_space<vmem>>, vector<16xf32>,
      %add3A_573 = arith.addf %get3A_568, %get3A_572 : vector<16xf32>
      %gt3A_574 = arith.constant 0.000000e+00 : f32
      %gt3A_575 = vector.broadcast %gt3A_574 : f32 to vector<16xf32>
      %gt3A_576 = arith.cmpf ogt, %add3A_573, %gt3A_575 : vector<16xf32>
      %mul3A_577 = arith.constant 2.000000e-01 : f32
      %mul3A_578 = vector.broadcast %mul3A_577 : f32 to vector<16xf32>
      %mul3A_579 = arith.mulf %mul3A_578, %add3A_573 : vector<16xf32>
      %select_n3A_580 = arith.select %gt3A_576, %add3A_573, %mul3A_579 : vector<16xi1>, vector<16xf32>
      %exp3A_581 = math.exp %select_n3A_580 : vector<16xf32>
      %swap3A_582 = arith.constant 1 : i32
      %swap3A_583 = arith.index_cast %swap3A_582 : i32 to index
      %swap3A_584 = arith.constant 32 : index
      %swap3A_585 = tpu.vector_load %arg14[%swap3A_583, %swap3A_584] {strides = array<i32>} : memref<2x144xf32, #tpu.memory_space<vmem>>, vector<16xf32>,
      tpu.vector_store %arg14[%swap3A_583, %swap3A_584], %exp3A_581 {strides = array<i32>} : memref<2x144xf32, #tpu.memory_space<vmem>>, vector<16xf32>,
      %get3A_586 = arith.constant 1 : i32
      %get3A_587 = arith.index_cast %get3A_586 : i32 to index
      %get3A_588 = arith.constant 32 : index
      %get3A_589 = tpu.vector_load %arg9[%get3A_587, %get3A_588] {strides = array<i32>} : memref<4x128xi32, #tpu.memory_space<vmem>>, vector<16xi32>,
      tpu.vector_store_idx %arg15[%get3A_589], %exp3A_581 {add = true} : memref<10240xf32, #tpu.memory_space<vmem>>[vector<16xi32>], vector<16xf32>,
      %get3A_590 = arith.constant 1 : i32
      %get3A_591 = arith.index_cast %get3A_590 : i32 to index
      %get3A_592 = arith.constant 48 : index
      %get3A_593 = tpu.vector_load %arg12[%get3A_591, %get3A_592] {strides = array<i32>} : memref<2x128xf32, #tpu.memory_space<vmem>>, vector<16xf32>,
      %get3A_594 = arith.constant 1 : i32
      %get3A_595 = arith.index_cast %get3A_594 : i32 to index
      %get3A_596 = arith.constant 48 : index
      %get3A_597 = tpu.vector_load %arg13[%get3A_595, %get3A_596] {strides = array<i32>} : memref<2x128xf32, #tpu.memory_space<vmem>>, vector<16xf32>,
      %add3A_598 = arith.addf %get3A_593, %get3A_597 : vector<16xf32>
      %gt3A_599 = arith.constant 0.000000e+00 : f32
      %gt3A_600 = vector.broadcast %gt3A_599 : f32 to vector<16xf32>
      %gt3A_601 = arith.cmpf ogt, %add3A_598, %gt3A_600 : vector<16xf32>
      %mul3A_602 = arith.constant 2.000000e-01 : f32
      %mul3A_603 = vector.broadcast %mul3A_602 : f32 to vector<16xf32>
      %mul3A_604 = arith.mulf %mul3A_603, %add3A_598 : vector<16xf32>
      %select_n3A_605 = arith.select %gt3A_601, %add3A_598, %mul3A_604 : vector<16xi1>, vector<16xf32>
      %exp3A_606 = math.exp %select_n3A_605 : vector<16xf32>
      %swap3A_607 = arith.constant 1 : i32
      %swap3A_608 = arith.index_cast %swap3A_607 : i32 to index
      %swap3A_609 = arith.constant 48 : index
      %swap3A_610 = tpu.vector_load %arg14[%swap3A_608, %swap3A_609] {strides = array<i32>} : memref<2x144xf32, #tpu.memory_space<vmem>>, vector<16xf32>,
      tpu.vector_store %arg14[%swap3A_608, %swap3A_609], %exp3A_606 {strides = array<i32>} : memref<2x144xf32, #tpu.memory_space<vmem>>, vector<16xf32>,
      %get3A_611 = arith.constant 1 : i32
      %get3A_612 = arith.index_cast %get3A_611 : i32 to index
      %get3A_613 = arith.constant 48 : index
      %get3A_614 = tpu.vector_load %arg9[%get3A_612, %get3A_613] {strides = array<i32>} : memref<4x128xi32, #tpu.memory_space<vmem>>, vector<16xi32>,
      tpu.vector_store_idx %arg15[%get3A_614], %exp3A_606 {add = true} : memref<10240xf32, #tpu.memory_space<vmem>>[vector<16xi32>], vector<16xf32>,
      %get3A_615 = arith.constant 1 : i32
      %get3A_616 = arith.index_cast %get3A_615 : i32 to index
      %get3A_617 = arith.constant 64 : index
      %get3A_618 = tpu.vector_load %arg12[%get3A_616, %get3A_617] {strides = array<i32>} : memref<2x128xf32, #tpu.memory_space<vmem>>, vector<16xf32>,
      %get3A_619 = arith.constant 1 : i32
      %get3A_620 = arith.index_cast %get3A_619 : i32 to index
      %get3A_621 = arith.constant 64 : index
      %get3A_622 = tpu.vector_load %arg13[%get3A_620, %get3A_621] {strides = array<i32>} : memref<2x128xf32, #tpu.memory_space<vmem>>, vector<16xf32>,
      %add3A_623 = arith.addf %get3A_618, %get3A_622 : vector<16xf32>
      %gt3A_624 = arith.constant 0.000000e+00 : f32
      %gt3A_625 = vector.broadcast %gt3A_624 : f32 to vector<16xf32>
      %gt3A_626 = arith.cmpf ogt, %add3A_623, %gt3A_625 : vector<16xf32>
      %mul3A_627 = arith.constant 2.000000e-01 : f32
      %mul3A_628 = vector.broadcast %mul3A_627 : f32 to vector<16xf32>
      %mul3A_629 = arith.mulf %mul3A_628, %add3A_623 : vector<16xf32>
      %select_n3A_630 = arith.select %gt3A_626, %add3A_623, %mul3A_629 : vector<16xi1>, vector<16xf32>
      %exp3A_631 = math.exp %select_n3A_630 : vector<16xf32>
      %swap3A_632 = arith.constant 1 : i32
      %swap3A_633 = arith.index_cast %swap3A_632 : i32 to index
      %swap3A_634 = arith.constant 64 : index
      %swap3A_635 = tpu.vector_load %arg14[%swap3A_633, %swap3A_634] {strides = array<i32>} : memref<2x144xf32, #tpu.memory_space<vmem>>, vector<16xf32>,
      tpu.vector_store %arg14[%swap3A_633, %swap3A_634], %exp3A_631 {strides = array<i32>} : memref<2x144xf32, #tpu.memory_space<vmem>>, vector<16xf32>,
      %get3A_636 = arith.constant 1 : i32
      %get3A_637 = arith.index_cast %get3A_636 : i32 to index
      %get3A_638 = arith.constant 64 : index
      %get3A_639 = tpu.vector_load %arg9[%get3A_637, %get3A_638] {strides = array<i32>} : memref<4x128xi32, #tpu.memory_space<vmem>>, vector<16xi32>,
      tpu.vector_store_idx %arg15[%get3A_639], %exp3A_631 {add = true} : memref<10240xf32, #tpu.memory_space<vmem>>[vector<16xi32>], vector<16xf32>,
      %get3A_640 = arith.constant 1 : i32
      %get3A_641 = arith.index_cast %get3A_640 : i32 to index
      %get3A_642 = arith.constant 80 : index
      %get3A_643 = tpu.vector_load %arg12[%get3A_641, %get3A_642] {strides = array<i32>} : memref<2x128xf32, #tpu.memory_space<vmem>>, vector<16xf32>,
      %get3A_644 = arith.constant 1 : i32
      %get3A_645 = arith.index_cast %get3A_644 : i32 to index
      %get3A_646 = arith.constant 80 : index
      %get3A_647 = tpu.vector_load %arg13[%get3A_645, %get3A_646] {strides = array<i32>} : memref<2x128xf32, #tpu.memory_space<vmem>>, vector<16xf32>,
      %add3A_648 = arith.addf %get3A_643, %get3A_647 : vector<16xf32>
      %gt3A_649 = arith.constant 0.000000e+00 : f32
      %gt3A_650 = vector.broadcast %gt3A_649 : f32 to vector<16xf32>
      %gt3A_651 = arith.cmpf ogt, %add3A_648, %gt3A_650 : vector<16xf32>
      %mul3A_652 = arith.constant 2.000000e-01 : f32
      %mul3A_653 = vector.broadcast %mul3A_652 : f32 to vector<16xf32>
      %mul3A_654 = arith.mulf %mul3A_653, %add3A_648 : vector<16xf32>
      %select_n3A_655 = arith.select %gt3A_651, %add3A_648, %mul3A_654 : vector<16xi1>, vector<16xf32>
      %exp3A_656 = math.exp %select_n3A_655 : vector<16xf32>
      %swap3A_657 = arith.constant 1 : i32
      %swap3A_658 = arith.index_cast %swap3A_657 : i32 to index
      %swap3A_659 = arith.constant 80 : index
      %swap3A_660 = tpu.vector_load %arg14[%swap3A_658, %swap3A_659] {strides = array<i32>} : memref<2x144xf32, #tpu.memory_space<vmem>>, vector<16xf32>,
      tpu.vector_store %arg14[%swap3A_658, %swap3A_659], %exp3A_656 {strides = array<i32>} : memref<2x144xf32, #tpu.memory_space<vmem>>, vector<16xf32>,
      %get3A_661 = arith.constant 1 : i32
      %get3A_662 = arith.index_cast %get3A_661 : i32 to index
      %get3A_663 = arith.constant 80 : index
      %get3A_664 = tpu.vector_load %arg9[%get3A_662, %get3A_663] {strides = array<i32>} : memref<4x128xi32, #tpu.memory_space<vmem>>, vector<16xi32>,
      tpu.vector_store_idx %arg15[%get3A_664], %exp3A_656 {add = true} : memref<10240xf32, #tpu.memory_space<vmem>>[vector<16xi32>], vector<16xf32>,
      %get3A_665 = arith.constant 1 : i32
      %get3A_666 = arith.index_cast %get3A_665 : i32 to index
      %get3A_667 = arith.constant 96 : index
      %get3A_668 = tpu.vector_load %arg12[%get3A_666, %get3A_667] {strides = array<i32>} : memref<2x128xf32, #tpu.memory_space<vmem>>, vector<16xf32>,
      %get3A_669 = arith.constant 1 : i32
      %get3A_670 = arith.index_cast %get3A_669 : i32 to index
      %get3A_671 = arith.constant 96 : index
      %get3A_672 = tpu.vector_load %arg13[%get3A_670, %get3A_671] {strides = array<i32>} : memref<2x128xf32, #tpu.memory_space<vmem>>, vector<16xf32>,
      %add3A_673 = arith.addf %get3A_668, %get3A_672 : vector<16xf32>
      %gt3A_674 = arith.constant 0.000000e+00 : f32
      %gt3A_675 = vector.broadcast %gt3A_674 : f32 to vector<16xf32>
      %gt3A_676 = arith.cmpf ogt, %add3A_673, %gt3A_675 : vector<16xf32>
      %mul3A_677 = arith.constant 2.000000e-01 : f32
      %mul3A_678 = vector.broadcast %mul3A_677 : f32 to vector<16xf32>
      %mul3A_679 = arith.mulf %mul3A_678, %add3A_673 : vector<16xf32>
      %select_n3A_680 = arith.select %gt3A_676, %add3A_673, %mul3A_679 : vector<16xi1>, vector<16xf32>
      %exp3A_681 = math.exp %select_n3A_680 : vector<16xf32>
      %swap3A_682 = arith.constant 1 : i32
      %swap3A_683 = arith.index_cast %swap3A_682 : i32 to index
      %swap3A_684 = arith.constant 96 : index
      %swap3A_685 = tpu.vector_load %arg14[%swap3A_683, %swap3A_684] {strides = array<i32>} : memref<2x144xf32, #tpu.memory_space<vmem>>, vector<16xf32>,
      tpu.vector_store %arg14[%swap3A_683, %swap3A_684], %exp3A_681 {strides = array<i32>} : memref<2x144xf32, #tpu.memory_space<vmem>>, vector<16xf32>,
      %get3A_686 = arith.constant 1 : i32
      %get3A_687 = arith.index_cast %get3A_686 : i32 to index
      %get3A_688 = arith.constant 96 : index
      %get3A_689 = tpu.vector_load %arg9[%get3A_687, %get3A_688] {strides = array<i32>} : memref<4x128xi32, #tpu.memory_space<vmem>>, vector<16xi32>,
      tpu.vector_store_idx %arg15[%get3A_689], %exp3A_681 {add = true} : memref<10240xf32, #tpu.memory_space<vmem>>[vector<16xi32>], vector<16xf32>,
      %get3A_690 = arith.constant 1 : i32
      %get3A_691 = arith.index_cast %get3A_690 : i32 to index
      %get3A_692 = arith.constant 112 : index
      %get3A_693 = tpu.vector_load %arg12[%get3A_691, %get3A_692] {strides = array<i32>} : memref<2x128xf32, #tpu.memory_space<vmem>>, vector<16xf32>,
      %get3A_694 = arith.constant 1 : i32
      %get3A_695 = arith.index_cast %get3A_694 : i32 to index
      %get3A_696 = arith.constant 112 : index
      %get3A_697 = tpu.vector_load %arg13[%get3A_695, %get3A_696] {strides = array<i32>} : memref<2x128xf32, #tpu.memory_space<vmem>>, vector<16xf32>,
      %add3A_698 = arith.addf %get3A_693, %get3A_697 : vector<16xf32>
      %gt3A_699 = arith.constant 0.000000e+00 : f32
      %gt3A_700 = vector.broadcast %gt3A_699 : f32 to vector<16xf32>
      %gt3A_701 = arith.cmpf ogt, %add3A_698, %gt3A_700 : vector<16xf32>
      %mul3A_702 = arith.constant 2.000000e-01 : f32
      %mul3A_703 = vector.broadcast %mul3A_702 : f32 to vector<16xf32>
      %mul3A_704 = arith.mulf %mul3A_703, %add3A_698 : vector<16xf32>
      %select_n3A_705 = arith.select %gt3A_701, %add3A_698, %mul3A_704 : vector<16xi1>, vector<16xf32>
      %exp3A_706 = math.exp %select_n3A_705 : vector<16xf32>
      %swap3A_707 = arith.constant 1 : i32
      %swap3A_708 = arith.index_cast %swap3A_707 : i32 to index
      %swap3A_709 = arith.constant 112 : index
      %swap3A_710 = tpu.vector_load %arg14[%swap3A_708, %swap3A_709] {strides = array<i32>} : memref<2x144xf32, #tpu.memory_space<vmem>>, vector<16xf32>,
      tpu.vector_store %arg14[%swap3A_708, %swap3A_709], %exp3A_706 {strides = array<i32>} : memref<2x144xf32, #tpu.memory_space<vmem>>, vector<16xf32>,
      %get3A_711 = arith.constant 1 : i32
      %get3A_712 = arith.index_cast %get3A_711 : i32 to index
      %get3A_713 = arith.constant 112 : index
      %get3A_714 = tpu.vector_load %arg9[%get3A_712, %get3A_713] {strides = array<i32>} : memref<4x128xi32, #tpu.memory_space<vmem>>, vector<16xi32>,
      tpu.vector_store_idx %arg15[%get3A_714], %exp3A_706 {add = true} : memref<10240xf32, #tpu.memory_space<vmem>>[vector<16xi32>], vector<16xf32>,
      %dma_wait3A_715 = arith.constant 0 : i32
      %dma_wait3A_716 = arith.constant 0 : i32
      %dma_wait3A_717 = arith.constant 0 : i32
      %dma_wait3A_718 = arith.constant 0 : i32
      %dma_wait3A_719 = arith.constant 0 : i32
      %dma_wait3A_720 = tpu.memref_slice %arg11[%dma_wait3A_715, %dma_wait3A_718, %dma_wait3A_719] : memref<2x128x128xf32, #tpu.memory_space<vmem>> -> memref<1x128x128xf32, #tpu.memory_space<vmem>>
      %dma_wait3A_721 = tpu.memref_squeeze %dma_wait3A_720 : memref<1x128x128xf32, #tpu.memory_space<vmem>> -> memref<128x128xf32, #tpu.memory_space<vmem>>
      %dma_wait3A_722 = arith.constant 0 : i32
      %dma_wait3A_723 = tpu.memref_slice %arg9[%dma_wait3A_716, %dma_wait3A_722] : memref<4x128xi32, #tpu.memory_space<vmem>> -> memref<1x128xi32, #tpu.memory_space<vmem>>
      %dma_wait3A_724 = tpu.memref_squeeze %dma_wait3A_723 : memref<1x128xi32, #tpu.memory_space<vmem>> -> memref<128xi32, #tpu.memory_space<vmem>>
      %dma_wait3A_725 = arith.constant 0 : i32
      %dma_wait3A_726 = arith.constant 0 : i32
      %dma_wait3A_727 = tpu.memref_slice %arg16[%dma_wait3A_725, %dma_wait3A_726] : memref<10240x128xf32, #tpu.memory_space<vmem_shared>> -> memref<10240x128xf32, #tpu.memory_space<vmem_shared>>
      %dma_wait3A_728 = tpu.memref_slice %arg21[%dma_wait3A_717] : memref<2x!tpu.dma_semaphore, #tpu.memory_space<semaphore_mem>> -> memref<1x!tpu.dma_semaphore, #tpu.memory_space<semaphore_mem>>
      %dma_wait3A_729 = tpu.memref_squeeze %dma_wait3A_728 : memref<1x!tpu.dma_semaphore, #tpu.memory_space<semaphore_mem>> -> memref<!tpu.dma_semaphore, #tpu.memory_space<semaphore_mem>>
      tpu.wait_indirect_dma semaphore(%dma_wait3A_729 : memref<!tpu.dma_semaphore, #tpu.memory_space<semaphore_mem>>) src(%dma_wait3A_721 : memref<128x128xf32, #tpu.memory_space<vmem>>) dst(%dma_wait3A_727 : memref<10240x128xf32, #tpu.memory_space<vmem_shared>>)
      %add3A_730 = arith.constant 1 : i32
      %add3A_731 = arith.addi %add3A_459, %add3A_730 : i32
      %mul3A_732 = arith.constant 128 : i32
      %mul3A_733 = arith.muli %add3A_731, %mul3A_732 : i32
      %add3A_734 = arith.addi %select_n3A_8, %mul3A_733 : i32
      %dma_wait3A_735 = arith.constant 2 : i32
      %dma_wait3A_736 = arith.constant 0 : i32
      %dma_wait3A_737 = arith.constant 0 : i32
      %dma_wait3A_738 = tpu.memref_slice %arg9[%dma_wait3A_735, %dma_wait3A_737] : memref<4x128xi32, #tpu.memory_space<vmem>> -> memref<1x128xi32, #tpu.memory_space<vmem>>
      %dma_wait3A_739 = tpu.memref_squeeze %dma_wait3A_738 : memref<1x128xi32, #tpu.memory_space<vmem>> -> memref<128xi32, #tpu.memory_space<vmem>>
      %dma_wait3A_740 = tpu.memref_slice %arg5[%add3A_734] : memref<327680xi32, #tpu.memory_space<hbm>> -> memref<128xi32, #tpu.memory_space<hbm>>
      %dma_wait3A_741 = tpu.memref_slice %arg18[%dma_wait3A_736] : memref<2x!tpu.dma_semaphore, #tpu.memory_space<semaphore_mem>> -> memref<1x!tpu.dma_semaphore, #tpu.memory_space<semaphore_mem>>
      %dma_wait3A_742 = tpu.memref_squeeze %dma_wait3A_741 : memref<1x!tpu.dma_semaphore, #tpu.memory_space<semaphore_mem>> -> memref<!tpu.dma_semaphore, #tpu.memory_space<semaphore_mem>>
      %dma_wait3A_743 = arith.constant 0 : i32
      %dma_wait3A_744 = tpu.memref_slice %arg9[%dma_wait3A_735, %dma_wait3A_743] : memref<4x128xi32, #tpu.memory_space<vmem>> -> memref<1x128xi32, #tpu.memory_space<vmem>>
      %dma_wait3A_745 = tpu.memref_squeeze %dma_wait3A_744 : memref<1x128xi32, #tpu.memory_space<vmem>> -> memref<128xi32, #tpu.memory_space<vmem>>
      %dma_wait3A_746 = tpu.memref_slice %arg5[%add3A_734] : memref<327680xi32, #tpu.memory_space<hbm>> -> memref<128xi32, #tpu.memory_space<hbm>>
      tpu.wait_dma2 semaphore(%dma_wait3A_742 : memref<!tpu.dma_semaphore, #tpu.memory_space<semaphore_mem>>) src(%dma_wait3A_746 : memref<128xi32, #tpu.memory_space<hbm>>) dst(%dma_wait3A_745 : memref<128xi32, #tpu.memory_space<vmem>>)
      %dma_wait3A_747 = arith.constant 2 : i32
      %dma_wait3A_748 = arith.constant 1 : i32
      %dma_wait3A_749 = arith.constant 0 : i32
      %dma_wait3A_750 = tpu.memref_slice %arg10[%dma_wait3A_747, %dma_wait3A_749] : memref<4x128xi32, #tpu.memory_space<vmem>> -> memref<1x128xi32, #tpu.memory_space<vmem>>
      %dma_wait3A_751 = tpu.memref_squeeze %dma_wait3A_750 : memref<1x128xi32, #tpu.memory_space<vmem>> -> memref<128xi32, #tpu.memory_space<vmem>>
      %dma_wait3A_752 = tpu.memref_slice %arg6[%add3A_734] : memref<327680xi32, #tpu.memory_space<hbm>> -> memref<128xi32, #tpu.memory_space<hbm>>
      %dma_wait3A_753 = tpu.memref_slice %arg18[%dma_wait3A_748] : memref<2x!tpu.dma_semaphore, #tpu.memory_space<semaphore_mem>> -> memref<1x!tpu.dma_semaphore, #tpu.memory_space<semaphore_mem>>
      %dma_wait3A_754 = tpu.memref_squeeze %dma_wait3A_753 : memref<1x!tpu.dma_semaphore, #tpu.memory_space<semaphore_mem>> -> memref<!tpu.dma_semaphore, #tpu.memory_space<semaphore_mem>>
      %dma_wait3A_755 = arith.constant 0 : i32
      %dma_wait3A_756 = tpu.memref_slice %arg10[%dma_wait3A_747, %dma_wait3A_755] : memref<4x128xi32, #tpu.memory_space<vmem>> -> memref<1x128xi32, #tpu.memory_space<vmem>>
      %dma_wait3A_757 = tpu.memref_squeeze %dma_wait3A_756 : memref<1x128xi32, #tpu.memory_space<vmem>> -> memref<128xi32, #tpu.memory_space<vmem>>
      %dma_wait3A_758 = tpu.memref_slice %arg6[%add3A_734] : memref<327680xi32, #tpu.memory_space<hbm>> -> memref<128xi32, #tpu.memory_space<hbm>>
      tpu.wait_dma2 semaphore(%dma_wait3A_754 : memref<!tpu.dma_semaphore, #tpu.memory_space<semaphore_mem>>) src(%dma_wait3A_758 : memref<128xi32, #tpu.memory_space<hbm>>) dst(%dma_wait3A_757 : memref<128xi32, #tpu.memory_space<vmem>>)
      %dma_start3A_759 = arith.constant 2 : i32
      %dma_start3A_760 = arith.constant 0 : i32
      %dma_start3A_761 = arith.constant 0 : i32
      %dma_start3A_762 = arith.constant 0 : i32
      %dma_start3A_763 = arith.constant 0 : i32
      %dma_start3A_764 = tpu.memref_slice %arg11[%dma_start3A_760, %dma_start3A_762, %dma_start3A_763] : memref<2x128x128xf32, #tpu.memory_space<vmem>> -> memref<1x128x128xf32, #tpu.memory_space<vmem>>
      %dma_start3A_765 = tpu.memref_squeeze %dma_start3A_764 : memref<1x128x128xf32, #tpu.memory_space<vmem>> -> memref<128x128xf32, #tpu.memory_space<vmem>>
      %dma_start3A_766 = arith.constant 0 : i32
      %dma_start3A_767 = tpu.memref_slice %arg10[%dma_start3A_759, %dma_start3A_766] : memref<4x128xi32, #tpu.memory_space<vmem>> -> memref<1x128xi32, #tpu.memory_space<vmem>>
      %dma_start3A_768 = tpu.memref_squeeze %dma_start3A_767 : memref<1x128xi32, #tpu.memory_space<vmem>> -> memref<128xi32, #tpu.memory_space<vmem>>
      %dma_start3A_769 = arith.constant 0 : i32
      %dma_start3A_770 = arith.constant 0 : i32
      %dma_start3A_771 = tpu.memref_slice %arg2[%dma_start3A_769, %dma_start3A_770] : memref<10240x128xf32, #tpu.memory_space<hbm>> -> memref<10240x128xf32, #tpu.memory_space<hbm>>
      %dma_start3A_772 = tpu.memref_slice %arg17[%dma_start3A_761] : memref<2x!tpu.dma_semaphore, #tpu.memory_space<semaphore_mem>> -> memref<1x!tpu.dma_semaphore, #tpu.memory_space<semaphore_mem>>
      %dma_start3A_773 = tpu.memref_squeeze %dma_start3A_772 : memref<1x!tpu.dma_semaphore, #tpu.memory_space<semaphore_mem>> -> memref<!tpu.dma_semaphore, #tpu.memory_space<semaphore_mem>>
      tpu.enqueue_indirect_dma source(%dma_start3A_771 : memref<10240x128xf32, #tpu.memory_space<hbm>>) target(%dma_start3A_765 : memref<128x128xf32, #tpu.memory_space<vmem>>) offsets(%dma_start3A_768 : memref<128xi32, #tpu.memory_space<vmem>>) semaphore(%dma_start3A_773 : memref<!tpu.dma_semaphore, #tpu.memory_space<semaphore_mem>>)
      %dma_start3A_774 = arith.constant 2 : i32
      %dma_start3A_775 = arith.constant 0 : i32
      %dma_start3A_776 = arith.constant 0 : i32
      %dma_start3A_777 = arith.constant 0 : i32
      %dma_start3A_778 = tpu.memref_slice %arg12[%dma_start3A_775, %dma_start3A_777] : memref<2x128xf32, #tpu.memory_space<vmem>> -> memref<1x128xf32, #tpu.memory_space<vmem>>
      %dma_start3A_779 = tpu.memref_squeeze %dma_start3A_778 : memref<1x128xf32, #tpu.memory_space<vmem>> -> memref<128xf32, #tpu.memory_space<vmem>>
      %dma_start3A_780 = arith.constant 0 : i32
      %dma_start3A_781 = tpu.memref_slice %arg9[%dma_start3A_774, %dma_start3A_780] : memref<4x128xi32, #tpu.memory_space<vmem>> -> memref<1x128xi32, #tpu.memory_space<vmem>>
      %dma_start3A_782 = tpu.memref_squeeze %dma_start3A_781 : memref<1x128xi32, #tpu.memory_space<vmem>> -> memref<128xi32, #tpu.memory_space<vmem>>
      %dma_start3A_783 = arith.constant 0 : i32
      %dma_start3A_784 = tpu.memref_slice %arg3[%dma_start3A_783] : memref<10240xf32, #tpu.memory_space<hbm>> -> memref<10240xf32, #tpu.memory_space<hbm>>
      %dma_start3A_785 = tpu.memref_slice %arg19[%dma_start3A_776] : memref<2x!tpu.dma_semaphore, #tpu.memory_space<semaphore_mem>> -> memref<1x!tpu.dma_semaphore, #tpu.memory_space<semaphore_mem>>
      %dma_start3A_786 = tpu.memref_squeeze %dma_start3A_785 : memref<1x!tpu.dma_semaphore, #tpu.memory_space<semaphore_mem>> -> memref<!tpu.dma_semaphore, #tpu.memory_space<semaphore_mem>>
      tpu.enqueue_indirect_dma source(%dma_start3A_784 : memref<10240xf32, #tpu.memory_space<hbm>>) target(%dma_start3A_779 : memref<128xf32, #tpu.memory_space<vmem>>) offsets(%dma_start3A_782 : memref<128xi32, #tpu.memory_space<vmem>>) semaphore(%dma_start3A_786 : memref<!tpu.dma_semaphore, #tpu.memory_space<semaphore_mem>>)
      %dma_start3A_787 = arith.constant 2 : i32
      %dma_start3A_788 = arith.constant 0 : i32
      %dma_start3A_789 = arith.constant 0 : i32
      %dma_start3A_790 = arith.constant 0 : i32
      %dma_start3A_791 = tpu.memref_slice %arg13[%dma_start3A_788, %dma_start3A_790] : memref<2x128xf32, #tpu.memory_space<vmem>> -> memref<1x128xf32, #tpu.memory_space<vmem>>
      %dma_start3A_792 = tpu.memref_squeeze %dma_start3A_791 : memref<1x128xf32, #tpu.memory_space<vmem>> -> memref<128xf32, #tpu.memory_space<vmem>>
      %dma_start3A_793 = arith.constant 0 : i32
      %dma_start3A_794 = tpu.memref_slice %arg10[%dma_start3A_787, %dma_start3A_793] : memref<4x128xi32, #tpu.memory_space<vmem>> -> memref<1x128xi32, #tpu.memory_space<vmem>>
      %dma_start3A_795 = tpu.memref_squeeze %dma_start3A_794 : memref<1x128xi32, #tpu.memory_space<vmem>> -> memref<128xi32, #tpu.memory_space<vmem>>
      %dma_start3A_796 = arith.constant 0 : i32
      %dma_start3A_797 = tpu.memref_slice %arg4[%dma_start3A_796] : memref<10240xf32, #tpu.memory_space<hbm>> -> memref<10240xf32, #tpu.memory_space<hbm>>
      %dma_start3A_798 = tpu.memref_slice %arg20[%dma_start3A_789] : memref<2x!tpu.dma_semaphore, #tpu.memory_space<semaphore_mem>> -> memref<1x!tpu.dma_semaphore, #tpu.memory_space<semaphore_mem>>
      %dma_start3A_799 = tpu.memref_squeeze %dma_start3A_798 : memref<1x!tpu.dma_semaphore, #tpu.memory_space<semaphore_mem>> -> memref<!tpu.dma_semaphore, #tpu.memory_space<semaphore_mem>>
      tpu.enqueue_indirect_dma source(%dma_start3A_797 : memref<10240xf32, #tpu.memory_space<hbm>>) target(%dma_start3A_792 : memref<128xf32, #tpu.memory_space<vmem>>) offsets(%dma_start3A_795 : memref<128xi32, #tpu.memory_space<vmem>>) semaphore(%dma_start3A_799 : memref<!tpu.dma_semaphore, #tpu.memory_space<semaphore_mem>>)
      %dma_wait3A_800 = arith.constant 1 : i32
      %dma_wait3A_801 = arith.constant 1 : i32
      %dma_wait3A_802 = arith.constant 1 : i32
      %dma_wait3A_803 = arith.constant 0 : i32
      %dma_wait3A_804 = arith.constant 0 : i32
      %dma_wait3A_805 = tpu.memref_slice %arg11[%dma_wait3A_801, %dma_wait3A_803, %dma_wait3A_804] : memref<2x128x128xf32, #tpu.memory_space<vmem>> -> memref<1x128x128xf32, #tpu.memory_space<vmem>>
      %dma_wait3A_806 = tpu.memref_squeeze %dma_wait3A_805 : memref<1x128x128xf32, #tpu.memory_space<vmem>> -> memref<128x128xf32, #tpu.memory_space<vmem>>
      %dma_wait3A_807 = arith.constant 0 : i32
      %dma_wait3A_808 = tpu.memref_slice %arg10[%dma_wait3A_800, %dma_wait3A_807] : memref<4x128xi32, #tpu.memory_space<vmem>> -> memref<1x128xi32, #tpu.memory_space<vmem>>
      %dma_wait3A_809 = tpu.memref_squeeze %dma_wait3A_808 : memref<1x128xi32, #tpu.memory_space<vmem>> -> memref<128xi32, #tpu.memory_space<vmem>>
      %dma_wait3A_810 = arith.constant 0 : i32
      %dma_wait3A_811 = arith.constant 0 : i32
      %dma_wait3A_812 = tpu.memref_slice %arg2[%dma_wait3A_810, %dma_wait3A_811] : memref<10240x128xf32, #tpu.memory_space<hbm>> -> memref<10240x128xf32, #tpu.memory_space<hbm>>
      %dma_wait3A_813 = tpu.memref_slice %arg17[%dma_wait3A_802] : memref<2x!tpu.dma_semaphore, #tpu.memory_space<semaphore_mem>> -> memref<1x!tpu.dma_semaphore, #tpu.memory_space<semaphore_mem>>
      %dma_wait3A_814 = tpu.memref_squeeze %dma_wait3A_813 : memref<1x!tpu.dma_semaphore, #tpu.memory_space<semaphore_mem>> -> memref<!tpu.dma_semaphore, #tpu.memory_space<semaphore_mem>>
      tpu.wait_indirect_dma semaphore(%dma_wait3A_814 : memref<!tpu.dma_semaphore, #tpu.memory_space<semaphore_mem>>) src(%dma_wait3A_812 : memref<10240x128xf32, #tpu.memory_space<hbm>>) dst(%dma_wait3A_806 : memref<128x128xf32, #tpu.memory_space<vmem>>)
      %scan3A_815 = arith.constant 0 : i32
      %scan3A_816 = arith.constant 0 : i32
      %scan3A_817 = arith.constant 128 : i32
      %scan3A_818 = arith.addi %scan3A_816, %scan3A_817 : i32
      %scan3A_819 = arith.constant 1 : i32
      %scan3A_820 = scf.for %scan3A_1505 = %scan3A_816 to %scan3A_818 step %scan3A_819 iter_args(%scan3A_1506 = %scan3A_815) -> (i32)  : i32 {
        %get3A_1507 = arith.constant 1 : i32
        %get3A_1508 = arith.index_cast %get3A_1507 : i32 to index
        %get3A_1509 = arith.index_cast %scan3A_1505 : i32 to index
        %get3A_1510 = tpu.vector_load %arg14[%get3A_1508, %get3A_1509] {strides = array<i32>} : memref<2x144xf32, #tpu.memory_space<vmem>>, vector<16xf32>,
        %slice3A = vector.extract_strided_slice %get3A_1510 {offsets = [0], sizes = [1], strides = [1]} : vector<16xf32> to vector<1xf32>
        %squeeze3A = vector.extract %slice3A[0] : f32 from vector<1xf32>
        %get3A_1511 = arith.constant 1 : i32
        %get3A_1512 = arith.index_cast %get3A_1511 : i32 to index
        %get3A_1513 = arith.index_cast %scan3A_1505 : i32 to index
        %get3A_1514 = arith.constant 0 : index
        %get3A_1515 = tpu.vector_load %arg11[%get3A_1512, %get3A_1513, %get3A_1514] {strides = array<i32>} : memref<2x128x128xf32, #tpu.memory_space<vmem>>, vector<16xf32>,
        %mul3A_1516 = vector.broadcast %squeeze3A : f32 to vector<16xf32>
        %mul3A_1517 = arith.mulf %get3A_1515, %mul3A_1516 : vector<16xf32>
        %swap3A_1518 = arith.constant 1 : i32
        %swap3A_1519 = arith.index_cast %swap3A_1518 : i32 to index
        %swap3A_1520 = arith.index_cast %scan3A_1505 : i32 to index
        %swap3A_1521 = arith.constant 0 : index
        %swap3A_1522 = tpu.vector_load %arg11[%swap3A_1519, %swap3A_1520, %swap3A_1521] {strides = array<i32>} : memref<2x128x128xf32, #tpu.memory_space<vmem>>, vector<16xf32>,
        tpu.vector_store %arg11[%swap3A_1519, %swap3A_1520, %swap3A_1521], %mul3A_1517 {strides = array<i32>} : memref<2x128x128xf32, #tpu.memory_space<vmem>>, vector<16xf32>,
        %get3A_1523 = arith.constant 1 : i32
        %get3A_1524 = arith.index_cast %get3A_1523 : i32 to index
        %get3A_1525 = arith.index_cast %scan3A_1505 : i32 to index
        %get3A_1526 = arith.constant 16 : index
        %get3A_1527 = tpu.vector_load %arg11[%get3A_1524, %get3A_1525, %get3A_1526] {strides = array<i32>} : memref<2x128x128xf32, #tpu.memory_space<vmem>>, vector<16xf32>,
        %mul3A_1528 = vector.broadcast %squeeze3A : f32 to vector<16xf32>
        %mul3A_1529 = arith.mulf %get3A_1527, %mul3A_1528 : vector<16xf32>
        %swap3A_1530 = arith.constant 1 : i32
        %swap3A_1531 = arith.index_cast %swap3A_1530 : i32 to index
        %swap3A_1532 = arith.index_cast %scan3A_1505 : i32 to index
        %swap3A_1533 = arith.constant 16 : index
        %swap3A_1534 = tpu.vector_load %arg11[%swap3A_1531, %swap3A_1532, %swap3A_1533] {strides = array<i32>} : memref<2x128x128xf32, #tpu.memory_space<vmem>>, vector<16xf32>,
        tpu.vector_store %arg11[%swap3A_1531, %swap3A_1532, %swap3A_1533], %mul3A_1529 {strides = array<i32>} : memref<2x128x128xf32, #tpu.memory_space<vmem>>, vector<16xf32>,
        %get3A_1535 = arith.constant 1 : i32
        %get3A_1536 = arith.index_cast %get3A_1535 : i32 to index
        %get3A_1537 = arith.index_cast %scan3A_1505 : i32 to index
        %get3A_1538 = arith.constant 32 : index
        %get3A_1539 = tpu.vector_load %arg11[%get3A_1536, %get3A_1537, %get3A_1538] {strides = array<i32>} : memref<2x128x128xf32, #tpu.memory_space<vmem>>, vector<16xf32>,
        %mul3A_1540 = vector.broadcast %squeeze3A : f32 to vector<16xf32>
        %mul3A_1541 = arith.mulf %get3A_1539, %mul3A_1540 : vector<16xf32>
        %swap3A_1542 = arith.constant 1 : i32
        %swap3A_1543 = arith.index_cast %swap3A_1542 : i32 to index
        %swap3A_1544 = arith.index_cast %scan3A_1505 : i32 to index
        %swap3A_1545 = arith.constant 32 : index
        %swap3A_1546 = tpu.vector_load %arg11[%swap3A_1543, %swap3A_1544, %swap3A_1545] {strides = array<i32>} : memref<2x128x128xf32, #tpu.memory_space<vmem>>, vector<16xf32>,
        tpu.vector_store %arg11[%swap3A_1543, %swap3A_1544, %swap3A_1545], %mul3A_1541 {strides = array<i32>} : memref<2x128x128xf32, #tpu.memory_space<vmem>>, vector<16xf32>,
        %get3A_1547 = arith.constant 1 : i32
        %get3A_1548 = arith.index_cast %get3A_1547 : i32 to index
        %get3A_1549 = arith.index_cast %scan3A_1505 : i32 to index
        %get3A_1550 = arith.constant 48 : index
        %get3A_1551 = tpu.vector_load %arg11[%get3A_1548, %get3A_1549, %get3A_1550] {strides = array<i32>} : memref<2x128x128xf32, #tpu.memory_space<vmem>>, vector<16xf32>,
        %mul3A_1552 = vector.broadcast %squeeze3A : f32 to vector<16xf32>
        %mul3A_1553 = arith.mulf %get3A_1551, %mul3A_1552 : vector<16xf32>
        %swap3A_1554 = arith.constant 1 : i32
        %swap3A_1555 = arith.index_cast %swap3A_1554 : i32 to index
        %swap3A_1556 = arith.index_cast %scan3A_1505 : i32 to index
        %swap3A_1557 = arith.constant 48 : index
        %swap3A_1558 = tpu.vector_load %arg11[%swap3A_1555, %swap3A_1556, %swap3A_1557] {strides = array<i32>} : memref<2x128x128xf32, #tpu.memory_space<vmem>>, vector<16xf32>,
        tpu.vector_store %arg11[%swap3A_1555, %swap3A_1556, %swap3A_1557], %mul3A_1553 {strides = array<i32>} : memref<2x128x128xf32, #tpu.memory_space<vmem>>, vector<16xf32>,
        %get3A_1559 = arith.constant 1 : i32
        %get3A_1560 = arith.index_cast %get3A_1559 : i32 to index
        %get3A_1561 = arith.index_cast %scan3A_1505 : i32 to index
        %get3A_1562 = arith.constant 64 : index
        %get3A_1563 = tpu.vector_load %arg11[%get3A_1560, %get3A_1561, %get3A_1562] {strides = array<i32>} : memref<2x128x128xf32, #tpu.memory_space<vmem>>, vector<16xf32>,
        %mul3A_1564 = vector.broadcast %squeeze3A : f32 to vector<16xf32>
        %mul3A_1565 = arith.mulf %get3A_1563, %mul3A_1564 : vector<16xf32>
        %swap3A_1566 = arith.constant 1 : i32
        %swap3A_1567 = arith.index_cast %swap3A_1566 : i32 to index
        %swap3A_1568 = arith.index_cast %scan3A_1505 : i32 to index
        %swap3A_1569 = arith.constant 64 : index
        %swap3A_1570 = tpu.vector_load %arg11[%swap3A_1567, %swap3A_1568, %swap3A_1569] {strides = array<i32>} : memref<2x128x128xf32, #tpu.memory_space<vmem>>, vector<16xf32>,
        tpu.vector_store %arg11[%swap3A_1567, %swap3A_1568, %swap3A_1569], %mul3A_1565 {strides = array<i32>} : memref<2x128x128xf32, #tpu.memory_space<vmem>>, vector<16xf32>,
        %get3A_1571 = arith.constant 1 : i32
        %get3A_1572 = arith.index_cast %get3A_1571 : i32 to index
        %get3A_1573 = arith.index_cast %scan3A_1505 : i32 to index
        %get3A_1574 = arith.constant 80 : index
        %get3A_1575 = tpu.vector_load %arg11[%get3A_1572, %get3A_1573, %get3A_1574] {strides = array<i32>} : memref<2x128x128xf32, #tpu.memory_space<vmem>>, vector<16xf32>,
        %mul3A_1576 = vector.broadcast %squeeze3A : f32 to vector<16xf32>
        %mul3A_1577 = arith.mulf %get3A_1575, %mul3A_1576 : vector<16xf32>
        %swap3A_1578 = arith.constant 1 : i32
        %swap3A_1579 = arith.index_cast %swap3A_1578 : i32 to index
        %swap3A_1580 = arith.index_cast %scan3A_1505 : i32 to index
        %swap3A_1581 = arith.constant 80 : index
        %swap3A_1582 = tpu.vector_load %arg11[%swap3A_1579, %swap3A_1580, %swap3A_1581] {strides = array<i32>} : memref<2x128x128xf32, #tpu.memory_space<vmem>>, vector<16xf32>,
        tpu.vector_store %arg11[%swap3A_1579, %swap3A_1580, %swap3A_1581], %mul3A_1577 {strides = array<i32>} : memref<2x128x128xf32, #tpu.memory_space<vmem>>, vector<16xf32>,
        %get3A_1583 = arith.constant 1 : i32
        %get3A_1584 = arith.index_cast %get3A_1583 : i32 to index
        %get3A_1585 = arith.index_cast %scan3A_1505 : i32 to index
        %get3A_1586 = arith.constant 96 : index
        %get3A_1587 = tpu.vector_load %arg11[%get3A_1584, %get3A_1585, %get3A_1586] {strides = array<i32>} : memref<2x128x128xf32, #tpu.memory_space<vmem>>, vector<16xf32>,
        %mul3A_1588 = vector.broadcast %squeeze3A : f32 to vector<16xf32>
        %mul3A_1589 = arith.mulf %get3A_1587, %mul3A_1588 : vector<16xf32>
        %swap3A_1590 = arith.constant 1 : i32
        %swap3A_1591 = arith.index_cast %swap3A_1590 : i32 to index
        %swap3A_1592 = arith.index_cast %scan3A_1505 : i32 to index
        %swap3A_1593 = arith.constant 96 : index
        %swap3A_1594 = tpu.vector_load %arg11[%swap3A_1591, %swap3A_1592, %swap3A_1593] {strides = array<i32>} : memref<2x128x128xf32, #tpu.memory_space<vmem>>, vector<16xf32>,
        tpu.vector_store %arg11[%swap3A_1591, %swap3A_1592, %swap3A_1593], %mul3A_1589 {strides = array<i32>} : memref<2x128x128xf32, #tpu.memory_space<vmem>>, vector<16xf32>,
        %get3A_1595 = arith.constant 1 : i32
        %get3A_1596 = arith.index_cast %get3A_1595 : i32 to index
        %get3A_1597 = arith.index_cast %scan3A_1505 : i32 to index
        %get3A_1598 = arith.constant 112 : index
        %get3A_1599 = tpu.vector_load %arg11[%get3A_1596, %get3A_1597, %get3A_1598] {strides = array<i32>} : memref<2x128x128xf32, #tpu.memory_space<vmem>>, vector<16xf32>,
        %mul3A_1600 = vector.broadcast %squeeze3A : f32 to vector<16xf32>
        %mul3A_1601 = arith.mulf %get3A_1599, %mul3A_1600 : vector<16xf32>
        %swap3A_1602 = arith.constant 1 : i32
        %swap3A_1603 = arith.index_cast %swap3A_1602 : i32 to index
        %swap3A_1604 = arith.index_cast %scan3A_1505 : i32 to index
        %swap3A_1605 = arith.constant 112 : index
        %swap3A_1606 = tpu.vector_load %arg11[%swap3A_1603, %swap3A_1604, %swap3A_1605] {strides = array<i32>} : memref<2x128x128xf32, #tpu.memory_space<vmem>>, vector<16xf32>,
        tpu.vector_store %arg11[%swap3A_1603, %swap3A_1604, %swap3A_1605], %mul3A_1601 {strides = array<i32>} : memref<2x128x128xf32, #tpu.memory_space<vmem>>, vector<16xf32>,
        %scan3A_1607 = arith.constant 0 : i32
        scf.yield %scan3A_1607 : i32
      }
      %scan3A_821 = arith.constant 128 : i32
      %dma_start3A_822 = arith.constant 1 : i32
      %dma_start3A_823 = arith.constant 1 : i32
      %dma_start3A_824 = arith.constant 1 : i32
      %dma_start3A_825 = arith.constant 0 : i32
      %dma_start3A_826 = arith.constant 0 : i32
      %dma_start3A_827 = tpu.memref_slice %arg11[%dma_start3A_822, %dma_start3A_825, %dma_start3A_826] : memref<2x128x128xf32, #tpu.memory_space<vmem>> -> memref<1x128x128xf32, #tpu.memory_space<vmem>>
      %dma_start3A_828 = tpu.memref_squeeze %dma_start3A_827 : memref<1x128x128xf32, #tpu.memory_space<vmem>> -> memref<128x128xf32, #tpu.memory_space<vmem>>
      %dma_start3A_829 = arith.constant 0 : i32
      %dma_start3A_830 = tpu.memref_slice %arg9[%dma_start3A_823, %dma_start3A_829] : memref<4x128xi32, #tpu.memory_space<vmem>> -> memref<1x128xi32, #tpu.memory_space<vmem>>
      %dma_start3A_831 = tpu.memref_squeeze %dma_start3A_830 : memref<1x128xi32, #tpu.memory_space<vmem>> -> memref<128xi32, #tpu.memory_space<vmem>>
      %dma_start3A_832 = arith.constant 0 : i32
      %dma_start3A_833 = arith.constant 0 : i32
      %dma_start3A_834 = tpu.memref_slice %arg16[%dma_start3A_832, %dma_start3A_833] : memref<10240x128xf32, #tpu.memory_space<vmem_shared>> -> memref<10240x128xf32, #tpu.memory_space<vmem_shared>>
      %dma_start3A_835 = tpu.memref_slice %arg21[%dma_start3A_824] : memref<2x!tpu.dma_semaphore, #tpu.memory_space<semaphore_mem>> -> memref<1x!tpu.dma_semaphore, #tpu.memory_space<semaphore_mem>>
      %dma_start3A_836 = tpu.memref_squeeze %dma_start3A_835 : memref<1x!tpu.dma_semaphore, #tpu.memory_space<semaphore_mem>> -> memref<!tpu.dma_semaphore, #tpu.memory_space<semaphore_mem>>
      tpu.enqueue_indirect_dma source(%dma_start3A_828 : memref<128x128xf32, #tpu.memory_space<vmem>>) target(%dma_start3A_834 : memref<10240x128xf32, #tpu.memory_space<vmem_shared>>) offsets(%dma_start3A_831 : memref<128xi32, #tpu.memory_space<vmem>>) semaphore(%dma_start3A_836 : memref<!tpu.dma_semaphore, #tpu.memory_space<semaphore_mem>>) {add = true}
      %add3A_837 = arith.constant 2 : i32
      %add3A_838 = arith.addi %mul3A_93, %add3A_837 : i32
      %add3A_839 = arith.constant 1 : i32
      %add3A_840 = arith.addi %add3A_838, %add3A_839 : i32
      %mul3A_841 = arith.constant 128 : i32
      %mul3A_842 = arith.muli %add3A_840, %mul3A_841 : i32
      %add3A_843 = arith.addi %select_n3A_8, %mul3A_842 : i32
      %dma_start3A_844 = arith.constant 3 : i32
      %dma_start3A_845 = arith.constant 0 : i32
      %dma_start3A_846 = arith.constant 0 : i32
      %dma_start3A_847 = tpu.memref_slice %arg9[%dma_start3A_844, %dma_start3A_846] : memref<4x128xi32, #tpu.memory_space<vmem>> -> memref<1x128xi32, #tpu.memory_space<vmem>>
      %dma_start3A_848 = tpu.memref_squeeze %dma_start3A_847 : memref<1x128xi32, #tpu.memory_space<vmem>> -> memref<128xi32, #tpu.memory_space<vmem>>
      %dma_start3A_849 = tpu.memref_slice %arg5[%add3A_843] : memref<327680xi32, #tpu.memory_space<hbm>> -> memref<128xi32, #tpu.memory_space<hbm>>
      %dma_start3A_850 = tpu.memref_slice %arg18[%dma_start3A_845] : memref<2x!tpu.dma_semaphore, #tpu.memory_space<semaphore_mem>> -> memref<1x!tpu.dma_semaphore, #tpu.memory_space<semaphore_mem>>
      %dma_start3A_851 = tpu.memref_squeeze %dma_start3A_850 : memref<1x!tpu.dma_semaphore, #tpu.memory_space<semaphore_mem>> -> memref<!tpu.dma_semaphore, #tpu.memory_space<semaphore_mem>>
      %dma_start3A_852 = arith.constant 0 : i32
      %dma_start3A_853 = tpu.memref_slice %arg9[%dma_start3A_844, %dma_start3A_852] : memref<4x128xi32, #tpu.memory_space<vmem>> -> memref<1x128xi32, #tpu.memory_space<vmem>>
      %dma_start3A_854 = tpu.memref_squeeze %dma_start3A_853 : memref<1x128xi32, #tpu.memory_space<vmem>> -> memref<128xi32, #tpu.memory_space<vmem>>
      %dma_start3A_855 = tpu.memref_slice %arg5[%add3A_843] : memref<327680xi32, #tpu.memory_space<hbm>> -> memref<128xi32, #tpu.memory_space<hbm>>
      tpu.enqueue_dma source(%dma_start3A_855 : memref<128xi32, #tpu.memory_space<hbm>>) target(%dma_start3A_854 : memref<128xi32, #tpu.memory_space<vmem>>) target_semaphore(%dma_start3A_851 : memref<!tpu.dma_semaphore, #tpu.memory_space<semaphore_mem>>)
      %dma_start3A_856 = arith.constant 3 : i32
      %dma_start3A_857 = arith.constant 1 : i32
      %dma_start3A_858 = arith.constant 0 : i32
      %dma_start3A_859 = tpu.memref_slice %arg10[%dma_start3A_856, %dma_start3A_858] : memref<4x128xi32, #tpu.memory_space<vmem>> -> memref<1x128xi32, #tpu.memory_space<vmem>>
      %dma_start3A_860 = tpu.memref_squeeze %dma_start3A_859 : memref<1x128xi32, #tpu.memory_space<vmem>> -> memref<128xi32, #tpu.memory_space<vmem>>
      %dma_start3A_861 = tpu.memref_slice %arg6[%add3A_843] : memref<327680xi32, #tpu.memory_space<hbm>> -> memref<128xi32, #tpu.memory_space<hbm>>
      %dma_start3A_862 = tpu.memref_slice %arg18[%dma_start3A_857] : memref<2x!tpu.dma_semaphore, #tpu.memory_space<semaphore_mem>> -> memref<1x!tpu.dma_semaphore, #tpu.memory_space<semaphore_mem>>
      %dma_start3A_863 = tpu.memref_squeeze %dma_start3A_862 : memref<1x!tpu.dma_semaphore, #tpu.memory_space<semaphore_mem>> -> memref<!tpu.dma_semaphore, #tpu.memory_space<semaphore_mem>>
      %dma_start3A_864 = arith.constant 0 : i32
      %dma_start3A_865 = tpu.memref_slice %arg10[%dma_start3A_856, %dma_start3A_864] : memref<4x128xi32, #tpu.memory_space<vmem>> -> memref<1x128xi32, #tpu.memory_space<vmem>>
      %dma_start3A_866 = tpu.memref_squeeze %dma_start3A_865 : memref<1x128xi32, #tpu.memory_space<vmem>> -> memref<128xi32, #tpu.memory_space<vmem>>
      %dma_start3A_867 = tpu.memref_slice %arg6[%add3A_843] : memref<327680xi32, #tpu.memory_space<hbm>> -> memref<128xi32, #tpu.memory_space<hbm>>
      tpu.enqueue_dma source(%dma_start3A_867 : memref<128xi32, #tpu.memory_space<hbm>>) target(%dma_start3A_866 : memref<128xi32, #tpu.memory_space<vmem>>) target_semaphore(%dma_start3A_863 : memref<!tpu.dma_semaphore, #tpu.memory_space<semaphore_mem>>)
      %dma_wait3A_868 = arith.constant 2 : i32
      %dma_wait3A_869 = arith.constant 0 : i32
      %dma_wait3A_870 = arith.constant 0 : i32
      %dma_wait3A_871 = arith.constant 0 : i32
      %dma_wait3A_872 = tpu.memref_slice %arg12[%dma_wait3A_869, %dma_wait3A_871] : memref<2x128xf32, #tpu.memory_space<vmem>> -> memref<1x128xf32, #tpu.memory_space<vmem>>
      %dma_wait3A_873 = tpu.memref_squeeze %dma_wait3A_872 : memref<1x128xf32, #tpu.memory_space<vmem>> -> memref<128xf32, #tpu.memory_space<vmem>>
      %dma_wait3A_874 = arith.constant 0 : i32
      %dma_wait3A_875 = tpu.memref_slice %arg9[%dma_wait3A_868, %dma_wait3A_874] : memref<4x128xi32, #tpu.memory_space<vmem>> -> memref<1x128xi32, #tpu.memory_space<vmem>>
      %dma_wait3A_876 = tpu.memref_squeeze %dma_wait3A_875 : memref<1x128xi32, #tpu.memory_space<vmem>> -> memref<128xi32, #tpu.memory_space<vmem>>
      %dma_wait3A_877 = arith.constant 0 : i32
      %dma_wait3A_878 = tpu.memref_slice %arg3[%dma_wait3A_877] : memref<10240xf32, #tpu.memory_space<hbm>> -> memref<10240xf32, #tpu.memory_space<hbm>>
      %dma_wait3A_879 = tpu.memref_slice %arg19[%dma_wait3A_870] : memref<2x!tpu.dma_semaphore, #tpu.memory_space<semaphore_mem>> -> memref<1x!tpu.dma_semaphore, #tpu.memory_space<semaphore_mem>>
      %dma_wait3A_880 = tpu.memref_squeeze %dma_wait3A_879 : memref<1x!tpu.dma_semaphore, #tpu.memory_space<semaphore_mem>> -> memref<!tpu.dma_semaphore, #tpu.memory_space<semaphore_mem>>
      tpu.wait_indirect_dma semaphore(%dma_wait3A_880 : memref<!tpu.dma_semaphore, #tpu.memory_space<semaphore_mem>>) src(%dma_wait3A_878 : memref<10240xf32, #tpu.memory_space<hbm>>) dst(%dma_wait3A_873 : memref<128xf32, #tpu.memory_space<vmem>>)
      %dma_wait3A_881 = arith.constant 2 : i32
      %dma_wait3A_882 = arith.constant 0 : i32
      %dma_wait3A_883 = arith.constant 0 : i32
      %dma_wait3A_884 = arith.constant 0 : i32
      %dma_wait3A_885 = tpu.memref_slice %arg13[%dma_wait3A_882, %dma_wait3A_884] : memref<2x128xf32, #tpu.memory_space<vmem>> -> memref<1x128xf32, #tpu.memory_space<vmem>>
      %dma_wait3A_886 = tpu.memref_squeeze %dma_wait3A_885 : memref<1x128xf32, #tpu.memory_space<vmem>> -> memref<128xf32, #tpu.memory_space<vmem>>
      %dma_wait3A_887 = arith.constant 0 : i32
      %dma_wait3A_888 = tpu.memref_slice %arg10[%dma_wait3A_881, %dma_wait3A_887] : memref<4x128xi32, #tpu.memory_space<vmem>> -> memref<1x128xi32, #tpu.memory_space<vmem>>
      %dma_wait3A_889 = tpu.memref_squeeze %dma_wait3A_888 : memref<1x128xi32, #tpu.memory_space<vmem>> -> memref<128xi32, #tpu.memory_space<vmem>>
      %dma_wait3A_890 = arith.constant 0 : i32
      %dma_wait3A_891 = tpu.memref_slice %arg4[%dma_wait3A_890] : memref<10240xf32, #tpu.memory_space<hbm>> -> memref<10240xf32, #tpu.memory_space<hbm>>
      %dma_wait3A_892 = tpu.memref_slice %arg20[%dma_wait3A_883] : memref<2x!tpu.dma_semaphore, #tpu.memory_space<semaphore_mem>> -> memref<1x!tpu.dma_semaphore, #tpu.memory_space<semaphore_mem>>
      %dma_wait3A_893 = tpu.memref_squeeze %dma_wait3A_892 : memref<1x!tpu.dma_semaphore, #tpu.memory_space<semaphore_mem>> -> memref<!tpu.dma_semaphore, #tpu.memory_space<semaphore_mem>>
      tpu.wait_indirect_dma semaphore(%dma_wait3A_893 : memref<!tpu.dma_semaphore, #tpu.memory_space<semaphore_mem>>) src(%dma_wait3A_891 : memref<10240xf32, #tpu.memory_space<hbm>>) dst(%dma_wait3A_886 : memref<128xf32, #tpu.memory_space<vmem>>)
      %get3A_894 = arith.constant 0 : i32
      %get3A_895 = arith.index_cast %get3A_894 : i32 to index
      %get3A_896 = arith.constant 0 : index
      %get3A_897 = tpu.vector_load %arg12[%get3A_895, %get3A_896] {strides = array<i32>} : memref<2x128xf32, #tpu.memory_space<vmem>>, vector<16xf32>,
      %get3A_898 = arith.constant 0 : i32
      %get3A_899 = arith.index_cast %get3A_898 : i32 to index
      %get3A_900 = arith.constant 0 : index
      %get3A_901 = tpu.vector_load %arg13[%get3A_899, %get3A_900] {strides = array<i32>} : memref<2x128xf32, #tpu.memory_space<vmem>>, vector<16xf32>,
      %add3A_902 = arith.addf %get3A_897, %get3A_901 : vector<16xf32>
      %gt3A_903 = arith.constant 0.000000e+00 : f32
      %gt3A_904 = vector.broadcast %gt3A_903 : f32 to vector<16xf32>
      %gt3A_905 = arith.cmpf ogt, %add3A_902, %gt3A_904 : vector<16xf32>
      %mul3A_906 = arith.constant 2.000000e-01 : f32
      %mul3A_907 = vector.broadcast %mul3A_906 : f32 to vector<16xf32>
      %mul3A_908 = arith.mulf %mul3A_907, %add3A_902 : vector<16xf32>
      %select_n3A_909 = arith.select %gt3A_905, %add3A_902, %mul3A_908 : vector<16xi1>, vector<16xf32>
      %exp3A_910 = math.exp %select_n3A_909 : vector<16xf32>
      %swap3A_911 = arith.constant 0 : i32
      %swap3A_912 = arith.index_cast %swap3A_911 : i32 to index
      %swap3A_913 = arith.constant 0 : index
      %swap3A_914 = tpu.vector_load %arg14[%swap3A_912, %swap3A_913] {strides = array<i32>} : memref<2x144xf32, #tpu.memory_space<vmem>>, vector<16xf32>,
      tpu.vector_store %arg14[%swap3A_912, %swap3A_913], %exp3A_910 {strides = array<i32>} : memref<2x144xf32, #tpu.memory_space<vmem>>, vector<16xf32>,
      %get3A_915 = arith.constant 2 : i32
      %get3A_916 = arith.index_cast %get3A_915 : i32 to index
      %get3A_917 = arith.constant 0 : index
      %get3A_918 = tpu.vector_load %arg9[%get3A_916, %get3A_917] {strides = array<i32>} : memref<4x128xi32, #tpu.memory_space<vmem>>, vector<16xi32>,
      tpu.vector_store_idx %arg15[%get3A_918], %exp3A_910 {add = true} : memref<10240xf32, #tpu.memory_space<vmem>>[vector<16xi32>], vector<16xf32>,
      %get3A_919 = arith.constant 0 : i32
      %get3A_920 = arith.index_cast %get3A_919 : i32 to index
      %get3A_921 = arith.constant 16 : index
      %get3A_922 = tpu.vector_load %arg12[%get3A_920, %get3A_921] {strides = array<i32>} : memref<2x128xf32, #tpu.memory_space<vmem>>, vector<16xf32>,
      %get3A_923 = arith.constant 0 : i32
      %get3A_924 = arith.index_cast %get3A_923 : i32 to index
      %get3A_925 = arith.constant 16 : index
      %get3A_926 = tpu.vector_load %arg13[%get3A_924, %get3A_925] {strides = array<i32>} : memref<2x128xf32, #tpu.memory_space<vmem>>, vector<16xf32>,
      %add3A_927 = arith.addf %get3A_922, %get3A_926 : vector<16xf32>
      %gt3A_928 = arith.constant 0.000000e+00 : f32
      %gt3A_929 = vector.broadcast %gt3A_928 : f32 to vector<16xf32>
      %gt3A_930 = arith.cmpf ogt, %add3A_927, %gt3A_929 : vector<16xf32>
      %mul3A_931 = arith.constant 2.000000e-01 : f32
      %mul3A_932 = vector.broadcast %mul3A_931 : f32 to vector<16xf32>
      %mul3A_933 = arith.mulf %mul3A_932, %add3A_927 : vector<16xf32>
      %select_n3A_934 = arith.select %gt3A_930, %add3A_927, %mul3A_933 : vector<16xi1>, vector<16xf32>
      %exp3A_935 = math.exp %select_n3A_934 : vector<16xf32>
      %swap3A_936 = arith.constant 0 : i32
      %swap3A_937 = arith.index_cast %swap3A_936 : i32 to index
      %swap3A_938 = arith.constant 16 : index
      %swap3A_939 = tpu.vector_load %arg14[%swap3A_937, %swap3A_938] {strides = array<i32>} : memref<2x144xf32, #tpu.memory_space<vmem>>, vector<16xf32>,
      tpu.vector_store %arg14[%swap3A_937, %swap3A_938], %exp3A_935 {strides = array<i32>} : memref<2x144xf32, #tpu.memory_space<vmem>>, vector<16xf32>,
      %get3A_940 = arith.constant 2 : i32
      %get3A_941 = arith.index_cast %get3A_940 : i32 to index
      %get3A_942 = arith.constant 16 : index
      %get3A_943 = tpu.vector_load %arg9[%get3A_941, %get3A_942] {strides = array<i32>} : memref<4x128xi32, #tpu.memory_space<vmem>>, vector<16xi32>,
      tpu.vector_store_idx %arg15[%get3A_943], %exp3A_935 {add = true} : memref<10240xf32, #tpu.memory_space<vmem>>[vector<16xi32>], vector<16xf32>,
      %get3A_944 = arith.constant 0 : i32
      %get3A_945 = arith.index_cast %get3A_944 : i32 to index
      %get3A_946 = arith.constant 32 : index
      %get3A_947 = tpu.vector_load %arg12[%get3A_945, %get3A_946] {strides = array<i32>} : memref<2x128xf32, #tpu.memory_space<vmem>>, vector<16xf32>,
      %get3A_948 = arith.constant 0 : i32
      %get3A_949 = arith.index_cast %get3A_948 : i32 to index
      %get3A_950 = arith.constant 32 : index
      %get3A_951 = tpu.vector_load %arg13[%get3A_949, %get3A_950] {strides = array<i32>} : memref<2x128xf32, #tpu.memory_space<vmem>>, vector<16xf32>,
      %add3A_952 = arith.addf %get3A_947, %get3A_951 : vector<16xf32>
      %gt3A_953 = arith.constant 0.000000e+00 : f32
      %gt3A_954 = vector.broadcast %gt3A_953 : f32 to vector<16xf32>
      %gt3A_955 = arith.cmpf ogt, %add3A_952, %gt3A_954 : vector<16xf32>
      %mul3A_956 = arith.constant 2.000000e-01 : f32
      %mul3A_957 = vector.broadcast %mul3A_956 : f32 to vector<16xf32>
      %mul3A_958 = arith.mulf %mul3A_957, %add3A_952 : vector<16xf32>
      %select_n3A_959 = arith.select %gt3A_955, %add3A_952, %mul3A_958 : vector<16xi1>, vector<16xf32>
      %exp3A_960 = math.exp %select_n3A_959 : vector<16xf32>
      %swap3A_961 = arith.constant 0 : i32
      %swap3A_962 = arith.index_cast %swap3A_961 : i32 to index
      %swap3A_963 = arith.constant 32 : index
      %swap3A_964 = tpu.vector_load %arg14[%swap3A_962, %swap3A_963] {strides = array<i32>} : memref<2x144xf32, #tpu.memory_space<vmem>>, vector<16xf32>,
      tpu.vector_store %arg14[%swap3A_962, %swap3A_963], %exp3A_960 {strides = array<i32>} : memref<2x144xf32, #tpu.memory_space<vmem>>, vector<16xf32>,
      %get3A_965 = arith.constant 2 : i32
      %get3A_966 = arith.index_cast %get3A_965 : i32 to index
      %get3A_967 = arith.constant 32 : index
      %get3A_968 = tpu.vector_load %arg9[%get3A_966, %get3A_967] {strides = array<i32>} : memref<4x128xi32, #tpu.memory_space<vmem>>, vector<16xi32>,
      tpu.vector_store_idx %arg15[%get3A_968], %exp3A_960 {add = true} : memref<10240xf32, #tpu.memory_space<vmem>>[vector<16xi32>], vector<16xf32>,
      %get3A_969 = arith.constant 0 : i32
      %get3A_970 = arith.index_cast %get3A_969 : i32 to index
      %get3A_971 = arith.constant 48 : index
      %get3A_972 = tpu.vector_load %arg12[%get3A_970, %get3A_971] {strides = array<i32>} : memref<2x128xf32, #tpu.memory_space<vmem>>, vector<16xf32>,
      %get3A_973 = arith.constant 0 : i32
      %get3A_974 = arith.index_cast %get3A_973 : i32 to index
      %get3A_975 = arith.constant 48 : index
      %get3A_976 = tpu.vector_load %arg13[%get3A_974, %get3A_975] {strides = array<i32>} : memref<2x128xf32, #tpu.memory_space<vmem>>, vector<16xf32>,
      %add3A_977 = arith.addf %get3A_972, %get3A_976 : vector<16xf32>
      %gt3A_978 = arith.constant 0.000000e+00 : f32
      %gt3A_979 = vector.broadcast %gt3A_978 : f32 to vector<16xf32>
      %gt3A_980 = arith.cmpf ogt, %add3A_977, %gt3A_979 : vector<16xf32>
      %mul3A_981 = arith.constant 2.000000e-01 : f32
      %mul3A_982 = vector.broadcast %mul3A_981 : f32 to vector<16xf32>
      %mul3A_983 = arith.mulf %mul3A_982, %add3A_977 : vector<16xf32>
      %select_n3A_984 = arith.select %gt3A_980, %add3A_977, %mul3A_983 : vector<16xi1>, vector<16xf32>
      %exp3A_985 = math.exp %select_n3A_984 : vector<16xf32>
      %swap3A_986 = arith.constant 0 : i32
      %swap3A_987 = arith.index_cast %swap3A_986 : i32 to index
      %swap3A_988 = arith.constant 48 : index
      %swap3A_989 = tpu.vector_load %arg14[%swap3A_987, %swap3A_988] {strides = array<i32>} : memref<2x144xf32, #tpu.memory_space<vmem>>, vector<16xf32>,
      tpu.vector_store %arg14[%swap3A_987, %swap3A_988], %exp3A_985 {strides = array<i32>} : memref<2x144xf32, #tpu.memory_space<vmem>>, vector<16xf32>,
      %get3A_990 = arith.constant 2 : i32
      %get3A_991 = arith.index_cast %get3A_990 : i32 to index
      %get3A_992 = arith.constant 48 : index
      %get3A_993 = tpu.vector_load %arg9[%get3A_991, %get3A_992] {strides = array<i32>} : memref<4x128xi32, #tpu.memory_space<vmem>>, vector<16xi32>,
      tpu.vector_store_idx %arg15[%get3A_993], %exp3A_985 {add = true} : memref<10240xf32, #tpu.memory_space<vmem>>[vector<16xi32>], vector<16xf32>,
      %get3A_994 = arith.constant 0 : i32
      %get3A_995 = arith.index_cast %get3A_994 : i32 to index
      %get3A_996 = arith.constant 64 : index
      %get3A_997 = tpu.vector_load %arg12[%get3A_995, %get3A_996] {strides = array<i32>} : memref<2x128xf32, #tpu.memory_space<vmem>>, vector<16xf32>,
      %get3A_998 = arith.constant 0 : i32
      %get3A_999 = arith.index_cast %get3A_998 : i32 to index
      %get3A_1000 = arith.constant 64 : index
      %get3A_1001 = tpu.vector_load %arg13[%get3A_999, %get3A_1000] {strides = array<i32>} : memref<2x128xf32, #tpu.memory_space<vmem>>, vector<16xf32>,
      %add3A_1002 = arith.addf %get3A_997, %get3A_1001 : vector<16xf32>
      %gt3A_1003 = arith.constant 0.000000e+00 : f32
      %gt3A_1004 = vector.broadcast %gt3A_1003 : f32 to vector<16xf32>
      %gt3A_1005 = arith.cmpf ogt, %add3A_1002, %gt3A_1004 : vector<16xf32>
      %mul3A_1006 = arith.constant 2.000000e-01 : f32
      %mul3A_1007 = vector.broadcast %mul3A_1006 : f32 to vector<16xf32>
      %mul3A_1008 = arith.mulf %mul3A_1007, %add3A_1002 : vector<16xf32>
      %select_n3A_1009 = arith.select %gt3A_1005, %add3A_1002, %mul3A_1008 : vector<16xi1>, vector<16xf32>
      %exp3A_1010 = math.exp %select_n3A_1009 : vector<16xf32>
      %swap3A_1011 = arith.constant 0 : i32
      %swap3A_1012 = arith.index_cast %swap3A_1011 : i32 to index
      %swap3A_1013 = arith.constant 64 : index
      %swap3A_1014 = tpu.vector_load %arg14[%swap3A_1012, %swap3A_1013] {strides = array<i32>} : memref<2x144xf32, #tpu.memory_space<vmem>>, vector<16xf32>,
      tpu.vector_store %arg14[%swap3A_1012, %swap3A_1013], %exp3A_1010 {strides = array<i32>} : memref<2x144xf32, #tpu.memory_space<vmem>>, vector<16xf32>,
      %get3A_1015 = arith.constant 2 : i32
      %get3A_1016 = arith.index_cast %get3A_1015 : i32 to index
      %get3A_1017 = arith.constant 64 : index
      %get3A_1018 = tpu.vector_load %arg9[%get3A_1016, %get3A_1017] {strides = array<i32>} : memref<4x128xi32, #tpu.memory_space<vmem>>, vector<16xi32>,
      tpu.vector_store_idx %arg15[%get3A_1018], %exp3A_1010 {add = true} : memref<10240xf32, #tpu.memory_space<vmem>>[vector<16xi32>], vector<16xf32>,
      %get3A_1019 = arith.constant 0 : i32
      %get3A_1020 = arith.index_cast %get3A_1019 : i32 to index
      %get3A_1021 = arith.constant 80 : index
      %get3A_1022 = tpu.vector_load %arg12[%get3A_1020, %get3A_1021] {strides = array<i32>} : memref<2x128xf32, #tpu.memory_space<vmem>>, vector<16xf32>,
      %get3A_1023 = arith.constant 0 : i32
      %get3A_1024 = arith.index_cast %get3A_1023 : i32 to index
      %get3A_1025 = arith.constant 80 : index
      %get3A_1026 = tpu.vector_load %arg13[%get3A_1024, %get3A_1025] {strides = array<i32>} : memref<2x128xf32, #tpu.memory_space<vmem>>, vector<16xf32>,
      %add3A_1027 = arith.addf %get3A_1022, %get3A_1026 : vector<16xf32>
      %gt3A_1028 = arith.constant 0.000000e+00 : f32
      %gt3A_1029 = vector.broadcast %gt3A_1028 : f32 to vector<16xf32>
      %gt3A_1030 = arith.cmpf ogt, %add3A_1027, %gt3A_1029 : vector<16xf32>
      %mul3A_1031 = arith.constant 2.000000e-01 : f32
      %mul3A_1032 = vector.broadcast %mul3A_1031 : f32 to vector<16xf32>
      %mul3A_1033 = arith.mulf %mul3A_1032, %add3A_1027 : vector<16xf32>
      %select_n3A_1034 = arith.select %gt3A_1030, %add3A_1027, %mul3A_1033 : vector<16xi1>, vector<16xf32>
      %exp3A_1035 = math.exp %select_n3A_1034 : vector<16xf32>
      %swap3A_1036 = arith.constant 0 : i32
      %swap3A_1037 = arith.index_cast %swap3A_1036 : i32 to index
      %swap3A_1038 = arith.constant 80 : index
      %swap3A_1039 = tpu.vector_load %arg14[%swap3A_1037, %swap3A_1038] {strides = array<i32>} : memref<2x144xf32, #tpu.memory_space<vmem>>, vector<16xf32>,
      tpu.vector_store %arg14[%swap3A_1037, %swap3A_1038], %exp3A_1035 {strides = array<i32>} : memref<2x144xf32, #tpu.memory_space<vmem>>, vector<16xf32>,
      %get3A_1040 = arith.constant 2 : i32
      %get3A_1041 = arith.index_cast %get3A_1040 : i32 to index
      %get3A_1042 = arith.constant 80 : index
      %get3A_1043 = tpu.vector_load %arg9[%get3A_1041, %get3A_1042] {strides = array<i32>} : memref<4x128xi32, #tpu.memory_space<vmem>>, vector<16xi32>,
      tpu.vector_store_idx %arg15[%get3A_1043], %exp3A_1035 {add = true} : memref<10240xf32, #tpu.memory_space<vmem>>[vector<16xi32>], vector<16xf32>,
      %get3A_1044 = arith.constant 0 : i32
      %get3A_1045 = arith.index_cast %get3A_1044 : i32 to index
      %get3A_1046 = arith.constant 96 : index
      %get3A_1047 = tpu.vector_load %arg12[%get3A_1045, %get3A_1046] {strides = array<i32>} : memref<2x128xf32, #tpu.memory_space<vmem>>, vector<16xf32>,
      %get3A_1048 = arith.constant 0 : i32
      %get3A_1049 = arith.index_cast %get3A_1048 : i32 to index
      %get3A_1050 = arith.constant 96 : index
      %get3A_1051 = tpu.vector_load %arg13[%get3A_1049, %get3A_1050] {strides = array<i32>} : memref<2x128xf32, #tpu.memory_space<vmem>>, vector<16xf32>,
      %add3A_1052 = arith.addf %get3A_1047, %get3A_1051 : vector<16xf32>
      %gt3A_1053 = arith.constant 0.000000e+00 : f32
      %gt3A_1054 = vector.broadcast %gt3A_1053 : f32 to vector<16xf32>
      %gt3A_1055 = arith.cmpf ogt, %add3A_1052, %gt3A_1054 : vector<16xf32>
      %mul3A_1056 = arith.constant 2.000000e-01 : f32
      %mul3A_1057 = vector.broadcast %mul3A_1056 : f32 to vector<16xf32>
      %mul3A_1058 = arith.mulf %mul3A_1057, %add3A_1052 : vector<16xf32>
      %select_n3A_1059 = arith.select %gt3A_1055, %add3A_1052, %mul3A_1058 : vector<16xi1>, vector<16xf32>
      %exp3A_1060 = math.exp %select_n3A_1059 : vector<16xf32>
      %swap3A_1061 = arith.constant 0 : i32
      %swap3A_1062 = arith.index_cast %swap3A_1061 : i32 to index
      %swap3A_1063 = arith.constant 96 : index
      %swap3A_1064 = tpu.vector_load %arg14[%swap3A_1062, %swap3A_1063] {strides = array<i32>} : memref<2x144xf32, #tpu.memory_space<vmem>>, vector<16xf32>,
      tpu.vector_store %arg14[%swap3A_1062, %swap3A_1063], %exp3A_1060 {strides = array<i32>} : memref<2x144xf32, #tpu.memory_space<vmem>>, vector<16xf32>,
      %get3A_1065 = arith.constant 2 : i32
      %get3A_1066 = arith.index_cast %get3A_1065 : i32 to index
      %get3A_1067 = arith.constant 96 : index
      %get3A_1068 = tpu.vector_load %arg9[%get3A_1066, %get3A_1067] {strides = array<i32>} : memref<4x128xi32, #tpu.memory_space<vmem>>, vector<16xi32>,
      tpu.vector_store_idx %arg15[%get3A_1068], %exp3A_1060 {add = true} : memref<10240xf32, #tpu.memory_space<vmem>>[vector<16xi32>], vector<16xf32>,
      %get3A_1069 = arith.constant 0 : i32
      %get3A_1070 = arith.index_cast %get3A_1069 : i32 to index
      %get3A_1071 = arith.constant 112 : index
      %get3A_1072 = tpu.vector_load %arg12[%get3A_1070, %get3A_1071] {strides = array<i32>} : memref<2x128xf32, #tpu.memory_space<vmem>>, vector<16xf32>,
      %get3A_1073 = arith.constant 0 : i32
      %get3A_1074 = arith.index_cast %get3A_1073 : i32 to index
      %get3A_1075 = arith.constant 112 : index
      %get3A_1076 = tpu.vector_load %arg13[%get3A_1074, %get3A_1075] {strides = array<i32>} : memref<2x128xf32, #tpu.memory_space<vmem>>, vector<16xf32>,
      %add3A_1077 = arith.addf %get3A_1072, %get3A_1076 : vector<16xf32>
      %gt3A_1078 = arith.constant 0.000000e+00 : f32
      %gt3A_1079 = vector.broadcast %gt3A_1078 : f32 to vector<16xf32>
      %gt3A_1080 = arith.cmpf ogt, %add3A_1077, %gt3A_1079 : vector<16xf32>
      %mul3A_1081 = arith.constant 2.000000e-01 : f32
      %mul3A_1082 = vector.broadcast %mul3A_1081 : f32 to vector<16xf32>
      %mul3A_1083 = arith.mulf %mul3A_1082, %add3A_1077 : vector<16xf32>
      %select_n3A_1084 = arith.select %gt3A_1080, %add3A_1077, %mul3A_1083 : vector<16xi1>, vector<16xf32>
      %exp3A_1085 = math.exp %select_n3A_1084 : vector<16xf32>
      %swap3A_1086 = arith.constant 0 : i32
      %swap3A_1087 = arith.index_cast %swap3A_1086 : i32 to index
      %swap3A_1088 = arith.constant 112 : index
      %swap3A_1089 = tpu.vector_load %arg14[%swap3A_1087, %swap3A_1088] {strides = array<i32>} : memref<2x144xf32, #tpu.memory_space<vmem>>, vector<16xf32>,
      tpu.vector_store %arg14[%swap3A_1087, %swap3A_1088], %exp3A_1085 {strides = array<i32>} : memref<2x144xf32, #tpu.memory_space<vmem>>, vector<16xf32>,
      %get3A_1090 = arith.constant 2 : i32
      %get3A_1091 = arith.index_cast %get3A_1090 : i32 to index
      %get3A_1092 = arith.constant 112 : index
      %get3A_1093 = tpu.vector_load %arg9[%get3A_1091, %get3A_1092] {strides = array<i32>} : memref<4x128xi32, #tpu.memory_space<vmem>>, vector<16xi32>,
      tpu.vector_store_idx %arg15[%get3A_1093], %exp3A_1085 {add = true} : memref<10240xf32, #tpu.memory_space<vmem>>[vector<16xi32>], vector<16xf32>,
      %dma_wait3A_1094 = arith.constant 1 : i32
      %dma_wait3A_1095 = arith.constant 1 : i32
      %dma_wait3A_1096 = arith.constant 1 : i32
      %dma_wait3A_1097 = arith.constant 0 : i32
      %dma_wait3A_1098 = arith.constant 0 : i32
      %dma_wait3A_1099 = tpu.memref_slice %arg11[%dma_wait3A_1094, %dma_wait3A_1097, %dma_wait3A_1098] : memref<2x128x128xf32, #tpu.memory_space<vmem>> -> memref<1x128x128xf32, #tpu.memory_space<vmem>>
      %dma_wait3A_1100 = tpu.memref_squeeze %dma_wait3A_1099 : memref<1x128x128xf32, #tpu.memory_space<vmem>> -> memref<128x128xf32, #tpu.memory_space<vmem>>
      %dma_wait3A_1101 = arith.constant 0 : i32
      %dma_wait3A_1102 = tpu.memref_slice %arg9[%dma_wait3A_1095, %dma_wait3A_1101] : memref<4x128xi32, #tpu.memory_space<vmem>> -> memref<1x128xi32, #tpu.memory_space<vmem>>
      %dma_wait3A_1103 = tpu.memref_squeeze %dma_wait3A_1102 : memref<1x128xi32, #tpu.memory_space<vmem>> -> memref<128xi32, #tpu.memory_space<vmem>>
      %dma_wait3A_1104 = arith.constant 0 : i32
      %dma_wait3A_1105 = arith.constant 0 : i32
      %dma_wait3A_1106 = tpu.memref_slice %arg16[%dma_wait3A_1104, %dma_wait3A_1105] : memref<10240x128xf32, #tpu.memory_space<vmem_shared>> -> memref<10240x128xf32, #tpu.memory_space<vmem_shared>>
      %dma_wait3A_1107 = tpu.memref_slice %arg21[%dma_wait3A_1096] : memref<2x!tpu.dma_semaphore, #tpu.memory_space<semaphore_mem>> -> memref<1x!tpu.dma_semaphore, #tpu.memory_space<semaphore_mem>>
      %dma_wait3A_1108 = tpu.memref_squeeze %dma_wait3A_1107 : memref<1x!tpu.dma_semaphore, #tpu.memory_space<semaphore_mem>> -> memref<!tpu.dma_semaphore, #tpu.memory_space<semaphore_mem>>
      tpu.wait_indirect_dma semaphore(%dma_wait3A_1108 : memref<!tpu.dma_semaphore, #tpu.memory_space<semaphore_mem>>) src(%dma_wait3A_1100 : memref<128x128xf32, #tpu.memory_space<vmem>>) dst(%dma_wait3A_1106 : memref<10240x128xf32, #tpu.memory_space<vmem_shared>>)
      %add3A_1109 = arith.constant 1 : i32
      %add3A_1110 = arith.addi %add3A_838, %add3A_1109 : i32
      %mul3A_1111 = arith.constant 128 : i32
      %mul3A_1112 = arith.muli %add3A_1110, %mul3A_1111 : i32
      %add3A_1113 = arith.addi %select_n3A_8, %mul3A_1112 : i32
      %dma_wait3A_1114 = arith.constant 3 : i32
      %dma_wait3A_1115 = arith.constant 0 : i32
      %dma_wait3A_1116 = arith.constant 0 : i32
      %dma_wait3A_1117 = tpu.memref_slice %arg9[%dma_wait3A_1114, %dma_wait3A_1116] : memref<4x128xi32, #tpu.memory_space<vmem>> -> memref<1x128xi32, #tpu.memory_space<vmem>>
      %dma_wait3A_1118 = tpu.memref_squeeze %dma_wait3A_1117 : memref<1x128xi32, #tpu.memory_space<vmem>> -> memref<128xi32, #tpu.memory_space<vmem>>
      %dma_wait3A_1119 = tpu.memref_slice %arg5[%add3A_1113] : memref<327680xi32, #tpu.memory_space<hbm>> -> memref<128xi32, #tpu.memory_space<hbm>>
      %dma_wait3A_1120 = tpu.memref_slice %arg18[%dma_wait3A_1115] : memref<2x!tpu.dma_semaphore, #tpu.memory_space<semaphore_mem>> -> memref<1x!tpu.dma_semaphore, #tpu.memory_space<semaphore_mem>>
      %dma_wait3A_1121 = tpu.memref_squeeze %dma_wait3A_1120 : memref<1x!tpu.dma_semaphore, #tpu.memory_space<semaphore_mem>> -> memref<!tpu.dma_semaphore, #tpu.memory_space<semaphore_mem>>
      %dma_wait3A_1122 = arith.constant 0 : i32
      %dma_wait3A_1123 = tpu.memref_slice %arg9[%dma_wait3A_1114, %dma_wait3A_1122] : memref<4x128xi32, #tpu.memory_space<vmem>> -> memref<1x128xi32, #tpu.memory_space<vmem>>
      %dma_wait3A_1124 = tpu.memref_squeeze %dma_wait3A_1123 : memref<1x128xi32, #tpu.memory_space<vmem>> -> memref<128xi32, #tpu.memory_space<vmem>>
      %dma_wait3A_1125 = tpu.memref_slice %arg5[%add3A_1113] : memref<327680xi32, #tpu.memory_space<hbm>> -> memref<128xi32, #tpu.memory_space<hbm>>
      tpu.wait_dma2 semaphore(%dma_wait3A_1121 : memref<!tpu.dma_semaphore, #tpu.memory_space<semaphore_mem>>) src(%dma_wait3A_1125 : memref<128xi32, #tpu.memory_space<hbm>>) dst(%dma_wait3A_1124 : memref<128xi32, #tpu.memory_space<vmem>>)
      %dma_wait3A_1126 = arith.constant 3 : i32
      %dma_wait3A_1127 = arith.constant 1 : i32
      %dma_wait3A_1128 = arith.constant 0 : i32
      %dma_wait3A_1129 = tpu.memref_slice %arg10[%dma_wait3A_1126, %dma_wait3A_1128] : memref<4x128xi32, #tpu.memory_space<vmem>> -> memref<1x128xi32, #tpu.memory_space<vmem>>
      %dma_wait3A_1130 = tpu.memref_squeeze %dma_wait3A_1129 : memref<1x128xi32, #tpu.memory_space<vmem>> -> memref<128xi32, #tpu.memory_space<vmem>>
      %dma_wait3A_1131 = tpu.memref_slice %arg6[%add3A_1113] : memref<327680xi32, #tpu.memory_space<hbm>> -> memref<128xi32, #tpu.memory_space<hbm>>
      %dma_wait3A_1132 = tpu.memref_slice %arg18[%dma_wait3A_1127] : memref<2x!tpu.dma_semaphore, #tpu.memory_space<semaphore_mem>> -> memref<1x!tpu.dma_semaphore, #tpu.memory_space<semaphore_mem>>
      %dma_wait3A_1133 = tpu.memref_squeeze %dma_wait3A_1132 : memref<1x!tpu.dma_semaphore, #tpu.memory_space<semaphore_mem>> -> memref<!tpu.dma_semaphore, #tpu.memory_space<semaphore_mem>>
      %dma_wait3A_1134 = arith.constant 0 : i32
      %dma_wait3A_1135 = tpu.memref_slice %arg10[%dma_wait3A_1126, %dma_wait3A_1134] : memref<4x128xi32, #tpu.memory_space<vmem>> -> memref<1x128xi32, #tpu.memory_space<vmem>>
      %dma_wait3A_1136 = tpu.memref_squeeze %dma_wait3A_1135 : memref<1x128xi32, #tpu.memory_space<vmem>> -> memref<128xi32, #tpu.memory_space<vmem>>
      %dma_wait3A_1137 = tpu.memref_slice %arg6[%add3A_1113] : memref<327680xi32, #tpu.memory_space<hbm>> -> memref<128xi32, #tpu.memory_space<hbm>>
      tpu.wait_dma2 semaphore(%dma_wait3A_1133 : memref<!tpu.dma_semaphore, #tpu.memory_space<semaphore_mem>>) src(%dma_wait3A_1137 : memref<128xi32, #tpu.memory_space<hbm>>) dst(%dma_wait3A_1136 : memref<128xi32, #tpu.memory_space<vmem>>)
      %dma_start3A_1138 = arith.constant 3 : i32
      %dma_start3A_1139 = arith.constant 1 : i32
      %dma_start3A_1140 = arith.constant 1 : i32
      %dma_start3A_1141 = arith.constant 0 : i32
      %dma_start3A_1142 = arith.constant 0 : i32
      %dma_start3A_1143 = tpu.memref_slice %arg11[%dma_start3A_1139, %dma_start3A_1141, %dma_start3A_1142] : memref<2x128x128xf32, #tpu.memory_space<vmem>> -> memref<1x128x128xf32, #tpu.memory_space<vmem>>
      %dma_start3A_1144 = tpu.memref_squeeze %dma_start3A_1143 : memref<1x128x128xf32, #tpu.memory_space<vmem>> -> memref<128x128xf32, #tpu.memory_space<vmem>>
      %dma_start3A_1145 = arith.constant 0 : i32
      %dma_start3A_1146 = tpu.memref_slice %arg10[%dma_start3A_1138, %dma_start3A_1145] : memref<4x128xi32, #tpu.memory_space<vmem>> -> memref<1x128xi32, #tpu.memory_space<vmem>>
      %dma_start3A_1147 = tpu.memref_squeeze %dma_start3A_1146 : memref<1x128xi32, #tpu.memory_space<vmem>> -> memref<128xi32, #tpu.memory_space<vmem>>
      %dma_start3A_1148 = arith.constant 0 : i32
      %dma_start3A_1149 = arith.constant 0 : i32
      %dma_start3A_1150 = tpu.memref_slice %arg2[%dma_start3A_1148, %dma_start3A_1149] : memref<10240x128xf32, #tpu.memory_space<hbm>> -> memref<10240x128xf32, #tpu.memory_space<hbm>>
      %dma_start3A_1151 = tpu.memref_slice %arg17[%dma_start3A_1140] : memref<2x!tpu.dma_semaphore, #tpu.memory_space<semaphore_mem>> -> memref<1x!tpu.dma_semaphore, #tpu.memory_space<semaphore_mem>>
      %dma_start3A_1152 = tpu.memref_squeeze %dma_start3A_1151 : memref<1x!tpu.dma_semaphore, #tpu.memory_space<semaphore_mem>> -> memref<!tpu.dma_semaphore, #tpu.memory_space<semaphore_mem>>
      tpu.enqueue_indirect_dma source(%dma_start3A_1150 : memref<10240x128xf32, #tpu.memory_space<hbm>>) target(%dma_start3A_1144 : memref<128x128xf32, #tpu.memory_space<vmem>>) offsets(%dma_start3A_1147 : memref<128xi32, #tpu.memory_space<vmem>>) semaphore(%dma_start3A_1152 : memref<!tpu.dma_semaphore, #tpu.memory_space<semaphore_mem>>)
      %dma_start3A_1153 = arith.constant 3 : i32
      %dma_start3A_1154 = arith.constant 1 : i32
      %dma_start3A_1155 = arith.constant 1 : i32
      %dma_start3A_1156 = arith.constant 0 : i32
      %dma_start3A_1157 = tpu.memref_slice %arg12[%dma_start3A_1154, %dma_start3A_1156] : memref<2x128xf32, #tpu.memory_space<vmem>> -> memref<1x128xf32, #tpu.memory_space<vmem>>
      %dma_start3A_1158 = tpu.memref_squeeze %dma_start3A_1157 : memref<1x128xf32, #tpu.memory_space<vmem>> -> memref<128xf32, #tpu.memory_space<vmem>>
      %dma_start3A_1159 = arith.constant 0 : i32
      %dma_start3A_1160 = tpu.memref_slice %arg9[%dma_start3A_1153, %dma_start3A_1159] : memref<4x128xi32, #tpu.memory_space<vmem>> -> memref<1x128xi32, #tpu.memory_space<vmem>>
      %dma_start3A_1161 = tpu.memref_squeeze %dma_start3A_1160 : memref<1x128xi32, #tpu.memory_space<vmem>> -> memref<128xi32, #tpu.memory_space<vmem>>
      %dma_start3A_1162 = arith.constant 0 : i32
      %dma_start3A_1163 = tpu.memref_slice %arg3[%dma_start3A_1162] : memref<10240xf32, #tpu.memory_space<hbm>> -> memref<10240xf32, #tpu.memory_space<hbm>>
      %dma_start3A_1164 = tpu.memref_slice %arg19[%dma_start3A_1155] : memref<2x!tpu.dma_semaphore, #tpu.memory_space<semaphore_mem>> -> memref<1x!tpu.dma_semaphore, #tpu.memory_space<semaphore_mem>>
      %dma_start3A_1165 = tpu.memref_squeeze %dma_start3A_1164 : memref<1x!tpu.dma_semaphore, #tpu.memory_space<semaphore_mem>> -> memref<!tpu.dma_semaphore, #tpu.memory_space<semaphore_mem>>
      tpu.enqueue_indirect_dma source(%dma_start3A_1163 : memref<10240xf32, #tpu.memory_space<hbm>>) target(%dma_start3A_1158 : memref<128xf32, #tpu.memory_space<vmem>>) offsets(%dma_start3A_1161 : memref<128xi32, #tpu.memory_space<vmem>>) semaphore(%dma_start3A_1165 : memref<!tpu.dma_semaphore, #tpu.memory_space<semaphore_mem>>)
      %dma_start3A_1166 = arith.constant 3 : i32
      %dma_start3A_1167 = arith.constant 1 : i32
      %dma_start3A_1168 = arith.constant 1 : i32
      %dma_start3A_1169 = arith.constant 0 : i32
      %dma_start3A_1170 = tpu.memref_slice %arg13[%dma_start3A_1167, %dma_start3A_1169] : memref<2x128xf32, #tpu.memory_space<vmem>> -> memref<1x128xf32, #tpu.memory_space<vmem>>
      %dma_start3A_1171 = tpu.memref_squeeze %dma_start3A_1170 : memref<1x128xf32, #tpu.memory_space<vmem>> -> memref<128xf32, #tpu.memory_space<vmem>>
      %dma_start3A_1172 = arith.constant 0 : i32
      %dma_start3A_1173 = tpu.memref_slice %arg10[%dma_start3A_1166, %dma_start3A_1172] : memref<4x128xi32, #tpu.memory_space<vmem>> -> memref<1x128xi32, #tpu.memory_space<vmem>>
      %dma_start3A_1174 = tpu.memref_squeeze %dma_start3A_1173 : memref<1x128xi32, #tpu.memory_space<vmem>> -> memref<128xi32, #tpu.memory_space<vmem>>
      %dma_start3A_1175 = arith.constant 0 : i32
      %dma_start3A_1176 = tpu.memref_slice %arg4[%dma_start3A_1175] : memref<10240xf32, #tpu.memory_space<hbm>> -> memref<10240xf32, #tpu.memory_space<hbm>>
      %dma_start3A_1177 = tpu.memref_slice %arg20[%dma_start3A_1168] : memref<2x!tpu.dma_semaphore, #tpu.memory_space<semaphore_mem>> -> memref<1x!tpu.dma_semaphore, #tpu.memory_space<semaphore_mem>>
      %dma_start3A_1178 = tpu.memref_squeeze %dma_start3A_1177 : memref<1x!tpu.dma_semaphore, #tpu.memory_space<semaphore_mem>> -> memref<!tpu.dma_semaphore, #tpu.memory_space<semaphore_mem>>
      tpu.enqueue_indirect_dma source(%dma_start3A_1176 : memref<10240xf32, #tpu.memory_space<hbm>>) target(%dma_start3A_1171 : memref<128xf32, #tpu.memory_space<vmem>>) offsets(%dma_start3A_1174 : memref<128xi32, #tpu.memory_space<vmem>>) semaphore(%dma_start3A_1178 : memref<!tpu.dma_semaphore, #tpu.memory_space<semaphore_mem>>)
      %dma_wait3A_1179 = arith.constant 2 : i32
      %dma_wait3A_1180 = arith.constant 0 : i32
      %dma_wait3A_1181 = arith.constant 0 : i32
      %dma_wait3A_1182 = arith.constant 0 : i32
      %dma_wait3A_1183 = arith.constant 0 : i32
      %dma_wait3A_1184 = tpu.memref_slice %arg11[%dma_wait3A_1180, %dma_wait3A_1182, %dma_wait3A_1183] : memref<2x128x128xf32, #tpu.memory_space<vmem>> -> memref<1x128x128xf32, #tpu.memory_space<vmem>>
      %dma_wait3A_1185 = tpu.memref_squeeze %dma_wait3A_1184 : memref<1x128x128xf32, #tpu.memory_space<vmem>> -> memref<128x128xf32, #tpu.memory_space<vmem>>
      %dma_wait3A_1186 = arith.constant 0 : i32
      %dma_wait3A_1187 = tpu.memref_slice %arg10[%dma_wait3A_1179, %dma_wait3A_1186] : memref<4x128xi32, #tpu.memory_space<vmem>> -> memref<1x128xi32, #tpu.memory_space<vmem>>
      %dma_wait3A_1188 = tpu.memref_squeeze %dma_wait3A_1187 : memref<1x128xi32, #tpu.memory_space<vmem>> -> memref<128xi32, #tpu.memory_space<vmem>>
      %dma_wait3A_1189 = arith.constant 0 : i32
      %dma_wait3A_1190 = arith.constant 0 : i32
      %dma_wait3A_1191 = tpu.memref_slice %arg2[%dma_wait3A_1189, %dma_wait3A_1190] : memref<10240x128xf32, #tpu.memory_space<hbm>> -> memref<10240x128xf32, #tpu.memory_space<hbm>>
      %dma_wait3A_1192 = tpu.memref_slice %arg17[%dma_wait3A_1181] : memref<2x!tpu.dma_semaphore, #tpu.memory_space<semaphore_mem>> -> memref<1x!tpu.dma_semaphore, #tpu.memory_space<semaphore_mem>>
      %dma_wait3A_1193 = tpu.memref_squeeze %dma_wait3A_1192 : memref<1x!tpu.dma_semaphore, #tpu.memory_space<semaphore_mem>> -> memref<!tpu.dma_semaphore, #tpu.memory_space<semaphore_mem>>
      tpu.wait_indirect_dma semaphore(%dma_wait3A_1193 : memref<!tpu.dma_semaphore, #tpu.memory_space<semaphore_mem>>) src(%dma_wait3A_1191 : memref<10240x128xf32, #tpu.memory_space<hbm>>) dst(%dma_wait3A_1185 : memref<128x128xf32, #tpu.memory_space<vmem>>)
      %scan3A_1194 = arith.constant 0 : i32
      %scan3A_1195 = arith.constant 0 : i32
      %scan3A_1196 = arith.constant 128 : i32
      %scan3A_1197 = arith.addi %scan3A_1195, %scan3A_1196 : i32
      %scan3A_1198 = arith.constant 1 : i32
      %scan3A_1199 = scf.for %scan3A_1505 = %scan3A_1195 to %scan3A_1197 step %scan3A_1198 iter_args(%scan3A_1506 = %scan3A_1194) -> (i32)  : i32 {
        %get3A_1507 = arith.constant 0 : i32
        %get3A_1508 = arith.index_cast %get3A_1507 : i32 to index
        %get3A_1509 = arith.index_cast %scan3A_1505 : i32 to index
        %get3A_1510 = tpu.vector_load %arg14[%get3A_1508, %get3A_1509] {strides = array<i32>} : memref<2x144xf32, #tpu.memory_space<vmem>>, vector<16xf32>,
        %slice3A = vector.extract_strided_slice %get3A_1510 {offsets = [0], sizes = [1], strides = [1]} : vector<16xf32> to vector<1xf32>
        %squeeze3A = vector.extract %slice3A[0] : f32 from vector<1xf32>
        %get3A_1511 = arith.constant 0 : i32
        %get3A_1512 = arith.index_cast %get3A_1511 : i32 to index
        %get3A_1513 = arith.index_cast %scan3A_1505 : i32 to index
        %get3A_1514 = arith.constant 0 : index
        %get3A_1515 = tpu.vector_load %arg11[%get3A_1512, %get3A_1513, %get3A_1514] {strides = array<i32>} : memref<2x128x128xf32, #tpu.memory_space<vmem>>, vector<16xf32>,
        %mul3A_1516 = vector.broadcast %squeeze3A : f32 to vector<16xf32>
        %mul3A_1517 = arith.mulf %get3A_1515, %mul3A_1516 : vector<16xf32>
        %swap3A_1518 = arith.constant 0 : i32
        %swap3A_1519 = arith.index_cast %swap3A_1518 : i32 to index
        %swap3A_1520 = arith.index_cast %scan3A_1505 : i32 to index
        %swap3A_1521 = arith.constant 0 : index
        %swap3A_1522 = tpu.vector_load %arg11[%swap3A_1519, %swap3A_1520, %swap3A_1521] {strides = array<i32>} : memref<2x128x128xf32, #tpu.memory_space<vmem>>, vector<16xf32>,
        tpu.vector_store %arg11[%swap3A_1519, %swap3A_1520, %swap3A_1521], %mul3A_1517 {strides = array<i32>} : memref<2x128x128xf32, #tpu.memory_space<vmem>>, vector<16xf32>,
        %get3A_1523 = arith.constant 0 : i32
        %get3A_1524 = arith.index_cast %get3A_1523 : i32 to index
        %get3A_1525 = arith.index_cast %scan3A_1505 : i32 to index
        %get3A_1526 = arith.constant 16 : index
        %get3A_1527 = tpu.vector_load %arg11[%get3A_1524, %get3A_1525, %get3A_1526] {strides = array<i32>} : memref<2x128x128xf32, #tpu.memory_space<vmem>>, vector<16xf32>,
        %mul3A_1528 = vector.broadcast %squeeze3A : f32 to vector<16xf32>
        %mul3A_1529 = arith.mulf %get3A_1527, %mul3A_1528 : vector<16xf32>
        %swap3A_1530 = arith.constant 0 : i32
        %swap3A_1531 = arith.index_cast %swap3A_1530 : i32 to index
        %swap3A_1532 = arith.index_cast %scan3A_1505 : i32 to index
        %swap3A_1533 = arith.constant 16 : index
        %swap3A_1534 = tpu.vector_load %arg11[%swap3A_1531, %swap3A_1532, %swap3A_1533] {strides = array<i32>} : memref<2x128x128xf32, #tpu.memory_space<vmem>>, vector<16xf32>,
        tpu.vector_store %arg11[%swap3A_1531, %swap3A_1532, %swap3A_1533], %mul3A_1529 {strides = array<i32>} : memref<2x128x128xf32, #tpu.memory_space<vmem>>, vector<16xf32>,
        %get3A_1535 = arith.constant 0 : i32
        %get3A_1536 = arith.index_cast %get3A_1535 : i32 to index
        %get3A_1537 = arith.index_cast %scan3A_1505 : i32 to index
        %get3A_1538 = arith.constant 32 : index
        %get3A_1539 = tpu.vector_load %arg11[%get3A_1536, %get3A_1537, %get3A_1538] {strides = array<i32>} : memref<2x128x128xf32, #tpu.memory_space<vmem>>, vector<16xf32>,
        %mul3A_1540 = vector.broadcast %squeeze3A : f32 to vector<16xf32>
        %mul3A_1541 = arith.mulf %get3A_1539, %mul3A_1540 : vector<16xf32>
        %swap3A_1542 = arith.constant 0 : i32
        %swap3A_1543 = arith.index_cast %swap3A_1542 : i32 to index
        %swap3A_1544 = arith.index_cast %scan3A_1505 : i32 to index
        %swap3A_1545 = arith.constant 32 : index
        %swap3A_1546 = tpu.vector_load %arg11[%swap3A_1543, %swap3A_1544, %swap3A_1545] {strides = array<i32>} : memref<2x128x128xf32, #tpu.memory_space<vmem>>, vector<16xf32>,
        tpu.vector_store %arg11[%swap3A_1543, %swap3A_1544, %swap3A_1545], %mul3A_1541 {strides = array<i32>} : memref<2x128x128xf32, #tpu.memory_space<vmem>>, vector<16xf32>,
        %get3A_1547 = arith.constant 0 : i32
        %get3A_1548 = arith.index_cast %get3A_1547 : i32 to index
        %get3A_1549 = arith.index_cast %scan3A_1505 : i32 to index
        %get3A_1550 = arith.constant 48 : index
        %get3A_1551 = tpu.vector_load %arg11[%get3A_1548, %get3A_1549, %get3A_1550] {strides = array<i32>} : memref<2x128x128xf32, #tpu.memory_space<vmem>>, vector<16xf32>,
        %mul3A_1552 = vector.broadcast %squeeze3A : f32 to vector<16xf32>
        %mul3A_1553 = arith.mulf %get3A_1551, %mul3A_1552 : vector<16xf32>
        %swap3A_1554 = arith.constant 0 : i32
        %swap3A_1555 = arith.index_cast %swap3A_1554 : i32 to index
        %swap3A_1556 = arith.index_cast %scan3A_1505 : i32 to index
        %swap3A_1557 = arith.constant 48 : index
        %swap3A_1558 = tpu.vector_load %arg11[%swap3A_1555, %swap3A_1556, %swap3A_1557] {strides = array<i32>} : memref<2x128x128xf32, #tpu.memory_space<vmem>>, vector<16xf32>,
        tpu.vector_store %arg11[%swap3A_1555, %swap3A_1556, %swap3A_1557], %mul3A_1553 {strides = array<i32>} : memref<2x128x128xf32, #tpu.memory_space<vmem>>, vector<16xf32>,
        %get3A_1559 = arith.constant 0 : i32
        %get3A_1560 = arith.index_cast %get3A_1559 : i32 to index
        %get3A_1561 = arith.index_cast %scan3A_1505 : i32 to index
        %get3A_1562 = arith.constant 64 : index
        %get3A_1563 = tpu.vector_load %arg11[%get3A_1560, %get3A_1561, %get3A_1562] {strides = array<i32>} : memref<2x128x128xf32, #tpu.memory_space<vmem>>, vector<16xf32>,
        %mul3A_1564 = vector.broadcast %squeeze3A : f32 to vector<16xf32>
        %mul3A_1565 = arith.mulf %get3A_1563, %mul3A_1564 : vector<16xf32>
        %swap3A_1566 = arith.constant 0 : i32
        %swap3A_1567 = arith.index_cast %swap3A_1566 : i32 to index
        %swap3A_1568 = arith.index_cast %scan3A_1505 : i32 to index
        %swap3A_1569 = arith.constant 64 : index
        %swap3A_1570 = tpu.vector_load %arg11[%swap3A_1567, %swap3A_1568, %swap3A_1569] {strides = array<i32>} : memref<2x128x128xf32, #tpu.memory_space<vmem>>, vector<16xf32>,
        tpu.vector_store %arg11[%swap3A_1567, %swap3A_1568, %swap3A_1569], %mul3A_1565 {strides = array<i32>} : memref<2x128x128xf32, #tpu.memory_space<vmem>>, vector<16xf32>,
        %get3A_1571 = arith.constant 0 : i32
        %get3A_1572 = arith.index_cast %get3A_1571 : i32 to index
        %get3A_1573 = arith.index_cast %scan3A_1505 : i32 to index
        %get3A_1574 = arith.constant 80 : index
        %get3A_1575 = tpu.vector_load %arg11[%get3A_1572, %get3A_1573, %get3A_1574] {strides = array<i32>} : memref<2x128x128xf32, #tpu.memory_space<vmem>>, vector<16xf32>,
        %mul3A_1576 = vector.broadcast %squeeze3A : f32 to vector<16xf32>
        %mul3A_1577 = arith.mulf %get3A_1575, %mul3A_1576 : vector<16xf32>
        %swap3A_1578 = arith.constant 0 : i32
        %swap3A_1579 = arith.index_cast %swap3A_1578 : i32 to index
        %swap3A_1580 = arith.index_cast %scan3A_1505 : i32 to index
        %swap3A_1581 = arith.constant 80 : index
        %swap3A_1582 = tpu.vector_load %arg11[%swap3A_1579, %swap3A_1580, %swap3A_1581] {strides = array<i32>} : memref<2x128x128xf32, #tpu.memory_space<vmem>>, vector<16xf32>,
        tpu.vector_store %arg11[%swap3A_1579, %swap3A_1580, %swap3A_1581], %mul3A_1577 {strides = array<i32>} : memref<2x128x128xf32, #tpu.memory_space<vmem>>, vector<16xf32>,
        %get3A_1583 = arith.constant 0 : i32
        %get3A_1584 = arith.index_cast %get3A_1583 : i32 to index
        %get3A_1585 = arith.index_cast %scan3A_1505 : i32 to index
        %get3A_1586 = arith.constant 96 : index
        %get3A_1587 = tpu.vector_load %arg11[%get3A_1584, %get3A_1585, %get3A_1586] {strides = array<i32>} : memref<2x128x128xf32, #tpu.memory_space<vmem>>, vector<16xf32>,
        %mul3A_1588 = vector.broadcast %squeeze3A : f32 to vector<16xf32>
        %mul3A_1589 = arith.mulf %get3A_1587, %mul3A_1588 : vector<16xf32>
        %swap3A_1590 = arith.constant 0 : i32
        %swap3A_1591 = arith.index_cast %swap3A_1590 : i32 to index
        %swap3A_1592 = arith.index_cast %scan3A_1505 : i32 to index
        %swap3A_1593 = arith.constant 96 : index
        %swap3A_1594 = tpu.vector_load %arg11[%swap3A_1591, %swap3A_1592, %swap3A_1593] {strides = array<i32>} : memref<2x128x128xf32, #tpu.memory_space<vmem>>, vector<16xf32>,
        tpu.vector_store %arg11[%swap3A_1591, %swap3A_1592, %swap3A_1593], %mul3A_1589 {strides = array<i32>} : memref<2x128x128xf32, #tpu.memory_space<vmem>>, vector<16xf32>,
        %get3A_1595 = arith.constant 0 : i32
        %get3A_1596 = arith.index_cast %get3A_1595 : i32 to index
        %get3A_1597 = arith.index_cast %scan3A_1505 : i32 to index
        %get3A_1598 = arith.constant 112 : index
        %get3A_1599 = tpu.vector_load %arg11[%get3A_1596, %get3A_1597, %get3A_1598] {strides = array<i32>} : memref<2x128x128xf32, #tpu.memory_space<vmem>>, vector<16xf32>,
        %mul3A_1600 = vector.broadcast %squeeze3A : f32 to vector<16xf32>
        %mul3A_1601 = arith.mulf %get3A_1599, %mul3A_1600 : vector<16xf32>
        %swap3A_1602 = arith.constant 0 : i32
        %swap3A_1603 = arith.index_cast %swap3A_1602 : i32 to index
        %swap3A_1604 = arith.index_cast %scan3A_1505 : i32 to index
        %swap3A_1605 = arith.constant 112 : index
        %swap3A_1606 = tpu.vector_load %arg11[%swap3A_1603, %swap3A_1604, %swap3A_1605] {strides = array<i32>} : memref<2x128x128xf32, #tpu.memory_space<vmem>>, vector<16xf32>,
        tpu.vector_store %arg11[%swap3A_1603, %swap3A_1604, %swap3A_1605], %mul3A_1601 {strides = array<i32>} : memref<2x128x128xf32, #tpu.memory_space<vmem>>, vector<16xf32>,
        %scan3A_1607 = arith.constant 0 : i32
        scf.yield %scan3A_1607 : i32
      }
      %scan3A_1200 = arith.constant 128 : i32
      %dma_start3A_1201 = arith.constant 0 : i32
      %dma_start3A_1202 = arith.constant 2 : i32
      %dma_start3A_1203 = arith.constant 0 : i32
      %dma_start3A_1204 = arith.constant 0 : i32
      %dma_start3A_1205 = arith.constant 0 : i32
      %dma_start3A_1206 = tpu.memref_slice %arg11[%dma_start3A_1201, %dma_start3A_1204, %dma_start3A_1205] : memref<2x128x128xf32, #tpu.memory_space<vmem>> -> memref<1x128x128xf32, #tpu.memory_space<vmem>>
      %dma_start3A_1207 = tpu.memref_squeeze %dma_start3A_1206 : memref<1x128x128xf32, #tpu.memory_space<vmem>> -> memref<128x128xf32, #tpu.memory_space<vmem>>
      %dma_start3A_1208 = arith.constant 0 : i32
      %dma_start3A_1209 = tpu.memref_slice %arg9[%dma_start3A_1202, %dma_start3A_1208] : memref<4x128xi32, #tpu.memory_space<vmem>> -> memref<1x128xi32, #tpu.memory_space<vmem>>
      %dma_start3A_1210 = tpu.memref_squeeze %dma_start3A_1209 : memref<1x128xi32, #tpu.memory_space<vmem>> -> memref<128xi32, #tpu.memory_space<vmem>>
      %dma_start3A_1211 = arith.constant 0 : i32
      %dma_start3A_1212 = arith.constant 0 : i32
      %dma_start3A_1213 = tpu.memref_slice %arg16[%dma_start3A_1211, %dma_start3A_1212] : memref<10240x128xf32, #tpu.memory_space<vmem_shared>> -> memref<10240x128xf32, #tpu.memory_space<vmem_shared>>
      %dma_start3A_1214 = tpu.memref_slice %arg21[%dma_start3A_1203] : memref<2x!tpu.dma_semaphore, #tpu.memory_space<semaphore_mem>> -> memref<1x!tpu.dma_semaphore, #tpu.memory_space<semaphore_mem>>
      %dma_start3A_1215 = tpu.memref_squeeze %dma_start3A_1214 : memref<1x!tpu.dma_semaphore, #tpu.memory_space<semaphore_mem>> -> memref<!tpu.dma_semaphore, #tpu.memory_space<semaphore_mem>>
      tpu.enqueue_indirect_dma source(%dma_start3A_1207 : memref<128x128xf32, #tpu.memory_space<vmem>>) target(%dma_start3A_1213 : memref<10240x128xf32, #tpu.memory_space<vmem_shared>>) offsets(%dma_start3A_1210 : memref<128xi32, #tpu.memory_space<vmem>>) semaphore(%dma_start3A_1215 : memref<!tpu.dma_semaphore, #tpu.memory_space<semaphore_mem>>) {add = true}
      %add3A_1216 = arith.constant 3 : i32
      %add3A_1217 = arith.addi %mul3A_93, %add3A_1216 : i32
      %sub3A_1218 = arith.constant 1 : i32
      %sub3A_1219 = arith.subi %select_n3A_65, %sub3A_1218 : i32
      %lt3A = arith.cmpi slt, %while3A_90, %sub3A_1219 : i32
      %convert_element_type3A_1220 = arith.extui %lt3A : i1 to i32
      %cond3A_1221 = arith.constant 0 : i32
      %cond3A_1222 = arith.cmpi ne, %convert_element_type3A_1220, %cond3A_1221 : i32
      scf.if %cond3A_1222 {
        %add3A_1505 = arith.constant 1 : i32
        %add3A_1506 = arith.addi %add3A_1217, %add3A_1505 : i32
        %mul3A_1507 = arith.constant 128 : i32
        %mul3A_1508 = arith.muli %add3A_1506, %mul3A_1507 : i32
        %add3A_1509 = arith.addi %select_n3A_8, %mul3A_1508 : i32
        %dma_start3A_1510 = arith.constant 0 : i32
        %dma_start3A_1511 = arith.constant 0 : i32
        %dma_start3A_1512 = arith.constant 0 : i32
        %dma_start3A_1513 = tpu.memref_slice %arg9[%dma_start3A_1510, %dma_start3A_1512] : memref<4x128xi32, #tpu.memory_space<vmem>> -> memref<1x128xi32, #tpu.memory_space<vmem>>
        %dma_start3A_1514 = tpu.memref_squeeze %dma_start3A_1513 : memref<1x128xi32, #tpu.memory_space<vmem>> -> memref<128xi32, #tpu.memory_space<vmem>>
        %dma_start3A_1515 = tpu.memref_slice %arg5[%add3A_1509] : memref<327680xi32, #tpu.memory_space<hbm>> -> memref<128xi32, #tpu.memory_space<hbm>>
        %dma_start3A_1516 = tpu.memref_slice %arg18[%dma_start3A_1511] : memref<2x!tpu.dma_semaphore, #tpu.memory_space<semaphore_mem>> -> memref<1x!tpu.dma_semaphore, #tpu.memory_space<semaphore_mem>>
        %dma_start3A_1517 = tpu.memref_squeeze %dma_start3A_1516 : memref<1x!tpu.dma_semaphore, #tpu.memory_space<semaphore_mem>> -> memref<!tpu.dma_semaphore, #tpu.memory_space<semaphore_mem>>
        %dma_start3A_1518 = arith.constant 0 : i32
        %dma_start3A_1519 = tpu.memref_slice %arg9[%dma_start3A_1510, %dma_start3A_1518] : memref<4x128xi32, #tpu.memory_space<vmem>> -> memref<1x128xi32, #tpu.memory_space<vmem>>
        %dma_start3A_1520 = tpu.memref_squeeze %dma_start3A_1519 : memref<1x128xi32, #tpu.memory_space<vmem>> -> memref<128xi32, #tpu.memory_space<vmem>>
        %dma_start3A_1521 = tpu.memref_slice %arg5[%add3A_1509] : memref<327680xi32, #tpu.memory_space<hbm>> -> memref<128xi32, #tpu.memory_space<hbm>>
        tpu.enqueue_dma source(%dma_start3A_1521 : memref<128xi32, #tpu.memory_space<hbm>>) target(%dma_start3A_1520 : memref<128xi32, #tpu.memory_space<vmem>>) target_semaphore(%dma_start3A_1517 : memref<!tpu.dma_semaphore, #tpu.memory_space<semaphore_mem>>)
        %dma_start3A_1522 = arith.constant 0 : i32
        %dma_start3A_1523 = arith.constant 1 : i32
        %dma_start3A_1524 = arith.constant 0 : i32
        %dma_start3A_1525 = tpu.memref_slice %arg10[%dma_start3A_1522, %dma_start3A_1524] : memref<4x128xi32, #tpu.memory_space<vmem>> -> memref<1x128xi32, #tpu.memory_space<vmem>>
        %dma_start3A_1526 = tpu.memref_squeeze %dma_start3A_1525 : memref<1x128xi32, #tpu.memory_space<vmem>> -> memref<128xi32, #tpu.memory_space<vmem>>
        %dma_start3A_1527 = tpu.memref_slice %arg6[%add3A_1509] : memref<327680xi32, #tpu.memory_space<hbm>> -> memref<128xi32, #tpu.memory_space<hbm>>
        %dma_start3A_1528 = tpu.memref_slice %arg18[%dma_start3A_1523] : memref<2x!tpu.dma_semaphore, #tpu.memory_space<semaphore_mem>> -> memref<1x!tpu.dma_semaphore, #tpu.memory_space<semaphore_mem>>
        %dma_start3A_1529 = tpu.memref_squeeze %dma_start3A_1528 : memref<1x!tpu.dma_semaphore, #tpu.memory_space<semaphore_mem>> -> memref<!tpu.dma_semaphore, #tpu.memory_space<semaphore_mem>>
        %dma_start3A_1530 = arith.constant 0 : i32
        %dma_start3A_1531 = tpu.memref_slice %arg10[%dma_start3A_1522, %dma_start3A_1530] : memref<4x128xi32, #tpu.memory_space<vmem>> -> memref<1x128xi32, #tpu.memory_space<vmem>>
        %dma_start3A_1532 = tpu.memref_squeeze %dma_start3A_1531 : memref<1x128xi32, #tpu.memory_space<vmem>> -> memref<128xi32, #tpu.memory_space<vmem>>
        %dma_start3A_1533 = tpu.memref_slice %arg6[%add3A_1509] : memref<327680xi32, #tpu.memory_space<hbm>> -> memref<128xi32, #tpu.memory_space<hbm>>
        tpu.enqueue_dma source(%dma_start3A_1533 : memref<128xi32, #tpu.memory_space<hbm>>) target(%dma_start3A_1532 : memref<128xi32, #tpu.memory_space<vmem>>) target_semaphore(%dma_start3A_1529 : memref<!tpu.dma_semaphore, #tpu.memory_space<semaphore_mem>>)
      } else {
      }
      %dma_wait3A_1223 = arith.constant 3 : i32
      %dma_wait3A_1224 = arith.constant 1 : i32
      %dma_wait3A_1225 = arith.constant 1 : i32
      %dma_wait3A_1226 = arith.constant 0 : i32
      %dma_wait3A_1227 = tpu.memref_slice %arg12[%dma_wait3A_1224, %dma_wait3A_1226] : memref<2x128xf32, #tpu.memory_space<vmem>> -> memref<1x128xf32, #tpu.memory_space<vmem>>
      %dma_wait3A_1228 = tpu.memref_squeeze %dma_wait3A_1227 : memref<1x128xf32, #tpu.memory_space<vmem>> -> memref<128xf32, #tpu.memory_space<vmem>>
      %dma_wait3A_1229 = arith.constant 0 : i32
      %dma_wait3A_1230 = tpu.memref_slice %arg9[%dma_wait3A_1223, %dma_wait3A_1229] : memref<4x128xi32, #tpu.memory_space<vmem>> -> memref<1x128xi32, #tpu.memory_space<vmem>>
      %dma_wait3A_1231 = tpu.memref_squeeze %dma_wait3A_1230 : memref<1x128xi32, #tpu.memory_space<vmem>> -> memref<128xi32, #tpu.memory_space<vmem>>
      %dma_wait3A_1232 = arith.constant 0 : i32
      %dma_wait3A_1233 = tpu.memref_slice %arg3[%dma_wait3A_1232] : memref<10240xf32, #tpu.memory_space<hbm>> -> memref<10240xf32, #tpu.memory_space<hbm>>
      %dma_wait3A_1234 = tpu.memref_slice %arg19[%dma_wait3A_1225] : memref<2x!tpu.dma_semaphore, #tpu.memory_space<semaphore_mem>> -> memref<1x!tpu.dma_semaphore, #tpu.memory_space<semaphore_mem>>
      %dma_wait3A_1235 = tpu.memref_squeeze %dma_wait3A_1234 : memref<1x!tpu.dma_semaphore, #tpu.memory_space<semaphore_mem>> -> memref<!tpu.dma_semaphore, #tpu.memory_space<semaphore_mem>>
      tpu.wait_indirect_dma semaphore(%dma_wait3A_1235 : memref<!tpu.dma_semaphore, #tpu.memory_space<semaphore_mem>>) src(%dma_wait3A_1233 : memref<10240xf32, #tpu.memory_space<hbm>>) dst(%dma_wait3A_1228 : memref<128xf32, #tpu.memory_space<vmem>>)
      %dma_wait3A_1236 = arith.constant 3 : i32
      %dma_wait3A_1237 = arith.constant 1 : i32
      %dma_wait3A_1238 = arith.constant 1 : i32
      %dma_wait3A_1239 = arith.constant 0 : i32
      %dma_wait3A_1240 = tpu.memref_slice %arg13[%dma_wait3A_1237, %dma_wait3A_1239] : memref<2x128xf32, #tpu.memory_space<vmem>> -> memref<1x128xf32, #tpu.memory_space<vmem>>
      %dma_wait3A_1241 = tpu.memref_squeeze %dma_wait3A_1240 : memref<1x128xf32, #tpu.memory_space<vmem>> -> memref<128xf32, #tpu.memory_space<vmem>>
      %dma_wait3A_1242 = arith.constant 0 : i32
      %dma_wait3A_1243 = tpu.memref_slice %arg10[%dma_wait3A_1236, %dma_wait3A_1242] : memref<4x128xi32, #tpu.memory_space<vmem>> -> memref<1x128xi32, #tpu.memory_space<vmem>>
      %dma_wait3A_1244 = tpu.memref_squeeze %dma_wait3A_1243 : memref<1x128xi32, #tpu.memory_space<vmem>> -> memref<128xi32, #tpu.memory_space<vmem>>
      %dma_wait3A_1245 = arith.constant 0 : i32
      %dma_wait3A_1246 = tpu.memref_slice %arg4[%dma_wait3A_1245] : memref<10240xf32, #tpu.memory_space<hbm>> -> memref<10240xf32, #tpu.memory_space<hbm>>
      %dma_wait3A_1247 = tpu.memref_slice %arg20[%dma_wait3A_1238] : memref<2x!tpu.dma_semaphore, #tpu.memory_space<semaphore_mem>> -> memref<1x!tpu.dma_semaphore, #tpu.memory_space<semaphore_mem>>
      %dma_wait3A_1248 = tpu.memref_squeeze %dma_wait3A_1247 : memref<1x!tpu.dma_semaphore, #tpu.memory_space<semaphore_mem>> -> memref<!tpu.dma_semaphore, #tpu.memory_space<semaphore_mem>>
      tpu.wait_indirect_dma semaphore(%dma_wait3A_1248 : memref<!tpu.dma_semaphore, #tpu.memory_space<semaphore_mem>>) src(%dma_wait3A_1246 : memref<10240xf32, #tpu.memory_space<hbm>>) dst(%dma_wait3A_1241 : memref<128xf32, #tpu.memory_space<vmem>>)
      %get3A_1249 = arith.constant 1 : i32
      %get3A_1250 = arith.index_cast %get3A_1249 : i32 to index
      %get3A_1251 = arith.constant 0 : index
      %get3A_1252 = tpu.vector_load %arg12[%get3A_1250, %get3A_1251] {strides = array<i32>} : memref<2x128xf32, #tpu.memory_space<vmem>>, vector<16xf32>,
      %get3A_1253 = arith.constant 1 : i32
      %get3A_1254 = arith.index_cast %get3A_1253 : i32 to index
      %get3A_1255 = arith.constant 0 : index
      %get3A_1256 = tpu.vector_load %arg13[%get3A_1254, %get3A_1255] {strides = array<i32>} : memref<2x128xf32, #tpu.memory_space<vmem>>, vector<16xf32>,
      %add3A_1257 = arith.addf %get3A_1252, %get3A_1256 : vector<16xf32>
      %gt3A_1258 = arith.constant 0.000000e+00 : f32
      %gt3A_1259 = vector.broadcast %gt3A_1258 : f32 to vector<16xf32>
      %gt3A_1260 = arith.cmpf ogt, %add3A_1257, %gt3A_1259 : vector<16xf32>
      %mul3A_1261 = arith.constant 2.000000e-01 : f32
      %mul3A_1262 = vector.broadcast %mul3A_1261 : f32 to vector<16xf32>
      %mul3A_1263 = arith.mulf %mul3A_1262, %add3A_1257 : vector<16xf32>
      %select_n3A_1264 = arith.select %gt3A_1260, %add3A_1257, %mul3A_1263 : vector<16xi1>, vector<16xf32>
      %exp3A_1265 = math.exp %select_n3A_1264 : vector<16xf32>
      %swap3A_1266 = arith.constant 1 : i32
      %swap3A_1267 = arith.index_cast %swap3A_1266 : i32 to index
      %swap3A_1268 = arith.constant 0 : index
      %swap3A_1269 = tpu.vector_load %arg14[%swap3A_1267, %swap3A_1268] {strides = array<i32>} : memref<2x144xf32, #tpu.memory_space<vmem>>, vector<16xf32>,
      tpu.vector_store %arg14[%swap3A_1267, %swap3A_1268], %exp3A_1265 {strides = array<i32>} : memref<2x144xf32, #tpu.memory_space<vmem>>, vector<16xf32>,
      %get3A_1270 = arith.constant 3 : i32
      %get3A_1271 = arith.index_cast %get3A_1270 : i32 to index
      %get3A_1272 = arith.constant 0 : index
      %get3A_1273 = tpu.vector_load %arg9[%get3A_1271, %get3A_1272] {strides = array<i32>} : memref<4x128xi32, #tpu.memory_space<vmem>>, vector<16xi32>,
      tpu.vector_store_idx %arg15[%get3A_1273], %exp3A_1265 {add = true} : memref<10240xf32, #tpu.memory_space<vmem>>[vector<16xi32>], vector<16xf32>,
      %get3A_1274 = arith.constant 1 : i32
      %get3A_1275 = arith.index_cast %get3A_1274 : i32 to index
      %get3A_1276 = arith.constant 16 : index
      %get3A_1277 = tpu.vector_load %arg12[%get3A_1275, %get3A_1276] {strides = array<i32>} : memref<2x128xf32, #tpu.memory_space<vmem>>, vector<16xf32>,
      %get3A_1278 = arith.constant 1 : i32
      %get3A_1279 = arith.index_cast %get3A_1278 : i32 to index
      %get3A_1280 = arith.constant 16 : index
      %get3A_1281 = tpu.vector_load %arg13[%get3A_1279, %get3A_1280] {strides = array<i32>} : memref<2x128xf32, #tpu.memory_space<vmem>>, vector<16xf32>,
      %add3A_1282 = arith.addf %get3A_1277, %get3A_1281 : vector<16xf32>
      %gt3A_1283 = arith.constant 0.000000e+00 : f32
      %gt3A_1284 = vector.broadcast %gt3A_1283 : f32 to vector<16xf32>
      %gt3A_1285 = arith.cmpf ogt, %add3A_1282, %gt3A_1284 : vector<16xf32>
      %mul3A_1286 = arith.constant 2.000000e-01 : f32
      %mul3A_1287 = vector.broadcast %mul3A_1286 : f32 to vector<16xf32>
      %mul3A_1288 = arith.mulf %mul3A_1287, %add3A_1282 : vector<16xf32>
      %select_n3A_1289 = arith.select %gt3A_1285, %add3A_1282, %mul3A_1288 : vector<16xi1>, vector<16xf32>
      %exp3A_1290 = math.exp %select_n3A_1289 : vector<16xf32>
      %swap3A_1291 = arith.constant 1 : i32
      %swap3A_1292 = arith.index_cast %swap3A_1291 : i32 to index
      %swap3A_1293 = arith.constant 16 : index
      %swap3A_1294 = tpu.vector_load %arg14[%swap3A_1292, %swap3A_1293] {strides = array<i32>} : memref<2x144xf32, #tpu.memory_space<vmem>>, vector<16xf32>,
      tpu.vector_store %arg14[%swap3A_1292, %swap3A_1293], %exp3A_1290 {strides = array<i32>} : memref<2x144xf32, #tpu.memory_space<vmem>>, vector<16xf32>,
      %get3A_1295 = arith.constant 3 : i32
      %get3A_1296 = arith.index_cast %get3A_1295 : i32 to index
      %get3A_1297 = arith.constant 16 : index
      %get3A_1298 = tpu.vector_load %arg9[%get3A_1296, %get3A_1297] {strides = array<i32>} : memref<4x128xi32, #tpu.memory_space<vmem>>, vector<16xi32>,
      tpu.vector_store_idx %arg15[%get3A_1298], %exp3A_1290 {add = true} : memref<10240xf32, #tpu.memory_space<vmem>>[vector<16xi32>], vector<16xf32>,
      %get3A_1299 = arith.constant 1 : i32
      %get3A_1300 = arith.index_cast %get3A_1299 : i32 to index
      %get3A_1301 = arith.constant 32 : index
      %get3A_1302 = tpu.vector_load %arg12[%get3A_1300, %get3A_1301] {strides = array<i32>} : memref<2x128xf32, #tpu.memory_space<vmem>>, vector<16xf32>,
      %get3A_1303 = arith.constant 1 : i32
      %get3A_1304 = arith.index_cast %get3A_1303 : i32 to index
      %get3A_1305 = arith.constant 32 : index
      %get3A_1306 = tpu.vector_load %arg13[%get3A_1304, %get3A_1305] {strides = array<i32>} : memref<2x128xf32, #tpu.memory_space<vmem>>, vector<16xf32>,
      %add3A_1307 = arith.addf %get3A_1302, %get3A_1306 : vector<16xf32>
      %gt3A_1308 = arith.constant 0.000000e+00 : f32
      %gt3A_1309 = vector.broadcast %gt3A_1308 : f32 to vector<16xf32>
      %gt3A_1310 = arith.cmpf ogt, %add3A_1307, %gt3A_1309 : vector<16xf32>
      %mul3A_1311 = arith.constant 2.000000e-01 : f32
      %mul3A_1312 = vector.broadcast %mul3A_1311 : f32 to vector<16xf32>
      %mul3A_1313 = arith.mulf %mul3A_1312, %add3A_1307 : vector<16xf32>
      %select_n3A_1314 = arith.select %gt3A_1310, %add3A_1307, %mul3A_1313 : vector<16xi1>, vector<16xf32>
      %exp3A_1315 = math.exp %select_n3A_1314 : vector<16xf32>
      %swap3A_1316 = arith.constant 1 : i32
      %swap3A_1317 = arith.index_cast %swap3A_1316 : i32 to index
      %swap3A_1318 = arith.constant 32 : index
      %swap3A_1319 = tpu.vector_load %arg14[%swap3A_1317, %swap3A_1318] {strides = array<i32>} : memref<2x144xf32, #tpu.memory_space<vmem>>, vector<16xf32>,
      tpu.vector_store %arg14[%swap3A_1317, %swap3A_1318], %exp3A_1315 {strides = array<i32>} : memref<2x144xf32, #tpu.memory_space<vmem>>, vector<16xf32>,
      %get3A_1320 = arith.constant 3 : i32
      %get3A_1321 = arith.index_cast %get3A_1320 : i32 to index
      %get3A_1322 = arith.constant 32 : index
      %get3A_1323 = tpu.vector_load %arg9[%get3A_1321, %get3A_1322] {strides = array<i32>} : memref<4x128xi32, #tpu.memory_space<vmem>>, vector<16xi32>,
      tpu.vector_store_idx %arg15[%get3A_1323], %exp3A_1315 {add = true} : memref<10240xf32, #tpu.memory_space<vmem>>[vector<16xi32>], vector<16xf32>,
      %get3A_1324 = arith.constant 1 : i32
      %get3A_1325 = arith.index_cast %get3A_1324 : i32 to index
      %get3A_1326 = arith.constant 48 : index
      %get3A_1327 = tpu.vector_load %arg12[%get3A_1325, %get3A_1326] {strides = array<i32>} : memref<2x128xf32, #tpu.memory_space<vmem>>, vector<16xf32>,
      %get3A_1328 = arith.constant 1 : i32
      %get3A_1329 = arith.index_cast %get3A_1328 : i32 to index
      %get3A_1330 = arith.constant 48 : index
      %get3A_1331 = tpu.vector_load %arg13[%get3A_1329, %get3A_1330] {strides = array<i32>} : memref<2x128xf32, #tpu.memory_space<vmem>>, vector<16xf32>,
      %add3A_1332 = arith.addf %get3A_1327, %get3A_1331 : vector<16xf32>
      %gt3A_1333 = arith.constant 0.000000e+00 : f32
      %gt3A_1334 = vector.broadcast %gt3A_1333 : f32 to vector<16xf32>
      %gt3A_1335 = arith.cmpf ogt, %add3A_1332, %gt3A_1334 : vector<16xf32>
      %mul3A_1336 = arith.constant 2.000000e-01 : f32
      %mul3A_1337 = vector.broadcast %mul3A_1336 : f32 to vector<16xf32>
      %mul3A_1338 = arith.mulf %mul3A_1337, %add3A_1332 : vector<16xf32>
      %select_n3A_1339 = arith.select %gt3A_1335, %add3A_1332, %mul3A_1338 : vector<16xi1>, vector<16xf32>
      %exp3A_1340 = math.exp %select_n3A_1339 : vector<16xf32>
      %swap3A_1341 = arith.constant 1 : i32
      %swap3A_1342 = arith.index_cast %swap3A_1341 : i32 to index
      %swap3A_1343 = arith.constant 48 : index
      %swap3A_1344 = tpu.vector_load %arg14[%swap3A_1342, %swap3A_1343] {strides = array<i32>} : memref<2x144xf32, #tpu.memory_space<vmem>>, vector<16xf32>,
      tpu.vector_store %arg14[%swap3A_1342, %swap3A_1343], %exp3A_1340 {strides = array<i32>} : memref<2x144xf32, #tpu.memory_space<vmem>>, vector<16xf32>,
      %get3A_1345 = arith.constant 3 : i32
      %get3A_1346 = arith.index_cast %get3A_1345 : i32 to index
      %get3A_1347 = arith.constant 48 : index
      %get3A_1348 = tpu.vector_load %arg9[%get3A_1346, %get3A_1347] {strides = array<i32>} : memref<4x128xi32, #tpu.memory_space<vmem>>, vector<16xi32>,
      tpu.vector_store_idx %arg15[%get3A_1348], %exp3A_1340 {add = true} : memref<10240xf32, #tpu.memory_space<vmem>>[vector<16xi32>], vector<16xf32>,
      %get3A_1349 = arith.constant 1 : i32
      %get3A_1350 = arith.index_cast %get3A_1349 : i32 to index
      %get3A_1351 = arith.constant 64 : index
      %get3A_1352 = tpu.vector_load %arg12[%get3A_1350, %get3A_1351] {strides = array<i32>} : memref<2x128xf32, #tpu.memory_space<vmem>>, vector<16xf32>,
      %get3A_1353 = arith.constant 1 : i32
      %get3A_1354 = arith.index_cast %get3A_1353 : i32 to index
      %get3A_1355 = arith.constant 64 : index
      %get3A_1356 = tpu.vector_load %arg13[%get3A_1354, %get3A_1355] {strides = array<i32>} : memref<2x128xf32, #tpu.memory_space<vmem>>, vector<16xf32>,
      %add3A_1357 = arith.addf %get3A_1352, %get3A_1356 : vector<16xf32>
      %gt3A_1358 = arith.constant 0.000000e+00 : f32
      %gt3A_1359 = vector.broadcast %gt3A_1358 : f32 to vector<16xf32>
      %gt3A_1360 = arith.cmpf ogt, %add3A_1357, %gt3A_1359 : vector<16xf32>
      %mul3A_1361 = arith.constant 2.000000e-01 : f32
      %mul3A_1362 = vector.broadcast %mul3A_1361 : f32 to vector<16xf32>
      %mul3A_1363 = arith.mulf %mul3A_1362, %add3A_1357 : vector<16xf32>
      %select_n3A_1364 = arith.select %gt3A_1360, %add3A_1357, %mul3A_1363 : vector<16xi1>, vector<16xf32>
      %exp3A_1365 = math.exp %select_n3A_1364 : vector<16xf32>
      %swap3A_1366 = arith.constant 1 : i32
      %swap3A_1367 = arith.index_cast %swap3A_1366 : i32 to index
      %swap3A_1368 = arith.constant 64 : index
      %swap3A_1369 = tpu.vector_load %arg14[%swap3A_1367, %swap3A_1368] {strides = array<i32>} : memref<2x144xf32, #tpu.memory_space<vmem>>, vector<16xf32>,
      tpu.vector_store %arg14[%swap3A_1367, %swap3A_1368], %exp3A_1365 {strides = array<i32>} : memref<2x144xf32, #tpu.memory_space<vmem>>, vector<16xf32>,
      %get3A_1370 = arith.constant 3 : i32
      %get3A_1371 = arith.index_cast %get3A_1370 : i32 to index
      %get3A_1372 = arith.constant 64 : index
      %get3A_1373 = tpu.vector_load %arg9[%get3A_1371, %get3A_1372] {strides = array<i32>} : memref<4x128xi32, #tpu.memory_space<vmem>>, vector<16xi32>,
      tpu.vector_store_idx %arg15[%get3A_1373], %exp3A_1365 {add = true} : memref<10240xf32, #tpu.memory_space<vmem>>[vector<16xi32>], vector<16xf32>,
      %get3A_1374 = arith.constant 1 : i32
      %get3A_1375 = arith.index_cast %get3A_1374 : i32 to index
      %get3A_1376 = arith.constant 80 : index
      %get3A_1377 = tpu.vector_load %arg12[%get3A_1375, %get3A_1376] {strides = array<i32>} : memref<2x128xf32, #tpu.memory_space<vmem>>, vector<16xf32>,
      %get3A_1378 = arith.constant 1 : i32
      %get3A_1379 = arith.index_cast %get3A_1378 : i32 to index
      %get3A_1380 = arith.constant 80 : index
      %get3A_1381 = tpu.vector_load %arg13[%get3A_1379, %get3A_1380] {strides = array<i32>} : memref<2x128xf32, #tpu.memory_space<vmem>>, vector<16xf32>,
      %add3A_1382 = arith.addf %get3A_1377, %get3A_1381 : vector<16xf32>
      %gt3A_1383 = arith.constant 0.000000e+00 : f32
      %gt3A_1384 = vector.broadcast %gt3A_1383 : f32 to vector<16xf32>
      %gt3A_1385 = arith.cmpf ogt, %add3A_1382, %gt3A_1384 : vector<16xf32>
      %mul3A_1386 = arith.constant 2.000000e-01 : f32
      %mul3A_1387 = vector.broadcast %mul3A_1386 : f32 to vector<16xf32>
      %mul3A_1388 = arith.mulf %mul3A_1387, %add3A_1382 : vector<16xf32>
      %select_n3A_1389 = arith.select %gt3A_1385, %add3A_1382, %mul3A_1388 : vector<16xi1>, vector<16xf32>
      %exp3A_1390 = math.exp %select_n3A_1389 : vector<16xf32>
      %swap3A_1391 = arith.constant 1 : i32
      %swap3A_1392 = arith.index_cast %swap3A_1391 : i32 to index
      %swap3A_1393 = arith.constant 80 : index
      %swap3A_1394 = tpu.vector_load %arg14[%swap3A_1392, %swap3A_1393] {strides = array<i32>} : memref<2x144xf32, #tpu.memory_space<vmem>>, vector<16xf32>,
      tpu.vector_store %arg14[%swap3A_1392, %swap3A_1393], %exp3A_1390 {strides = array<i32>} : memref<2x144xf32, #tpu.memory_space<vmem>>, vector<16xf32>,
      %get3A_1395 = arith.constant 3 : i32
      %get3A_1396 = arith.index_cast %get3A_1395 : i32 to index
      %get3A_1397 = arith.constant 80 : index
      %get3A_1398 = tpu.vector_load %arg9[%get3A_1396, %get3A_1397] {strides = array<i32>} : memref<4x128xi32, #tpu.memory_space<vmem>>, vector<16xi32>,
      tpu.vector_store_idx %arg15[%get3A_1398], %exp3A_1390 {add = true} : memref<10240xf32, #tpu.memory_space<vmem>>[vector<16xi32>], vector<16xf32>,
      %get3A_1399 = arith.constant 1 : i32
      %get3A_1400 = arith.index_cast %get3A_1399 : i32 to index
      %get3A_1401 = arith.constant 96 : index
      %get3A_1402 = tpu.vector_load %arg12[%get3A_1400, %get3A_1401] {strides = array<i32>} : memref<2x128xf32, #tpu.memory_space<vmem>>, vector<16xf32>,
      %get3A_1403 = arith.constant 1 : i32
      %get3A_1404 = arith.index_cast %get3A_1403 : i32 to index
      %get3A_1405 = arith.constant 96 : index
      %get3A_1406 = tpu.vector_load %arg13[%get3A_1404, %get3A_1405] {strides = array<i32>} : memref<2x128xf32, #tpu.memory_space<vmem>>, vector<16xf32>,
      %add3A_1407 = arith.addf %get3A_1402, %get3A_1406 : vector<16xf32>
      %gt3A_1408 = arith.constant 0.000000e+00 : f32
      %gt3A_1409 = vector.broadcast %gt3A_1408 : f32 to vector<16xf32>
      %gt3A_1410 = arith.cmpf ogt, %add3A_1407, %gt3A_1409 : vector<16xf32>
      %mul3A_1411 = arith.constant 2.000000e-01 : f32
      %mul3A_1412 = vector.broadcast %mul3A_1411 : f32 to vector<16xf32>
      %mul3A_1413 = arith.mulf %mul3A_1412, %add3A_1407 : vector<16xf32>
      %select_n3A_1414 = arith.select %gt3A_1410, %add3A_1407, %mul3A_1413 : vector<16xi1>, vector<16xf32>
      %exp3A_1415 = math.exp %select_n3A_1414 : vector<16xf32>
      %swap3A_1416 = arith.constant 1 : i32
      %swap3A_1417 = arith.index_cast %swap3A_1416 : i32 to index
      %swap3A_1418 = arith.constant 96 : index
      %swap3A_1419 = tpu.vector_load %arg14[%swap3A_1417, %swap3A_1418] {strides = array<i32>} : memref<2x144xf32, #tpu.memory_space<vmem>>, vector<16xf32>,
      tpu.vector_store %arg14[%swap3A_1417, %swap3A_1418], %exp3A_1415 {strides = array<i32>} : memref<2x144xf32, #tpu.memory_space<vmem>>, vector<16xf32>,
      %get3A_1420 = arith.constant 3 : i32
      %get3A_1421 = arith.index_cast %get3A_1420 : i32 to index
      %get3A_1422 = arith.constant 96 : index
      %get3A_1423 = tpu.vector_load %arg9[%get3A_1421, %get3A_1422] {strides = array<i32>} : memref<4x128xi32, #tpu.memory_space<vmem>>, vector<16xi32>,
      tpu.vector_store_idx %arg15[%get3A_1423], %exp3A_1415 {add = true} : memref<10240xf32, #tpu.memory_space<vmem>>[vector<16xi32>], vector<16xf32>,
      %get3A_1424 = arith.constant 1 : i32
      %get3A_1425 = arith.index_cast %get3A_1424 : i32 to index
      %get3A_1426 = arith.constant 112 : index
      %get3A_1427 = tpu.vector_load %arg12[%get3A_1425, %get3A_1426] {strides = array<i32>} : memref<2x128xf32, #tpu.memory_space<vmem>>, vector<16xf32>,
      %get3A_1428 = arith.constant 1 : i32
      %get3A_1429 = arith.index_cast %get3A_1428 : i32 to index
      %get3A_1430 = arith.constant 112 : index
      %get3A_1431 = tpu.vector_load %arg13[%get3A_1429, %get3A_1430] {strides = array<i32>} : memref<2x128xf32, #tpu.memory_space<vmem>>, vector<16xf32>,
      %add3A_1432 = arith.addf %get3A_1427, %get3A_1431 : vector<16xf32>
      %gt3A_1433 = arith.constant 0.000000e+00 : f32
      %gt3A_1434 = vector.broadcast %gt3A_1433 : f32 to vector<16xf32>
      %gt3A_1435 = arith.cmpf ogt, %add3A_1432, %gt3A_1434 : vector<16xf32>
      %mul3A_1436 = arith.constant 2.000000e-01 : f32
      %mul3A_1437 = vector.broadcast %mul3A_1436 : f32 to vector<16xf32>
      %mul3A_1438 = arith.mulf %mul3A_1437, %add3A_1432 : vector<16xf32>
      %select_n3A_1439 = arith.select %gt3A_1435, %add3A_1432, %mul3A_1438 : vector<16xi1>, vector<16xf32>
      %exp3A_1440 = math.exp %select_n3A_1439 : vector<16xf32>
      %swap3A_1441 = arith.constant 1 : i32
      %swap3A_1442 = arith.index_cast %swap3A_1441 : i32 to index
      %swap3A_1443 = arith.constant 112 : index
      %swap3A_1444 = tpu.vector_load %arg14[%swap3A_1442, %swap3A_1443] {strides = array<i32>} : memref<2x144xf32, #tpu.memory_space<vmem>>, vector<16xf32>,
      tpu.vector_store %arg14[%swap3A_1442, %swap3A_1443], %exp3A_1440 {strides = array<i32>} : memref<2x144xf32, #tpu.memory_space<vmem>>, vector<16xf32>,
      %get3A_1445 = arith.constant 3 : i32
      %get3A_1446 = arith.index_cast %get3A_1445 : i32 to index
      %get3A_1447 = arith.constant 112 : index
      %get3A_1448 = tpu.vector_load %arg9[%get3A_1446, %get3A_1447] {strides = array<i32>} : memref<4x128xi32, #tpu.memory_space<vmem>>, vector<16xi32>,
      tpu.vector_store_idx %arg15[%get3A_1448], %exp3A_1440 {add = true} : memref<10240xf32, #tpu.memory_space<vmem>>[vector<16xi32>], vector<16xf32>,
      %dma_wait3A_1449 = arith.constant 0 : i32
      %dma_wait3A_1450 = arith.constant 2 : i32
      %dma_wait3A_1451 = arith.constant 0 : i32
      %dma_wait3A_1452 = arith.constant 0 : i32
      %dma_wait3A_1453 = arith.constant 0 : i32
      %dma_wait3A_1454 = tpu.memref_slice %arg11[%dma_wait3A_1449, %dma_wait3A_1452, %dma_wait3A_1453] : memref<2x128x128xf32, #tpu.memory_space<vmem>> -> memref<1x128x128xf32, #tpu.memory_space<vmem>>
      %dma_wait3A_1455 = tpu.memref_squeeze %dma_wait3A_1454 : memref<1x128x128xf32, #tpu.memory_space<vmem>> -> memref<128x128xf32, #tpu.memory_space<vmem>>
      %dma_wait3A_1456 = arith.constant 0 : i32
      %dma_wait3A_1457 = tpu.memref_slice %arg9[%dma_wait3A_1450, %dma_wait3A_1456] : memref<4x128xi32, #tpu.memory_space<vmem>> -> memref<1x128xi32, #tpu.memory_space<vmem>>
      %dma_wait3A_1458 = tpu.memref_squeeze %dma_wait3A_1457 : memref<1x128xi32, #tpu.memory_space<vmem>> -> memref<128xi32, #tpu.memory_space<vmem>>
      %dma_wait3A_1459 = arith.constant 0 : i32
      %dma_wait3A_1460 = arith.constant 0 : i32
      %dma_wait3A_1461 = tpu.memref_slice %arg16[%dma_wait3A_1459, %dma_wait3A_1460] : memref<10240x128xf32, #tpu.memory_space<vmem_shared>> -> memref<10240x128xf32, #tpu.memory_space<vmem_shared>>
      %dma_wait3A_1462 = tpu.memref_slice %arg21[%dma_wait3A_1451] : memref<2x!tpu.dma_semaphore, #tpu.memory_space<semaphore_mem>> -> memref<1x!tpu.dma_semaphore, #tpu.memory_space<semaphore_mem>>
      %dma_wait3A_1463 = tpu.memref_squeeze %dma_wait3A_1462 : memref<1x!tpu.dma_semaphore, #tpu.memory_space<semaphore_mem>> -> memref<!tpu.dma_semaphore, #tpu.memory_space<semaphore_mem>>
      tpu.wait_indirect_dma semaphore(%dma_wait3A_1463 : memref<!tpu.dma_semaphore, #tpu.memory_space<semaphore_mem>>) src(%dma_wait3A_1455 : memref<128x128xf32, #tpu.memory_space<vmem>>) dst(%dma_wait3A_1461 : memref<10240x128xf32, #tpu.memory_space<vmem_shared>>)
      %convert_element_type3A_1464 = arith.extui %lt3A : i1 to i32
      %cond3A_1465 = arith.constant 0 : i32
      %cond3A_1466 = arith.cmpi ne, %convert_element_type3A_1464, %cond3A_1465 : i32
      scf.if %cond3A_1466 {
        %add3A_1505 = arith.constant 1 : i32
        %add3A_1506 = arith.addi %add3A_1217, %add3A_1505 : i32
        %mul3A_1507 = arith.constant 128 : i32
        %mul3A_1508 = arith.muli %add3A_1506, %mul3A_1507 : i32
        %add3A_1509 = arith.addi %select_n3A_8, %mul3A_1508 : i32
        %dma_wait3A_1510 = arith.constant 0 : i32
        %dma_wait3A_1511 = arith.constant 0 : i32
        %dma_wait3A_1512 = arith.constant 0 : i32
        %dma_wait3A_1513 = tpu.memref_slice %arg9[%dma_wait3A_1510, %dma_wait3A_1512] : memref<4x128xi32, #tpu.memory_space<vmem>> -> memref<1x128xi32, #tpu.memory_space<vmem>>
        %dma_wait3A_1514 = tpu.memref_squeeze %dma_wait3A_1513 : memref<1x128xi32, #tpu.memory_space<vmem>> -> memref<128xi32, #tpu.memory_space<vmem>>
        %dma_wait3A_1515 = tpu.memref_slice %arg5[%add3A_1509] : memref<327680xi32, #tpu.memory_space<hbm>> -> memref<128xi32, #tpu.memory_space<hbm>>
        %dma_wait3A_1516 = tpu.memref_slice %arg18[%dma_wait3A_1511] : memref<2x!tpu.dma_semaphore, #tpu.memory_space<semaphore_mem>> -> memref<1x!tpu.dma_semaphore, #tpu.memory_space<semaphore_mem>>
        %dma_wait3A_1517 = tpu.memref_squeeze %dma_wait3A_1516 : memref<1x!tpu.dma_semaphore, #tpu.memory_space<semaphore_mem>> -> memref<!tpu.dma_semaphore, #tpu.memory_space<semaphore_mem>>
        %dma_wait3A_1518 = arith.constant 0 : i32
        %dma_wait3A_1519 = tpu.memref_slice %arg9[%dma_wait3A_1510, %dma_wait3A_1518] : memref<4x128xi32, #tpu.memory_space<vmem>> -> memref<1x128xi32, #tpu.memory_space<vmem>>
        %dma_wait3A_1520 = tpu.memref_squeeze %dma_wait3A_1519 : memref<1x128xi32, #tpu.memory_space<vmem>> -> memref<128xi32, #tpu.memory_space<vmem>>
        %dma_wait3A_1521 = tpu.memref_slice %arg5[%add3A_1509] : memref<327680xi32, #tpu.memory_space<hbm>> -> memref<128xi32, #tpu.memory_space<hbm>>
        tpu.wait_dma2 semaphore(%dma_wait3A_1517 : memref<!tpu.dma_semaphore, #tpu.memory_space<semaphore_mem>>) src(%dma_wait3A_1521 : memref<128xi32, #tpu.memory_space<hbm>>) dst(%dma_wait3A_1520 : memref<128xi32, #tpu.memory_space<vmem>>)
        %dma_wait3A_1522 = arith.constant 0 : i32
        %dma_wait3A_1523 = arith.constant 1 : i32
        %dma_wait3A_1524 = arith.constant 0 : i32
        %dma_wait3A_1525 = tpu.memref_slice %arg10[%dma_wait3A_1522, %dma_wait3A_1524] : memref<4x128xi32, #tpu.memory_space<vmem>> -> memref<1x128xi32, #tpu.memory_space<vmem>>
        %dma_wait3A_1526 = tpu.memref_squeeze %dma_wait3A_1525 : memref<1x128xi32, #tpu.memory_space<vmem>> -> memref<128xi32, #tpu.memory_space<vmem>>
        %dma_wait3A_1527 = tpu.memref_slice %arg6[%add3A_1509] : memref<327680xi32, #tpu.memory_space<hbm>> -> memref<128xi32, #tpu.memory_space<hbm>>
        %dma_wait3A_1528 = tpu.memref_slice %arg18[%dma_wait3A_1523] : memref<2x!tpu.dma_semaphore, #tpu.memory_space<semaphore_mem>> -> memref<1x!tpu.dma_semaphore, #tpu.memory_space<semaphore_mem>>
        %dma_wait3A_1529 = tpu.memref_squeeze %dma_wait3A_1528 : memref<1x!tpu.dma_semaphore, #tpu.memory_space<semaphore_mem>> -> memref<!tpu.dma_semaphore, #tpu.memory_space<semaphore_mem>>
        %dma_wait3A_1530 = arith.constant 0 : i32
        %dma_wait3A_1531 = tpu.memref_slice %arg10[%dma_wait3A_1522, %dma_wait3A_1530] : memref<4x128xi32, #tpu.memory_space<vmem>> -> memref<1x128xi32, #tpu.memory_space<vmem>>
        %dma_wait3A_1532 = tpu.memref_squeeze %dma_wait3A_1531 : memref<1x128xi32, #tpu.memory_space<vmem>> -> memref<128xi32, #tpu.memory_space<vmem>>
        %dma_wait3A_1533 = tpu.memref_slice %arg6[%add3A_1509] : memref<327680xi32, #tpu.memory_space<hbm>> -> memref<128xi32, #tpu.memory_space<hbm>>
        tpu.wait_dma2 semaphore(%dma_wait3A_1529 : memref<!tpu.dma_semaphore, #tpu.memory_space<semaphore_mem>>) src(%dma_wait3A_1533 : memref<128xi32, #tpu.memory_space<hbm>>) dst(%dma_wait3A_1532 : memref<128xi32, #tpu.memory_space<vmem>>)
        %dma_start3A_1534 = arith.constant 0 : i32
        %dma_start3A_1535 = arith.constant 0 : i32
        %dma_start3A_1536 = arith.constant 0 : i32
        %dma_start3A_1537 = arith.constant 0 : i32
        %dma_start3A_1538 = arith.constant 0 : i32
        %dma_start3A_1539 = tpu.memref_slice %arg11[%dma_start3A_1535, %dma_start3A_1537, %dma_start3A_1538] : memref<2x128x128xf32, #tpu.memory_space<vmem>> -> memref<1x128x128xf32, #tpu.memory_space<vmem>>
        %dma_start3A_1540 = tpu.memref_squeeze %dma_start3A_1539 : memref<1x128x128xf32, #tpu.memory_space<vmem>> -> memref<128x128xf32, #tpu.memory_space<vmem>>
        %dma_start3A_1541 = arith.constant 0 : i32
        %dma_start3A_1542 = tpu.memref_slice %arg10[%dma_start3A_1534, %dma_start3A_1541] : memref<4x128xi32, #tpu.memory_space<vmem>> -> memref<1x128xi32, #tpu.memory_space<vmem>>
        %dma_start3A_1543 = tpu.memref_squeeze %dma_start3A_1542 : memref<1x128xi32, #tpu.memory_space<vmem>> -> memref<128xi32, #tpu.memory_space<vmem>>
        %dma_start3A_1544 = arith.constant 0 : i32
        %dma_start3A_1545 = arith.constant 0 : i32
        %dma_start3A_1546 = tpu.memref_slice %arg2[%dma_start3A_1544, %dma_start3A_1545] : memref<10240x128xf32, #tpu.memory_space<hbm>> -> memref<10240x128xf32, #tpu.memory_space<hbm>>
        %dma_start3A_1547 = tpu.memref_slice %arg17[%dma_start3A_1536] : memref<2x!tpu.dma_semaphore, #tpu.memory_space<semaphore_mem>> -> memref<1x!tpu.dma_semaphore, #tpu.memory_space<semaphore_mem>>
        %dma_start3A_1548 = tpu.memref_squeeze %dma_start3A_1547 : memref<1x!tpu.dma_semaphore, #tpu.memory_space<semaphore_mem>> -> memref<!tpu.dma_semaphore, #tpu.memory_space<semaphore_mem>>
        tpu.enqueue_indirect_dma source(%dma_start3A_1546 : memref<10240x128xf32, #tpu.memory_space<hbm>>) target(%dma_start3A_1540 : memref<128x128xf32, #tpu.memory_space<vmem>>) offsets(%dma_start3A_1543 : memref<128xi32, #tpu.memory_space<vmem>>) semaphore(%dma_start3A_1548 : memref<!tpu.dma_semaphore, #tpu.memory_space<semaphore_mem>>)
        %dma_start3A_1549 = arith.constant 0 : i32
        %dma_start3A_1550 = arith.constant 0 : i32
        %dma_start3A_1551 = arith.constant 0 : i32
        %dma_start3A_1552 = arith.constant 0 : i32
        %dma_start3A_1553 = tpu.memref_slice %arg12[%dma_start3A_1550, %dma_start3A_1552] : memref<2x128xf32, #tpu.memory_space<vmem>> -> memref<1x128xf32, #tpu.memory_space<vmem>>
        %dma_start3A_1554 = tpu.memref_squeeze %dma_start3A_1553 : memref<1x128xf32, #tpu.memory_space<vmem>> -> memref<128xf32, #tpu.memory_space<vmem>>
        %dma_start3A_1555 = arith.constant 0 : i32
        %dma_start3A_1556 = tpu.memref_slice %arg9[%dma_start3A_1549, %dma_start3A_1555] : memref<4x128xi32, #tpu.memory_space<vmem>> -> memref<1x128xi32, #tpu.memory_space<vmem>>
        %dma_start3A_1557 = tpu.memref_squeeze %dma_start3A_1556 : memref<1x128xi32, #tpu.memory_space<vmem>> -> memref<128xi32, #tpu.memory_space<vmem>>
        %dma_start3A_1558 = arith.constant 0 : i32
        %dma_start3A_1559 = tpu.memref_slice %arg3[%dma_start3A_1558] : memref<10240xf32, #tpu.memory_space<hbm>> -> memref<10240xf32, #tpu.memory_space<hbm>>
        %dma_start3A_1560 = tpu.memref_slice %arg19[%dma_start3A_1551] : memref<2x!tpu.dma_semaphore, #tpu.memory_space<semaphore_mem>> -> memref<1x!tpu.dma_semaphore, #tpu.memory_space<semaphore_mem>>
        %dma_start3A_1561 = tpu.memref_squeeze %dma_start3A_1560 : memref<1x!tpu.dma_semaphore, #tpu.memory_space<semaphore_mem>> -> memref<!tpu.dma_semaphore, #tpu.memory_space<semaphore_mem>>
        tpu.enqueue_indirect_dma source(%dma_start3A_1559 : memref<10240xf32, #tpu.memory_space<hbm>>) target(%dma_start3A_1554 : memref<128xf32, #tpu.memory_space<vmem>>) offsets(%dma_start3A_1557 : memref<128xi32, #tpu.memory_space<vmem>>) semaphore(%dma_start3A_1561 : memref<!tpu.dma_semaphore, #tpu.memory_space<semaphore_mem>>)
        %dma_start3A_1562 = arith.constant 0 : i32
        %dma_start3A_1563 = arith.constant 0 : i32
        %dma_start3A_1564 = arith.constant 0 : i32
        %dma_start3A_1565 = arith.constant 0 : i32
        %dma_start3A_1566 = tpu.memref_slice %arg13[%dma_start3A_1563, %dma_start3A_1565] : memref<2x128xf32, #tpu.memory_space<vmem>> -> memref<1x128xf32, #tpu.memory_space<vmem>>
        %dma_start3A_1567 = tpu.memref_squeeze %dma_start3A_1566 : memref<1x128xf32, #tpu.memory_space<vmem>> -> memref<128xf32, #tpu.memory_space<vmem>>
        %dma_start3A_1568 = arith.constant 0 : i32
        %dma_start3A_1569 = tpu.memref_slice %arg10[%dma_start3A_1562, %dma_start3A_1568] : memref<4x128xi32, #tpu.memory_space<vmem>> -> memref<1x128xi32, #tpu.memory_space<vmem>>
        %dma_start3A_1570 = tpu.memref_squeeze %dma_start3A_1569 : memref<1x128xi32, #tpu.memory_space<vmem>> -> memref<128xi32, #tpu.memory_space<vmem>>
        %dma_start3A_1571 = arith.constant 0 : i32
        %dma_start3A_1572 = tpu.memref_slice %arg4[%dma_start3A_1571] : memref<10240xf32, #tpu.memory_space<hbm>> -> memref<10240xf32, #tpu.memory_space<hbm>>
        %dma_start3A_1573 = tpu.memref_slice %arg20[%dma_start3A_1564] : memref<2x!tpu.dma_semaphore, #tpu.memory_space<semaphore_mem>> -> memref<1x!tpu.dma_semaphore, #tpu.memory_space<semaphore_mem>>
        %dma_start3A_1574 = tpu.memref_squeeze %dma_start3A_1573 : memref<1x!tpu.dma_semaphore, #tpu.memory_space<semaphore_mem>> -> memref<!tpu.dma_semaphore, #tpu.memory_space<semaphore_mem>>
        tpu.enqueue_indirect_dma source(%dma_start3A_1572 : memref<10240xf32, #tpu.memory_space<hbm>>) target(%dma_start3A_1567 : memref<128xf32, #tpu.memory_space<vmem>>) offsets(%dma_start3A_1570 : memref<128xi32, #tpu.memory_space<vmem>>) semaphore(%dma_start3A_1574 : memref<!tpu.dma_semaphore, #tpu.memory_space<semaphore_mem>>)
      } else {
      }
      %dma_wait3A_1467 = arith.constant 3 : i32
      %dma_wait3A_1468 = arith.constant 1 : i32
      %dma_wait3A_1469 = arith.constant 1 : i32
      %dma_wait3A_1470 = arith.constant 0 : i32
      %dma_wait3A_1471 = arith.constant 0 : i32
      %dma_wait3A_1472 = tpu.memref_slice %arg11[%dma_wait3A_1468, %dma_wait3A_1470, %dma_wait3A_1471] : memref<2x128x128xf32, #tpu.memory_space<vmem>> -> memref<1x128x128xf32, #tpu.memory_space<vmem>>
      %dma_wait3A_1473 = tpu.memref_squeeze %dma_wait3A_1472 : memref<1x128x128xf32, #tpu.memory_space<vmem>> -> memref<128x128xf32, #tpu.memory_space<vmem>>
      %dma_wait3A_1474 = arith.constant 0 : i32
      %dma_wait3A_1475 = tpu.memref_slice %arg10[%dma_wait3A_1467, %dma_wait3A_1474] : memref<4x128xi32, #tpu.memory_space<vmem>> -> memref<1x128xi32, #tpu.memory_space<vmem>>
      %dma_wait3A_1476 = tpu.memref_squeeze %dma_wait3A_1475 : memref<1x128xi32, #tpu.memory_space<vmem>> -> memref<128xi32, #tpu.memory_space<vmem>>
      %dma_wait3A_1477 = arith.constant 0 : i32
      %dma_wait3A_1478 = arith.constant 0 : i32
      %dma_wait3A_1479 = tpu.memref_slice %arg2[%dma_wait3A_1477, %dma_wait3A_1478] : memref<10240x128xf32, #tpu.memory_space<hbm>> -> memref<10240x128xf32, #tpu.memory_space<hbm>>
      %dma_wait3A_1480 = tpu.memref_slice %arg17[%dma_wait3A_1469] : memref<2x!tpu.dma_semaphore, #tpu.memory_space<semaphore_mem>> -> memref<1x!tpu.dma_semaphore, #tpu.memory_space<semaphore_mem>>
      %dma_wait3A_1481 = tpu.memref_squeeze %dma_wait3A_1480 : memref<1x!tpu.dma_semaphore, #tpu.memory_space<semaphore_mem>> -> memref<!tpu.dma_semaphore, #tpu.memory_space<semaphore_mem>>
      tpu.wait_indirect_dma semaphore(%dma_wait3A_1481 : memref<!tpu.dma_semaphore, #tpu.memory_space<semaphore_mem>>) src(%dma_wait3A_1479 : memref<10240x128xf32, #tpu.memory_space<hbm>>) dst(%dma_wait3A_1473 : memref<128x128xf32, #tpu.memory_space<vmem>>)
      %scan3A_1482 = arith.constant 0 : i32
      %scan3A_1483 = arith.constant 0 : i32
      %scan3A_1484 = arith.constant 128 : i32
      %scan3A_1485 = arith.addi %scan3A_1483, %scan3A_1484 : i32
      %scan3A_1486 = arith.constant 1 : i32
      %scan3A_1487 = scf.for %scan3A_1505 = %scan3A_1483 to %scan3A_1485 step %scan3A_1486 iter_args(%scan3A_1506 = %scan3A_1482) -> (i32)  : i32 {
        %get3A_1507 = arith.constant 1 : i32
        %get3A_1508 = arith.index_cast %get3A_1507 : i32 to index
        %get3A_1509 = arith.index_cast %scan3A_1505 : i32 to index
        %get3A_1510 = tpu.vector_load %arg14[%get3A_1508, %get3A_1509] {strides = array<i32>} : memref<2x144xf32, #tpu.memory_space<vmem>>, vector<16xf32>,
        %slice3A = vector.extract_strided_slice %get3A_1510 {offsets = [0], sizes = [1], strides = [1]} : vector<16xf32> to vector<1xf32>
        %squeeze3A = vector.extract %slice3A[0] : f32 from vector<1xf32>
        %get3A_1511 = arith.constant 1 : i32
        %get3A_1512 = arith.index_cast %get3A_1511 : i32 to index
        %get3A_1513 = arith.index_cast %scan3A_1505 : i32 to index
        %get3A_1514 = arith.constant 0 : index
        %get3A_1515 = tpu.vector_load %arg11[%get3A_1512, %get3A_1513, %get3A_1514] {strides = array<i32>} : memref<2x128x128xf32, #tpu.memory_space<vmem>>, vector<16xf32>,
        %mul3A_1516 = vector.broadcast %squeeze3A : f32 to vector<16xf32>
        %mul3A_1517 = arith.mulf %get3A_1515, %mul3A_1516 : vector<16xf32>
        %swap3A_1518 = arith.constant 1 : i32
        %swap3A_1519 = arith.index_cast %swap3A_1518 : i32 to index
        %swap3A_1520 = arith.index_cast %scan3A_1505 : i32 to index
        %swap3A_1521 = arith.constant 0 : index
        %swap3A_1522 = tpu.vector_load %arg11[%swap3A_1519, %swap3A_1520, %swap3A_1521] {strides = array<i32>} : memref<2x128x128xf32, #tpu.memory_space<vmem>>, vector<16xf32>,
        tpu.vector_store %arg11[%swap3A_1519, %swap3A_1520, %swap3A_1521], %mul3A_1517 {strides = array<i32>} : memref<2x128x128xf32, #tpu.memory_space<vmem>>, vector<16xf32>,
        %get3A_1523 = arith.constant 1 : i32
        %get3A_1524 = arith.index_cast %get3A_1523 : i32 to index
        %get3A_1525 = arith.index_cast %scan3A_1505 : i32 to index
        %get3A_1526 = arith.constant 16 : index
        %get3A_1527 = tpu.vector_load %arg11[%get3A_1524, %get3A_1525, %get3A_1526] {strides = array<i32>} : memref<2x128x128xf32, #tpu.memory_space<vmem>>, vector<16xf32>,
        %mul3A_1528 = vector.broadcast %squeeze3A : f32 to vector<16xf32>
        %mul3A_1529 = arith.mulf %get3A_1527, %mul3A_1528 : vector<16xf32>
        %swap3A_1530 = arith.constant 1 : i32
        %swap3A_1531 = arith.index_cast %swap3A_1530 : i32 to index
        %swap3A_1532 = arith.index_cast %scan3A_1505 : i32 to index
        %swap3A_1533 = arith.constant 16 : index
        %swap3A_1534 = tpu.vector_load %arg11[%swap3A_1531, %swap3A_1532, %swap3A_1533] {strides = array<i32>} : memref<2x128x128xf32, #tpu.memory_space<vmem>>, vector<16xf32>,
        tpu.vector_store %arg11[%swap3A_1531, %swap3A_1532, %swap3A_1533], %mul3A_1529 {strides = array<i32>} : memref<2x128x128xf32, #tpu.memory_space<vmem>>, vector<16xf32>,
        %get3A_1535 = arith.constant 1 : i32
        %get3A_1536 = arith.index_cast %get3A_1535 : i32 to index
        %get3A_1537 = arith.index_cast %scan3A_1505 : i32 to index
        %get3A_1538 = arith.constant 32 : index
        %get3A_1539 = tpu.vector_load %arg11[%get3A_1536, %get3A_1537, %get3A_1538] {strides = array<i32>} : memref<2x128x128xf32, #tpu.memory_space<vmem>>, vector<16xf32>,
        %mul3A_1540 = vector.broadcast %squeeze3A : f32 to vector<16xf32>
        %mul3A_1541 = arith.mulf %get3A_1539, %mul3A_1540 : vector<16xf32>
        %swap3A_1542 = arith.constant 1 : i32
        %swap3A_1543 = arith.index_cast %swap3A_1542 : i32 to index
        %swap3A_1544 = arith.index_cast %scan3A_1505 : i32 to index
        %swap3A_1545 = arith.constant 32 : index
        %swap3A_1546 = tpu.vector_load %arg11[%swap3A_1543, %swap3A_1544, %swap3A_1545] {strides = array<i32>} : memref<2x128x128xf32, #tpu.memory_space<vmem>>, vector<16xf32>,
        tpu.vector_store %arg11[%swap3A_1543, %swap3A_1544, %swap3A_1545], %mul3A_1541 {strides = array<i32>} : memref<2x128x128xf32, #tpu.memory_space<vmem>>, vector<16xf32>,
        %get3A_1547 = arith.constant 1 : i32
        %get3A_1548 = arith.index_cast %get3A_1547 : i32 to index
        %get3A_1549 = arith.index_cast %scan3A_1505 : i32 to index
        %get3A_1550 = arith.constant 48 : index
        %get3A_1551 = tpu.vector_load %arg11[%get3A_1548, %get3A_1549, %get3A_1550] {strides = array<i32>} : memref<2x128x128xf32, #tpu.memory_space<vmem>>, vector<16xf32>,
        %mul3A_1552 = vector.broadcast %squeeze3A : f32 to vector<16xf32>
        %mul3A_1553 = arith.mulf %get3A_1551, %mul3A_1552 : vector<16xf32>
        %swap3A_1554 = arith.constant 1 : i32
        %swap3A_1555 = arith.index_cast %swap3A_1554 : i32 to index
        %swap3A_1556 = arith.index_cast %scan3A_1505 : i32 to index
        %swap3A_1557 = arith.constant 48 : index
        %swap3A_1558 = tpu.vector_load %arg11[%swap3A_1555, %swap3A_1556, %swap3A_1557] {strides = array<i32>} : memref<2x128x128xf32, #tpu.memory_space<vmem>>, vector<16xf32>,
        tpu.vector_store %arg11[%swap3A_1555, %swap3A_1556, %swap3A_1557], %mul3A_1553 {strides = array<i32>} : memref<2x128x128xf32, #tpu.memory_space<vmem>>, vector<16xf32>,
        %get3A_1559 = arith.constant 1 : i32
        %get3A_1560 = arith.index_cast %get3A_1559 : i32 to index
        %get3A_1561 = arith.index_cast %scan3A_1505 : i32 to index
        %get3A_1562 = arith.constant 64 : index
        %get3A_1563 = tpu.vector_load %arg11[%get3A_1560, %get3A_1561, %get3A_1562] {strides = array<i32>} : memref<2x128x128xf32, #tpu.memory_space<vmem>>, vector<16xf32>,
        %mul3A_1564 = vector.broadcast %squeeze3A : f32 to vector<16xf32>
        %mul3A_1565 = arith.mulf %get3A_1563, %mul3A_1564 : vector<16xf32>
        %swap3A_1566 = arith.constant 1 : i32
        %swap3A_1567 = arith.index_cast %swap3A_1566 : i32 to index
        %swap3A_1568 = arith.index_cast %scan3A_1505 : i32 to index
        %swap3A_1569 = arith.constant 64 : index
        %swap3A_1570 = tpu.vector_load %arg11[%swap3A_1567, %swap3A_1568, %swap3A_1569] {strides = array<i32>} : memref<2x128x128xf32, #tpu.memory_space<vmem>>, vector<16xf32>,
        tpu.vector_store %arg11[%swap3A_1567, %swap3A_1568, %swap3A_1569], %mul3A_1565 {strides = array<i32>} : memref<2x128x128xf32, #tpu.memory_space<vmem>>, vector<16xf32>,
        %get3A_1571 = arith.constant 1 : i32
        %get3A_1572 = arith.index_cast %get3A_1571 : i32 to index
        %get3A_1573 = arith.index_cast %scan3A_1505 : i32 to index
        %get3A_1574 = arith.constant 80 : index
        %get3A_1575 = tpu.vector_load %arg11[%get3A_1572, %get3A_1573, %get3A_1574] {strides = array<i32>} : memref<2x128x128xf32, #tpu.memory_space<vmem>>, vector<16xf32>,
        %mul3A_1576 = vector.broadcast %squeeze3A : f32 to vector<16xf32>
        %mul3A_1577 = arith.mulf %get3A_1575, %mul3A_1576 : vector<16xf32>
        %swap3A_1578 = arith.constant 1 : i32
        %swap3A_1579 = arith.index_cast %swap3A_1578 : i32 to index
        %swap3A_1580 = arith.index_cast %scan3A_1505 : i32 to index
        %swap3A_1581 = arith.constant 80 : index
        %swap3A_1582 = tpu.vector_load %arg11[%swap3A_1579, %swap3A_1580, %swap3A_1581] {strides = array<i32>} : memref<2x128x128xf32, #tpu.memory_space<vmem>>, vector<16xf32>,
        tpu.vector_store %arg11[%swap3A_1579, %swap3A_1580, %swap3A_1581], %mul3A_1577 {strides = array<i32>} : memref<2x128x128xf32, #tpu.memory_space<vmem>>, vector<16xf32>,
        %get3A_1583 = arith.constant 1 : i32
        %get3A_1584 = arith.index_cast %get3A_1583 : i32 to index
        %get3A_1585 = arith.index_cast %scan3A_1505 : i32 to index
        %get3A_1586 = arith.constant 96 : index
        %get3A_1587 = tpu.vector_load %arg11[%get3A_1584, %get3A_1585, %get3A_1586] {strides = array<i32>} : memref<2x128x128xf32, #tpu.memory_space<vmem>>, vector<16xf32>,
        %mul3A_1588 = vector.broadcast %squeeze3A : f32 to vector<16xf32>
        %mul3A_1589 = arith.mulf %get3A_1587, %mul3A_1588 : vector<16xf32>
        %swap3A_1590 = arith.constant 1 : i32
        %swap3A_1591 = arith.index_cast %swap3A_1590 : i32 to index
        %swap3A_1592 = arith.index_cast %scan3A_1505 : i32 to index
        %swap3A_1593 = arith.constant 96 : index
        %swap3A_1594 = tpu.vector_load %arg11[%swap3A_1591, %swap3A_1592, %swap3A_1593] {strides = array<i32>} : memref<2x128x128xf32, #tpu.memory_space<vmem>>, vector<16xf32>,
        tpu.vector_store %arg11[%swap3A_1591, %swap3A_1592, %swap3A_1593], %mul3A_1589 {strides = array<i32>} : memref<2x128x128xf32, #tpu.memory_space<vmem>>, vector<16xf32>,
        %get3A_1595 = arith.constant 1 : i32
        %get3A_1596 = arith.index_cast %get3A_1595 : i32 to index
        %get3A_1597 = arith.index_cast %scan3A_1505 : i32 to index
        %get3A_1598 = arith.constant 112 : index
        %get3A_1599 = tpu.vector_load %arg11[%get3A_1596, %get3A_1597, %get3A_1598] {strides = array<i32>} : memref<2x128x128xf32, #tpu.memory_space<vmem>>, vector<16xf32>,
        %mul3A_1600 = vector.broadcast %squeeze3A : f32 to vector<16xf32>
        %mul3A_1601 = arith.mulf %get3A_1599, %mul3A_1600 : vector<16xf32>
        %swap3A_1602 = arith.constant 1 : i32
        %swap3A_1603 = arith.index_cast %swap3A_1602 : i32 to index
        %swap3A_1604 = arith.index_cast %scan3A_1505 : i32 to index
        %swap3A_1605 = arith.constant 112 : index
        %swap3A_1606 = tpu.vector_load %arg11[%swap3A_1603, %swap3A_1604, %swap3A_1605] {strides = array<i32>} : memref<2x128x128xf32, #tpu.memory_space<vmem>>, vector<16xf32>,
        tpu.vector_store %arg11[%swap3A_1603, %swap3A_1604, %swap3A_1605], %mul3A_1601 {strides = array<i32>} : memref<2x128x128xf32, #tpu.memory_space<vmem>>, vector<16xf32>,
        %scan3A_1607 = arith.constant 0 : i32
        scf.yield %scan3A_1607 : i32
      }
      %scan3A_1488 = arith.constant 128 : i32
      %dma_start3A_1489 = arith.constant 1 : i32
      %dma_start3A_1490 = arith.constant 3 : i32
      %dma_start3A_1491 = arith.constant 1 : i32
      %dma_start3A_1492 = arith.constant 0 : i32
      %dma_start3A_1493 = arith.constant 0 : i32
      %dma_start3A_1494 = tpu.memref_slice %arg11[%dma_start3A_1489, %dma_start3A_1492, %dma_start3A_1493] : memref<2x128x128xf32, #tpu.memory_space<vmem>> -> memref<1x128x128xf32, #tpu.memory_space<vmem>>
      %dma_start3A_1495 = tpu.memref_squeeze %dma_start3A_1494 : memref<1x128x128xf32, #tpu.memory_space<vmem>> -> memref<128x128xf32, #tpu.memory_space<vmem>>
      %dma_start3A_1496 = arith.constant 0 : i32
      %dma_start3A_1497 = tpu.memref_slice %arg9[%dma_start3A_1490, %dma_start3A_1496] : memref<4x128xi32, #tpu.memory_space<vmem>> -> memref<1x128xi32, #tpu.memory_space<vmem>>
      %dma_start3A_1498 = tpu.memref_squeeze %dma_start3A_1497 : memref<1x128xi32, #tpu.memory_space<vmem>> -> memref<128xi32, #tpu.memory_space<vmem>>
      %dma_start3A_1499 = arith.constant 0 : i32
      %dma_start3A_1500 = arith.constant 0 : i32
      %dma_start3A_1501 = tpu.memref_slice %arg16[%dma_start3A_1499, %dma_start3A_1500] : memref<10240x128xf32, #tpu.memory_space<vmem_shared>> -> memref<10240x128xf32, #tpu.memory_space<vmem_shared>>
      %dma_start3A_1502 = tpu.memref_slice %arg21[%dma_start3A_1491] : memref<2x!tpu.dma_semaphore, #tpu.memory_space<semaphore_mem>> -> memref<1x!tpu.dma_semaphore, #tpu.memory_space<semaphore_mem>>
      %dma_start3A_1503 = tpu.memref_squeeze %dma_start3A_1502 : memref<1x!tpu.dma_semaphore, #tpu.memory_space<semaphore_mem>> -> memref<!tpu.dma_semaphore, #tpu.memory_space<semaphore_mem>>
      tpu.enqueue_indirect_dma source(%dma_start3A_1495 : memref<128x128xf32, #tpu.memory_space<vmem>>) target(%dma_start3A_1501 : memref<10240x128xf32, #tpu.memory_space<vmem_shared>>) offsets(%dma_start3A_1498 : memref<128xi32, #tpu.memory_space<vmem>>) semaphore(%dma_start3A_1503 : memref<!tpu.dma_semaphore, #tpu.memory_space<semaphore_mem>>) {add = true}
      %while3A_1504 = arith.constant 0 : i32
      scf.yield %while3A_1504 : i32
    }
    %gt3A_77 = arith.constant 0 : i32
    %gt3A_78 = arith.cmpi sgt, %select_n3A, %gt3A_77 : i32
    %convert_element_type3A_79 = arith.extui %gt3A_78 : i1 to i32
    %cond3A_80 = arith.constant 0 : i32
    %cond3A_81 = arith.cmpi ne, %convert_element_type3A_79, %cond3A_80 : i32
    scf.if %cond3A_81 {
      %dma_wait3A = arith.constant 1 : i32
      %dma_wait3A_90 = arith.constant 3 : i32
      %dma_wait3A_91 = arith.constant 1 : i32
      %dma_wait3A_92 = arith.constant 0 : i32
      %dma_wait3A_93 = arith.constant 0 : i32
      %dma_wait3A_94 = tpu.memref_slice %arg11[%dma_wait3A, %dma_wait3A_92, %dma_wait3A_93] : memref<2x128x128xf32, #tpu.memory_space<vmem>> -> memref<1x128x128xf32, #tpu.memory_space<vmem>>
      %dma_wait3A_95 = tpu.memref_squeeze %dma_wait3A_94 : memref<1x128x128xf32, #tpu.memory_space<vmem>> -> memref<128x128xf32, #tpu.memory_space<vmem>>
      %dma_wait3A_96 = arith.constant 0 : i32
      %dma_wait3A_97 = tpu.memref_slice %arg9[%dma_wait3A_90, %dma_wait3A_96] : memref<4x128xi32, #tpu.memory_space<vmem>> -> memref<1x128xi32, #tpu.memory_space<vmem>>
      %dma_wait3A_98 = tpu.memref_squeeze %dma_wait3A_97 : memref<1x128xi32, #tpu.memory_space<vmem>> -> memref<128xi32, #tpu.memory_space<vmem>>
      %dma_wait3A_99 = arith.constant 0 : i32
      %dma_wait3A_100 = arith.constant 0 : i32
      %dma_wait3A_101 = tpu.memref_slice %arg16[%dma_wait3A_99, %dma_wait3A_100] : memref<10240x128xf32, #tpu.memory_space<vmem_shared>> -> memref<10240x128xf32, #tpu.memory_space<vmem_shared>>
      %dma_wait3A_102 = tpu.memref_slice %arg21[%dma_wait3A_91] : memref<2x!tpu.dma_semaphore, #tpu.memory_space<semaphore_mem>> -> memref<1x!tpu.dma_semaphore, #tpu.memory_space<semaphore_mem>>
      %dma_wait3A_103 = tpu.memref_squeeze %dma_wait3A_102 : memref<1x!tpu.dma_semaphore, #tpu.memory_space<semaphore_mem>> -> memref<!tpu.dma_semaphore, #tpu.memory_space<semaphore_mem>>
      tpu.wait_indirect_dma semaphore(%dma_wait3A_103 : memref<!tpu.dma_semaphore, #tpu.memory_space<semaphore_mem>>) src(%dma_wait3A_95 : memref<128x128xf32, #tpu.memory_space<vmem>>) dst(%dma_wait3A_101 : memref<10240x128xf32, #tpu.memory_space<vmem_shared>>)
    } else {
    }
    %barrier3A_82 = arith.constant 0 : index
    tpu.barrier barrier_id(%barrier3A_82)
    %mul3A_83 = arith.constant 640 : i32
    %mul3A_84 = arith.muli %arg1, %mul3A_83 : i32
    %mul3A_85 = arith.constant 640 : i32
    %mul3A_86 = arith.muli %arg1, %mul3A_85 : i32
    "tpu.region"() ({
      %run_scoped3A_90 = tpu.sem_alloc : memref<!tpu.dma_semaphore, #tpu.memory_space<semaphore_mem>>
      %dma_start3A = arith.constant 0 : i32
      %dma_start3A_91 = tpu.memref_slice %arg7[%arg0, %mul3A_86, %dma_start3A] : memref<2x10240x128xf32, #tpu.memory_space<hbm>> -> memref<1x640x128xf32, #tpu.memory_space<hbm>>
      %dma_start3A_92 = tpu.memref_squeeze %dma_start3A_91 : memref<1x640x128xf32, #tpu.memory_space<hbm>> -> memref<640x128xf32, #tpu.memory_space<hbm>>
      %dma_start3A_93 = arith.constant 0 : i32
      %dma_start3A_94 = tpu.memref_slice %arg16[%mul3A_84, %dma_start3A_93] : memref<10240x128xf32, #tpu.memory_space<vmem_shared>> -> memref<640x128xf32, #tpu.memory_space<vmem_shared>>
      tpu.enqueue_dma source(%dma_start3A_94 : memref<640x128xf32, #tpu.memory_space<vmem_shared>>) target(%dma_start3A_92 : memref<640x128xf32, #tpu.memory_space<hbm>>) target_semaphore(%run_scoped3A_90 : memref<!tpu.dma_semaphore, #tpu.memory_space<semaphore_mem>>)
      %dma_wait3A = arith.constant 0 : i32
      %dma_wait3A_95 = tpu.memref_slice %arg7[%arg0, %mul3A_86, %dma_wait3A] : memref<2x10240x128xf32, #tpu.memory_space<hbm>> -> memref<1x640x128xf32, #tpu.memory_space<hbm>>
      %dma_wait3A_96 = tpu.memref_squeeze %dma_wait3A_95 : memref<1x640x128xf32, #tpu.memory_space<hbm>> -> memref<640x128xf32, #tpu.memory_space<hbm>>
      %dma_wait3A_97 = arith.constant 0 : i32
      %dma_wait3A_98 = tpu.memref_slice %arg16[%mul3A_84, %dma_wait3A_97] : memref<10240x128xf32, #tpu.memory_space<vmem_shared>> -> memref<640x128xf32, #tpu.memory_space<vmem_shared>>
      tpu.wait_dma2 semaphore(%run_scoped3A_90 : memref<!tpu.dma_semaphore, #tpu.memory_space<semaphore_mem>>) src(%dma_wait3A_98 : memref<640x128xf32, #tpu.memory_space<vmem_shared>>) dst(%dma_wait3A_96 : memref<640x128xf32, #tpu.memory_space<hbm>>)
      tpu.yield
    }) : () -> ()
    %mul3A_87 = arith.constant 16 : i32
    %mul3A_88 = arith.muli %arg0, %mul3A_87 : i32
    %add3A_89 = arith.addi %mul3A_88, %arg1 : i32
    "tpu.region"() ({
      %run_scoped3A_90 = tpu.sem_alloc : memref<!tpu.dma_semaphore, #tpu.memory_space<semaphore_mem>>
      %dma_start3A = arith.constant 0 : i32
      %dma_start3A_91 = tpu.memref_slice %arg8[%add3A_89, %dma_start3A] : memref<32x10240xf32, #tpu.memory_space<hbm>> -> memref<1x10240xf32, #tpu.memory_space<hbm>>
      %dma_start3A_92 = tpu.memref_squeeze %dma_start3A_91 : memref<1x10240xf32, #tpu.memory_space<hbm>> -> memref<10240xf32, #tpu.memory_space<hbm>>
      %dma_start3A_93 = arith.constant 0 : i32
      %dma_start3A_94 = tpu.memref_slice %arg8[%add3A_89, %dma_start3A_93] : memref<32x10240xf32, #tpu.memory_space<hbm>> -> memref<1x10240xf32, #tpu.memory_space<hbm>>
      %dma_start3A_95 = tpu.memref_squeeze %dma_start3A_94 : memref<1x10240xf32, #tpu.memory_space<hbm>> -> memref<10240xf32, #tpu.memory_space<hbm>>
      tpu.enqueue_dma source(%arg15 : memref<10240xf32, #tpu.memory_space<vmem>>) target(%dma_start3A_95 : memref<10240xf32, #tpu.memory_space<hbm>>) target_semaphore(%run_scoped3A_90 : memref<!tpu.dma_semaphore, #tpu.memory_space<semaphore_mem>>)
      %dma_wait3A = arith.constant 0 : i32
      %dma_wait3A_96 = tpu.memref_slice %arg8[%add3A_89, %dma_wait3A] : memref<32x10240xf32, #tpu.memory_space<hbm>> -> memref<1x10240xf32, #tpu.memory_space<hbm>>
      %dma_wait3A_97 = tpu.memref_squeeze %dma_wait3A_96 : memref<1x10240xf32, #tpu.memory_space<hbm>> -> memref<10240xf32, #tpu.memory_space<hbm>>
      %dma_wait3A_98 = arith.constant 0 : i32
      %dma_wait3A_99 = tpu.memref_slice %arg8[%add3A_89, %dma_wait3A_98] : memref<32x10240xf32, #tpu.memory_space<hbm>> -> memref<1x10240xf32, #tpu.memory_space<hbm>>
      %dma_wait3A_100 = tpu.memref_squeeze %dma_wait3A_99 : memref<1x10240xf32, #tpu.memory_space<hbm>> -> memref<10240xf32, #tpu.memory_space<hbm>>
      tpu.wait_dma2 semaphore(%run_scoped3A_90 : memref<!tpu.dma_semaphore, #tpu.memory_space<semaphore_mem>>) src(%arg15 : memref<10240xf32, #tpu.memory_space<vmem>>) dst(%dma_wait3A_100 : memref<10240xf32, #tpu.memory_space<hbm>>)
      tpu.yield
    }) : () -> ()
    return
  }
}

module attributes {stable_mosaic.version = 14 : i64} {
  func.func @_proj_body(%arg0: i32, %arg1: memref<512x128xf32, #tpu.memory_space<vmem>>, %arg2: memref<128x128xf32, #tpu.memory_space<vmem>>, %arg3: memref<1x128xf32, #tpu.memory_space<vmem>>, %arg4: memref<2x128xf32, #tpu.memory_space<vmem>>, %arg5: memref<512x128xf32, #tpu.memory_space<vmem>>, %arg6: memref<2x512xf32, #tpu.memory_space<vmem>>) attributes {dimension_semantics = [#tpu.dimension_semantics<arbitrary>], iteration_bounds = array<i64: 20>, scalar_prefetch = 0 : i64, scratch_operands = 0 : i64, tpu.core_type = #tpu.core_type<tc>, window_params = [{transform_indices = @transform_0, window_bounds = array<i64: 512, 128>}, {pipeline_mode = #tpu.pipeline_mode<synchronous>, transform_indices = @transform_1, window_bounds = array<i64: 128, 128>}, {pipeline_mode = #tpu.pipeline_mode<synchronous>, transform_indices = @transform_2, window_bounds = array<i64: 1, 128>}, {pipeline_mode = #tpu.pipeline_mode<synchronous>, transform_indices = @transform_3, window_bounds = array<i64: 2, 128>}, {transform_indices = @transform_4, window_bounds = array<i64: 512, 128>}, {transform_indices = @transform_5, window_bounds = array<i64: 2, 512>}]} {
    %get3A = arith.constant 0 : index
    %get3A_0 = arith.constant 0 : index
    %get3A_1 = vector.load %arg1[%get3A, %get3A_0] : memref<512x128xf32, #tpu.memory_space<vmem>>, vector<512x128xf32>
    %get3A_2 = arith.constant 0 : index
    %get3A_3 = arith.constant 0 : index
    %get3A_4 = vector.load %arg2[%get3A_2, %get3A_3] : memref<128x128xf32, #tpu.memory_space<vmem>>, vector<128x128xf32>
    %dot_general3A = arith.constant dense<0.000000e+00> : vector<512x128xf32>
    %dot_general3A_5 = tpu.matmul %get3A_1, %get3A_4, %dot_general3A {dimension_numbers = #tpu.dot_dimension_numbers<[1], [1], [0], [0], [0, 0, 1, 0], [], []>, transpose_lhs_hint = false} : vector<512x128xf32>, vector<128x128xf32>, vector<512x128xf32> -> vector<512x128xf32>
    %get3A_6 = arith.constant 0 : index
    %get3A_7 = arith.constant 0 : index
    %get3A_8 = vector.load %arg3[%get3A_6, %get3A_7] : memref<1x128xf32, #tpu.memory_space<vmem>>, vector<1x128xf32>
    %add3A = vector.broadcast %get3A_8 : vector<1x128xf32> to vector<512x128xf32>
    %add3A_9 = arith.addf %dot_general3A_5, %add3A : vector<512x128xf32>
    %swap3A = arith.constant 0 : index
    %swap3A_10 = arith.constant 0 : index
    %swap3A_11 = vector.load %arg5[%swap3A, %swap3A_10] : memref<512x128xf32, #tpu.memory_space<vmem>>, vector<512x128xf32>
    tpu.vector_store %arg5[%swap3A, %swap3A_10], %add3A_9 {strides = array<i32>} : memref<512x128xf32, #tpu.memory_space<vmem>>, vector<512x128xf32>,
    %get3A_12 = arith.constant 0 : index
    %get3A_13 = arith.constant 0 : index
    %get3A_14 = vector.load %arg4[%get3A_12, %get3A_13] : memref<2x128xf32, #tpu.memory_space<vmem>>, vector<2x128xf32>
    %dot_general3A_15 = arith.constant dense<0.000000e+00> : vector<2x512xf32>
    %dot_general3A_16 = tpu.matmul %get3A_14, %add3A_9, %dot_general3A_15 {dimension_numbers = #tpu.dot_dimension_numbers<[1], [1], [0], [0], [0, 0, 1, 0], [], []>, transpose_lhs_hint = false} : vector<2x128xf32>, vector<512x128xf32>, vector<2x512xf32> -> vector<2x512xf32>
    %mul3A = arith.constant 512 : i32
    %mul3A_17 = arith.muli %arg0, %mul3A : i32
    %iota3A = tpu.iota {dimensions = array<i32: 1>} : vector<2x512xi32>
    %add3A_18 = vector.broadcast %mul3A_17 : i32 to vector<2x512xi32>
    %add3A_19 = arith.addi %add3A_18, %iota3A : vector<2x512xi32>
    %lt3A = arith.constant 10000 : i32
    %lt3A_20 = vector.broadcast %lt3A : i32 to vector<2x512xi32>
    %lt3A_21 = arith.cmpi slt, %add3A_19, %lt3A_20 : vector<2x512xi32>
    %jit3A = arith.constant -1.000000e+30 : f32
    %broadcast_in_dim3A = vector.broadcast %jit3A : f32 to vector<2x512xf32>
    %select_n3A = arith.select %lt3A_21, %dot_general3A_16, %broadcast_in_dim3A : vector<2x512xi1>, vector<2x512xf32>
    %swap3A_22 = arith.constant 0 : index
    %swap3A_23 = arith.constant 0 : index
    %swap3A_24 = vector.load %arg6[%swap3A_22, %swap3A_23] : memref<2x512xf32, #tpu.memory_space<vmem>>, vector<2x512xf32>
    tpu.vector_store %arg6[%swap3A_22, %swap3A_23], %select_n3A {strides = array<i32>} : memref<2x512xf32, #tpu.memory_space<vmem>>, vector<2x512xf32>,
    return
  }
  func.func @transform_0(%arg0: i32) -> (i32, i32) {
    %c0_i32 = arith.constant 0 : i32
    %c0_i32_0 = arith.constant 0 : i32
    return %arg0, %c0_i32 : i32, i32
  }
  func.func @transform_1(%arg0: i32) -> (i32, i32) {
    %c0_i32 = arith.constant 0 : i32
    %c0_i32_0 = arith.constant 0 : i32
    %c0_i32_1 = arith.constant 0 : i32
    return %c0_i32, %c0_i32_0 : i32, i32
  }
  func.func @transform_2(%arg0: i32) -> (i32, i32) {
    %c0_i32 = arith.constant 0 : i32
    %c0_i32_0 = arith.constant 0 : i32
    %c0_i32_1 = arith.constant 0 : i32
    return %c0_i32, %c0_i32_0 : i32, i32
  }
  func.func @transform_3(%arg0: i32) -> (i32, i32) {
    %c0_i32 = arith.constant 0 : i32
    %c0_i32_0 = arith.constant 0 : i32
    %c0_i32_1 = arith.constant 0 : i32
    return %c0_i32, %c0_i32_0 : i32, i32
  }
  func.func @transform_4(%arg0: i32) -> (i32, i32) {
    %c0_i32 = arith.constant 0 : i32
    %c0_i32_0 = arith.constant 0 : i32
    return %arg0, %c0_i32 : i32, i32
  }
  func.func @transform_5(%arg0: i32) -> (i32, i32) {
    %c0_i32 = arith.constant 0 : i32
    %c0_i32_0 = arith.constant 0 : i32
    return %c0_i32, %arg0 : i32, i32
  }
}

module attributes {stable_mosaic.version = 14 : i64} {
  func.func @_fin_body(%arg0: i32, %arg1: memref<2x512x128xf32, #tpu.memory_space<vmem>>, %arg2: memref<32x512xf32, #tpu.memory_space<vmem>>, %arg3: memref<512x128xf32, #tpu.memory_space<vmem>>) attributes {dimension_semantics = [#tpu.dimension_semantics<arbitrary>], iteration_bounds = array<i64: 20>, scalar_prefetch = 0 : i64, scratch_operands = 0 : i64, tpu.core_type = #tpu.core_type<tc>, window_params = [{transform_indices = @transform_0, window_bounds = array<i64: 2, 512, 128>}, {transform_indices = @transform_1, window_bounds = array<i64: 32, 512>}, {transform_indices = @transform_2, window_bounds = array<i64: 512, 128>}]} {
    %get3A = arith.constant 0 : index
    %get3A_0 = arith.constant 0 : index
    %get3A_1 = arith.constant 0 : index
    %get3A_2 = vector.load %arg1[%get3A, %get3A_0, %get3A_1] : memref<2x512x128xf32, #tpu.memory_space<vmem>>, vector<1x512x128xf32>
    %get3A_3 = vector.shape_cast %get3A_2 : vector<1x512x128xf32> to vector<512x128xf32>
    %get3A_4 = arith.constant 1 : index
    %get3A_5 = arith.constant 0 : index
    %get3A_6 = arith.constant 0 : index
    %get3A_7 = vector.load %arg1[%get3A_4, %get3A_5, %get3A_6] : memref<2x512x128xf32, #tpu.memory_space<vmem>>, vector<1x512x128xf32>
    %get3A_8 = vector.shape_cast %get3A_7 : vector<1x512x128xf32> to vector<512x128xf32>
    %add3A = arith.addf %get3A_3, %get3A_8 : vector<512x128xf32>
    %get3A_9 = arith.constant 0 : index
    %get3A_10 = arith.constant 0 : index
    %get3A_11 = vector.load %arg2[%get3A_9, %get3A_10] : memref<32x512xf32, #tpu.memory_space<vmem>>, vector<32x512xf32>
    %reduce_sum3A = arith.constant dense<0.000000e+00> : vector<512xf32>
    %reduce_sum3A_12 = vector.multi_reduction <add>, %get3A_11, %reduce_sum3A [0] : vector<32x512xf32> to vector<512xf32>
    %broadcast_in_dim3A = vector.shape_cast %reduce_sum3A_12 : vector<512xf32> to vector<512x1xf32>
    %div3A = vector.broadcast %broadcast_in_dim3A : vector<512x1xf32> to vector<512x128xf32>
    %div3A_13 = arith.divf %add3A, %div3A : vector<512x128xf32>
    %gt3A = arith.constant 0.000000e+00 : f32
    %gt3A_14 = vector.broadcast %gt3A : f32 to vector<512x128xf32>
    %gt3A_15 = arith.cmpf ogt, %div3A_13, %gt3A_14 : vector<512x128xf32>
    %exp3A = math.exp %div3A_13 : vector<512x128xf32>
    %sub3A = arith.constant 1.000000e+00 : f32
    %sub3A_16 = vector.broadcast %sub3A : f32 to vector<512x128xf32>
    %sub3A_17 = arith.subf %exp3A, %sub3A_16 : vector<512x128xf32>
    %select_n3A = arith.select %gt3A_15, %div3A_13, %sub3A_17 : vector<512x128xi1>, vector<512x128xf32>
    %swap3A = arith.constant 0 : index
    %swap3A_18 = arith.constant 0 : index
    %swap3A_19 = vector.load %arg3[%swap3A, %swap3A_18] : memref<512x128xf32, #tpu.memory_space<vmem>>, vector<512x128xf32>
    tpu.vector_store %arg3[%swap3A, %swap3A_18], %select_n3A {strides = array<i32>} : memref<512x128xf32, #tpu.memory_space<vmem>>, vector<512x128xf32>,
    return
  }
  func.func @transform_0(%arg0: i32) -> (i32, i32, i32) {
    %c0_i32 = arith.constant 0 : i32
    %c0_i32_0 = arith.constant 0 : i32
    %c0_i32_1 = arith.constant 0 : i32
    return %c0_i32, %arg0, %c0_i32_0 : i32, i32, i32
  }
  func.func @transform_1(%arg0: i32) -> (i32, i32) {
    %c0_i32 = arith.constant 0 : i32
    %c0_i32_0 = arith.constant 0 : i32
    return %c0_i32, %arg0 : i32, i32
  }
  func.func @transform_2(%arg0: i32) -> (i32, i32) {
    %c0_i32 = arith.constant 0 : i32
    %c0_i32_0 = arith.constant 0 : i32
    return %arg0, %c0_i32 : i32, i32
  }
}

</mosaic_0001>

<sc_bundles>
// kernel: kernel.5.cloned.1.call-start
scs
__scs_entry_jumppad:
0x0: {  	(pc) =	sbr.rel $0x88, $3  }
0x1: {  	(tag) =	ssettag $0x0;
	lr =	simm.s32 $0x1  }
0x2: {  	[smem:$0x3F9C] =	sst lr;
	_ =	strace $0xD0000000  }
0x3: {  	_ = 	snop  }
0x4: {  	_ = 	snop  }
0x5: {  	_ = 	snop  }
0x6: {  	_ = 	snop  }
0x7: {  	_ = 	snop  }
__scs_overlays_trampoline_lowered:
0x8: {  	[smem:$0x3FAB] =	sst s0  }
0x9: {  	[smem:$0x3FAC] =	sst s1  }
0xa: {  	[smem:$0x3FAD] =	sst s2  }
0xb: {  	[smem:$0x3FAE] =	sst s3  }
0xc: {  	[smem:$0x3FAF] =	sst s4  }
0xd: {  	[smem:$0x3FB0] =	sst s5  }
0xe: {  	[smem:$0x3FB1] =	sst s6  }
0xf: {  	[smem:$0x3FB2] =	sst s7  }
0x10: {  	[smem:$0x3FB3] =	sst s8  }
0x11: {  	[smem:$0x3FB4] =	sst s9;
	s0 =	simm.s32 @!p0 $0x0  }
0x12: {  	s1 =	sld [smem:$0x3F9A];
	s0 =	simm.s32 @p0 $0x1  }
0x13: {  	[smem:$0x3FB5] =	sst s0;
	s0 =	simm.s32 @!p1 $0x0  }
0x14: {  	s2 =	sld [smem:$0x3F99];
	s0 =	simm.s32 @p1 $0x1  }
0x15: {  	[smem:$0x3FB6] =	sst s0;
	s0 =	simm.s32 @!p2 $0x0  }
0x16: {  	s3 =	sld [smem:$0x3FDB];
	s0 =	simm.s32 @p2 $0x1  }
0x17: {  	s4 =	simm.s32 $0x1BF5;
	[smem:$0x3FB8] =	sst s0  }
0x18: {  	s0 =	sld [smem:$0x3F9B];
	_ =	swait.ge [sflag:s4], $0x0  }
0x19: {  	s7 =	sld [smem:$0x3F9C]  }
0x1a: {  	s8 =	sadd.s32 $0xFFFFE003, lr  }
0x1b: {  	s9 =	sadd.s32 $0xFFFFFEF7, lr;
	s5 =	simm.s32 $0xFFFFFFFF;
	p2 =	slt.u32 s8, $0xFFFFF086  }
0x1c: {  	p1 =	slt.u32 s9, $0xF7A;
	s5 =	simm.s32 @!p2 $0x0  }
0x1d: {  	s5 =	simm.s32 @p1 $0x1;
	p0 =	seq.s32 s7, s2  }
0x1e: {  	s7 =	smul.u32 @!p0 $0xF7A, s2;
	p2 =	seq.s32 @!p0 s5, $0x0  }
0x1f: {  	s9 =	smul.u32 $0xF7A, s1;
	s8 =	simm.s32 @!p0 $0x1BF5;
	p2 =	por !p2, p0  }
0x20: {  	[sflag:s8] =	ssyncset.s32 @!p0 $0xFFFFF086;
	s6 =	sadd.s32 @!p0 s3, s7;
	s7 =	simm.s32 @!p0 $0x108  }
0x21: {  	s3 =	sadd.s32 s3, s9;
	s6 =	sadd.s32 @!p0 $0x88, s6;
	s7 =	simm.s32 @p2 $0x1082  }
0x22: {  	[simem:s7], [sflag:s8] =	dma.local @!p0 [hbm:s6], $0xF7A  }
0x23: {  	s9 =	sor.u32 $0xD0000000, s2;
	s6 =	simm.s32 $0x108;
	_ =	swait.ge @!p0 [sflag:s8], $0x0  }
0x24: {  	s3 =	sadd.s32 $0x88, s3;
	s6 =	simm.s32 @!p1 $0x1082;
	[sflag:s4] =	ssyncset.s32 $0xFFFFF086  }
0x25: {  	[simem:s6], [sflag:s4] =	dma.local [hbm:s3], $0xF7A  }
0x26: {  	[smem:$0x3F9C] =	sst s1;
	(tag) =	ssettag s2;
	_ =	strace s9  }
0x27: {  	s1 =	sld [smem:$0x3FAC]  }
0x28: {  	s2 =	sld [smem:$0x3FAD]  }
0x29: {  	s4 =	sld [smem:$0x3FAF]  }
0x2a: {  	p0 =	seq.s32 s5, $0x0;
	s5 =	sld [smem:$0x3FB0]  }
0x2b: {  	s6 =	sld [smem:$0x3FB1]  }
0x2c: {  	s7 =	sld [smem:$0x3FB2]  }
0x2d: {  	s3 =	simm.s32 $0x108;
	s8 =	sld [smem:$0x3FB3]  }
0x2e: {  	s3 =	simm.s32 @!p0 $0x1082;
	s9 =	sld [smem:$0x3FB4]  }
0x2f: {  	lr =	sadd.s32 s0, s3;
	s0 =	sld [smem:$0x3FAB]  }
0x30: {  	s3 =	sld [smem:$0x3FAE]  }
0x31: {  	[smem:$0x3FB7] =	sst s10  }
0x32: {  	s10 =	sld [smem:$0x3FB5];
	_ =	sdelay $0x3  }
0x33: {  	p0 =	seq.s32 s10, $0x1;
	s10 =	sld [smem:$0x3FB7];
	_ =	sdelay $0x3  }
0x34: {  	[smem:$0x3FB7] =	sst s10  }
0x35: {  	s10 =	sld [smem:$0x3FB6];
	_ =	sdelay $0x3  }
0x36: {  	p1 =	seq.s32 s10, $0x1;
	s10 =	sld [smem:$0x3FB7];
	_ =	sdelay $0x3  }
0x37: {  	[smem:$0x3FB7] =	sst s10  }
0x38: {  	s10 =	sld [smem:$0x3FB8]  }
0x39: {  	_ = 	snop;
	(pc) =	sbr.ind lr, $3  }
0x3a: {  	_ = 	snop  }
0x3b: {  	_ = 	snop  }
0x3c: {  	p2 =	seq.s32 s10, $0x1;
	s10 =	sld [smem:$0x3FB7]  }
0x3d: {  	_ =	shalt  }
0x3e: {  	_ =	shalt  }
0x3f: {  	_ =	shalt  }
0x40: {  	_ =	shalt  }
0x41: {  	_ =	shalt  }
0x42: {  	_ =	shalt  }
0x43: {  	_ =	shalt  }
0x44: {  	_ =	shalt  }
0x45: {  	_ =	shalt  }
0x46: {  	_ =	shalt  }
0x47: {  	_ =	shalt  }
0x48: {  	_ =	shalt  }
0x49: {  	_ =	shalt  }
0x4a: {  	_ =	shalt  }
0x4b: {  	_ =	shalt  }
0x4c: {  	_ =	shalt  }
0x4d: {  	_ =	shalt  }
0x4e: {  	_ =	shalt  }
0x4f: {  	_ =	shalt  }
0x50: {  	_ =	shalt  }
0x51: {  	_ =	shalt  }
0x52: {  	_ =	shalt  }
0x53: {  	_ =	shalt  }
0x54: {  	_ =	shalt  }
0x55: {  	_ =	shalt  }
0x56: {  	_ =	shalt  }
0x57: {  	_ =	shalt  }
0x58: {  	_ =	shalt  }
0x59: {  	_ =	shalt  }
0x5a: {  	_ =	shalt  }
0x5b: {  	_ =	shalt  }
0x5c: {  	_ =	shalt  }
0x5d: {  	_ =	shalt  }
0x5e: {  	_ =	shalt  }
0x5f: {  	_ =	shalt  }
0x60: {  	_ =	shalt  }
0x61: {  	_ =	shalt  }
0x62: {  	_ =	shalt  }
0x63: {  	_ =	shalt  }
0x64: {  	_ =	shalt  }
0x65: {  	_ =	shalt  }
0x66: {  	_ =	shalt  }
0x67: {  	_ =	shalt  }
0x68: {  	_ =	shalt  }
0x69: {  	_ =	shalt  }
0x6a: {  	_ =	shalt  }
0x6b: {  	_ =	shalt  }
0x6c: {  	_ =	shalt  }
0x6d: {  	_ =	shalt  }
0x6e: {  	_ =	shalt  }
0x6f: {  	_ =	shalt  }
0x70: {  	_ =	shalt  }
0x71: {  	_ =	shalt  }
0x72: {  	_ =	shalt  }
0x73: {  	_ =	shalt  }
0x74: {  	_ =	shalt  }
0x75: {  	_ =	shalt  }
0x76: {  	_ =	shalt  }
0x77: {  	_ =	shalt  }
0x78: {  	_ =	shalt  }
0x79: {  	_ =	shalt  }
0x7a: {  	_ =	shalt  }
0x7b: {  	_ =	shalt  }
0x7c: {  	_ =	shalt  }
0x7d: {  	_ =	shalt  }
0x7e: {  	_ =	shalt  }
0x7f: {  	_ =	shalt  }
0x80: {  	_ =	shalt  }
0x81: {  	_ =	shalt  }
0x82: {  	_ =	shalt  }
0x83: {  	_ =	shalt  }
0x84: {  	_ =	shalt  }
0x85: {  	_ =	shalt  }
0x86: {  	_ =	shalt  }
0x87: {  	_ =	shalt  }
.Lfunc_end0:
.L_simem_size_0:
called_computation_lowered:
.L_overlay_start_0:
0x88: {  	s2 =	sld [smem:$0x3FD9]  }
0x89: {  	s3 =	sld [smem:$0x3FFE];
	_ =	sdelay $0x1  }
0x8a: {  	s1 =	srdreg.scid  }
0x8b: {  	s0 =	sand.u32 $0x1, s1  }
0x8c: {  	s17 =	sshll.u32 s0, $0xA;
	s2 =	sadd.s32 s3, s2  }
0x8d: {  	s2 =	sadd.s32 s2, s17  }
0x8e: {  	[smem:$0x3FC3] =	sst s2  }
0x8f: {  	_ = 	snop  }
0x90: {  	s2 =	sld [smem:$0x3FD0];
	(tm) =	ssettm $0x1  }
0x91: {  	s18 =	sld [smem:$0x3FFB];
	_ =	sdelay $0x3  }
0x92: {  	_ =	strace s18  }
0x93: {  	s3 =	sld [smem:$0x3FFC];
	_ =	sdelay $0x3  }
0x94: {  	_ =	strace s3  }
0x95: {  	s3 =	sld [smem:$0x3FFD];
	_ =	sdelay $0x3  }
0x96: {  	_ =	strace s3  }
0x97: {  	_ =	strace $0x8FFFFFFF  }
0x98: {  	s19 =	sld [smem:$0x3FDB];
	_ =	sdelay $0x1  }
0x99: {  	s4 =	simm.s32 $_scs_section_size  }
0x9a: {  	s5 =	simm.s32 $_size__tile_overlayer_lowered;
	s6 =	simm.s32 $_tile_overlayer_lowered  }
0x9b: {  	s22 =	simm.s32 $0x1BFF;
	s21 =	sshll.u32 s6, $0x1;
	s3 =	sadd.s32 s4, s19  }
0x9c: {  	s7 =	simm.s32 $0x0;
	s20 =	sshll.u32 s5, $0x1;
	s5 =	sadd.s32 s21, s3  }
0x9d: {  	[timem:s7], [sflag:s22] =	dma.local [hbm:s5], s20  }
0x9e: {  	_ =	swait.ge [sflag:s22], s20  }
0x9f: {  	s4 =	ssub.s32 $0x0, s20;
	[sflag:s22] =	ssyncset.done $0x0  }
0xa0: {  	[sflag:s22] =	ssyncadd.s32 s4;
	_ =	sdelay $0x1  }
0xa1: {  	s23 =	simm.s32 $0x1B8B  }
0xa2: {  	_ =	swait.ge [sflag:s23], $0x1  }
0xa3: {  	[sflag:s23] =	ssyncset.done $0x0  }
0xa4: {  	s25 =	simm.s32 $0x1B8E;
	s24 =	sld [smem:$0x3FFE];
	[sflag:s23] =	ssyncadd.s32 $0xFFFFFFFF  }
0xa5: {  	s26 =	simm.s32 $execute0_lowered;
	[smem:$0x3FD2] =	sst s25  }
0xa6: {  	s5 =	sshll.u32 s26, $0x1;
	_ =	strace $0x80000046;
	[dreg:$0x1] =	wrdreg $0xFFFFFFFF  }
0xa7: {  	s28 =	simm.s32 $_size_execute0_lowered;
	s3 =	sadd.s32 s3, s5;
	[dreg:$0x0] =	wrdreg $0x0  }
0xa8: {  	s5 =	sshll.u32 s28, $0x1;
	[dreg:$0x2] =	wrdreg s3  }
0xa9: {  	[dreg:$0x3] =	wrdreg s5  }
0xaa: {  	[dreg:$0x4] =	wrdreg $0xC0  }
0xab: {  	_ =	task [dreg:s7], $0x5FFFF  }
0xac: {  	[dreg:$0x1] =	wrdreg $0xFFFFFFFF  }
0xad: {  	[dreg:$0x0] =	wrdreg $0x60  }
0xae: {  	[dreg:$0x2] =	wrdreg s24  }
0xaf: {  	[dreg:$0x3] =	wrdreg s2  }
0xb0: {  	[dreg:$0x4] =	wrdreg $0xB0000  }
0xb1: {  	[dreg:$0x5] =	wrdreg $0x9  }
0xb2: {  	_ =	task.clear_ibuf [dreg:s7], $0x6FFFF;
	_ =	strace $0x90000046  }
0xb3: {  	s29 =	simm.s32 $0x9;
	_ =	strace $0x80000048  }
0xb4: {  	_ =	swait.ge [sflag:s29], $0x1  }
0xb5: {  	[sflag:s29] =	ssyncadd.s32 $0xFFFFFFFF  }
0xb6: {  	_ =	strace $0x90000048  }
0xb7: {  	_ =	sfence  }
0xb8: {  	s30 =	sld [smem:$0x0];
	_ =	sdelay $0x2  }
0xb9: {  	s31 =	sshll.u32 s1, $0xD;
	s1 =	sshrl.u32 s1, $0x2  }
0xba: {  	s3 =	sand.u32 $0x4000, s31;
	s1 =	sadd.s32 s1, s30  }
0xbb: {  	s0 =	sor.u32 s3, s0;
	s1 =	sshll.u32 s1, $0x11  }
0xbc: {  	s0 =	sor.u32 s1, s0  }
0xbd: {  	s0 =	sadd.s32 $0x8F2B, s0  }
0xbe: {  	[sflag:s0] =	ssyncadd.remote.s32 $0x1  }
0xbf: {  	_ =	sfence.sel $0xFFFF  }
0xc0: {  	[dreg:$0x0] =	wrdreg $0xFFFFFFFF;
	(pc) =	sbr.abs _section_cstart, $3  }
0xc1: {  	[dreg:$0x1] =	wrdreg $0xFFFFFFFF  }
0xc2: {  	_ =	task.clear_ibuf [dreg:s7], $0x2FFFF;
	_ =	strace $0x9FFFFFFF  }
0xc3: {  	(tm) =	ssettm $0x7FFFFFFF  }
tec
execute0_lowered:
.L_overlay_start_1:
0x0: {  	(tag) =	ssettag $0x1  }
0x1: {  	s0 =	rddreg [dreg:$0x0]  }
0x2: {  	s1 =	rddreg [dreg:$0x1]  }
0x3: {  	s2 =	rddreg [dreg:$0x2];
	s3 =	simm.s32 $0x0;
	s23 =	srdreg.scid  }
0x4: {  	s12 =	stileid.u32;
	s28 =	simm.s32 $0x80;
	s29 =	simm.s32 $0x400  }
0x5: {  	s30 =	simm.s32 $0x9;
	s31 =	simm.s32 $0x2;
	[smem:$0x7FF] =	sst s3  }
0x6: {  	s5 =	sadd.s32 $0xB200, s0;
	s3 =	sand.u32 $0x1, s23;
	s9 =	smul.u32 $0x14000, s12  }
0x7: {  	s6 =	sadd.s32 $0x33800, s0;
	s8 =	sadd.s32 $0x1200, s0;
	s11 =	smul.u32 $0x1800, s12  }
0x8: {  	s25 =	sshll.u32 s12, $0x7;
	s26 =	smul.u32 $0x50000, s12;
	_ =	strace $0x80000047  }
0x9: {  	s4 =	smul.u32 $0x140000, s3;
	s7 =	sshll.u32 s3, $0x4;
	p0 =	seq.s32 s3, $0x0  }
0xa: {  	s3 =	ssub.s32 $0x2, s3;
	s10 =	sor.u32 s12, s7;
	s7 =	sadd.s32 $0x33200, s0  }
0xb: {  	s11 =	sadd.s32 $0x38000, s11;
	s15 =	sshrl.u32 s26, $0x2;
	s10 =	sshrl.u32 s10, $0x3  }
0xc: {  	s4 =	sadd.s32 s9, s4;
	s19 =	sadd.s32 s15, s2;
	s15 =	simm.s32 $0x4  }
0xd: {  	s24 =	smul.u32 $0x14000, s10;
	s17 =	sadd.s32 $0x4000, s19;
	[dreg:$0x6] =	wrdreg s19  }
0xe: {  	s4 =	sshrl.u32 s4, $0x3;
	s18 =	sadd.s32 $0x8000, s19;
	[dreg:$0x8] =	wrdreg s17  }
0xf: {  	s10 =	sand.u32 $0x380, s25;
	s20 =	sadd.s32 $0xC000, s19;
	[dreg:$0x9] =	wrdreg s18  }
0x10: {  	s21 =	sadd.s32 $0x10000, s19;
	s4 =	sadd.s32 s4, s0;
	[dreg:$0xa] =	wrdreg s20  }
0x11: {  	[dreg:$0xb] =	wrdreg s21;
	s20 =	simm.s32 $0xB;
	s17 =	simm.s32 $0x380  }
0x12: {  	s18 =	simm.s32 $0xA;
	s9 =	sor.u32 s10, s24;
	s10 =	smul.u32 $0x3800, s12  }
0x13: {  	s12 =	sshrl.u32 s3, $0x1;
	s4 =	sadd.s32 $0x33E00, s4;
	s9 =	sshrl.u32 s9, $0x3  }
0x14: {  	s3 =	ssub.s32 s3, s12;
	[dreg:$0x11] =	wrdreg s4;
	s4 =	simm.s32 $0x280  }
0x15: {  	s0 =	sadd.s32 s9, s0;
	s9 =	simm.s32 $0x1C;
	s26 =	smax.u32 s3, $0x1  }
0x16: {  	s11 =	smov.u32 @p0 s10;
	s9 =	simm.s32 @!p0 $0xC;
	[dreg:$0x13] =	wrdreg s26  }
0x17: {  	s12 =	simm.s32 $0x180;
	s22 =	sor.u32 $0x80, s11;
	[dreg:$0x7] =	wrdreg s9  }
0x18: {  	s10 =	simm.s32 $0x7;
	s23 =	sor.u32 $0x100, s11;
	[dreg:$0xd] =	wrdreg s22  }
0x19: {  	s13 =	sshrl.u32 s11, $0x3;
	s24 =	sor.u32 $0x180, s11;
	[dreg:$0xe] =	wrdreg s23  }
0x1a: {  	s25 =	sor.u32 $0x200, s11;
	s0 =	sadd.s32 $0x83E00, s0;
	[dreg:$0xf] =	wrdreg s24  }
0x1b: {  	s26 =	simm.s32 $0x300;
	s11 =	simm.s32 $0x6;
	[dreg:$0x10] =	wrdreg s25  }
0x1c: {  	s14 =	sadd.s32 s1, s13;
	s16 =	sadd.s32 s8, s13;
	[dreg:$0x12] =	wrdreg s0  }
0x1d: {  	s9 =	sadd.s32 $0xFFFFFFFF, s9;
	s0 =	simm.s32 $0x4400;
	[dreg:$0x4] =	wrdreg s14  }
0x1e: {  	s13 =	simm.s32 $0x8800;
	s23 =	simm.s32 $0x1;
	[dreg:$0x5] =	wrdreg s16  }
0x1f: {  	s24 =	simm.s32 $0x100;
	s25 =	simm.s32 $0x8;
	[dreg:$0xc] =	wrdreg s9  }
0x20: {  	v0 =	vimm.f32 $0.0e+00;
	s9 =	simm.s32 $0x5;
	s14 =	simm.s32 $0x3;
	s16 =	simm.s32 $0x0  }
.LBB2_1:
0x21: {  	[dreg:$0x14] =	wrdreg s16  }
0x22: {  	s3 =	simm.s32 $0x0;
	s21 =	rddreg [dreg:$0x4]  }
0x23: {  	[tilespmem:s3], [sflag:$0xB] =	stream.linear.gather [hbm4b:s21+s3], $0x80, $0x38;
	[tilespmem:$0x1F000] =	vst v63  }
0x24: {  	_ =	swait.ge [sflag:s20], $0x80  }
0x25: {  	[sflag:s20] =	ssyncset.done $0x0  }
0x26: {  	s21 =	simm.s32 $0x200;
	s22 =	rddreg [dreg:$0x5];
	[sflag:s20] =	ssyncadd.s32 $0xFFFFFF80  }
0x27: {  	[tilespmem:s21], [sflag:$0xB] =	stream.linear.gather [hbm4b:s22+s3], $0x80, $0x38;
	[tilespmem:$0x1F000] =	vst v63  }
0x28: {  	_ =	swait.ge [sflag:s20], $0x80  }
0x29: {  	[sflag:s20] =	ssyncset.done $0x0  }
0x2a: {  	[sflag:s20] =	ssyncadd.s32 $0xFFFFFF80  }
0x2b: {  	[tilespmem:s29], [sflag:$0x1] =	stream.indirect.gather [hbm4b:s5+s28], $0x80, s21, s28, $0xb8;
	[tilespmem:$0x1F000] =	vst v63  }
0x2c: {  	s22 =	simm.s32 $0x8400  }
0x2d: {  	[tilespmem:s22], [sflag:$0x5] =	stream.indirect.gather [hbm4b:s6+s28], $0x1, s3, s28, $0xb8;
	[tilespmem:$0x1F000] =	vst v63  }
0x2e: {  	s16 =	simm.s32 $0x200;
	s22 =	simm.s32 $0x8500;
	s3 =	simm.s32 $0x0  }
0x2f: {  	[tilespmem:s22], [sflag:$0x7] =	stream.indirect.gather [hbm4b:s7+s28], $0x1, s21, s28, $0xb8;
	[tilespmem:$0x1F000] =	vst v63  }
.LBB2_2:
0x30: {  	p0 =	sne.s32 s16, $0xFE00;
	[tilespmem:s3+$0x4470] =	vst v0  }
0x31: {  	[tilespmem:s3+$0x4400] =	vst v0  }
0x32: {  	[tilespmem:s3+$0x4410] =	vst v0  }
.Ltmp0:
0x33: {  	[tilespmem:s3+$0x4420] =	vst v0;
	(pc) =	sbr.rel @p0 .LBB2_2-.Ltmp0, $4  }
0x34: {  	[tilespmem:s3+$0x4430] =	vst v0  }
0x35: {  	[tilespmem:s3+$0x4440] =	vst v0  }
0x36: {  	[tilespmem:s3+$0x4450] =	vst v0  }
0x37: {  	[tilespmem:s3+$0x4460] =	vst v0;
	s3 =	sshra.s32 s16, $0x2;
	s16 =	sadd.s32 $0x200, s16  }
0x38: {  	[tilespmem:s3+$0x4470] =	vst v0  }
0x39: {  	[tilespmem:s3+$0x4400] =	vst v0  }
0x3a: {  	[tilespmem:s3+$0x4410] =	vst v0  }
0x3b: {  	[tilespmem:s3+$0x4420] =	vst v0  }
0x3c: {  	[tilespmem:s3+$0x4430] =	vst v0  }
0x3d: {  	[tilespmem:s3+$0x4440] =	vst v0  }
0x3e: {  	[tilespmem:s3+$0x4450] =	vst v0  }
0x3f: {  	[tilespmem:s3+$0x4460] =	vst v0  }
0x40: {  	[spmem:s19] =	stream.linear.scatter [tilespmem:s0], [sflag:$0xB], $0x4000, $0x38;
	[tilespmem:$0x1F000] =	vst v63  }
0x41: {  	_ =	swait.ge [sflag:s20], $0x4000  }
0x42: {  	[sflag:s20] =	ssyncset.done $0x0  }
0x43: {  	s16 =	rddreg [dreg:$0x8];
	[sflag:s20] =	ssyncadd.s32 $0xFFFFC000  }
0x44: {  	[spmem:s16] =	stream.linear.scatter [tilespmem:s0], [sflag:$0xB], $0x4000, $0x38;
	[tilespmem:$0x1F000] =	vst v63  }
0x45: {  	_ =	swait.ge [sflag:s20], $0x4000  }
0x46: {  	[sflag:s20] =	ssyncset.done $0x0  }
0x47: {  	s19 =	rddreg [dreg:$0x9];
	[sflag:s20] =	ssyncadd.s32 $0xFFFFC000  }
0x48: {  	[spmem:s19] =	stream.linear.scatter [tilespmem:s0], [sflag:$0xB], $0x4000, $0x38;
	[tilespmem:$0x1F000] =	vst v63  }
0x49: {  	_ =	swait.ge [sflag:s20], $0x4000  }
0x4a: {  	[sflag:s20] =	ssyncset.done $0x0  }
0x4b: {  	s21 =	rddreg [dreg:$0xa];
	[sflag:s20] =	ssyncadd.s32 $0xFFFFC000  }
0x4c: {  	[spmem:s21] =	stream.linear.scatter [tilespmem:s0], [sflag:$0xB], $0x4000, $0x38;
	[tilespmem:$0x1F000] =	vst v63  }
0x4d: {  	_ =	swait.ge [sflag:s20], $0x4000  }
0x4e: {  	[sflag:s20] =	ssyncset.done $0x0  }
0x4f: {  	s22 =	rddreg [dreg:$0xb];
	[sflag:s20] =	ssyncadd.s32 $0xFFFFC000  }
0x50: {  	[spmem:s22] =	stream.linear.scatter [tilespmem:s0], [sflag:$0xB], $0x4000, $0x38;
	[tilespmem:$0x1F000] =	vst v63  }
0x51: {  	_ =	swait.ge [sflag:s20], $0x4000  }
0x52: {  	[sflag:s20] =	ssyncset.done $0x0  }
0x53: {  	s3 =	simm.s32 $0x0;
	s16 =	simm.s32 $0x200;
	[sflag:s20] =	ssyncadd.s32 $0xFFFFC000  }
.LBB2_4:
0x54: {  	p0 =	sne.s32 s16, $0x9E00;
	[tilespmem:s3+$0x8870] =	vst v0  }
0x55: {  	[tilespmem:s3+$0x8800] =	vst v0  }
0x56: {  	[tilespmem:s3+$0x8810] =	vst v0  }
.Ltmp1:
0x57: {  	[tilespmem:s3+$0x8820] =	vst v0;
	(pc) =	sbr.rel @p0 .LBB2_4-.Ltmp1, $4  }
0x58: {  	[tilespmem:s3+$0x8830] =	vst v0  }
0x59: {  	[tilespmem:s3+$0x8840] =	vst v0  }
0x5a: {  	[tilespmem:s3+$0x8850] =	vst v0  }
0x5b: {  	[tilespmem:s3+$0x8860] =	vst v0;
	s3 =	sshra.s32 s16, $0x2;
	s16 =	sadd.s32 $0x200, s16  }
0x5c: {  	[tilespmem:s3+$0x8870] =	vst v0  }
0x5d: {  	[tilespmem:s3+$0x8800] =	vst v0  }
0x5e: {  	[tilespmem:s3+$0x8810] =	vst v0  }
0x5f: {  	[tilespmem:s3+$0x8820] =	vst v0  }
0x60: {  	[tilespmem:s3+$0x8830] =	vst v0  }
0x61: {  	[tilespmem:s3+$0x8840] =	vst v0  }
0x62: {  	[tilespmem:s3+$0x8850] =	vst v0  }
0x63: {  	[tilespmem:s3+$0x8860] =	vst v0  }
0x64: {  	s19 =	simm.s32 $0x0;
	[bflag:$0x0] =	sbarrier.arrive $0xFFFF  }
.LBB2_6:
0x65: {  	s20 =	sshll.u32 s19, $0x9;
	s3 =	rddreg [dreg:$0xd]  }
0x66: {  	s3 =	sadd.s32 s20, s3  }
0x67: {  	s3 =	sshrl.u32 s3, $0x3  }
0x68: {  	s21 =	simm.s32 $0x0;
	s16 =	sadd.s32 s1, s3  }
0x69: {  	[tilespmem:s28], [sflag:$0x3] =	stream.linear.gather [hbm4b:s16+s21], $0x80, $0x38;
	[tilespmem:$0x1F000] =	vst v63  }
0x6a: {  	s3 =	sadd.s32 s8, s3  }
0x6b: {  	[tilespmem:s4], [sflag:$0x4] =	stream.linear.gather [hbm4b:s3+s21], $0x80, $0x38;
	[tilespmem:$0x1F000] =	vst v63  }
0x6c: {  	_ =	swait.ge [sflag:s9], $0x80  }
0x6d: {  	[sflag:s9] =	ssyncset.done $0x0  }
0x6e: {  	[sflag:s9] =	ssyncadd.s32 $0xFFFFFF80  }
0x6f: {  	_ =	swait.ge [sflag:s10], $0x80  }
0x70: {  	[sflag:s10] =	ssyncset.done $0x0  }
0x71: {  	[sflag:s10] =	ssyncadd.s32 $0xFFFFFF80  }
0x72: {  	v1 =	vld [tilespmem:$0x8400]  }
0x73: {  	v2 =	vld [tilespmem:$0x8500];
	_ =	sdelay $0x4  }
0x74: {  	v1 =	vadd.f32 v2, v1;
	_ =	sdelay $0x1  }
0x75: {  	v2 =	vmul.f32 $2.000000030e-01, v1  }
0x76: {  	vm0 =	vgt.f32 v1, $0.0e+00  }
0x77: {  	v1 =	vsel vm0, v1, v2  }
0x78: {  	v1 =	vmul.f32 $1.442695020e+00, v1;
	_ =	sdelay $0x1  }
0x79: {  	(erf) = vpow2.f32 v1;
	_ =	sdelay $0x2  }
0x7a: {  	v1 =	vld [tilespmem:$0x0];
	_ =	sdelay $0x5  }
0x7b: {  	v2 =	vpop (erf)  }
0x7c: {  	[tilespmem:$0x8600] =	vst v2  }
0x7d: {  	[tilespmem:v1+s13+$0x0] =	vst.idx.add.f32.msk $0xffff, v2  }
0x7e: {  	v1 =	vld [tilespmem:$0x8410]  }
0x7f: {  	v2 =	vld [tilespmem:$0x8510];
	_ =	sdelay $0x4  }
0x80: {  	v1 =	vadd.f32 v2, v1;
	_ =	sdelay $0x1  }
0x81: {  	v2 =	vmul.f32 $2.000000030e-01, v1  }
0x82: {  	vm9 =	vgt.f32 v1, $0.0e+00  }
0x83: {  	v1 =	vsel vm9, v1, v2  }
0x84: {  	v1 =	vmul.f32 $1.442695020e+00, v1;
	_ =	sdelay $0x1  }
0x85: {  	(erf) = vpow2.f32 v1;
	_ =	sdelay $0x2  }
0x86: {  	v1 =	vld [tilespmem:$0x10];
	_ =	sdelay $0x5  }
0x87: {  	v2 =	vpop (erf)  }
0x88: {  	[tilespmem:$0x8610] =	vst v2  }
0x89: {  	[tilespmem:v1+s13+$0x0] =	vst.idx.add.f32.msk $0xffff, v2  }
0x8a: {  	v1 =	vld [tilespmem:$0x8420]  }
0x8b: {  	v2 =	vld [tilespmem:$0x8520];
	_ =	sdelay $0x4  }
0x8c: {  	v1 =	vadd.f32 v2, v1;
	_ =	sdelay $0x1  }
0x8d: {  	v2 =	vmul.f32 $2.000000030e-01, v1  }
0x8e: {  	vm10 =	vgt.f32 v1, $0.0e+00  }
0x8f: {  	v1 =	vsel vm10, v1, v2  }
0x90: {  	v1 =	vmul.f32 $1.442695020e+00, v1;
	_ =	sdelay $0x1  }
0x91: {  	(erf) = vpow2.f32 v1;
	_ =	sdelay $0x2  }
0x92: {  	v1 =	vld [tilespmem:$0x20];
	_ =	sdelay $0x5  }
0x93: {  	v2 =	vpop (erf)  }
0x94: {  	[tilespmem:$0x8620] =	vst v2  }
0x95: {  	[tilespmem:v1+s13+$0x0] =	vst.idx.add.f32.msk $0xffff, v2  }
0x96: {  	v1 =	vld [tilespmem:$0x8430]  }
0x97: {  	v2 =	vld [tilespmem:$0x8530];
	_ =	sdelay $0x4  }
0x98: {  	v1 =	vadd.f32 v2, v1;
	_ =	sdelay $0x1  }
0x99: {  	v2 =	vmul.f32 $2.000000030e-01, v1  }
0x9a: {  	vm11 =	vgt.f32 v1, $0.0e+00  }
0x9b: {  	v1 =	vsel vm11, v1, v2  }
0x9c: {  	v1 =	vmul.f32 $1.442695020e+00, v1;
	_ =	sdelay $0x1  }
0x9d: {  	(erf) = vpow2.f32 v1;
	_ =	sdelay $0x2  }
0x9e: {  	v1 =	vld [tilespmem:$0x30];
	_ =	sdelay $0x5  }
0x9f: {  	v2 =	vpop (erf)  }
0xa0: {  	[tilespmem:$0x8630] =	vst v2  }
0xa1: {  	[tilespmem:v1+s13+$0x0] =	vst.idx.add.f32.msk $0xffff, v2  }
0xa2: {  	v1 =	vld [tilespmem:$0x8440]  }
0xa3: {  	v2 =	vld [tilespmem:$0x8540];
	_ =	sdelay $0x4  }
0xa4: {  	v1 =	vadd.f32 v2, v1;
	_ =	sdelay $0x1  }
0xa5: {  	v2 =	vmul.f32 $2.000000030e-01, v1  }
0xa6: {  	vm12 =	vgt.f32 v1, $0.0e+00  }
0xa7: {  	v1 =	vsel vm12, v1, v2  }
0xa8: {  	v1 =	vmul.f32 $1.442695020e+00, v1;
	_ =	sdelay $0x1  }
0xa9: {  	(erf) = vpow2.f32 v1;
	_ =	sdelay $0x2  }
0xaa: {  	v1 =	vld [tilespmem:$0x40];
	_ =	sdelay $0x5  }
0xab: {  	v2 =	vpop (erf)  }
0xac: {  	[tilespmem:$0x8640] =	vst v2  }
0xad: {  	[tilespmem:v1+s13+$0x0] =	vst.idx.add.f32.msk $0xffff, v2  }
0xae: {  	v1 =	vld [tilespmem:$0x8450]  }
0xaf: {  	v2 =	vld [tilespmem:$0x8550];
	_ =	sdelay $0x4  }
0xb0: {  	v1 =	vadd.f32 v2, v1;
	_ =	sdelay $0x1  }
0xb1: {  	v2 =	vmul.f32 $2.000000030e-01, v1  }
0xb2: {  	vm13 =	vgt.f32 v1, $0.0e+00  }
0xb3: {  	v1 =	vsel vm13, v1, v2  }
0xb4: {  	v1 =	vmul.f32 $1.442695020e+00, v1;
	_ =	sdelay $0x1  }
0xb5: {  	(erf) = vpow2.f32 v1;
	_ =	sdelay $0x2  }
0xb6: {  	v1 =	vld [tilespmem:$0x50];
	_ =	sdelay $0x5  }
0xb7: {  	v2 =	vpop (erf)  }
0xb8: {  	[tilespmem:$0x8650] =	vst v2  }
0xb9: {  	[tilespmem:v1+s13+$0x0] =	vst.idx.add.f32.msk $0xffff, v2  }
0xba: {  	v1 =	vld [tilespmem:$0x8460]  }
0xbb: {  	v2 =	vld [tilespmem:$0x8560];
	_ =	sdelay $0x4  }
0xbc: {  	v1 =	vadd.f32 v2, v1;
	_ =	sdelay $0x1  }
0xbd: {  	v2 =	vmul.f32 $2.000000030e-01, v1  }
0xbe: {  	vm14 =	vgt.f32 v1, $0.0e+00  }
0xbf: {  	v1 =	vsel vm14, v1, v2  }
0xc0: {  	v1 =	vmul.f32 $1.442695020e+00, v1;
	_ =	sdelay $0x1  }
0xc1: {  	(erf) = vpow2.f32 v1;
	_ =	sdelay $0x2  }
0xc2: {  	v1 =	vld [tilespmem:$0x60];
	_ =	sdelay $0x5  }
0xc3: {  	v2 =	vpop (erf)  }
0xc4: {  	[tilespmem:$0x8660] =	vst v2  }
0xc5: {  	[tilespmem:v1+s13+$0x0] =	vst.idx.add.f32.msk $0xffff, v2  }
0xc6: {  	v1 =	vld [tilespmem:$0x8470]  }
0xc7: {  	v2 =	vld [tilespmem:$0x8570];
	_ =	sdelay $0x4  }
0xc8: {  	v1 =	vadd.f32 v2, v1;
	_ =	sdelay $0x1  }
0xc9: {  	v2 =	vmul.f32 $2.000000030e-01, v1  }
0xca: {  	vm15 =	vgt.f32 v1, $0.0e+00  }
0xcb: {  	v1 =	vsel vm15, v1, v2  }
0xcc: {  	v1 =	vmul.f32 $1.442695020e+00, v1;
	_ =	sdelay $0x1  }
0xcd: {  	(erf) = vpow2.f32 v1;
	_ =	sdelay $0x2  }
0xce: {  	v1 =	vld [tilespmem:$0x70];
	_ =	sdelay $0x5  }
0xcf: {  	v2 =	vpop (erf)  }
0xd0: {  	p0 =	seq.s32 s19, $0x0;
	[tilespmem:$0x8670] =	vst v2  }
0xd1: {  	s3 =	simm.s32 @!p0 $0xA;
	[tilespmem:v1+s13+$0x0] =	vst.idx.add.f32.msk $0xffff, v2  }
0xd2: {  	_ =	swait.ge @!p0 [sflag:s3], $0x4000  }
0xd3: {  	[sflag:s3] =	ssyncset.done @!p0 $0x0  }
0xd4: {  	[sflag:s3] =	ssyncadd.s32 @!p0 $0xFFFFC000  }
0xd5: {  	_ =	swait.ge [sflag:s14], $0x80  }
0xd6: {  	[sflag:s14] =	ssyncset.done $0x0  }
0xd7: {  	[sflag:s14] =	ssyncadd.s32 $0xFFFFFF80  }
0xd8: {  	_ =	swait.ge [sflag:s15], $0x80  }
0xd9: {  	[sflag:s15] =	ssyncset.done $0x0  }
0xda: {  	[sflag:s15] =	ssyncadd.s32 $0xFFFFFF80  }
0xdb: {  	[tilespmem:s0], [sflag:$0x2] =	stream.indirect.gather [hbm4b:s5+s28], $0x80, s4, s28, $0xb8;
	[tilespmem:$0x1F000] =	vst v63  }
0xdc: {  	s16 =	simm.s32 $0x8480  }
0xdd: {  	[tilespmem:s16], [sflag:$0x6] =	stream.indirect.gather [hbm4b:s6+s28], $0x1, s28, s28, $0xb8;
	[tilespmem:$0x1F000] =	vst v63  }
0xde: {  	s21 =	simm.s32 $0x8580  }
0xdf: {  	[tilespmem:s21], [sflag:$0x8] =	stream.indirect.gather [hbm4b:s7+s28], $0x1, s4, s28, $0xb8;
	[tilespmem:$0x1F000] =	vst v63  }
0xe0: {  	_ =	swait.ge [sflag:s23], $0x4000  }
0xe1: {  	[sflag:s23] =	ssyncset.done $0x0  }
0xe2: {  	s3 =	simm.s32 $0x440;
	[sflag:s23] =	ssyncadd.s32 $0xFFFFC000  }
0xe3: {  	v5 =	vld [tilespmem:s3+$0x30]  }
0xe4: {  	v8 =	vld [tilespmem:s3+$0x10]  }
0xe5: {  	s22 =	simm.s32 $0x0;
	v6 =	vld [tilespmem:s3+$0xFFFFFFC0]  }
0xe6: {  	v2 =	vld.msk [tilespmem:s22+$0x8600 ss:$0x0], $0xffff  }
0xe7: {  	v10 =	vld [tilespmem:s3+$0xFFFFFFE0]  }
0xe8: {  	v1 =	vld [tilespmem:s3+$0xFFFFFFF0]  }
0xe9: {  	v3 =	vld [tilespmem:s3+$0x20]  }
0xea: {  	v4 =	vld [tilespmem:s3+$0xFFFFFFD0]  }
0xeb: {  	v9 =	vmul.f32 v5, v2;
	v5 =	vld [tilespmem:s3+$0x0]  }
0xec: {  	v7 =	vmul.f32 v2, v6  }
0xed: {  	s16 =	simm.s32 $0x440;
	s21 =	simm.s32 $0x4;
	v6 =	vmul.f32 v10, v2;
	v8 =	vmul.f32 v8, v2  }
.LBB2_7:
0xee: {  	p0 =	sne.s32 s21, $0x1FC  }
0xef: {  	v4 =	vmul.f32 v4, v2;
	v3 =	vmul.f32 v3, v2;
	[tilespmem:s3+$0x30] =	vst v9;
	s16 =	sadd.s32 $0x80, s16;
	s22 =	smov.u32 s21;
	s21 =	sadd.s32 $0x4, s21  }
0xf0: {  	[tilespmem:s3+$0xFFFFFFC0] =	vst v7;
	v7 =	vmul.f32 v1, v2;
	v2 =	vmul.f32 v5, v2  }
0xf1: {  	[tilespmem:s3+$0x10] =	vst v8  }
0xf2: {  	[tilespmem:s3+$0xFFFFFFE0] =	vst v6  }
0xf3: {  	v1 =	vld [tilespmem:s16+$0xFFFFFFF0];
	[tilespmem:s3+$0xFFFFFFF0] =	vst v7  }
0xf4: {  	v6 =	vld [tilespmem:s16+$0x30];
	[tilespmem:s3+$0x0] =	vst v2  }
0xf5: {  	v8 =	vld [tilespmem:s16+$0x10];
	[tilespmem:s3+$0x20] =	vst v3  }
0xf6: {  	s22 =	sshra.s32 s22, $0x2;
	v7 =	vld [tilespmem:s16+$0xFFFFFFC0];
	[tilespmem:s3+$0xFFFFFFD0] =	vst v4;
	s3 =	smov.u32 s16  }
0xf7: {  	v2 =	vld.msk [tilespmem:s22+$0x8600 ss:$0x0], $0xffff  }
0xf8: {  	v10 =	vld [tilespmem:s16+$0xFFFFFFE0]  }
0xf9: {  	v3 =	vld [tilespmem:s16+$0x20]  }
.Ltmp2:
0xfa: {  	v4 =	vld [tilespmem:s16+$0xFFFFFFD0];
	(pc) =	sbr.rel @p0 .LBB2_7-.Ltmp2, $3  }
0xfb: {  	v5 =	vld [tilespmem:s16+$0x0];
	_ =	sdelay $0x1  }
0xfc: {  	v7 =	vmul.f32 v2, v7;
	v9 =	vmul.f32 v6, v2  }
0xfd: {  	v8 =	vmul.f32 v8, v2;
	v6 =	vmul.f32 v10, v2  }
0xfe: {  	[tilespmem:s3+$0x30] =	vst v9  }
0xff: {  	[tilespmem:s3+$0xFFFFFFC0] =	vst v7  }
0x100: {  	v1 =	vmul.f32 v1, v2;
	[tilespmem:s3+$0x10] =	vst v8  }
0x101: {  	v3 =	vmul.f32 v3, v2;
	[tilespmem:s3+$0xFFFFFFE0] =	vst v6  }
0x102: {  	v5 =	vmul.f32 v5, v2;
	[tilespmem:s3+$0xFFFFFFF0] =	vst v1  }
0x103: {  	s16 =	rddreg [dreg:$0xe];
	v1 =	vmul.f32 v4, v2;
	[tilespmem:s3+$0x20] =	vst v3  }
0x104: {  	s16 =	sadd.s32 s20, s16;
	[tilespmem:s3+$0x0] =	vst v5  }
0x105: {  	s22 =	simm.s32 $0x0;
	s16 =	sshrl.u32 s16, $0x3;
	[tilespmem:s3+$0xFFFFFFD0] =	vst v1  }
0x106: {  	[spmem:s2] =	stream.indirect.scatter.add.f32 [tilespmem:s29], [sflag:$0x9], $0x80, s22, s28, $0xb8;
	[tilespmem:$0x1F000] =	vst v63  }
0x107: {  	s21 =	sadd.s32 s1, s16  }
0x108: {  	[tilespmem:s24], [sflag:$0x3] =	stream.linear.gather [hbm4b:s21+s22], $0x80, $0x38;
	[tilespmem:$0x1F000] =	vst v63  }
0x109: {  	s16 =	sadd.s32 s8, s16  }
0x10a: {  	[tilespmem:s26], [sflag:$0x4] =	stream.linear.gather [hbm4b:s16+s22], $0x80, $0x38;
	[tilespmem:$0x1F000] =	vst v63  }
0x10b: {  	_ =	swait.ge [sflag:s11], $0x80  }
0x10c: {  	[sflag:s11] =	ssyncset.done $0x0  }
0x10d: {  	[sflag:s11] =	ssyncadd.s32 $0xFFFFFF80  }
0x10e: {  	_ =	swait.ge [sflag:s25], $0x80  }
0x10f: {  	[sflag:s25] =	ssyncset.done $0x0  }
0x110: {  	[sflag:s25] =	ssyncadd.s32 $0xFFFFFF80  }
0x111: {  	v1 =	vld [tilespmem:$0x8480]  }
0x112: {  	v2 =	vld [tilespmem:$0x8580];
	_ =	sdelay $0x4  }
0x113: {  	v1 =	vadd.f32 v2, v1;
	_ =	sdelay $0x1  }
0x114: {  	v2 =	vmul.f32 $2.000000030e-01, v1  }
0x115: {  	vm0 =	vgt.f32 v1, $0.0e+00  }
0x116: {  	v1 =	vsel vm0, v1, v2  }
0x117: {  	v1 =	vmul.f32 $1.442695020e+00, v1;
	_ =	sdelay $0x1  }
0x118: {  	(erf) = vpow2.f32 v1;
	_ =	sdelay $0x2  }
0x119: {  	v1 =	vld [tilespmem:$0x80];
	_ =	sdelay $0x5  }
0x11a: {  	v2 =	vpop (erf)  }
0x11b: {  	[tilespmem:$0x8680] =	vst v2  }
0x11c: {  	[tilespmem:v1+s13+$0x0] =	vst.idx.add.f32.msk $0xffff, v2  }
0x11d: {  	v1 =	vld [tilespmem:$0x8490]  }
0x11e: {  	v2 =	vld [tilespmem:$0x8590];
	_ =	sdelay $0x4  }
0x11f: {  	v1 =	vadd.f32 v2, v1;
	_ =	sdelay $0x1  }
0x120: {  	v2 =	vmul.f32 $2.000000030e-01, v1  }
0x121: {  	vm9 =	vgt.f32 v1, $0.0e+00  }
0x122: {  	v1 =	vsel vm9, v1, v2  }
0x123: {  	v1 =	vmul.f32 $1.442695020e+00, v1;
	_ =	sdelay $0x1  }
0x124: {  	(erf) = vpow2.f32 v1;
	_ =	sdelay $0x2  }
0x125: {  	v1 =	vld [tilespmem:$0x90];
	_ =	sdelay $0x5  }
0x126: {  	v2 =	vpop (erf)  }
0x127: {  	[tilespmem:$0x8690] =	vst v2  }
0x128: {  	[tilespmem:v1+s13+$0x0] =	vst.idx.add.f32.msk $0xffff, v2  }
0x129: {  	v1 =	vld [tilespmem:$0x84A0]  }
0x12a: {  	v2 =	vld [tilespmem:$0x85A0];
	_ =	sdelay $0x4  }
0x12b: {  	v1 =	vadd.f32 v2, v1;
	_ =	sdelay $0x1  }
0x12c: {  	v2 =	vmul.f32 $2.000000030e-01, v1  }
0x12d: {  	vm10 =	vgt.f32 v1, $0.0e+00  }
0x12e: {  	v1 =	vsel vm10, v1, v2  }
0x12f: {  	v1 =	vmul.f32 $1.442695020e+00, v1;
	_ =	sdelay $0x1  }
0x130: {  	(erf) = vpow2.f32 v1;
	_ =	sdelay $0x2  }
0x131: {  	v1 =	vld [tilespmem:$0xA0];
	_ =	sdelay $0x5  }
0x132: {  	v2 =	vpop (erf)  }
0x133: {  	[tilespmem:$0x86A0] =	vst v2  }
0x134: {  	[tilespmem:v1+s13+$0x0] =	vst.idx.add.f32.msk $0xffff, v2  }
0x135: {  	v1 =	vld [tilespmem:$0x84B0]  }
0x136: {  	v2 =	vld [tilespmem:$0x85B0];
	_ =	sdelay $0x4  }
0x137: {  	v1 =	vadd.f32 v2, v1;
	_ =	sdelay $0x1  }
0x138: {  	v2 =	vmul.f32 $2.000000030e-01, v1  }
0x139: {  	vm11 =	vgt.f32 v1, $0.0e+00  }
0x13a: {  	v1 =	vsel vm11, v1, v2  }
0x13b: {  	v1 =	vmul.f32 $1.442695020e+00, v1;
	_ =	sdelay $0x1  }
0x13c: {  	(erf) = vpow2.f32 v1;
	_ =	sdelay $0x2  }
0x13d: {  	v1 =	vld [tilespmem:$0xB0];
	_ =	sdelay $0x5  }
0x13e: {  	v2 =	vpop (erf)  }
0x13f: {  	[tilespmem:$0x86B0] =	vst v2  }
0x140: {  	[tilespmem:v1+s13+$0x0] =	vst.idx.add.f32.msk $0xffff, v2  }
0x141: {  	v1 =	vld [tilespmem:$0x84C0]  }
0x142: {  	v2 =	vld [tilespmem:$0x85C0];
	_ =	sdelay $0x4  }
0x143: {  	v1 =	vadd.f32 v2, v1;
	_ =	sdelay $0x1  }
0x144: {  	v2 =	vmul.f32 $2.000000030e-01, v1  }
0x145: {  	vm12 =	vgt.f32 v1, $0.0e+00  }
0x146: {  	v1 =	vsel vm12, v1, v2  }
0x147: {  	v1 =	vmul.f32 $1.442695020e+00, v1;
	_ =	sdelay $0x1  }
0x148: {  	(erf) = vpow2.f32 v1;
	_ =	sdelay $0x2  }
0x149: {  	v1 =	vld [tilespmem:$0xC0];
	_ =	sdelay $0x5  }
0x14a: {  	v2 =	vpop (erf)  }
0x14b: {  	[tilespmem:$0x86C0] =	vst v2  }
0x14c: {  	[tilespmem:v1+s13+$0x0] =	vst.idx.add.f32.msk $0xffff, v2  }
0x14d: {  	v1 =	vld [tilespmem:$0x84D0]  }
0x14e: {  	v2 =	vld [tilespmem:$0x85D0];
	_ =	sdelay $0x4  }
0x14f: {  	v1 =	vadd.f32 v2, v1;
	_ =	sdelay $0x1  }
0x150: {  	v2 =	vmul.f32 $2.000000030e-01, v1  }
0x151: {  	vm13 =	vgt.f32 v1, $0.0e+00  }
0x152: {  	v1 =	vsel vm13, v1, v2  }
0x153: {  	v1 =	vmul.f32 $1.442695020e+00, v1;
	_ =	sdelay $0x1  }
0x154: {  	(erf) = vpow2.f32 v1;
	_ =	sdelay $0x2  }
0x155: {  	v1 =	vld [tilespmem:$0xD0];
	_ =	sdelay $0x5  }
0x156: {  	v2 =	vpop (erf)  }
0x157: {  	[tilespmem:$0x86D0] =	vst v2  }
0x158: {  	[tilespmem:v1+s13+$0x0] =	vst.idx.add.f32.msk $0xffff, v2  }
0x159: {  	v1 =	vld [tilespmem:$0x84E0]  }
0x15a: {  	v2 =	vld [tilespmem:$0x85E0];
	_ =	sdelay $0x4  }
0x15b: {  	v1 =	vadd.f32 v2, v1;
	_ =	sdelay $0x1  }
0x15c: {  	v2 =	vmul.f32 $2.000000030e-01, v1  }
0x15d: {  	vm14 =	vgt.f32 v1, $0.0e+00  }
0x15e: {  	v1 =	vsel vm14, v1, v2  }
0x15f: {  	v1 =	vmul.f32 $1.442695020e+00, v1;
	_ =	sdelay $0x1  }
0x160: {  	(erf) = vpow2.f32 v1;
	_ =	sdelay $0x2  }
0x161: {  	v1 =	vld [tilespmem:$0xE0];
	_ =	sdelay $0x5  }
0x162: {  	v2 =	vpop (erf)  }
0x163: {  	[tilespmem:$0x86E0] =	vst v2  }
0x164: {  	[tilespmem:v1+s13+$0x0] =	vst.idx.add.f32.msk $0xffff, v2  }
0x165: {  	v1 =	vld [tilespmem:$0x84F0]  }
0x166: {  	v2 =	vld [tilespmem:$0x85F0];
	_ =	sdelay $0x4  }
0x167: {  	v1 =	vadd.f32 v2, v1;
	_ =	sdelay $0x1  }
0x168: {  	v2 =	vmul.f32 $2.000000030e-01, v1  }
0x169: {  	vm15 =	vgt.f32 v1, $0.0e+00  }
0x16a: {  	v1 =	vsel vm15, v1, v2  }
0x16b: {  	v1 =	vmul.f32 $1.442695020e+00, v1;
	_ =	sdelay $0x1  }
0x16c: {  	(erf) = vpow2.f32 v1;
	_ =	sdelay $0x2  }
0x16d: {  	v1 =	vld [tilespmem:$0xF0];
	_ =	sdelay $0x5  }
0x16e: {  	v2 =	vpop (erf)  }
0x16f: {  	[tilespmem:$0x86F0] =	vst v2  }
0x170: {  	[tilespmem:v1+s13+$0x0] =	vst.idx.add.f32.msk $0xffff, v2  }
0x171: {  	_ =	swait.ge [sflag:s30], $0x4000  }
0x172: {  	[sflag:s30] =	ssyncset.done $0x0  }
0x173: {  	[sflag:s30] =	ssyncadd.s32 $0xFFFFC000  }
0x174: {  	_ =	swait.ge [sflag:s14], $0x80  }
0x175: {  	[sflag:s14] =	ssyncset.done $0x0  }
0x176: {  	[sflag:s14] =	ssyncadd.s32 $0xFFFFFF80  }
0x177: {  	_ =	swait.ge [sflag:s15], $0x80  }
0x178: {  	[sflag:s15] =	ssyncset.done $0x0  }
0x179: {  	[sflag:s15] =	ssyncadd.s32 $0xFFFFFF80  }
0x17a: {  	[tilespmem:s29], [sflag:$0x1] =	stream.indirect.gather [hbm4b:s5+s28], $0x80, s26, s28, $0xb8;
	[tilespmem:$0x1F000] =	vst v63  }
0x17b: {  	s21 =	simm.s32 $0x8400  }
0x17c: {  	[tilespmem:s21], [sflag:$0x5] =	stream.indirect.gather [hbm4b:s6+s28], $0x1, s24, s28, $0xb8;
	[tilespmem:$0x1F000] =	vst v63  }
0x17d: {  	s22 =	simm.s32 $0x8500  }
0x17e: {  	[tilespmem:s22], [sflag:$0x7] =	stream.indirect.gather [hbm4b:s7+s28], $0x1, s26, s28, $0xb8;
	[tilespmem:$0x1F000] =	vst v63  }
0x17f: {  	_ =	swait.ge [sflag:s31], $0x4000  }
0x180: {  	[sflag:s31] =	ssyncset.done $0x0  }
0x181: {  	s3 =	simm.s32 $0x0;
	[sflag:s31] =	ssyncadd.s32 $0xFFFFC000  }
0x182: {  	s21 =	simm.s32 $0x8680;
	v5 =	vld [tilespmem:s3+$0x4470]  }
0x183: {  	v1 =	vld.msk [tilespmem:s21+$0x0 ss:$0x0], $0xffff  }
0x184: {  	v2 =	vld [tilespmem:s3+$0x4450]  }
0x185: {  	v6 =	vld [tilespmem:s3+$0x4420]  }
0x186: {  	v7 =	vld [tilespmem:s3+$0x4430]  }
0x187: {  	v4 =	vld [tilespmem:s3+$0x4440]  }
0x188: {  	s16 =	simm.s32 $0x200;
	v3 =	vld [tilespmem:s3+$0x4460]  }
.LBB2_9:
0x189: {  	p0 =	sne.s32 s16, $0xFE00  }
0x18a: {  	v8 =	vld [tilespmem:s3+$0x4410];
	v5 =	vmul.f32 v5, v1;
	s21 =	sadd.s32 $0x1, s21;
	s22 =	smov.u32 s16;
	s16 =	sadd.s32 $0x200, s16  }
0x18b: {  	v9 =	vld [tilespmem:s3+$0x4400];
	v6 =	vmul.f32 v6, v1  }
0x18c: {  	v7 =	vmul.f32 v7, v1;
	[tilespmem:s3+$0x4470] =	vst v5  }
0x18d: {  	[tilespmem:s3+$0x4420] =	vst v6;
	v4 =	vmul.f32 v4, v1  }
0x18e: {  	[tilespmem:s3+$0x4430] =	vst v7;
	v3 =	vmul.f32 v3, v1  }
0x18f: {  	v5 =	vmul.f32 v8, v1;
	[tilespmem:s3+$0x4440] =	vst v4  }
0x190: {  	v4 =	vmul.f32 v1, v9;
	v1 =	vmul.f32 v2, v1;
	[tilespmem:s3+$0x4460] =	vst v3  }
0x191: {  	[tilespmem:s3+$0x4410] =	vst v5  }
0x192: {  	s22 =	sshra.s32 s22, $0x2;
	[tilespmem:s3+$0x4400] =	vst v4  }
0x193: {  	v5 =	vld [tilespmem:s22+$0x4470];
	[tilespmem:s3+$0x4450] =	vst v1;
	s3 =	smov.u32 s22  }
0x194: {  	v1 =	vld.msk [tilespmem:s21+$0x0 ss:$0x0], $0xffff  }
.Ltmp3:
0x195: {  	v2 =	vld [tilespmem:s3+$0x4450];
	(pc) =	sbr.rel @p0 .LBB2_9-.Ltmp3, $4  }
0x196: {  	v6 =	vld [tilespmem:s3+$0x4420]  }
0x197: {  	v7 =	vld [tilespmem:s3+$0x4430]  }
0x198: {  	v4 =	vld [tilespmem:s3+$0x4440]  }
0x199: {  	v3 =	vld [tilespmem:s3+$0x4460]  }
0x19a: {  	v8 =	vld [tilespmem:s3+$0x4410];
	v5 =	vmul.f32 v5, v1  }
0x19b: {  	v9 =	vld [tilespmem:s3+$0x4400];
	v6 =	vmul.f32 v6, v1  }
0x19c: {  	v7 =	vmul.f32 v7, v1;
	[tilespmem:s3+$0x4470] =	vst v5  }
0x19d: {  	[tilespmem:s3+$0x4420] =	vst v6;
	v4 =	vmul.f32 v4, v1  }
0x19e: {  	[tilespmem:s3+$0x4430] =	vst v7;
	v3 =	vmul.f32 v3, v1  }
0x19f: {  	v5 =	vmul.f32 v8, v1;
	[tilespmem:s3+$0x4440] =	vst v4  }
0x1a0: {  	v4 =	vmul.f32 v1, v9;
	[tilespmem:s3+$0x4460] =	vst v3  }
0x1a1: {  	v1 =	vmul.f32 v2, v1;
	[tilespmem:s3+$0x4410] =	vst v5  }
0x1a2: {  	s22 =	rddreg [dreg:$0xf];
	[tilespmem:s3+$0x4400] =	vst v4  }
0x1a3: {  	[tilespmem:s3+$0x4450] =	vst v1;
	s3 =	sadd.s32 s20, s22  }
0x1a4: {  	[spmem:s2] =	stream.indirect.scatter.add.f32 [tilespmem:s0], [sflag:$0xA], $0x80, s28, s28, $0xb8;
	[tilespmem:$0x1F000] =	vst v63  }
0x1a5: {  	s3 =	sshrl.u32 s3, $0x3  }
0x1a6: {  	s21 =	simm.s32 $0x0;
	s16 =	sadd.s32 s1, s3  }
0x1a7: {  	[tilespmem:s12], [sflag:$0x3] =	stream.linear.gather [hbm4b:s16+s21], $0x80, $0x38;
	[tilespmem:$0x1F000] =	vst v63  }
0x1a8: {  	s3 =	sadd.s32 s8, s3  }
0x1a9: {  	[tilespmem:s17], [sflag:$0x4] =	stream.linear.gather [hbm4b:s3+s21], $0x80, $0x38;
	[tilespmem:$0x1F000] =	vst v63  }
0x1aa: {  	_ =	swait.ge [sflag:s9], $0x80  }
0x1ab: {  	[sflag:s9] =	ssyncset.done $0x0  }
0x1ac: {  	[sflag:s9] =	ssyncadd.s32 $0xFFFFFF80  }
0x1ad: {  	_ =	swait.ge [sflag:s10], $0x80  }
0x1ae: {  	[sflag:s10] =	ssyncset.done $0x0  }
0x1af: {  	[sflag:s10] =	ssyncadd.s32 $0xFFFFFF80  }
0x1b0: {  	v1 =	vld [tilespmem:$0x8400]  }
0x1b1: {  	v2 =	vld [tilespmem:$0x8500];
	_ =	sdelay $0x4  }
0x1b2: {  	v1 =	vadd.f32 v2, v1;
	_ =	sdelay $0x1  }
0x1b3: {  	v2 =	vmul.f32 $2.000000030e-01, v1  }
0x1b4: {  	vm0 =	vgt.f32 v1, $0.0e+00  }
0x1b5: {  	v1 =	vsel vm0, v1, v2  }
0x1b6: {  	v1 =	vmul.f32 $1.442695020e+00, v1;
	_ =	sdelay $0x1  }
0x1b7: {  	(erf) = vpow2.f32 v1;
	_ =	sdelay $0x2  }
0x1b8: {  	v1 =	vld [tilespmem:$0x100];
	_ =	sdelay $0x5  }
0x1b9: {  	v2 =	vpop (erf)  }
0x1ba: {  	[tilespmem:$0x8600] =	vst v2  }
0x1bb: {  	[tilespmem:v1+s13+$0x0] =	vst.idx.add.f32.msk $0xffff, v2  }
0x1bc: {  	v1 =	vld [tilespmem:$0x8410]  }
0x1bd: {  	v2 =	vld [tilespmem:$0x8510];
	_ =	sdelay $0x4  }
0x1be: {  	v1 =	vadd.f32 v2, v1;
	_ =	sdelay $0x1  }
0x1bf: {  	v2 =	vmul.f32 $2.000000030e-01, v1  }
0x1c0: {  	vm9 =	vgt.f32 v1, $0.0e+00  }
0x1c1: {  	v1 =	vsel vm9, v1, v2  }
0x1c2: {  	v1 =	vmul.f32 $1.442695020e+00, v1;
	_ =	sdelay $0x1  }
0x1c3: {  	(erf) = vpow2.f32 v1;
	_ =	sdelay $0x2  }
0x1c4: {  	v1 =	vld [tilespmem:$0x110];
	_ =	sdelay $0x5  }
0x1c5: {  	v2 =	vpop (erf)  }
0x1c6: {  	[tilespmem:$0x8610] =	vst v2  }
0x1c7: {  	[tilespmem:v1+s13+$0x0] =	vst.idx.add.f32.msk $0xffff, v2  }
0x1c8: {  	v1 =	vld [tilespmem:$0x8420]  }
0x1c9: {  	v2 =	vld [tilespmem:$0x8520];
	_ =	sdelay $0x4  }
0x1ca: {  	v1 =	vadd.f32 v2, v1;
	_ =	sdelay $0x1  }
0x1cb: {  	v2 =	vmul.f32 $2.000000030e-01, v1  }
0x1cc: {  	vm10 =	vgt.f32 v1, $0.0e+00  }
0x1cd: {  	v1 =	vsel vm10, v1, v2  }
0x1ce: {  	v1 =	vmul.f32 $1.442695020e+00, v1;
	_ =	sdelay $0x1  }
0x1cf: {  	(erf) = vpow2.f32 v1;
	_ =	sdelay $0x2  }
0x1d0: {  	v1 =	vld [tilespmem:$0x120];
	_ =	sdelay $0x5  }
0x1d1: {  	v2 =	vpop (erf)  }
0x1d2: {  	[tilespmem:$0x8620] =	vst v2  }
0x1d3: {  	[tilespmem:v1+s13+$0x0] =	vst.idx.add.f32.msk $0xffff, v2  }
0x1d4: {  	v1 =	vld [tilespmem:$0x8430]  }
0x1d5: {  	v2 =	vld [tilespmem:$0x8530];
	_ =	sdelay $0x4  }
0x1d6: {  	v1 =	vadd.f32 v2, v1;
	_ =	sdelay $0x1  }
0x1d7: {  	v2 =	vmul.f32 $2.000000030e-01, v1  }
0x1d8: {  	vm11 =	vgt.f32 v1, $0.0e+00  }
0x1d9: {  	v1 =	vsel vm11, v1, v2  }
0x1da: {  	v1 =	vmul.f32 $1.442695020e+00, v1;
	_ =	sdelay $0x1  }
0x1db: {  	(erf) = vpow2.f32 v1;
	_ =	sdelay $0x2  }
0x1dc: {  	v1 =	vld [tilespmem:$0x130];
	_ =	sdelay $0x5  }
0x1dd: {  	v2 =	vpop (erf)  }
0x1de: {  	[tilespmem:$0x8630] =	vst v2  }
0x1df: {  	[tilespmem:v1+s13+$0x0] =	vst.idx.add.f32.msk $0xffff, v2  }
0x1e0: {  	v1 =	vld [tilespmem:$0x8440]  }
0x1e1: {  	v2 =	vld [tilespmem:$0x8540];
	_ =	sdelay $0x4  }
0x1e2: {  	v1 =	vadd.f32 v2, v1;
	_ =	sdelay $0x1  }
0x1e3: {  	v2 =	vmul.f32 $2.000000030e-01, v1  }
0x1e4: {  	vm12 =	vgt.f32 v1, $0.0e+00  }
0x1e5: {  	v1 =	vsel vm12, v1, v2  }
0x1e6: {  	v1 =	vmul.f32 $1.442695020e+00, v1;
	_ =	sdelay $0x1  }
0x1e7: {  	(erf) = vpow2.f32 v1;
	_ =	sdelay $0x2  }
0x1e8: {  	v1 =	vld [tilespmem:$0x140];
	_ =	sdelay $0x5  }
0x1e9: {  	v2 =	vpop (erf)  }
0x1ea: {  	[tilespmem:$0x8640] =	vst v2  }
0x1eb: {  	[tilespmem:v1+s13+$0x0] =	vst.idx.add.f32.msk $0xffff, v2  }
0x1ec: {  	v1 =	vld [tilespmem:$0x8450]  }
0x1ed: {  	v2 =	vld [tilespmem:$0x8550];
	_ =	sdelay $0x4  }
0x1ee: {  	v1 =	vadd.f32 v2, v1;
	_ =	sdelay $0x1  }
0x1ef: {  	v2 =	vmul.f32 $2.000000030e-01, v1  }
0x1f0: {  	vm13 =	vgt.f32 v1, $0.0e+00  }
0x1f1: {  	v1 =	vsel vm13, v1, v2  }
0x1f2: {  	v1 =	vmul.f32 $1.442695020e+00, v1;
	_ =	sdelay $0x1  }
0x1f3: {  	(erf) = vpow2.f32 v1;
	_ =	sdelay $0x2  }
0x1f4: {  	v1 =	vld [tilespmem:$0x150];
	_ =	sdelay $0x5  }
0x1f5: {  	v2 =	vpop (erf)  }
0x1f6: {  	[tilespmem:$0x8650] =	vst v2  }
0x1f7: {  	[tilespmem:v1+s13+$0x0] =	vst.idx.add.f32.msk $0xffff, v2  }
0x1f8: {  	v1 =	vld [tilespmem:$0x8460]  }
0x1f9: {  	v2 =	vld [tilespmem:$0x8560];
	_ =	sdelay $0x4  }
0x1fa: {  	v1 =	vadd.f32 v2, v1;
	_ =	sdelay $0x1  }
0x1fb: {  	v2 =	vmul.f32 $2.000000030e-01, v1  }
0x1fc: {  	vm14 =	vgt.f32 v1, $0.0e+00  }
0x1fd: {  	v1 =	vsel vm14, v1, v2  }
0x1fe: {  	v1 =	vmul.f32 $1.442695020e+00, v1;
	_ =	sdelay $0x1  }
0x1ff: {  	(erf) = vpow2.f32 v1;
	_ =	sdelay $0x2  }
0x200: {  	v1 =	vld [tilespmem:$0x160];
	_ =	sdelay $0x5  }
0x201: {  	v2 =	vpop (erf)  }
0x202: {  	[tilespmem:$0x8660] =	vst v2  }
0x203: {  	[tilespmem:v1+s13+$0x0] =	vst.idx.add.f32.msk $0xffff, v2  }
0x204: {  	v1 =	vld [tilespmem:$0x8470]  }
0x205: {  	v2 =	vld [tilespmem:$0x8570];
	_ =	sdelay $0x4  }
0x206: {  	v1 =	vadd.f32 v2, v1;
	_ =	sdelay $0x1  }
0x207: {  	v2 =	vmul.f32 $2.000000030e-01, v1  }
0x208: {  	vm15 =	vgt.f32 v1, $0.0e+00  }
0x209: {  	v1 =	vsel vm15, v1, v2  }
0x20a: {  	v1 =	vmul.f32 $1.442695020e+00, v1;
	_ =	sdelay $0x1  }
0x20b: {  	(erf) = vpow2.f32 v1;
	_ =	sdelay $0x2  }
0x20c: {  	v1 =	vld [tilespmem:$0x170];
	_ =	sdelay $0x5  }
0x20d: {  	v2 =	vpop (erf)  }
0x20e: {  	[tilespmem:$0x8670] =	vst v2  }
0x20f: {  	[tilespmem:v1+s13+$0x0] =	vst.idx.add.f32.msk $0xffff, v2  }
0x210: {  	_ =	swait.ge [sflag:s18], $0x4000  }
0x211: {  	[sflag:s18] =	ssyncset.done $0x0  }
0x212: {  	[sflag:s18] =	ssyncadd.s32 $0xFFFFC000  }
0x213: {  	_ =	swait.ge [sflag:s14], $0x80  }
0x214: {  	[sflag:s14] =	ssyncset.done $0x0  }
0x215: {  	[sflag:s14] =	ssyncadd.s32 $0xFFFFFF80  }
0x216: {  	_ =	swait.ge [sflag:s15], $0x80  }
0x217: {  	[sflag:s15] =	ssyncset.done $0x0  }
0x218: {  	[sflag:s15] =	ssyncadd.s32 $0xFFFFFF80  }
0x219: {  	[tilespmem:s0], [sflag:$0x2] =	stream.indirect.gather [hbm4b:s5+s28], $0x80, s17, s28, $0xb8;
	[tilespmem:$0x1F000] =	vst v63  }
0x21a: {  	s16 =	simm.s32 $0x8480  }
0x21b: {  	[tilespmem:s16], [sflag:$0x6] =	stream.indirect.gather [hbm4b:s6+s28], $0x1, s12, s28, $0xb8;
	[tilespmem:$0x1F000] =	vst v63  }
0x21c: {  	s21 =	simm.s32 $0x8580  }
0x21d: {  	[tilespmem:s21], [sflag:$0x8] =	stream.indirect.gather [hbm4b:s7+s28], $0x1, s17, s28, $0xb8;
	[tilespmem:$0x1F000] =	vst v63  }
0x21e: {  	_ =	swait.ge [sflag:s23], $0x4000  }
0x21f: {  	[sflag:s23] =	ssyncset.done $0x0  }
0x220: {  	s3 =	simm.s32 $0x440;
	[sflag:s23] =	ssyncadd.s32 $0xFFFFC000  }
0x221: {  	v5 =	vld [tilespmem:s3+$0x30]  }
0x222: {  	v8 =	vld [tilespmem:s3+$0x10]  }
0x223: {  	s22 =	simm.s32 $0x0;
	v6 =	vld [tilespmem:s3+$0xFFFFFFC0]  }
0x224: {  	v2 =	vld.msk [tilespmem:s22+$0x8600 ss:$0x0], $0xffff  }
0x225: {  	v10 =	vld [tilespmem:s3+$0xFFFFFFE0]  }
0x226: {  	v1 =	vld [tilespmem:s3+$0xFFFFFFF0]  }
0x227: {  	v3 =	vld [tilespmem:s3+$0x20]  }
0x228: {  	v4 =	vld [tilespmem:s3+$0xFFFFFFD0]  }
0x229: {  	v9 =	vmul.f32 v5, v2;
	v5 =	vld [tilespmem:s3+$0x0]  }
0x22a: {  	v7 =	vmul.f32 v2, v6  }
0x22b: {  	s16 =	simm.s32 $0x440;
	s21 =	simm.s32 $0x4;
	v6 =	vmul.f32 v10, v2;
	v8 =	vmul.f32 v8, v2  }
.LBB2_11:
0x22c: {  	p0 =	sne.s32 s21, $0x1FC  }
0x22d: {  	v4 =	vmul.f32 v4, v2;
	v3 =	vmul.f32 v3, v2;
	[tilespmem:s3+$0x30] =	vst v9;
	s16 =	sadd.s32 $0x80, s16;
	s22 =	smov.u32 s21;
	s21 =	sadd.s32 $0x4, s21  }
0x22e: {  	[tilespmem:s3+$0xFFFFFFC0] =	vst v7;
	v7 =	vmul.f32 v1, v2;
	v2 =	vmul.f32 v5, v2  }
0x22f: {  	[tilespmem:s3+$0x10] =	vst v8  }
0x230: {  	[tilespmem:s3+$0xFFFFFFE0] =	vst v6  }
0x231: {  	v1 =	vld [tilespmem:s16+$0xFFFFFFF0];
	[tilespmem:s3+$0xFFFFFFF0] =	vst v7  }
0x232: {  	v6 =	vld [tilespmem:s16+$0x30];
	[tilespmem:s3+$0x0] =	vst v2  }
0x233: {  	v8 =	vld [tilespmem:s16+$0x10];
	[tilespmem:s3+$0x20] =	vst v3  }
0x234: {  	s22 =	sshra.s32 s22, $0x2;
	v7 =	vld [tilespmem:s16+$0xFFFFFFC0];
	[tilespmem:s3+$0xFFFFFFD0] =	vst v4;
	s3 =	smov.u32 s16  }
0x235: {  	v2 =	vld.msk [tilespmem:s22+$0x8600 ss:$0x0], $0xffff  }
0x236: {  	v10 =	vld [tilespmem:s16+$0xFFFFFFE0]  }
0x237: {  	v3 =	vld [tilespmem:s16+$0x20]  }
.Ltmp4:
0x238: {  	v4 =	vld [tilespmem:s16+$0xFFFFFFD0];
	(pc) =	sbr.rel @p0 .LBB2_11-.Ltmp4, $3  }
0x239: {  	v5 =	vld [tilespmem:s16+$0x0];
	_ =	sdelay $0x1  }
0x23a: {  	v7 =	vmul.f32 v2, v7;
	v9 =	vmul.f32 v6, v2  }
0x23b: {  	v8 =	vmul.f32 v8, v2;
	v6 =	vmul.f32 v10, v2  }
0x23c: {  	[tilespmem:s3+$0x30] =	vst v9  }
0x23d: {  	[tilespmem:s3+$0xFFFFFFC0] =	vst v7  }
0x23e: {  	v1 =	vmul.f32 v1, v2;
	[tilespmem:s3+$0x10] =	vst v8  }
0x23f: {  	v3 =	vmul.f32 v3, v2;
	[tilespmem:s3+$0xFFFFFFE0] =	vst v6  }
0x240: {  	v5 =	vmul.f32 v5, v2;
	[tilespmem:s3+$0xFFFFFFF0] =	vst v1  }
0x241: {  	v1 =	vmul.f32 v4, v2;
	[tilespmem:s3+$0x20] =	vst v3  }
0x242: {  	s22 =	rddreg [dreg:$0xc];
	[tilespmem:s3+$0x0] =	vst v5  }
0x243: {  	p0 =	sge.u32 s19, s22;
	[tilespmem:s3+$0xFFFFFFD0] =	vst v1;
	s3 =	rddreg [dreg:$0x10]  }
0x244: {  	[spmem:s2] =	stream.indirect.scatter.add.f32 [tilespmem:s29], [sflag:$0x9], $0x80, s24, s28, $0xb8;
	[tilespmem:$0x1F000] =	vst v63  }
0x245: {  	s3 =	sadd.s32 @!p0 s20, s3  }
0x246: {  	s3 =	sshrl.u32 @!p0 s3, $0x3  }
0x247: {  	s20 =	simm.s32 @!p0 $0x0;
	s16 =	sadd.s32 @!p0 s1, s3  }
0x248: {  	[tilespmem:s20], [sflag:$0x3] =	stream.linear.gather @!p0 [hbm4b:s16+s20], $0x80, $0x38;
	[tilespmem:$0x1F000] =	vst v63  }
0x249: {  	s16 =	sadd.s32 @!p0 s8, s3;
	s3 =	simm.s32 @!p0 $0x200  }
0x24a: {  	[tilespmem:s3], [sflag:$0x4] =	stream.linear.gather @!p0 [hbm4b:s16+s20], $0x80, $0x38;
	[tilespmem:$0x1F000] =	vst v63  }
0x24b: {  	_ =	swait.ge [sflag:s11], $0x80  }
0x24c: {  	[sflag:s11] =	ssyncset.done $0x0  }
0x24d: {  	[sflag:s11] =	ssyncadd.s32 $0xFFFFFF80  }
0x24e: {  	_ =	swait.ge [sflag:s25], $0x80  }
0x24f: {  	[sflag:s25] =	ssyncset.done $0x0  }
0x250: {  	[sflag:s25] =	ssyncadd.s32 $0xFFFFFF80  }
0x251: {  	v1 =	vld [tilespmem:$0x8480]  }
0x252: {  	v2 =	vld [tilespmem:$0x8580];
	_ =	sdelay $0x4  }
0x253: {  	v1 =	vadd.f32 v2, v1;
	_ =	sdelay $0x1  }
0x254: {  	v2 =	vmul.f32 $2.000000030e-01, v1  }
0x255: {  	vm0 =	vgt.f32 v1, $0.0e+00  }
0x256: {  	v1 =	vsel vm0, v1, v2  }
0x257: {  	v1 =	vmul.f32 $1.442695020e+00, v1;
	_ =	sdelay $0x1  }
0x258: {  	(erf) = vpow2.f32 v1;
	_ =	sdelay $0x2  }
0x259: {  	v1 =	vld [tilespmem:$0x180];
	_ =	sdelay $0x5  }
0x25a: {  	v2 =	vpop (erf)  }
0x25b: {  	[tilespmem:$0x8680] =	vst v2  }
0x25c: {  	[tilespmem:v1+s13+$0x0] =	vst.idx.add.f32.msk $0xffff, v2  }
0x25d: {  	v1 =	vld [tilespmem:$0x8490]  }
0x25e: {  	v2 =	vld [tilespmem:$0x8590];
	_ =	sdelay $0x4  }
0x25f: {  	v1 =	vadd.f32 v2, v1;
	_ =	sdelay $0x1  }
0x260: {  	v2 =	vmul.f32 $2.000000030e-01, v1  }
0x261: {  	vm9 =	vgt.f32 v1, $0.0e+00  }
0x262: {  	v1 =	vsel vm9, v1, v2  }
0x263: {  	v1 =	vmul.f32 $1.442695020e+00, v1;
	_ =	sdelay $0x1  }
0x264: {  	(erf) = vpow2.f32 v1;
	_ =	sdelay $0x2  }
0x265: {  	v1 =	vld [tilespmem:$0x190];
	_ =	sdelay $0x5  }
0x266: {  	v2 =	vpop (erf)  }
0x267: {  	[tilespmem:$0x8690] =	vst v2  }
0x268: {  	[tilespmem:v1+s13+$0x0] =	vst.idx.add.f32.msk $0xffff, v2  }
0x269: {  	v1 =	vld [tilespmem:$0x84A0]  }
0x26a: {  	v2 =	vld [tilespmem:$0x85A0];
	_ =	sdelay $0x4  }
0x26b: {  	v1 =	vadd.f32 v2, v1;
	_ =	sdelay $0x1  }
0x26c: {  	v2 =	vmul.f32 $2.000000030e-01, v1  }
0x26d: {  	vm10 =	vgt.f32 v1, $0.0e+00  }
0x26e: {  	v1 =	vsel vm10, v1, v2  }
0x26f: {  	v1 =	vmul.f32 $1.442695020e+00, v1;
	_ =	sdelay $0x1  }
0x270: {  	(erf) = vpow2.f32 v1;
	_ =	sdelay $0x2  }
0x271: {  	v1 =	vld [tilespmem:$0x1A0];
	_ =	sdelay $0x5  }
0x272: {  	v2 =	vpop (erf)  }
0x273: {  	[tilespmem:$0x86A0] =	vst v2  }
0x274: {  	[tilespmem:v1+s13+$0x0] =	vst.idx.add.f32.msk $0xffff, v2  }
0x275: {  	v1 =	vld [tilespmem:$0x84B0]  }
0x276: {  	v2 =	vld [tilespmem:$0x85B0];
	_ =	sdelay $0x4  }
0x277: {  	v1 =	vadd.f32 v2, v1;
	_ =	sdelay $0x1  }
0x278: {  	v2 =	vmul.f32 $2.000000030e-01, v1  }
0x279: {  	vm11 =	vgt.f32 v1, $0.0e+00  }
0x27a: {  	v1 =	vsel vm11, v1, v2  }
0x27b: {  	v1 =	vmul.f32 $1.442695020e+00, v1;
	_ =	sdelay $0x1  }
0x27c: {  	(erf) = vpow2.f32 v1;
	_ =	sdelay $0x2  }
0x27d: {  	v1 =	vld [tilespmem:$0x1B0];
	_ =	sdelay $0x5  }
0x27e: {  	v2 =	vpop (erf)  }
0x27f: {  	[tilespmem:$0x86B0] =	vst v2  }
0x280: {  	[tilespmem:v1+s13+$0x0] =	vst.idx.add.f32.msk $0xffff, v2  }
0x281: {  	v1 =	vld [tilespmem:$0x84C0]  }
0x282: {  	v2 =	vld [tilespmem:$0x85C0];
	_ =	sdelay $0x4  }
0x283: {  	v1 =	vadd.f32 v2, v1;
	_ =	sdelay $0x1  }
0x284: {  	v2 =	vmul.f32 $2.000000030e-01, v1  }
0x285: {  	vm12 =	vgt.f32 v1, $0.0e+00  }
0x286: {  	v1 =	vsel vm12, v1, v2  }
0x287: {  	v1 =	vmul.f32 $1.442695020e+00, v1;
	_ =	sdelay $0x1  }
0x288: {  	(erf) = vpow2.f32 v1;
	_ =	sdelay $0x2  }
0x289: {  	v1 =	vld [tilespmem:$0x1C0];
	_ =	sdelay $0x5  }
0x28a: {  	v2 =	vpop (erf)  }
0x28b: {  	[tilespmem:$0x86C0] =	vst v2  }
0x28c: {  	[tilespmem:v1+s13+$0x0] =	vst.idx.add.f32.msk $0xffff, v2  }
0x28d: {  	v1 =	vld [tilespmem:$0x84D0]  }
0x28e: {  	v2 =	vld [tilespmem:$0x85D0];
	_ =	sdelay $0x4  }
0x28f: {  	v1 =	vadd.f32 v2, v1;
	_ =	sdelay $0x1  }
0x290: {  	v2 =	vmul.f32 $2.000000030e-01, v1  }
0x291: {  	vm13 =	vgt.f32 v1, $0.0e+00  }
0x292: {  	v1 =	vsel vm13, v1, v2  }
0x293: {  	v1 =	vmul.f32 $1.442695020e+00, v1;
	_ =	sdelay $0x1  }
0x294: {  	(erf) = vpow2.f32 v1;
	_ =	sdelay $0x2  }
0x295: {  	v1 =	vld [tilespmem:$0x1D0];
	_ =	sdelay $0x5  }
0x296: {  	v2 =	vpop (erf)  }
0x297: {  	[tilespmem:$0x86D0] =	vst v2  }
0x298: {  	[tilespmem:v1+s13+$0x0] =	vst.idx.add.f32.msk $0xffff, v2  }
0x299: {  	v1 =	vld [tilespmem:$0x84E0]  }
0x29a: {  	v2 =	vld [tilespmem:$0x85E0];
	_ =	sdelay $0x4  }
0x29b: {  	v1 =	vadd.f32 v2, v1;
	_ =	sdelay $0x1  }
0x29c: {  	v2 =	vmul.f32 $2.000000030e-01, v1  }
0x29d: {  	vm14 =	vgt.f32 v1, $0.0e+00  }
0x29e: {  	v1 =	vsel vm14, v1, v2  }
0x29f: {  	v1 =	vmul.f32 $1.442695020e+00, v1;
	_ =	sdelay $0x1  }
0x2a0: {  	(erf) = vpow2.f32 v1;
	_ =	sdelay $0x2  }
0x2a1: {  	v1 =	vld [tilespmem:$0x1E0];
	_ =	sdelay $0x5  }
0x2a2: {  	v2 =	vpop (erf)  }
0x2a3: {  	[tilespmem:$0x86E0] =	vst v2  }
0x2a4: {  	[tilespmem:v1+s13+$0x0] =	vst.idx.add.f32.msk $0xffff, v2  }
0x2a5: {  	v1 =	vld [tilespmem:$0x84F0]  }
0x2a6: {  	v2 =	vld [tilespmem:$0x85F0];
	_ =	sdelay $0x4  }
0x2a7: {  	v1 =	vadd.f32 v2, v1;
	_ =	sdelay $0x1  }
0x2a8: {  	v2 =	vmul.f32 $2.000000030e-01, v1  }
0x2a9: {  	vm15 =	vgt.f32 v1, $0.0e+00  }
0x2aa: {  	v1 =	vsel vm15, v1, v2  }
0x2ab: {  	v1 =	vmul.f32 $1.442695020e+00, v1;
	_ =	sdelay $0x1  }
0x2ac: {  	(erf) = vpow2.f32 v1;
	_ =	sdelay $0x2  }
0x2ad: {  	v1 =	vld [tilespmem:$0x1F0];
	_ =	sdelay $0x5  }
0x2ae: {  	v2 =	vpop (erf)  }
0x2af: {  	[tilespmem:$0x86F0] =	vst v2  }
0x2b0: {  	[tilespmem:v1+s13+$0x0] =	vst.idx.add.f32.msk $0xffff, v2  }
0x2b1: {  	_ =	swait.ge [sflag:s30], $0x4000  }
0x2b2: {  	[sflag:s30] =	ssyncset.done $0x0  }
0x2b3: {  	s16 =	simm.s32 @!p0 $0x3;
	[sflag:s30] =	ssyncadd.s32 $0xFFFFC000  }
0x2b4: {  	_ =	swait.ge @!p0 [sflag:s16], $0x80  }
0x2b5: {  	[sflag:s16] =	ssyncset.done @!p0 $0x0  }
0x2b6: {  	[sflag:s16] =	ssyncadd.s32 @!p0 $0xFFFFFF80;
	s16 =	simm.s32 @!p0 $0x4  }
0x2b7: {  	_ =	swait.ge @!p0 [sflag:s16], $0x80  }
0x2b8: {  	[sflag:s16] =	ssyncset.done @!p0 $0x0  }
0x2b9: {  	s21 =	simm.s32 @!p0 $0x400;
	[sflag:s16] =	ssyncadd.s32 @!p0 $0xFFFFFF80;
	s16 =	simm.s32 @!p0 $0x80  }
0x2ba: {  	[tilespmem:s21], [sflag:$0x1] =	stream.indirect.gather @!p0 [hbm4b:s5+s16], $0x80, s3, s16, $0xb8;
	[tilespmem:$0x1F000] =	vst v63  }
0x2bb: {  	s21 =	simm.s32 @!p0 $0x8400  }
0x2bc: {  	[tilespmem:s21], [sflag:$0x5] =	stream.indirect.gather @!p0 [hbm4b:s6+s16], $0x1, s20, s16, $0xb8;
	[tilespmem:$0x1F000] =	vst v63  }
0x2bd: {  	s20 =	simm.s32 @!p0 $0x8500  }
0x2be: {  	[tilespmem:s20], [sflag:$0x7] =	stream.indirect.gather @!p0 [hbm4b:s7+s16], $0x1, s3, s16, $0xb8;
	[tilespmem:$0x1F000] =	vst v63  }
0x2bf: {  	_ =	swait.ge [sflag:s31], $0x4000  }
0x2c0: {  	[sflag:s31] =	ssyncset.done $0x0  }
0x2c1: {  	s3 =	simm.s32 $0x0;
	[sflag:s31] =	ssyncadd.s32 $0xFFFFC000  }
0x2c2: {  	s20 =	simm.s32 $0x8680;
	v5 =	vld [tilespmem:s3+$0x4470]  }
0x2c3: {  	v1 =	vld.msk [tilespmem:s20+$0x0 ss:$0x0], $0xffff  }
0x2c4: {  	v2 =	vld [tilespmem:s3+$0x4450]  }
0x2c5: {  	v6 =	vld [tilespmem:s3+$0x4420]  }
0x2c6: {  	v7 =	vld [tilespmem:s3+$0x4430]  }
0x2c7: {  	v4 =	vld [tilespmem:s3+$0x4440]  }
0x2c8: {  	s16 =	simm.s32 $0x200;
	v3 =	vld [tilespmem:s3+$0x4460]  }
.LBB2_13:
0x2c9: {  	p0 =	sne.s32 s16, $0xFE00  }
0x2ca: {  	v8 =	vld [tilespmem:s3+$0x4410];
	v5 =	vmul.f32 v5, v1;
	s20 =	sadd.s32 $0x1, s20;
	s21 =	smov.u32 s16;
	s16 =	sadd.s32 $0x200, s16  }
0x2cb: {  	v9 =	vld [tilespmem:s3+$0x4400];
	v6 =	vmul.f32 v6, v1  }
0x2cc: {  	v7 =	vmul.f32 v7, v1;
	[tilespmem:s3+$0x4470] =	vst v5  }
0x2cd: {  	[tilespmem:s3+$0x4420] =	vst v6;
	v4 =	vmul.f32 v4, v1  }
0x2ce: {  	[tilespmem:s3+$0x4430] =	vst v7;
	v3 =	vmul.f32 v3, v1  }
0x2cf: {  	v5 =	vmul.f32 v8, v1;
	[tilespmem:s3+$0x4440] =	vst v4  }
0x2d0: {  	v4 =	vmul.f32 v1, v9;
	v1 =	vmul.f32 v2, v1;
	[tilespmem:s3+$0x4460] =	vst v3  }
0x2d1: {  	[tilespmem:s3+$0x4410] =	vst v5  }
0x2d2: {  	s21 =	sshra.s32 s21, $0x2;
	[tilespmem:s3+$0x4400] =	vst v4  }
0x2d3: {  	v5 =	vld [tilespmem:s21+$0x4470];
	[tilespmem:s3+$0x4450] =	vst v1;
	s3 =	smov.u32 s21  }
0x2d4: {  	v1 =	vld.msk [tilespmem:s20+$0x0 ss:$0x0], $0xffff  }
.Ltmp5:
0x2d5: {  	v2 =	vld [tilespmem:s3+$0x4450];
	(pc) =	sbr.rel @p0 .LBB2_13-.Ltmp5, $4  }
0x2d6: {  	v6 =	vld [tilespmem:s3+$0x4420]  }
0x2d7: {  	v7 =	vld [tilespmem:s3+$0x4430]  }
0x2d8: {  	v4 =	vld [tilespmem:s3+$0x4440]  }
0x2d9: {  	v3 =	vld [tilespmem:s3+$0x4460]  }
0x2da: {  	v8 =	vld [tilespmem:s3+$0x4410];
	v5 =	vmul.f32 v5, v1  }
0x2db: {  	v9 =	vld [tilespmem:s3+$0x4400];
	v6 =	vmul.f32 v6, v1  }
0x2dc: {  	v7 =	vmul.f32 v7, v1;
	[tilespmem:s3+$0x4470] =	vst v5  }
0x2dd: {  	[tilespmem:s3+$0x4420] =	vst v6;
	v4 =	vmul.f32 v4, v1  }
0x2de: {  	s19 =	sadd.s32 $0x1, s19;
	s22 =	rddreg [dreg:$0x7];
	[tilespmem:s3+$0x4430] =	vst v7;
	v3 =	vmul.f32 v3, v1  }
0x2df: {  	p0 =	sne.s32 s19, s22;
	v62 =	vmul.f32 v8, v1;
	[tilespmem:s3+$0x4440] =	vst v4  }
.Ltmp6:
0x2e0: {  	v63 =	vmul.f32 v1, v9;
	[tilespmem:s3+$0x4460] =	vst v3;
	(pc) =	sbr.rel @p0 .LBB2_6-.Ltmp6, $4  }
0x2e1: {  	v1 =	vmul.f32 v2, v1;
	[tilespmem:s3+$0x4410] =	vst v62  }
0x2e2: {  	[tilespmem:s3+$0x4400] =	vst v63  }
0x2e3: {  	[tilespmem:s3+$0x4450] =	vst v1  }
0x2e4: {  	[spmem:s2] =	stream.indirect.scatter.add.f32 [tilespmem:s0], [sflag:$0xA], $0x80, s12, s28, $0xb8;
	[tilespmem:$0x1F000] =	vst v63  }
0x2e5: {  	_ =	swait.ge [sflag:s18], $0x4000  }
0x2e6: {  	[sflag:s18] =	ssyncset.done $0x0  }
0x2e7: {  	[sflag:s18] =	ssyncadd.s32 $0xFFFFC000  }
0x2e8: {  	s3 =	stileid.u32;
	[bflag:$0x0] =	sbarrier.arrive $0xFFFF  }
0x2e9: {  	s3 =	sshll.u32 s3, $0x6;
	s19 =	rddreg [dreg:$0x6]  }
0x2ea: {  	s3 =	sor.u32 $0x1C0B, s3;
	s20 =	rddreg [dreg:$0x11];
	s16 =	sshrl.u32 s19, $0x3  }
0x2eb: {  	[hbm:s20], [sflag:s3] =	dma.local [spmem:s16], $0x2800  }
0x2ec: {  	s20 =	simm.s32 $0xB  }
0x2ed: {  	_ =	swait.ge [sflag:s20], $0x2800  }
0x2ee: {  	[sflag:s20] =	ssyncset.done $0x0  }
0x2ef: {  	s16 =	rddreg [dreg:$0x12];
	[sflag:s20] =	ssyncadd.s32 $0xFFFFD800  }
0x2f0: {  	[hbm4b:s16+s28] =	stream.strided.scatter [tilespmem:s13], [sflag:$0xB], $0x2800, s29, s28, $0x38;
	[tilespmem:$0x1F000] =	vst v63  }
0x2f1: {  	_ =	swait.ge [sflag:s20], $0x2800  }
0x2f2: {  	s21 =	rddreg [dreg:$0x14]  }
0x2f3: {  	s22 =	rddreg [dreg:$0x13];
	s16 =	sadd.s32 $0x1, s21  }
0x2f4: {  	p0 =	sne.s32 s16, s22  }
.Ltmp7:
0x2f5: {  	_ = 	snop;
	(pc) =	sbr.rel @p0 .LBB2_1-.Ltmp7, $3  }
0x2f6: {  	_ =	sdelay $0x1  }
0x2f7: {  	[sflag:s20] =	ssyncset.done $0x0  }
0x2f8: {  	[sflag:s20] =	ssyncadd.s32 $0xFFFFD800  }
0x2f9: {  	_ =	sfence.sel $0x180000  }
0x2fa: {  	[bflag:$0x0] =	sbarrier.arrive $0xFFFF  }
0x2fb: {  	_ =	strace $0x90000047  }
0x2fc: {  	s0 =	stileid.u32;
	[bflag:$0x2] =	sbarrier.arrive $0xFFFF  }
0x2fd: {  	p0 =	sne.s32 s0, $0x0;
	s0 =	rddreg [dreg:$0x3]  }
0x2fe: {  	s0 =	sadd.s32 @!p0 $0x100000, s0  }
0x2ff: {  	[sflag:s0] =	ssyncadd.tile.s32 @!p0 $0x1;
	_ =	shalt  }
.Lfunc_end2:
_tile_overlayer_lowered:
.L_overlay_start_2:
0x300: {  	(tag) =	ssettag $0x2  }
0x301: {  	s0 =	rddreg [dreg:$0x0];
	s2 =	stileid.u32  }
0x302: {  	s1 =	rddreg [dreg:$0x1];
	p0 =	sne.s32 s2, $0x0  }
0x303: {  	s3 =	rddreg [dreg:$0x2];
	[bflag:$0x3] =	sbarrier.arrive $0xFFFF;
	s2 =	simm.s32 @!p0 $0x1C0B  }
0x304: {  	[timem:s3], [sflag:s2] =	dma.local @!p0 [hbm:s0], s1  }
0x305: {  	s0 =	simm.s32 @!p0 $0xB  }
0x306: {  	_ =	swait.ge @!p0 [sflag:s0], s1  }
0x307: {  	s1 =	ssub.s32 @!p0 $0x0, s1;
	[sflag:s0] =	ssyncset.done @!p0 $0x0  }
0x308: {  	[sflag:s0] =	ssyncadd.s32 @!p0 s1  }
0x309: {  	[bflag:$0x3] =	sbarrier.arrive $0xFFFF  }
0x30a: {  	_ =	shalt  }

</sc_bundles>
